<compile_context>
chip_gen: v7x
topology: tpu7x:2x2x1
jax: 0.10.2.dev20260603
libtpu: 0.0.44.dev20260713+nightly
codegen_flags: <defaults>
</compile_context>

<pallas_src>
import functools

import jax
import jax.numpy as jnp
from jax import lax
from jax.experimental import pallas as pl
from jax.experimental.pallas import tpu as pltpu
from jax.experimental.pallas import tpu_sc as plsc

G = 64
NC = 2
NS = 16
NW = NC * NS
K = 128

_mesh = plsc.VectorSubcoreMesh(core_axis_name="c", subcore_axis_name="s")



def _deg_body(dst_hbm, out_hbm, hist_v, didx_v, n, ept):
    c = lax.axis_index("c")
    s = lax.axis_index("s")
    wid = s * NC + c

    def zero(i, carry):
        hist_v[pl.ds(i * 16, 16)] = jnp.zeros((16,), jnp.float32)
        return carry

    lax.fori_loop(0, n // 16, zero, 0)
    pltpu.sync_copy(dst_hbm.at[pl.ds(wid * ept, ept)], didx_v)
    ones = jnp.ones((16,), jnp.float32)

    def upd(i, carry):
        idx = didx_v[pl.ds(i * 16, 16)]
        plsc.addupdate_scatter(hist_v, [idx], ones)
        return carry

    lax.fori_loop(0, ept // 16, upd, 0)
    pltpu.sync_copy(hist_v, out_hbm.at[wid])


def _make_deg_kernel(n, e):
    ept = e // NW
    return pl.kernel(
        functools.partial(_deg_body, n=n, ept=ept),
        out_type=jax.ShapeDtypeStruct((NW, n), jnp.float32),
        mesh=_mesh,
        scratch_types=[
            pltpu.VMEM((n,), jnp.float32),
            pltpu.VMEM((ept,), jnp.int32),
        ],
        compiler_params=pltpu.CompilerParams(needs_layout_passes=False),
    )



def _seg_body(hp_hbm, src_hbm, dst_hbm, out_hbm,
              sidx_v, draw0_v, draw1_v, draw2_v,
              didx0_v, didx1_v, didx2_v,
              rows0_v, rows1_v, rows2_v,
              drawe_v, didxe_v, rowse_v, stage_v, acc_sh,
              semd0, semd1, semd2,
              semg0, semg1, semg2, n, h, e):
    c = lax.axis_index("c")
    s = lax.axis_index("s")
    ept = e // NS
    nch = ept // K
    hn = n // NC
    rpt = (hn // NS) // 8 * 8
    tail = hn - rpt * NS

    srows = rpt // 3

    def zrow(i, carry):
        def zcol(j, inner):
            stage_v[i, pl.ds(j * 16, 16)] = jnp.zeros((16,), jnp.float32)
            return inner
        return lax.fori_loop(0, h // 16, zcol, carry)

    lax.fori_loop(0, srows, zrow, 0)
    for q in range(3):
        pltpu.sync_copy(stage_v, acc_sh.at[pl.ds(s * rpt + q * srows, srows)])
    if tail:
        @pl.when(s == NS - 1)
        def _():
            pltpu.sync_copy(stage_v.at[pl.ds(0, tail + 8)],
                            acc_sh.at[pl.ds(NS * rpt, tail + 8)])
    plsc.subcore_barrier()

    pltpu.sync_copy(src_hbm.at[pl.ds(s * ept, ept)], sidx_v)
    base = c * hn

    def gidx(k):
        return sidx_v.at[pl.ds(k * K, K)]

    def dst_off(k):
        return s * ept + k * K

    trash = hn + (lax.iota(jnp.int32, 16) & 7)

    def transform(draw_ref, didx_ref):
        for j in range(K // 16):
            d = draw_ref[pl.ds(j * 16, 16)] - base
            ok = (d >= 0) & (d < hn)
            didx_ref[pl.ds(j * 16, 16)] = jnp.where(ok, d, trash)

    draws = (draw0_v, draw1_v, draw2_v)
    didxs = (didx0_v, didx1_v, didx2_v)
    rowss = (rows0_v, rows1_v, rows2_v)
    semds = (semd0, semd1, semd2)
    semgs = (semg0, semg1, semg2)

    def wait_like(src, dst, sem):
        pltpu.make_async_copy(src, dst, sem).wait()

    for p in range(3):
        pltpu.async_copy(dst_hbm.at[pl.ds(dst_off(p), K)], draws[p], semds[p])
        pltpu.async_copy(hp_hbm.at[gidx(p)], rowss[p], semgs[p])

    def triple(i, carry):
        for p in range(3):
            k = 3 * i + p
            wait_like(dst_hbm.at[pl.ds(0, K)], draws[p], semds[p])
            transform(draws[p], didxs[p])

            @pl.when(k + 3 < nch)
            def _(p=p, k=k):
                pltpu.async_copy(dst_hbm.at[pl.ds(dst_off(k + 3), K)],
                                 draws[p], semds[p])

            wait_like(hp_hbm.at[pl.ds(0, K)], rowss[p], semgs[p])
            pltpu.sync_copy(rowss[p], acc_sh.at[didxs[p]], add=True)

            @pl.when(k + 3 < nch)
            def _(p=p, k=k):
                pltpu.async_copy(hp_hbm.at[gidx(k + 3)], rowss[p], semgs[p])

        return carry

    lax.fori_loop(0, nch // 3, triple, 0)


    rem = ept - nch * K
    if rem:
        pltpu.sync_copy(dst_hbm.at[pl.ds(dst_off(nch), rem)], drawe_v)
        for j in range(rem // 16):
            d = drawe_v[pl.ds(j * 16, 16)] - base
            ok = (d >= 0) & (d < hn)
            didxe_v[pl.ds(j * 16, 16)] = jnp.where(ok, d, trash)
        pltpu.async_copy(hp_hbm.at[sidx_v.at[pl.ds(nch * K, rem)]], rowse_v,
                         semg0).wait()
        pltpu.sync_copy(rowse_v, acc_sh.at[didxe_v], add=True)
    plsc.subcore_barrier()

    for q in range(3):
        pltpu.sync_copy(acc_sh.at[pl.ds(s * rpt + q * srows, srows)], stage_v)
        pltpu.sync_copy(stage_v,
                        out_hbm.at[pl.ds(base + s * rpt + q * srows, srows)])
    if tail:
        @pl.when(s == NS - 1)
        def _():
            pltpu.sync_copy(acc_sh.at[pl.ds(NS * rpt, tail)],
                            stage_v.at[pl.ds(0, tail)])
            pltpu.sync_copy(stage_v.at[pl.ds(0, tail)],
                            out_hbm.at[pl.ds(base + NS * rpt, tail)])


def _make_seg_kernel(n, h, e):
    hn = n // NC
    rpt = (hn // NS) // 8 * 8
    return pl.kernel(
        functools.partial(_seg_body, n=n, h=h, e=e),
        out_type=jax.ShapeDtypeStruct((n, h), jnp.float32),
        mesh=_mesh,
        scratch_types=[
            pltpu.VMEM((e // NS,), jnp.int32),
            pltpu.VMEM((K,), jnp.int32),
            pltpu.VMEM((K,), jnp.int32),
            pltpu.VMEM((K,), jnp.int32),
            pltpu.VMEM((K,), jnp.int32),
            pltpu.VMEM((K,), jnp.int32),
            pltpu.VMEM((K,), jnp.int32),
            pltpu.VMEM((K, h), jnp.float32),
            pltpu.VMEM((K, h), jnp.float32),
            pltpu.VMEM((K, h), jnp.float32),
            pltpu.VMEM((((e // NS) % K) or 8,), jnp.int32),
            pltpu.VMEM((((e // NS) % K) or 8,), jnp.int32),
            pltpu.VMEM((((e // NS) % K) or 8, h), jnp.float32),
            pltpu.VMEM((rpt // 3, h), jnp.float32),
            pltpu.VMEM_SHARED((hn + 8, h), jnp.float32),
        ] + [pltpu.SemaphoreType.DMA] * 6,
        compiler_params=pltpu.CompilerParams(needs_layout_passes=False),
    )



def _tc_first(degp_ref, x_ref, w_ref, dis_ref, hp_ref):
    deg = jnp.sum(degp_ref[...], axis=0) + 1.0
    dis = lax.rsqrt(deg)
    dis_ref[...] = dis
    hp = jnp.dot(x_ref[...], w_ref[...], preferred_element_type=jnp.float32)
    hp_ref[...] = hp * dis[:, None]


def _tc_mid(sp_ref, hp_ref, dis_ref, b_ref, w_ref, out_ref):
    dis = dis_ref[...]
    t = sp_ref[...] + hp_ref[...]
    hcur = jnp.maximum(dis[:, None] * t + b_ref[...][None, :], 0.0)
    out = jnp.dot(hcur, w_ref[...], preferred_element_type=jnp.float32)
    out_ref[...] = out * dis[:, None]


def _tc_last(sp_ref, hp_ref, dis_ref, b_ref, batch_ref, wl_ref, bl_ref,
             out_ref):
    dis = dis_ref[...]
    t = sp_ref[...] + hp_ref[...]
    hcur = jnp.maximum(dis[:, None] * t + b_ref[...][None, :], 0.0)
    n = hcur.shape[0]
    gids = lax.broadcasted_iota(jnp.int32, (G, n), 0)
    onehot = (batch_ref[...][None, :] == gids).astype(jnp.float32)
    cnt = jnp.sum(onehot, axis=1)
    pooled = jnp.dot(onehot, hcur, preferred_element_type=jnp.float32)
    pooled = pooled / jnp.clip(cnt, 1.0)[:, None]
    out = jnp.dot(pooled, wl_ref[...], preferred_element_type=jnp.float32)
    out_ref[...] = out + bl_ref[...][None, :]


def kernel(x, edge_index, batch, W1, b1, W2, b2, W3, b3, Wl, bl):
    n, d = x.shape
    h = W1.shape[1]
    e = edge_index.shape[1]
    c_out = Wl.shape[1]

    src = edge_index[0]
    dst = edge_index[1]

    deg_kernel = _make_deg_kernel(n, e)
    seg_kernel = _make_seg_kernel(n, h, e)

    degp = deg_kernel(dst)

    tc_first = pl.pallas_call(
        _tc_first,
        out_shape=[jax.ShapeDtypeStruct((n,), jnp.float32),
                   jax.ShapeDtypeStruct((n, h), jnp.float32)],
    )
    dis, hp1 = tc_first(degp, x, W1)

    tc_mid = pl.pallas_call(
        _tc_mid,
        out_shape=jax.ShapeDtypeStruct((n, h), jnp.float32),
    )

    sp1 = seg_kernel(hp1, src, dst)
    hp2 = tc_mid(sp1, hp1, dis, b1, W2)
    sp2 = seg_kernel(hp2, src, dst)
    hp3 = tc_mid(sp2, hp2, dis, b2, W3)
    sp3 = seg_kernel(hp3, src, dst)

    tc_last = pl.pallas_call(
        _tc_last,
        out_shape=jax.ShapeDtypeStruct((G, c_out), jnp.float32),
    )
    return tc_last(sp3, hp3, dis, b3, batch, Wl, bl)

# --- scband reference (transcript-rebuilt; emitter-appended) ---
"""Pipeline reference for scband-gcngraph-25314537242717 (READ-ONLY COPY).

The authoritative reference and input builder live on the scoring server;
editing this copy changes nothing except your own understanding.
"""

import jax, jax.numpy as jnp
import numpy as np

N = 10000
E = 320000
D = 128
H = 128
C = 40
G = 64


def setup_inputs(seed: int = 0) -> dict:
    key = jax.random.key(seed)
    ks = jax.random.split(key, 12)
    x = jax.random.normal(ks[0], (N, D), dtype=jnp.float32)
    edge_index = jax.random.randint(ks[1], (2, E), 0, N, dtype=jnp.int32)
    batch = jnp.sort(jax.random.randint(ks[2], (N,), 0, G, dtype=jnp.int32))
    W1 = jax.random.normal(ks[3], (D, H), dtype=jnp.float32) * 0.05
    b1 = jnp.zeros((H,), dtype=jnp.float32)
    W2 = jax.random.normal(ks[4], (H, H), dtype=jnp.float32) * 0.05
    b2 = jnp.zeros((H,), dtype=jnp.float32)
    W3 = jax.random.normal(ks[5], (H, H), dtype=jnp.float32) * 0.05
    b3 = jnp.zeros((H,), dtype=jnp.float32)
    Wl = jax.random.normal(ks[6], (H, C), dtype=jnp.float32) * 0.05
    bl = jnp.zeros((C,), dtype=jnp.float32)
    return {"x": x, "edge_index": edge_index, "batch": batch,
            "W1": W1, "b1": b1, "W2": W2, "b2": b2, "W3": W3, "b3": b3,
            "Wl": Wl, "bl": bl}


def gcn_conv(x, edge_index, W, b):
    # GCNConv with added self-loops and symmetric normalization (PyG semantics)
    src = edge_index[0]
    dst = edge_index[1]
    loop = jnp.arange(N, dtype=src.dtype)
    src = jnp.concatenate([src, loop])
    dst = jnp.concatenate([dst, loop])
    h = x @ W
    ones = jnp.ones(dst.shape[0], dtype=h.dtype)
    deg = jax.ops.segment_sum(ones, dst, num_segments=N)
    deg_inv_sqrt = jnp.where(deg > 0, deg ** -0.5, 0.0)
    norm = deg_inv_sqrt[src] * deg_inv_sqrt[dst]
    msgs = h[src] * norm[:, None]
    out = jax.ops.segment_sum(msgs, dst, num_segments=N)
    return out + b


def reference(x, edge_index, batch, W1, b1, W2, b2, W3, b3, Wl, bl):
    h = jax.nn.relu(gcn_conv(x, edge_index, W1, b1))
    h = jax.nn.relu(gcn_conv(h, edge_index, W2, b2))
    h = jax.nn.relu(gcn_conv(h, edge_index, W3, b3))
    sums = jax.ops.segment_sum(h, batch, num_segments=G)
    cnt = jax.ops.segment_sum(jnp.ones((N,), dtype=h.dtype), batch, num_segments=G)
    pooled = sums / jnp.clip(cnt, 1.0)[:, None]
    # dropout p=0.5 is identity in eval mode
    return pooled @ Wl + bl

if __name__ == "__main__":
    import jax
    _d = setup_inputs()
    print(jax.jit(kernel)(*tuple(_d.values())))

</pallas_src>

<mosaic_0001>
#map = affine_map<(d0, d1) -> (0)>
#map1 = affine_map<(d0, d1) -> (0, 0)>
module attributes {stable_mosaic.version = 14 : i64} {
  func.func @_deg_body(%arg0: i32, %arg1: i32, %arg2: memref<320000xi32, #tpu.memory_space<hbm>>, %arg3: memref<32x10000xf32, #tpu.memory_space<hbm>>, %arg4: memref<10000xf32, #tpu.memory_space<vmem>>, %arg5: memref<10000xi32, #tpu.memory_space<vmem>>) attributes {dimension_semantics = [#tpu.dimension_semantics<core_parallel>, #tpu.dimension_semantics<subcore_parallel>], iteration_bounds = array<i64: 2, 16>, scalar_prefetch = 0 : i64, scratch_operands = 2 : i64, tpu.core_type = #tpu.core_type<sc_vector_subcore>, window_params = [{transform_indices = #map}, {transform_indices = #map1}]} {
    %mul3A = arith.constant 2 : i32
    %mul3A_0 = arith.muli %arg1, %mul3A : i32
    %add3A = arith.addi %mul3A_0, %arg0 : i32
    %scan3A = arith.constant 0 : i32
    %scan3A_1 = arith.constant 0 : i32
    %scan3A_2 = arith.constant 625 : i32
    %scan3A_3 = arith.addi %scan3A_1, %scan3A_2 : i32
    %scan3A_4 = arith.constant 1 : i32
    scf.for %scan3A_15 = %scan3A_1 to %scan3A_3 step %scan3A_4  : i32 {
      %broadcast_in_dim3A_16 = arith.constant 0.000000e+00 : f32
      %broadcast_in_dim3A_17 = vector.broadcast %broadcast_in_dim3A_16 : f32 to vector<16xf32>
      %mul3A_18 = arith.constant 16 : i32
      %mul3A_19 = arith.muli %scan3A_15, %mul3A_18 : i32
      %swap3A = arith.index_cast %mul3A_19 : i32 to index
      %swap3A_20 = tpu.vector_load %arg4[%swap3A] {strides = array<i32>} : memref<10000xf32, #tpu.memory_space<vmem>>, vector<16xf32>,
      tpu.vector_store %arg4[%swap3A], %broadcast_in_dim3A_17 {strides = array<i32>} : memref<10000xf32, #tpu.memory_space<vmem>>, vector<16xf32>,
    }
    %scan3A_5 = arith.constant 625 : i32
    %mul3A_6 = arith.constant 10000 : i32
    %mul3A_7 = arith.muli %add3A, %mul3A_6 : i32
    "tpu.region"() ({
      %run_scoped3A = tpu.sem_alloc : memref<!tpu.dma_semaphore, #tpu.memory_space<semaphore_mem>>
      %dma_start3A = tpu.memref_slice %arg2[%mul3A_7] : memref<320000xi32, #tpu.memory_space<hbm>> -> memref<10000xi32, #tpu.memory_space<hbm>>
      %dma_start3A_15 = tpu.memref_slice %arg2[%mul3A_7] : memref<320000xi32, #tpu.memory_space<hbm>> -> memref<10000xi32, #tpu.memory_space<hbm>>
      tpu.enqueue_dma source(%dma_start3A_15 : memref<10000xi32, #tpu.memory_space<hbm>>) target(%arg5 : memref<10000xi32, #tpu.memory_space<vmem>>) target_semaphore(%run_scoped3A : memref<!tpu.dma_semaphore, #tpu.memory_space<semaphore_mem>>)
      %dma_wait3A = tpu.memref_slice %arg2[%mul3A_7] : memref<320000xi32, #tpu.memory_space<hbm>> -> memref<10000xi32, #tpu.memory_space<hbm>>
      %dma_wait3A_16 = tpu.memref_slice %arg2[%mul3A_7] : memref<320000xi32, #tpu.memory_space<hbm>> -> memref<10000xi32, #tpu.memory_space<hbm>>
      tpu.wait_dma2 semaphore(%run_scoped3A : memref<!tpu.dma_semaphore, #tpu.memory_space<semaphore_mem>>) src(%dma_wait3A_16 : memref<10000xi32, #tpu.memory_space<hbm>>) dst(%arg5 : memref<10000xi32, #tpu.memory_space<vmem>>)
      tpu.yield
    }) : () -> ()
    %broadcast_in_dim3A = arith.constant 1.000000e+00 : f32
    %broadcast_in_dim3A_8 = vector.broadcast %broadcast_in_dim3A : f32 to vector<16xf32>
    %scan3A_9 = arith.constant 0 : i32
    %scan3A_10 = arith.constant 0 : i32
    %scan3A_11 = arith.constant 625 : i32
    %scan3A_12 = arith.addi %scan3A_10, %scan3A_11 : i32
    %scan3A_13 = arith.constant 1 : i32
    scf.for %scan3A_15 = %scan3A_10 to %scan3A_12 step %scan3A_13  : i32 {
      %mul3A_16 = arith.constant 16 : i32
      %mul3A_17 = arith.muli %scan3A_15, %mul3A_16 : i32
      %get3A = arith.index_cast %mul3A_17 : i32 to index
      %get3A_18 = tpu.vector_load %arg5[%get3A] {strides = array<i32>} : memref<10000xi32, #tpu.memory_space<vmem>>, vector<16xi32>,
      tpu.vector_store_idx %arg4[%get3A_18], %broadcast_in_dim3A_8 {add = true} : memref<10000xf32, #tpu.memory_space<vmem>>[vector<16xi32>], vector<16xf32>,
    }
    %scan3A_14 = arith.constant 625 : i32
    "tpu.region"() ({
      %run_scoped3A = tpu.sem_alloc : memref<!tpu.dma_semaphore, #tpu.memory_space<semaphore_mem>>
      %dma_start3A = arith.constant 0 : i32
      %dma_start3A_15 = tpu.memref_slice %arg3[%add3A, %dma_start3A] : memref<32x10000xf32, #tpu.memory_space<hbm>> -> memref<1x10000xf32, #tpu.memory_space<hbm>>
      %dma_start3A_16 = tpu.memref_squeeze %dma_start3A_15 : memref<1x10000xf32, #tpu.memory_space<hbm>> -> memref<10000xf32, #tpu.memory_space<hbm>>
      %dma_start3A_17 = arith.constant 0 : i32
      %dma_start3A_18 = tpu.memref_slice %arg3[%add3A, %dma_start3A_17] : memref<32x10000xf32, #tpu.memory_space<hbm>> -> memref<1x10000xf32, #tpu.memory_space<hbm>>
      %dma_start3A_19 = tpu.memref_squeeze %dma_start3A_18 : memref<1x10000xf32, #tpu.memory_space<hbm>> -> memref<10000xf32, #tpu.memory_space<hbm>>
      tpu.enqueue_dma source(%arg4 : memref<10000xf32, #tpu.memory_space<vmem>>) target(%dma_start3A_19 : memref<10000xf32, #tpu.memory_space<hbm>>) target_semaphore(%run_scoped3A : memref<!tpu.dma_semaphore, #tpu.memory_space<semaphore_mem>>)
      %dma_wait3A = arith.constant 0 : i32
      %dma_wait3A_20 = tpu.memref_slice %arg3[%add3A, %dma_wait3A] : memref<32x10000xf32, #tpu.memory_space<hbm>> -> memref<1x10000xf32, #tpu.memory_space<hbm>>
      %dma_wait3A_21 = tpu.memref_squeeze %dma_wait3A_20 : memref<1x10000xf32, #tpu.memory_space<hbm>> -> memref<10000xf32, #tpu.memory_space<hbm>>
      %dma_wait3A_22 = arith.constant 0 : i32
      %dma_wait3A_23 = tpu.memref_slice %arg3[%add3A, %dma_wait3A_22] : memref<32x10000xf32, #tpu.memory_space<hbm>> -> memref<1x10000xf32, #tpu.memory_space<hbm>>
      %dma_wait3A_24 = tpu.memref_squeeze %dma_wait3A_23 : memref<1x10000xf32, #tpu.memory_space<hbm>> -> memref<10000xf32, #tpu.memory_space<hbm>>
      tpu.wait_dma2 semaphore(%run_scoped3A : memref<!tpu.dma_semaphore, #tpu.memory_space<semaphore_mem>>) src(%arg4 : memref<10000xf32, #tpu.memory_space<vmem>>) dst(%dma_wait3A_24 : memref<10000xf32, #tpu.memory_space<hbm>>)
      tpu.yield
    }) : () -> ()
    return
  }
}

#map = affine_map<(d0, d1) -> (0, 0)>
#map1 = affine_map<(d0, d1) -> (0)>
module attributes {stable_mosaic.version = 14 : i64} {
  func.func @_seg_body(%arg0: i32, %arg1: i32, %arg2: memref<10000x128xf32, #tpu.memory_space<hbm>>, %arg3: memref<320000xi32, #tpu.memory_space<hbm>>, %arg4: memref<320000xi32, #tpu.memory_space<hbm>>, %arg5: memref<10000x128xf32, #tpu.memory_space<hbm>>, %arg6: memref<20000xi32, #tpu.memory_space<vmem>>, %arg7: memref<128xi32, #tpu.memory_space<vmem>>, %arg8: memref<128xi32, #tpu.memory_space<vmem>>, %arg9: memref<128xi32, #tpu.memory_space<vmem>>, %arg10: memref<128xi32, #tpu.memory_space<vmem>>, %arg11: memref<128xi32, #tpu.memory_space<vmem>>, %arg12: memref<128xi32, #tpu.memory_space<vmem>>, %arg13: memref<128x128xf32, #tpu.memory_space<vmem>>, %arg14: memref<128x128xf32, #tpu.memory_space<vmem>>, %arg15: memref<128x128xf32, #tpu.memory_space<vmem>>, %arg16: memref<32xi32, #tpu.memory_space<vmem>>, %arg17: memref<32xi32, #tpu.memory_space<vmem>>, %arg18: memref<32x128xf32, #tpu.memory_space<vmem>>, %arg19: memref<104x128xf32, #tpu.memory_space<vmem>>, %arg20: memref<5008x128xf32, #tpu.memory_space<vmem_shared>>, %arg21: memref<!tpu.dma_semaphore, #tpu.memory_space<semaphore_mem>>, %arg22: memref<!tpu.dma_semaphore, #tpu.memory_space<semaphore_mem>>, %arg23: memref<!tpu.dma_semaphore, #tpu.memory_space<semaphore_mem>>, %arg24: memref<!tpu.dma_semaphore, #tpu.memory_space<semaphore_mem>>, %arg25: memref<!tpu.dma_semaphore, #tpu.memory_space<semaphore_mem>>, %arg26: memref<!tpu.dma_semaphore, #tpu.memory_space<semaphore_mem>>) attributes {dimension_semantics = [#tpu.dimension_semantics<core_parallel>, #tpu.dimension_semantics<subcore_parallel>], iteration_bounds = array<i64: 2, 16>, scalar_prefetch = 0 : i64, scratch_operands = 21 : i64, tpu.core_type = #tpu.core_type<sc_vector_subcore>, window_params = [{transform_indices = #map}, {transform_indices = #map1}, {transform_indices = #map1}, {transform_indices = #map}]} {
    %scan3A = arith.constant 0 : i32
    %scan3A_0 = arith.constant 0 : i32
    %scan3A_1 = arith.constant 104 : i32
    %scan3A_2 = arith.addi %scan3A_0, %scan3A_1 : i32
    %scan3A_3 = arith.constant 1 : i32
    scf.for %scan3A_132 = %scan3A_0 to %scan3A_2 step %scan3A_3  : i32 {
      %scan3A_133 = arith.constant 0 : i32
      %scan3A_134 = arith.constant 8 : i32
      %scan3A_135 = arith.addi %scan3A_133, %scan3A_134 : i32
      %scan3A_136 = arith.constant 1 : i32
      scf.for %scan3A_138 = %scan3A_133 to %scan3A_135 step %scan3A_136  : i32 {
        %broadcast_in_dim3A = arith.constant 0.000000e+00 : f32
        %broadcast_in_dim3A_139 = vector.broadcast %broadcast_in_dim3A : f32 to vector<16xf32>
        %mul3A_140 = arith.constant 16 : i32
        %mul3A_141 = arith.muli %scan3A_138, %mul3A_140 : i32
        %swap3A_142 = arith.index_cast %scan3A_132 : i32 to index
        %swap3A_143 = arith.index_cast %mul3A_141 : i32 to index
        %swap3A_144 = tpu.vector_load %arg19[%swap3A_142, %swap3A_143] {strides = array<i32>} : memref<104x128xf32, #tpu.memory_space<vmem>>, vector<16xf32>,
        tpu.vector_store %arg19[%swap3A_142, %swap3A_143], %broadcast_in_dim3A_139 {strides = array<i32>} : memref<104x128xf32, #tpu.memory_space<vmem>>, vector<16xf32>,
      }
      %scan3A_137 = arith.constant 8 : i32
    }
    %scan3A_4 = arith.constant 104 : i32
    %mul3A = arith.constant 312 : i32
    %mul3A_5 = arith.muli %arg1, %mul3A : i32
    %add3A = arith.constant 0 : i32
    %add3A_6 = arith.addi %mul3A_5, %add3A : i32
    "tpu.region"() ({
      %run_scoped3A = tpu.sem_alloc : memref<!tpu.dma_semaphore, #tpu.memory_space<semaphore_mem>>
      %dma_start3A_132 = arith.constant 0 : i32
      %dma_start3A_133 = tpu.memref_slice %arg20[%add3A_6, %dma_start3A_132] : memref<5008x128xf32, #tpu.memory_space<vmem_shared>> -> memref<104x128xf32, #tpu.memory_space<vmem_shared>>
      %dma_start3A_134 = arith.constant 0 : i32
      %dma_start3A_135 = tpu.memref_slice %arg20[%add3A_6, %dma_start3A_134] : memref<5008x128xf32, #tpu.memory_space<vmem_shared>> -> memref<104x128xf32, #tpu.memory_space<vmem_shared>>
      tpu.enqueue_dma source(%arg19 : memref<104x128xf32, #tpu.memory_space<vmem>>) target(%dma_start3A_135 : memref<104x128xf32, #tpu.memory_space<vmem_shared>>) target_semaphore(%run_scoped3A : memref<!tpu.dma_semaphore, #tpu.memory_space<semaphore_mem>>)
      %dma_wait3A_136 = arith.constant 0 : i32
      %dma_wait3A_137 = tpu.memref_slice %arg20[%add3A_6, %dma_wait3A_136] : memref<5008x128xf32, #tpu.memory_space<vmem_shared>> -> memref<104x128xf32, #tpu.memory_space<vmem_shared>>
      %dma_wait3A_138 = arith.constant 0 : i32
      %dma_wait3A_139 = tpu.memref_slice %arg20[%add3A_6, %dma_wait3A_138] : memref<5008x128xf32, #tpu.memory_space<vmem_shared>> -> memref<104x128xf32, #tpu.memory_space<vmem_shared>>
      tpu.wait_dma2 semaphore(%run_scoped3A : memref<!tpu.dma_semaphore, #tpu.memory_space<semaphore_mem>>) src(%arg19 : memref<104x128xf32, #tpu.memory_space<vmem>>) dst(%dma_wait3A_139 : memref<104x128xf32, #tpu.memory_space<vmem_shared>>)
      tpu.yield
    }) : () -> ()
    %mul3A_7 = arith.constant 312 : i32
    %mul3A_8 = arith.muli %arg1, %mul3A_7 : i32
    %add3A_9 = arith.constant 104 : i32
    %add3A_10 = arith.addi %mul3A_8, %add3A_9 : i32
    "tpu.region"() ({
      %run_scoped3A = tpu.sem_alloc : memref<!tpu.dma_semaphore, #tpu.memory_space<semaphore_mem>>
      %dma_start3A_132 = arith.constant 0 : i32
      %dma_start3A_133 = tpu.memref_slice %arg20[%add3A_10, %dma_start3A_132] : memref<5008x128xf32, #tpu.memory_space<vmem_shared>> -> memref<104x128xf32, #tpu.memory_space<vmem_shared>>
      %dma_start3A_134 = arith.constant 0 : i32
      %dma_start3A_135 = tpu.memref_slice %arg20[%add3A_10, %dma_start3A_134] : memref<5008x128xf32, #tpu.memory_space<vmem_shared>> -> memref<104x128xf32, #tpu.memory_space<vmem_shared>>
      tpu.enqueue_dma source(%arg19 : memref<104x128xf32, #tpu.memory_space<vmem>>) target(%dma_start3A_135 : memref<104x128xf32, #tpu.memory_space<vmem_shared>>) target_semaphore(%run_scoped3A : memref<!tpu.dma_semaphore, #tpu.memory_space<semaphore_mem>>)
      %dma_wait3A_136 = arith.constant 0 : i32
      %dma_wait3A_137 = tpu.memref_slice %arg20[%add3A_10, %dma_wait3A_136] : memref<5008x128xf32, #tpu.memory_space<vmem_shared>> -> memref<104x128xf32, #tpu.memory_space<vmem_shared>>
      %dma_wait3A_138 = arith.constant 0 : i32
      %dma_wait3A_139 = tpu.memref_slice %arg20[%add3A_10, %dma_wait3A_138] : memref<5008x128xf32, #tpu.memory_space<vmem_shared>> -> memref<104x128xf32, #tpu.memory_space<vmem_shared>>
      tpu.wait_dma2 semaphore(%run_scoped3A : memref<!tpu.dma_semaphore, #tpu.memory_space<semaphore_mem>>) src(%arg19 : memref<104x128xf32, #tpu.memory_space<vmem>>) dst(%dma_wait3A_139 : memref<104x128xf32, #tpu.memory_space<vmem_shared>>)
      tpu.yield
    }) : () -> ()
    %mul3A_11 = arith.constant 312 : i32
    %mul3A_12 = arith.muli %arg1, %mul3A_11 : i32
    %add3A_13 = arith.constant 208 : i32
    %add3A_14 = arith.addi %mul3A_12, %add3A_13 : i32
    "tpu.region"() ({
      %run_scoped3A = tpu.sem_alloc : memref<!tpu.dma_semaphore, #tpu.memory_space<semaphore_mem>>
      %dma_start3A_132 = arith.constant 0 : i32
      %dma_start3A_133 = tpu.memref_slice %arg20[%add3A_14, %dma_start3A_132] : memref<5008x128xf32, #tpu.memory_space<vmem_shared>> -> memref<104x128xf32, #tpu.memory_space<vmem_shared>>
      %dma_start3A_134 = arith.constant 0 : i32
      %dma_start3A_135 = tpu.memref_slice %arg20[%add3A_14, %dma_start3A_134] : memref<5008x128xf32, #tpu.memory_space<vmem_shared>> -> memref<104x128xf32, #tpu.memory_space<vmem_shared>>
      tpu.enqueue_dma source(%arg19 : memref<104x128xf32, #tpu.memory_space<vmem>>) target(%dma_start3A_135 : memref<104x128xf32, #tpu.memory_space<vmem_shared>>) target_semaphore(%run_scoped3A : memref<!tpu.dma_semaphore, #tpu.memory_space<semaphore_mem>>)
      %dma_wait3A_136 = arith.constant 0 : i32
      %dma_wait3A_137 = tpu.memref_slice %arg20[%add3A_14, %dma_wait3A_136] : memref<5008x128xf32, #tpu.memory_space<vmem_shared>> -> memref<104x128xf32, #tpu.memory_space<vmem_shared>>
      %dma_wait3A_138 = arith.constant 0 : i32
      %dma_wait3A_139 = tpu.memref_slice %arg20[%add3A_14, %dma_wait3A_138] : memref<5008x128xf32, #tpu.memory_space<vmem_shared>> -> memref<104x128xf32, #tpu.memory_space<vmem_shared>>
      tpu.wait_dma2 semaphore(%run_scoped3A : memref<!tpu.dma_semaphore, #tpu.memory_space<semaphore_mem>>) src(%arg19 : memref<104x128xf32, #tpu.memory_space<vmem>>) dst(%dma_wait3A_139 : memref<104x128xf32, #tpu.memory_space<vmem_shared>>)
      tpu.yield
    }) : () -> ()
    %eq3A = arith.constant 15 : i32
    %eq3A_15 = arith.cmpi eq, %arg1, %eq3A : i32
    %convert_element_type3A = arith.extui %eq3A_15 : i1 to i32
    %cond3A = arith.constant 0 : i32
    %cond3A_16 = arith.cmpi ne, %convert_element_type3A, %cond3A : i32
    scf.if %cond3A_16 {
      "tpu.region"() ({
        %run_scoped3A = tpu.sem_alloc : memref<!tpu.dma_semaphore, #tpu.memory_space<semaphore_mem>>
        %dma_start3A_132 = arith.constant 0 : i32
        %dma_start3A_133 = arith.constant 0 : i32
        %dma_start3A_134 = tpu.memref_slice %arg19[%dma_start3A_132, %dma_start3A_133] : memref<104x128xf32, #tpu.memory_space<vmem>> -> memref<16x128xf32, #tpu.memory_space<vmem>>
        %dma_start3A_135 = arith.constant 4992 : i32
        %dma_start3A_136 = arith.constant 0 : i32
        %dma_start3A_137 = tpu.memref_slice %arg20[%dma_start3A_135, %dma_start3A_136] : memref<5008x128xf32, #tpu.memory_space<vmem_shared>> -> memref<16x128xf32, #tpu.memory_space<vmem_shared>>
        %dma_start3A_138 = arith.constant 4992 : i32
        %dma_start3A_139 = arith.constant 0 : i32
        %dma_start3A_140 = tpu.memref_slice %arg20[%dma_start3A_138, %dma_start3A_139] : memref<5008x128xf32, #tpu.memory_space<vmem_shared>> -> memref<16x128xf32, #tpu.memory_space<vmem_shared>>
        %dma_start3A_141 = arith.constant 0 : i32
        %dma_start3A_142 = arith.constant 0 : i32
        %dma_start3A_143 = tpu.memref_slice %arg19[%dma_start3A_141, %dma_start3A_142] : memref<104x128xf32, #tpu.memory_space<vmem>> -> memref<16x128xf32, #tpu.memory_space<vmem>>
        tpu.enqueue_dma source(%dma_start3A_143 : memref<16x128xf32, #tpu.memory_space<vmem>>) target(%dma_start3A_140 : memref<16x128xf32, #tpu.memory_space<vmem_shared>>) target_semaphore(%run_scoped3A : memref<!tpu.dma_semaphore, #tpu.memory_space<semaphore_mem>>)
        %dma_wait3A_144 = arith.constant 0 : i32
        %dma_wait3A_145 = arith.constant 0 : i32
        %dma_wait3A_146 = tpu.memref_slice %arg19[%dma_wait3A_144, %dma_wait3A_145] : memref<104x128xf32, #tpu.memory_space<vmem>> -> memref<16x128xf32, #tpu.memory_space<vmem>>
        %dma_wait3A_147 = arith.constant 4992 : i32
        %dma_wait3A_148 = arith.constant 0 : i32
        %dma_wait3A_149 = tpu.memref_slice %arg20[%dma_wait3A_147, %dma_wait3A_148] : memref<5008x128xf32, #tpu.memory_space<vmem_shared>> -> memref<16x128xf32, #tpu.memory_space<vmem_shared>>
        %dma_wait3A_150 = arith.constant 4992 : i32
        %dma_wait3A_151 = arith.constant 0 : i32
        %dma_wait3A_152 = tpu.memref_slice %arg20[%dma_wait3A_150, %dma_wait3A_151] : memref<5008x128xf32, #tpu.memory_space<vmem_shared>> -> memref<16x128xf32, #tpu.memory_space<vmem_shared>>
        %dma_wait3A_153 = arith.constant 0 : i32
        %dma_wait3A_154 = arith.constant 0 : i32
        %dma_wait3A_155 = tpu.memref_slice %arg19[%dma_wait3A_153, %dma_wait3A_154] : memref<104x128xf32, #tpu.memory_space<vmem>> -> memref<16x128xf32, #tpu.memory_space<vmem>>
        tpu.wait_dma2 semaphore(%run_scoped3A : memref<!tpu.dma_semaphore, #tpu.memory_space<semaphore_mem>>) src(%dma_wait3A_155 : memref<16x128xf32, #tpu.memory_space<vmem>>) dst(%dma_wait3A_152 : memref<16x128xf32, #tpu.memory_space<vmem_shared>>)
        tpu.yield
      }) : () -> ()
    } else {
    }
    %barrier3A = arith.constant 0 : index
    tpu.barrier barrier_id(%barrier3A)
    %mul3A_17 = arith.constant 20000 : i32
    %mul3A_18 = arith.muli %arg1, %mul3A_17 : i32
    "tpu.region"() ({
      %run_scoped3A = tpu.sem_alloc : memref<!tpu.dma_semaphore, #tpu.memory_space<semaphore_mem>>
      %dma_start3A_132 = tpu.memref_slice %arg3[%mul3A_18] : memref<320000xi32, #tpu.memory_space<hbm>> -> memref<20000xi32, #tpu.memory_space<hbm>>
      %dma_start3A_133 = tpu.memref_slice %arg3[%mul3A_18] : memref<320000xi32, #tpu.memory_space<hbm>> -> memref<20000xi32, #tpu.memory_space<hbm>>
      tpu.enqueue_dma source(%dma_start3A_133 : memref<20000xi32, #tpu.memory_space<hbm>>) target(%arg6 : memref<20000xi32, #tpu.memory_space<vmem>>) target_semaphore(%run_scoped3A : memref<!tpu.dma_semaphore, #tpu.memory_space<semaphore_mem>>)
      %dma_wait3A_134 = tpu.memref_slice %arg3[%mul3A_18] : memref<320000xi32, #tpu.memory_space<hbm>> -> memref<20000xi32, #tpu.memory_space<hbm>>
      %dma_wait3A_135 = tpu.memref_slice %arg3[%mul3A_18] : memref<320000xi32, #tpu.memory_space<hbm>> -> memref<20000xi32, #tpu.memory_space<hbm>>
      tpu.wait_dma2 semaphore(%run_scoped3A : memref<!tpu.dma_semaphore, #tpu.memory_space<semaphore_mem>>) src(%dma_wait3A_135 : memref<20000xi32, #tpu.memory_space<hbm>>) dst(%arg6 : memref<20000xi32, #tpu.memory_space<vmem>>)
      tpu.yield
    }) : () -> ()
    %mul3A_19 = arith.constant 5000 : i32
    %mul3A_20 = arith.muli %arg0, %mul3A_19 : i32
    %iota3A = tpu.iota {dimensions = array<i32: 0>} : vector<16xi32>
    %and3A = arith.constant 7 : i32
    %and3A_21 = vector.broadcast %and3A : i32 to vector<16xi32>
    %and3A_22 = arith.andi %iota3A, %and3A_21 : vector<16xi32>
    %add3A_23 = arith.constant 5000 : i32
    %add3A_24 = vector.broadcast %add3A_23 : i32 to vector<16xi32>
    %add3A_25 = arith.addi %add3A_24, %and3A_22 : vector<16xi32>
    %mul3A_26 = arith.constant 20000 : i32
    %mul3A_27 = arith.muli %arg1, %mul3A_26 : i32
    %add3A_28 = arith.constant 0 : i32
    %add3A_29 = arith.addi %mul3A_27, %add3A_28 : i32
    %dma_start3A = tpu.memref_slice %arg4[%add3A_29] : memref<320000xi32, #tpu.memory_space<hbm>> -> memref<128xi32, #tpu.memory_space<hbm>>
    %dma_start3A_30 = tpu.memref_slice %arg4[%add3A_29] : memref<320000xi32, #tpu.memory_space<hbm>> -> memref<128xi32, #tpu.memory_space<hbm>>
    tpu.enqueue_dma source(%dma_start3A_30 : memref<128xi32, #tpu.memory_space<hbm>>) target(%arg7 : memref<128xi32, #tpu.memory_space<vmem>>) target_semaphore(%arg21 : memref<!tpu.dma_semaphore, #tpu.memory_space<semaphore_mem>>)
    %dma_start3A_31 = arith.constant 0 : i32
    %dma_start3A_32 = tpu.memref_slice %arg6[%dma_start3A_31] : memref<20000xi32, #tpu.memory_space<vmem>> -> memref<128xi32, #tpu.memory_space<vmem>>
    %dma_start3A_33 = arith.constant 0 : i32
    %dma_start3A_34 = arith.constant 0 : i32
    %dma_start3A_35 = tpu.memref_slice %arg2[%dma_start3A_33, %dma_start3A_34] : memref<10000x128xf32, #tpu.memory_space<hbm>> -> memref<10000x128xf32, #tpu.memory_space<hbm>>
    tpu.enqueue_indirect_dma source(%dma_start3A_35 : memref<10000x128xf32, #tpu.memory_space<hbm>>) target(%arg13 : memref<128x128xf32, #tpu.memory_space<vmem>>) offsets(%dma_start3A_32 : memref<128xi32, #tpu.memory_space<vmem>>) semaphore(%arg24 : memref<!tpu.dma_semaphore, #tpu.memory_space<semaphore_mem>>)
    %mul3A_36 = arith.constant 20000 : i32
    %mul3A_37 = arith.muli %arg1, %mul3A_36 : i32
    %add3A_38 = arith.constant 128 : i32
    %add3A_39 = arith.addi %mul3A_37, %add3A_38 : i32
    %dma_start3A_40 = tpu.memref_slice %arg4[%add3A_39] : memref<320000xi32, #tpu.memory_space<hbm>> -> memref<128xi32, #tpu.memory_space<hbm>>
    %dma_start3A_41 = tpu.memref_slice %arg4[%add3A_39] : memref<320000xi32, #tpu.memory_space<hbm>> -> memref<128xi32, #tpu.memory_space<hbm>>
    tpu.enqueue_dma source(%dma_start3A_41 : memref<128xi32, #tpu.memory_space<hbm>>) target(%arg8 : memref<128xi32, #tpu.memory_space<vmem>>) target_semaphore(%arg22 : memref<!tpu.dma_semaphore, #tpu.memory_space<semaphore_mem>>)
    %dma_start3A_42 = arith.constant 128 : i32
    %dma_start3A_43 = tpu.memref_slice %arg6[%dma_start3A_42] : memref<20000xi32, #tpu.memory_space<vmem>> -> memref<128xi32, #tpu.memory_space<vmem>>
    %dma_start3A_44 = arith.constant 0 : i32
    %dma_start3A_45 = arith.constant 0 : i32
    %dma_start3A_46 = tpu.memref_slice %arg2[%dma_start3A_44, %dma_start3A_45] : memref<10000x128xf32, #tpu.memory_space<hbm>> -> memref<10000x128xf32, #tpu.memory_space<hbm>>
    tpu.enqueue_indirect_dma source(%dma_start3A_46 : memref<10000x128xf32, #tpu.memory_space<hbm>>) target(%arg14 : memref<128x128xf32, #tpu.memory_space<vmem>>) offsets(%dma_start3A_43 : memref<128xi32, #tpu.memory_space<vmem>>) semaphore(%arg25 : memref<!tpu.dma_semaphore, #tpu.memory_space<semaphore_mem>>)
    %mul3A_47 = arith.constant 20000 : i32
    %mul3A_48 = arith.muli %arg1, %mul3A_47 : i32
    %add3A_49 = arith.constant 256 : i32
    %add3A_50 = arith.addi %mul3A_48, %add3A_49 : i32
    %dma_start3A_51 = tpu.memref_slice %arg4[%add3A_50] : memref<320000xi32, #tpu.memory_space<hbm>> -> memref<128xi32, #tpu.memory_space<hbm>>
    %dma_start3A_52 = tpu.memref_slice %arg4[%add3A_50] : memref<320000xi32, #tpu.memory_space<hbm>> -> memref<128xi32, #tpu.memory_space<hbm>>
    tpu.enqueue_dma source(%dma_start3A_52 : memref<128xi32, #tpu.memory_space<hbm>>) target(%arg9 : memref<128xi32, #tpu.memory_space<vmem>>) target_semaphore(%arg23 : memref<!tpu.dma_semaphore, #tpu.memory_space<semaphore_mem>>)
    %dma_start3A_53 = arith.constant 256 : i32
    %dma_start3A_54 = tpu.memref_slice %arg6[%dma_start3A_53] : memref<20000xi32, #tpu.memory_space<vmem>> -> memref<128xi32, #tpu.memory_space<vmem>>
    %dma_start3A_55 = arith.constant 0 : i32
    %dma_start3A_56 = arith.constant 0 : i32
    %dma_start3A_57 = tpu.memref_slice %arg2[%dma_start3A_55, %dma_start3A_56] : memref<10000x128xf32, #tpu.memory_space<hbm>> -> memref<10000x128xf32, #tpu.memory_space<hbm>>
    tpu.enqueue_indirect_dma source(%dma_start3A_57 : memref<10000x128xf32, #tpu.memory_space<hbm>>) target(%arg15 : memref<128x128xf32, #tpu.memory_space<vmem>>) offsets(%dma_start3A_54 : memref<128xi32, #tpu.memory_space<vmem>>) semaphore(%arg26 : memref<!tpu.dma_semaphore, #tpu.memory_space<semaphore_mem>>)
    %scan3A_58 = arith.constant 0 : i32
    %scan3A_59 = arith.constant 0 : i32
    %scan3A_60 = arith.constant 52 : i32
    %scan3A_61 = arith.addi %scan3A_59, %scan3A_60 : i32
    %scan3A_62 = arith.constant 1 : i32
    scf.for %scan3A_132 = %scan3A_59 to %scan3A_61 step %scan3A_62  : i32 {
      %mul3A_133 = arith.constant 3 : i32
      %mul3A_134 = arith.muli %mul3A_133, %scan3A_132 : i32
      %add3A_135 = arith.constant 0 : i32
      %add3A_136 = arith.addi %mul3A_134, %add3A_135 : i32
      %dma_wait3A_137 = arith.constant 0 : i32
      %dma_wait3A_138 = tpu.memref_slice %arg4[%dma_wait3A_137] : memref<320000xi32, #tpu.memory_space<hbm>> -> memref<128xi32, #tpu.memory_space<hbm>>
      %dma_wait3A_139 = arith.constant 0 : i32
      %dma_wait3A_140 = tpu.memref_slice %arg4[%dma_wait3A_139] : memref<320000xi32, #tpu.memory_space<hbm>> -> memref<128xi32, #tpu.memory_space<hbm>>
      tpu.wait_dma2 semaphore(%arg21 : memref<!tpu.dma_semaphore, #tpu.memory_space<semaphore_mem>>) src(%dma_wait3A_140 : memref<128xi32, #tpu.memory_space<hbm>>) dst(%arg7 : memref<128xi32, #tpu.memory_space<vmem>>)
      %get3A_141 = arith.constant 0 : index
      %get3A_142 = tpu.vector_load %arg7[%get3A_141] {strides = array<i32>} : memref<128xi32, #tpu.memory_space<vmem>>, vector<16xi32>,
      %sub3A_143 = vector.broadcast %mul3A_20 : i32 to vector<16xi32>
      %sub3A_144 = arith.subi %get3A_142, %sub3A_143 : vector<16xi32>
      %ge3A_145 = arith.constant 0 : i32
      %ge3A_146 = vector.broadcast %ge3A_145 : i32 to vector<16xi32>
      %ge3A_147 = arith.cmpi sge, %sub3A_144, %ge3A_146 : vector<16xi32>
      %lt3A_148 = arith.constant 5000 : i32
      %lt3A_149 = vector.broadcast %lt3A_148 : i32 to vector<16xi32>
      %lt3A_150 = arith.cmpi slt, %sub3A_144, %lt3A_149 : vector<16xi32>
      %and3A_151 = arith.andi %ge3A_147, %lt3A_150 : vector<16xi1>
      %select_n3A_152 = arith.select %and3A_151, %sub3A_144, %add3A_25 : vector<16xi1>, vector<16xi32>
      %swap3A_153 = arith.constant 0 : index
      %swap3A_154 = tpu.vector_load %arg10[%swap3A_153] {strides = array<i32>} : memref<128xi32, #tpu.memory_space<vmem>>, vector<16xi32>,
      tpu.vector_store %arg10[%swap3A_153], %select_n3A_152 {strides = array<i32>} : memref<128xi32, #tpu.memory_space<vmem>>, vector<16xi32>,
      %get3A_155 = arith.constant 16 : index
      %get3A_156 = tpu.vector_load %arg7[%get3A_155] {strides = array<i32>} : memref<128xi32, #tpu.memory_space<vmem>>, vector<16xi32>,
      %sub3A_157 = vector.broadcast %mul3A_20 : i32 to vector<16xi32>
      %sub3A_158 = arith.subi %get3A_156, %sub3A_157 : vector<16xi32>
      %ge3A_159 = arith.constant 0 : i32
      %ge3A_160 = vector.broadcast %ge3A_159 : i32 to vector<16xi32>
      %ge3A_161 = arith.cmpi sge, %sub3A_158, %ge3A_160 : vector<16xi32>
      %lt3A_162 = arith.constant 5000 : i32
      %lt3A_163 = vector.broadcast %lt3A_162 : i32 to vector<16xi32>
      %lt3A_164 = arith.cmpi slt, %sub3A_158, %lt3A_163 : vector<16xi32>
      %and3A_165 = arith.andi %ge3A_161, %lt3A_164 : vector<16xi1>
      %select_n3A_166 = arith.select %and3A_165, %sub3A_158, %add3A_25 : vector<16xi1>, vector<16xi32>
      %swap3A_167 = arith.constant 16 : index
      %swap3A_168 = tpu.vector_load %arg10[%swap3A_167] {strides = array<i32>} : memref<128xi32, #tpu.memory_space<vmem>>, vector<16xi32>,
      tpu.vector_store %arg10[%swap3A_167], %select_n3A_166 {strides = array<i32>} : memref<128xi32, #tpu.memory_space<vmem>>, vector<16xi32>,
      %get3A_169 = arith.constant 32 : index
      %get3A_170 = tpu.vector_load %arg7[%get3A_169] {strides = array<i32>} : memref<128xi32, #tpu.memory_space<vmem>>, vector<16xi32>,
      %sub3A_171 = vector.broadcast %mul3A_20 : i32 to vector<16xi32>
      %sub3A_172 = arith.subi %get3A_170, %sub3A_171 : vector<16xi32>
      %ge3A_173 = arith.constant 0 : i32
      %ge3A_174 = vector.broadcast %ge3A_173 : i32 to vector<16xi32>
      %ge3A_175 = arith.cmpi sge, %sub3A_172, %ge3A_174 : vector<16xi32>
      %lt3A_176 = arith.constant 5000 : i32
      %lt3A_177 = vector.broadcast %lt3A_176 : i32 to vector<16xi32>
      %lt3A_178 = arith.cmpi slt, %sub3A_172, %lt3A_177 : vector<16xi32>
      %and3A_179 = arith.andi %ge3A_175, %lt3A_178 : vector<16xi1>
      %select_n3A_180 = arith.select %and3A_179, %sub3A_172, %add3A_25 : vector<16xi1>, vector<16xi32>
      %swap3A_181 = arith.constant 32 : index
      %swap3A_182 = tpu.vector_load %arg10[%swap3A_181] {strides = array<i32>} : memref<128xi32, #tpu.memory_space<vmem>>, vector<16xi32>,
      tpu.vector_store %arg10[%swap3A_181], %select_n3A_180 {strides = array<i32>} : memref<128xi32, #tpu.memory_space<vmem>>, vector<16xi32>,
      %get3A_183 = arith.constant 48 : index
      %get3A_184 = tpu.vector_load %arg7[%get3A_183] {strides = array<i32>} : memref<128xi32, #tpu.memory_space<vmem>>, vector<16xi32>,
      %sub3A_185 = vector.broadcast %mul3A_20 : i32 to vector<16xi32>
      %sub3A_186 = arith.subi %get3A_184, %sub3A_185 : vector<16xi32>
      %ge3A_187 = arith.constant 0 : i32
      %ge3A_188 = vector.broadcast %ge3A_187 : i32 to vector<16xi32>
      %ge3A_189 = arith.cmpi sge, %sub3A_186, %ge3A_188 : vector<16xi32>
      %lt3A_190 = arith.constant 5000 : i32
      %lt3A_191 = vector.broadcast %lt3A_190 : i32 to vector<16xi32>
      %lt3A_192 = arith.cmpi slt, %sub3A_186, %lt3A_191 : vector<16xi32>
      %and3A_193 = arith.andi %ge3A_189, %lt3A_192 : vector<16xi1>
      %select_n3A_194 = arith.select %and3A_193, %sub3A_186, %add3A_25 : vector<16xi1>, vector<16xi32>
      %swap3A_195 = arith.constant 48 : index
      %swap3A_196 = tpu.vector_load %arg10[%swap3A_195] {strides = array<i32>} : memref<128xi32, #tpu.memory_space<vmem>>, vector<16xi32>,
      tpu.vector_store %arg10[%swap3A_195], %select_n3A_194 {strides = array<i32>} : memref<128xi32, #tpu.memory_space<vmem>>, vector<16xi32>,
      %get3A_197 = arith.constant 64 : index
      %get3A_198 = tpu.vector_load %arg7[%get3A_197] {strides = array<i32>} : memref<128xi32, #tpu.memory_space<vmem>>, vector<16xi32>,
      %sub3A_199 = vector.broadcast %mul3A_20 : i32 to vector<16xi32>
      %sub3A_200 = arith.subi %get3A_198, %sub3A_199 : vector<16xi32>
      %ge3A_201 = arith.constant 0 : i32
      %ge3A_202 = vector.broadcast %ge3A_201 : i32 to vector<16xi32>
      %ge3A_203 = arith.cmpi sge, %sub3A_200, %ge3A_202 : vector<16xi32>
      %lt3A_204 = arith.constant 5000 : i32
      %lt3A_205 = vector.broadcast %lt3A_204 : i32 to vector<16xi32>
      %lt3A_206 = arith.cmpi slt, %sub3A_200, %lt3A_205 : vector<16xi32>
      %and3A_207 = arith.andi %ge3A_203, %lt3A_206 : vector<16xi1>
      %select_n3A_208 = arith.select %and3A_207, %sub3A_200, %add3A_25 : vector<16xi1>, vector<16xi32>
      %swap3A_209 = arith.constant 64 : index
      %swap3A_210 = tpu.vector_load %arg10[%swap3A_209] {strides = array<i32>} : memref<128xi32, #tpu.memory_space<vmem>>, vector<16xi32>,
      tpu.vector_store %arg10[%swap3A_209], %select_n3A_208 {strides = array<i32>} : memref<128xi32, #tpu.memory_space<vmem>>, vector<16xi32>,
      %get3A_211 = arith.constant 80 : index
      %get3A_212 = tpu.vector_load %arg7[%get3A_211] {strides = array<i32>} : memref<128xi32, #tpu.memory_space<vmem>>, vector<16xi32>,
      %sub3A_213 = vector.broadcast %mul3A_20 : i32 to vector<16xi32>
      %sub3A_214 = arith.subi %get3A_212, %sub3A_213 : vector<16xi32>
      %ge3A_215 = arith.constant 0 : i32
      %ge3A_216 = vector.broadcast %ge3A_215 : i32 to vector<16xi32>
      %ge3A_217 = arith.cmpi sge, %sub3A_214, %ge3A_216 : vector<16xi32>
      %lt3A_218 = arith.constant 5000 : i32
      %lt3A_219 = vector.broadcast %lt3A_218 : i32 to vector<16xi32>
      %lt3A_220 = arith.cmpi slt, %sub3A_214, %lt3A_219 : vector<16xi32>
      %and3A_221 = arith.andi %ge3A_217, %lt3A_220 : vector<16xi1>
      %select_n3A_222 = arith.select %and3A_221, %sub3A_214, %add3A_25 : vector<16xi1>, vector<16xi32>
      %swap3A_223 = arith.constant 80 : index
      %swap3A_224 = tpu.vector_load %arg10[%swap3A_223] {strides = array<i32>} : memref<128xi32, #tpu.memory_space<vmem>>, vector<16xi32>,
      tpu.vector_store %arg10[%swap3A_223], %select_n3A_222 {strides = array<i32>} : memref<128xi32, #tpu.memory_space<vmem>>, vector<16xi32>,
      %get3A_225 = arith.constant 96 : index
      %get3A_226 = tpu.vector_load %arg7[%get3A_225] {strides = array<i32>} : memref<128xi32, #tpu.memory_space<vmem>>, vector<16xi32>,
      %sub3A_227 = vector.broadcast %mul3A_20 : i32 to vector<16xi32>
      %sub3A_228 = arith.subi %get3A_226, %sub3A_227 : vector<16xi32>
      %ge3A_229 = arith.constant 0 : i32
      %ge3A_230 = vector.broadcast %ge3A_229 : i32 to vector<16xi32>
      %ge3A_231 = arith.cmpi sge, %sub3A_228, %ge3A_230 : vector<16xi32>
      %lt3A_232 = arith.constant 5000 : i32
      %lt3A_233 = vector.broadcast %lt3A_232 : i32 to vector<16xi32>
      %lt3A_234 = arith.cmpi slt, %sub3A_228, %lt3A_233 : vector<16xi32>
      %and3A_235 = arith.andi %ge3A_231, %lt3A_234 : vector<16xi1>
      %select_n3A_236 = arith.select %and3A_235, %sub3A_228, %add3A_25 : vector<16xi1>, vector<16xi32>
      %swap3A_237 = arith.constant 96 : index
      %swap3A_238 = tpu.vector_load %arg10[%swap3A_237] {strides = array<i32>} : memref<128xi32, #tpu.memory_space<vmem>>, vector<16xi32>,
      tpu.vector_store %arg10[%swap3A_237], %select_n3A_236 {strides = array<i32>} : memref<128xi32, #tpu.memory_space<vmem>>, vector<16xi32>,
      %get3A_239 = arith.constant 112 : index
      %get3A_240 = tpu.vector_load %arg7[%get3A_239] {strides = array<i32>} : memref<128xi32, #tpu.memory_space<vmem>>, vector<16xi32>,
      %sub3A_241 = vector.broadcast %mul3A_20 : i32 to vector<16xi32>
      %sub3A_242 = arith.subi %get3A_240, %sub3A_241 : vector<16xi32>
      %ge3A_243 = arith.constant 0 : i32
      %ge3A_244 = vector.broadcast %ge3A_243 : i32 to vector<16xi32>
      %ge3A_245 = arith.cmpi sge, %sub3A_242, %ge3A_244 : vector<16xi32>
      %lt3A_246 = arith.constant 5000 : i32
      %lt3A_247 = vector.broadcast %lt3A_246 : i32 to vector<16xi32>
      %lt3A_248 = arith.cmpi slt, %sub3A_242, %lt3A_247 : vector<16xi32>
      %and3A_249 = arith.andi %ge3A_245, %lt3A_248 : vector<16xi1>
      %select_n3A_250 = arith.select %and3A_249, %sub3A_242, %add3A_25 : vector<16xi1>, vector<16xi32>
      %swap3A_251 = arith.constant 112 : index
      %swap3A_252 = tpu.vector_load %arg10[%swap3A_251] {strides = array<i32>} : memref<128xi32, #tpu.memory_space<vmem>>, vector<16xi32>,
      tpu.vector_store %arg10[%swap3A_251], %select_n3A_250 {strides = array<i32>} : memref<128xi32, #tpu.memory_space<vmem>>, vector<16xi32>,
      %add3A_253 = arith.constant 3 : i32
      %add3A_254 = arith.addi %add3A_136, %add3A_253 : i32
      %lt3A_255 = arith.constant 156 : i32
      %lt3A_256 = arith.cmpi slt, %add3A_254, %lt3A_255 : i32
      %convert_element_type3A_257 = arith.extui %lt3A_256 : i1 to i32
      %cond3A_258 = arith.constant 0 : i32
      %cond3A_259 = arith.cmpi ne, %convert_element_type3A_257, %cond3A_258 : i32
      scf.if %cond3A_259 {
        %add3A_553 = arith.constant 3 : i32
        %add3A_554 = arith.addi %add3A_136, %add3A_553 : i32
        %mul3A_555 = arith.constant 20000 : i32
        %mul3A_556 = arith.muli %arg1, %mul3A_555 : i32
        %mul3A_557 = arith.constant 128 : i32
        %mul3A_558 = arith.muli %add3A_554, %mul3A_557 : i32
        %add3A_559 = arith.addi %mul3A_556, %mul3A_558 : i32
        %dma_start3A_560 = tpu.memref_slice %arg4[%add3A_559] : memref<320000xi32, #tpu.memory_space<hbm>> -> memref<128xi32, #tpu.memory_space<hbm>>
        %dma_start3A_561 = tpu.memref_slice %arg4[%add3A_559] : memref<320000xi32, #tpu.memory_space<hbm>> -> memref<128xi32, #tpu.memory_space<hbm>>
        tpu.enqueue_dma source(%dma_start3A_561 : memref<128xi32, #tpu.memory_space<hbm>>) target(%arg7 : memref<128xi32, #tpu.memory_space<vmem>>) target_semaphore(%arg21 : memref<!tpu.dma_semaphore, #tpu.memory_space<semaphore_mem>>)
      } else {
      }
      %dma_wait3A_260 = arith.constant 0 : i32
      %dma_wait3A_261 = arith.constant 0 : i32
      %dma_wait3A_262 = tpu.memref_slice %arg2[%dma_wait3A_260, %dma_wait3A_261] : memref<10000x128xf32, #tpu.memory_space<hbm>> -> memref<128x128xf32, #tpu.memory_space<hbm>>
      %dma_wait3A_263 = arith.constant 0 : i32
      %dma_wait3A_264 = arith.constant 0 : i32
      %dma_wait3A_265 = tpu.memref_slice %arg2[%dma_wait3A_263, %dma_wait3A_264] : memref<10000x128xf32, #tpu.memory_space<hbm>> -> memref<128x128xf32, #tpu.memory_space<hbm>>
      tpu.wait_dma2 semaphore(%arg24 : memref<!tpu.dma_semaphore, #tpu.memory_space<semaphore_mem>>) src(%dma_wait3A_265 : memref<128x128xf32, #tpu.memory_space<hbm>>) dst(%arg13 : memref<128x128xf32, #tpu.memory_space<vmem>>)
      "tpu.region"() ({
        %run_scoped3A = tpu.sem_alloc : memref<!tpu.dma_semaphore, #tpu.memory_space<semaphore_mem>>
        %dma_start3A_553 = arith.constant 0 : i32
        %dma_start3A_554 = arith.constant 0 : i32
        %dma_start3A_555 = tpu.memref_slice %arg20[%dma_start3A_553, %dma_start3A_554] : memref<5008x128xf32, #tpu.memory_space<vmem_shared>> -> memref<5008x128xf32, #tpu.memory_space<vmem_shared>>
        tpu.enqueue_indirect_dma source(%arg13 : memref<128x128xf32, #tpu.memory_space<vmem>>) target(%dma_start3A_555 : memref<5008x128xf32, #tpu.memory_space<vmem_shared>>) offsets(%arg10 : memref<128xi32, #tpu.memory_space<vmem>>) semaphore(%run_scoped3A : memref<!tpu.dma_semaphore, #tpu.memory_space<semaphore_mem>>) {add = true}
        %dma_wait3A_556 = arith.constant 0 : i32
        %dma_wait3A_557 = arith.constant 0 : i32
        %dma_wait3A_558 = tpu.memref_slice %arg20[%dma_wait3A_556, %dma_wait3A_557] : memref<5008x128xf32, #tpu.memory_space<vmem_shared>> -> memref<5008x128xf32, #tpu.memory_space<vmem_shared>>
        tpu.wait_indirect_dma semaphore(%run_scoped3A : memref<!tpu.dma_semaphore, #tpu.memory_space<semaphore_mem>>) src(%arg13 : memref<128x128xf32, #tpu.memory_space<vmem>>) dst(%dma_wait3A_558 : memref<5008x128xf32, #tpu.memory_space<vmem_shared>>)
        tpu.yield
      }) : () -> ()
      %add3A_266 = arith.constant 3 : i32
      %add3A_267 = arith.addi %add3A_136, %add3A_266 : i32
      %lt3A_268 = arith.constant 156 : i32
      %lt3A_269 = arith.cmpi slt, %add3A_267, %lt3A_268 : i32
      %convert_element_type3A_270 = arith.extui %lt3A_269 : i1 to i32
      %cond3A_271 = arith.constant 0 : i32
      %cond3A_272 = arith.cmpi ne, %convert_element_type3A_270, %cond3A_271 : i32
      scf.if %cond3A_272 {
        %add3A_553 = arith.constant 3 : i32
        %add3A_554 = arith.addi %add3A_136, %add3A_553 : i32
        %mul3A_555 = arith.constant 128 : i32
        %mul3A_556 = arith.muli %add3A_554, %mul3A_555 : i32
        %dma_start3A_557 = tpu.memref_slice %arg6[%mul3A_556] : memref<20000xi32, #tpu.memory_space<vmem>> -> memref<128xi32, #tpu.memory_space<vmem>>
        %dma_start3A_558 = arith.constant 0 : i32
        %dma_start3A_559 = arith.constant 0 : i32
        %dma_start3A_560 = tpu.memref_slice %arg2[%dma_start3A_558, %dma_start3A_559] : memref<10000x128xf32, #tpu.memory_space<hbm>> -> memref<10000x128xf32, #tpu.memory_space<hbm>>
        tpu.enqueue_indirect_dma source(%dma_start3A_560 : memref<10000x128xf32, #tpu.memory_space<hbm>>) target(%arg13 : memref<128x128xf32, #tpu.memory_space<vmem>>) offsets(%dma_start3A_557 : memref<128xi32, #tpu.memory_space<vmem>>) semaphore(%arg24 : memref<!tpu.dma_semaphore, #tpu.memory_space<semaphore_mem>>)
      } else {
      }
      %mul3A_273 = arith.constant 3 : i32
      %mul3A_274 = arith.muli %mul3A_273, %scan3A_132 : i32
      %add3A_275 = arith.constant 1 : i32
      %add3A_276 = arith.addi %mul3A_274, %add3A_275 : i32
      %dma_wait3A_277 = arith.constant 0 : i32
      %dma_wait3A_278 = tpu.memref_slice %arg4[%dma_wait3A_277] : memref<320000xi32, #tpu.memory_space<hbm>> -> memref<128xi32, #tpu.memory_space<hbm>>
      %dma_wait3A_279 = arith.constant 0 : i32
      %dma_wait3A_280 = tpu.memref_slice %arg4[%dma_wait3A_279] : memref<320000xi32, #tpu.memory_space<hbm>> -> memref<128xi32, #tpu.memory_space<hbm>>
      tpu.wait_dma2 semaphore(%arg22 : memref<!tpu.dma_semaphore, #tpu.memory_space<semaphore_mem>>) src(%dma_wait3A_280 : memref<128xi32, #tpu.memory_space<hbm>>) dst(%arg8 : memref<128xi32, #tpu.memory_space<vmem>>)
      %get3A_281 = arith.constant 0 : index
      %get3A_282 = tpu.vector_load %arg8[%get3A_281] {strides = array<i32>} : memref<128xi32, #tpu.memory_space<vmem>>, vector<16xi32>,
      %sub3A_283 = vector.broadcast %mul3A_20 : i32 to vector<16xi32>
      %sub3A_284 = arith.subi %get3A_282, %sub3A_283 : vector<16xi32>
      %ge3A_285 = arith.constant 0 : i32
      %ge3A_286 = vector.broadcast %ge3A_285 : i32 to vector<16xi32>
      %ge3A_287 = arith.cmpi sge, %sub3A_284, %ge3A_286 : vector<16xi32>
      %lt3A_288 = arith.constant 5000 : i32
      %lt3A_289 = vector.broadcast %lt3A_288 : i32 to vector<16xi32>
      %lt3A_290 = arith.cmpi slt, %sub3A_284, %lt3A_289 : vector<16xi32>
      %and3A_291 = arith.andi %ge3A_287, %lt3A_290 : vector<16xi1>
      %select_n3A_292 = arith.select %and3A_291, %sub3A_284, %add3A_25 : vector<16xi1>, vector<16xi32>
      %swap3A_293 = arith.constant 0 : index
      %swap3A_294 = tpu.vector_load %arg11[%swap3A_293] {strides = array<i32>} : memref<128xi32, #tpu.memory_space<vmem>>, vector<16xi32>,
      tpu.vector_store %arg11[%swap3A_293], %select_n3A_292 {strides = array<i32>} : memref<128xi32, #tpu.memory_space<vmem>>, vector<16xi32>,
      %get3A_295 = arith.constant 16 : index
      %get3A_296 = tpu.vector_load %arg8[%get3A_295] {strides = array<i32>} : memref<128xi32, #tpu.memory_space<vmem>>, vector<16xi32>,
      %sub3A_297 = vector.broadcast %mul3A_20 : i32 to vector<16xi32>
      %sub3A_298 = arith.subi %get3A_296, %sub3A_297 : vector<16xi32>
      %ge3A_299 = arith.constant 0 : i32
      %ge3A_300 = vector.broadcast %ge3A_299 : i32 to vector<16xi32>
      %ge3A_301 = arith.cmpi sge, %sub3A_298, %ge3A_300 : vector<16xi32>
      %lt3A_302 = arith.constant 5000 : i32
      %lt3A_303 = vector.broadcast %lt3A_302 : i32 to vector<16xi32>
      %lt3A_304 = arith.cmpi slt, %sub3A_298, %lt3A_303 : vector<16xi32>
      %and3A_305 = arith.andi %ge3A_301, %lt3A_304 : vector<16xi1>
      %select_n3A_306 = arith.select %and3A_305, %sub3A_298, %add3A_25 : vector<16xi1>, vector<16xi32>
      %swap3A_307 = arith.constant 16 : index
      %swap3A_308 = tpu.vector_load %arg11[%swap3A_307] {strides = array<i32>} : memref<128xi32, #tpu.memory_space<vmem>>, vector<16xi32>,
      tpu.vector_store %arg11[%swap3A_307], %select_n3A_306 {strides = array<i32>} : memref<128xi32, #tpu.memory_space<vmem>>, vector<16xi32>,
      %get3A_309 = arith.constant 32 : index
      %get3A_310 = tpu.vector_load %arg8[%get3A_309] {strides = array<i32>} : memref<128xi32, #tpu.memory_space<vmem>>, vector<16xi32>,
      %sub3A_311 = vector.broadcast %mul3A_20 : i32 to vector<16xi32>
      %sub3A_312 = arith.subi %get3A_310, %sub3A_311 : vector<16xi32>
      %ge3A_313 = arith.constant 0 : i32
      %ge3A_314 = vector.broadcast %ge3A_313 : i32 to vector<16xi32>
      %ge3A_315 = arith.cmpi sge, %sub3A_312, %ge3A_314 : vector<16xi32>
      %lt3A_316 = arith.constant 5000 : i32
      %lt3A_317 = vector.broadcast %lt3A_316 : i32 to vector<16xi32>
      %lt3A_318 = arith.cmpi slt, %sub3A_312, %lt3A_317 : vector<16xi32>
      %and3A_319 = arith.andi %ge3A_315, %lt3A_318 : vector<16xi1>
      %select_n3A_320 = arith.select %and3A_319, %sub3A_312, %add3A_25 : vector<16xi1>, vector<16xi32>
      %swap3A_321 = arith.constant 32 : index
      %swap3A_322 = tpu.vector_load %arg11[%swap3A_321] {strides = array<i32>} : memref<128xi32, #tpu.memory_space<vmem>>, vector<16xi32>,
      tpu.vector_store %arg11[%swap3A_321], %select_n3A_320 {strides = array<i32>} : memref<128xi32, #tpu.memory_space<vmem>>, vector<16xi32>,
      %get3A_323 = arith.constant 48 : index
      %get3A_324 = tpu.vector_load %arg8[%get3A_323] {strides = array<i32>} : memref<128xi32, #tpu.memory_space<vmem>>, vector<16xi32>,
      %sub3A_325 = vector.broadcast %mul3A_20 : i32 to vector<16xi32>
      %sub3A_326 = arith.subi %get3A_324, %sub3A_325 : vector<16xi32>
      %ge3A_327 = arith.constant 0 : i32
      %ge3A_328 = vector.broadcast %ge3A_327 : i32 to vector<16xi32>
      %ge3A_329 = arith.cmpi sge, %sub3A_326, %ge3A_328 : vector<16xi32>
      %lt3A_330 = arith.constant 5000 : i32
      %lt3A_331 = vector.broadcast %lt3A_330 : i32 to vector<16xi32>
      %lt3A_332 = arith.cmpi slt, %sub3A_326, %lt3A_331 : vector<16xi32>
      %and3A_333 = arith.andi %ge3A_329, %lt3A_332 : vector<16xi1>
      %select_n3A_334 = arith.select %and3A_333, %sub3A_326, %add3A_25 : vector<16xi1>, vector<16xi32>
      %swap3A_335 = arith.constant 48 : index
      %swap3A_336 = tpu.vector_load %arg11[%swap3A_335] {strides = array<i32>} : memref<128xi32, #tpu.memory_space<vmem>>, vector<16xi32>,
      tpu.vector_store %arg11[%swap3A_335], %select_n3A_334 {strides = array<i32>} : memref<128xi32, #tpu.memory_space<vmem>>, vector<16xi32>,
      %get3A_337 = arith.constant 64 : index
      %get3A_338 = tpu.vector_load %arg8[%get3A_337] {strides = array<i32>} : memref<128xi32, #tpu.memory_space<vmem>>, vector<16xi32>,
      %sub3A_339 = vector.broadcast %mul3A_20 : i32 to vector<16xi32>
      %sub3A_340 = arith.subi %get3A_338, %sub3A_339 : vector<16xi32>
      %ge3A_341 = arith.constant 0 : i32
      %ge3A_342 = vector.broadcast %ge3A_341 : i32 to vector<16xi32>
      %ge3A_343 = arith.cmpi sge, %sub3A_340, %ge3A_342 : vector<16xi32>
      %lt3A_344 = arith.constant 5000 : i32
      %lt3A_345 = vector.broadcast %lt3A_344 : i32 to vector<16xi32>
      %lt3A_346 = arith.cmpi slt, %sub3A_340, %lt3A_345 : vector<16xi32>
      %and3A_347 = arith.andi %ge3A_343, %lt3A_346 : vector<16xi1>
      %select_n3A_348 = arith.select %and3A_347, %sub3A_340, %add3A_25 : vector<16xi1>, vector<16xi32>
      %swap3A_349 = arith.constant 64 : index
      %swap3A_350 = tpu.vector_load %arg11[%swap3A_349] {strides = array<i32>} : memref<128xi32, #tpu.memory_space<vmem>>, vector<16xi32>,
      tpu.vector_store %arg11[%swap3A_349], %select_n3A_348 {strides = array<i32>} : memref<128xi32, #tpu.memory_space<vmem>>, vector<16xi32>,
      %get3A_351 = arith.constant 80 : index
      %get3A_352 = tpu.vector_load %arg8[%get3A_351] {strides = array<i32>} : memref<128xi32, #tpu.memory_space<vmem>>, vector<16xi32>,
      %sub3A_353 = vector.broadcast %mul3A_20 : i32 to vector<16xi32>
      %sub3A_354 = arith.subi %get3A_352, %sub3A_353 : vector<16xi32>
      %ge3A_355 = arith.constant 0 : i32
      %ge3A_356 = vector.broadcast %ge3A_355 : i32 to vector<16xi32>
      %ge3A_357 = arith.cmpi sge, %sub3A_354, %ge3A_356 : vector<16xi32>
      %lt3A_358 = arith.constant 5000 : i32
      %lt3A_359 = vector.broadcast %lt3A_358 : i32 to vector<16xi32>
      %lt3A_360 = arith.cmpi slt, %sub3A_354, %lt3A_359 : vector<16xi32>
      %and3A_361 = arith.andi %ge3A_357, %lt3A_360 : vector<16xi1>
      %select_n3A_362 = arith.select %and3A_361, %sub3A_354, %add3A_25 : vector<16xi1>, vector<16xi32>
      %swap3A_363 = arith.constant 80 : index
      %swap3A_364 = tpu.vector_load %arg11[%swap3A_363] {strides = array<i32>} : memref<128xi32, #tpu.memory_space<vmem>>, vector<16xi32>,
      tpu.vector_store %arg11[%swap3A_363], %select_n3A_362 {strides = array<i32>} : memref<128xi32, #tpu.memory_space<vmem>>, vector<16xi32>,
      %get3A_365 = arith.constant 96 : index
      %get3A_366 = tpu.vector_load %arg8[%get3A_365] {strides = array<i32>} : memref<128xi32, #tpu.memory_space<vmem>>, vector<16xi32>,
      %sub3A_367 = vector.broadcast %mul3A_20 : i32 to vector<16xi32>
      %sub3A_368 = arith.subi %get3A_366, %sub3A_367 : vector<16xi32>
      %ge3A_369 = arith.constant 0 : i32
      %ge3A_370 = vector.broadcast %ge3A_369 : i32 to vector<16xi32>
      %ge3A_371 = arith.cmpi sge, %sub3A_368, %ge3A_370 : vector<16xi32>
      %lt3A_372 = arith.constant 5000 : i32
      %lt3A_373 = vector.broadcast %lt3A_372 : i32 to vector<16xi32>
      %lt3A_374 = arith.cmpi slt, %sub3A_368, %lt3A_373 : vector<16xi32>
      %and3A_375 = arith.andi %ge3A_371, %lt3A_374 : vector<16xi1>
      %select_n3A_376 = arith.select %and3A_375, %sub3A_368, %add3A_25 : vector<16xi1>, vector<16xi32>
      %swap3A_377 = arith.constant 96 : index
      %swap3A_378 = tpu.vector_load %arg11[%swap3A_377] {strides = array<i32>} : memref<128xi32, #tpu.memory_space<vmem>>, vector<16xi32>,
      tpu.vector_store %arg11[%swap3A_377], %select_n3A_376 {strides = array<i32>} : memref<128xi32, #tpu.memory_space<vmem>>, vector<16xi32>,
      %get3A_379 = arith.constant 112 : index
      %get3A_380 = tpu.vector_load %arg8[%get3A_379] {strides = array<i32>} : memref<128xi32, #tpu.memory_space<vmem>>, vector<16xi32>,
      %sub3A_381 = vector.broadcast %mul3A_20 : i32 to vector<16xi32>
      %sub3A_382 = arith.subi %get3A_380, %sub3A_381 : vector<16xi32>
      %ge3A_383 = arith.constant 0 : i32
      %ge3A_384 = vector.broadcast %ge3A_383 : i32 to vector<16xi32>
      %ge3A_385 = arith.cmpi sge, %sub3A_382, %ge3A_384 : vector<16xi32>
      %lt3A_386 = arith.constant 5000 : i32
      %lt3A_387 = vector.broadcast %lt3A_386 : i32 to vector<16xi32>
      %lt3A_388 = arith.cmpi slt, %sub3A_382, %lt3A_387 : vector<16xi32>
      %and3A_389 = arith.andi %ge3A_385, %lt3A_388 : vector<16xi1>
      %select_n3A_390 = arith.select %and3A_389, %sub3A_382, %add3A_25 : vector<16xi1>, vector<16xi32>
      %swap3A_391 = arith.constant 112 : index
      %swap3A_392 = tpu.vector_load %arg11[%swap3A_391] {strides = array<i32>} : memref<128xi32, #tpu.memory_space<vmem>>, vector<16xi32>,
      tpu.vector_store %arg11[%swap3A_391], %select_n3A_390 {strides = array<i32>} : memref<128xi32, #tpu.memory_space<vmem>>, vector<16xi32>,
      %add3A_393 = arith.constant 3 : i32
      %add3A_394 = arith.addi %add3A_276, %add3A_393 : i32
      %lt3A_395 = arith.constant 156 : i32
      %lt3A_396 = arith.cmpi slt, %add3A_394, %lt3A_395 : i32
      %convert_element_type3A_397 = arith.extui %lt3A_396 : i1 to i32
      %cond3A_398 = arith.constant 0 : i32
      %cond3A_399 = arith.cmpi ne, %convert_element_type3A_397, %cond3A_398 : i32
      scf.if %cond3A_399 {
        %add3A_553 = arith.constant 3 : i32
        %add3A_554 = arith.addi %add3A_276, %add3A_553 : i32
        %mul3A_555 = arith.constant 20000 : i32
        %mul3A_556 = arith.muli %arg1, %mul3A_555 : i32
        %mul3A_557 = arith.constant 128 : i32
        %mul3A_558 = arith.muli %add3A_554, %mul3A_557 : i32
        %add3A_559 = arith.addi %mul3A_556, %mul3A_558 : i32
        %dma_start3A_560 = tpu.memref_slice %arg4[%add3A_559] : memref<320000xi32, #tpu.memory_space<hbm>> -> memref<128xi32, #tpu.memory_space<hbm>>
        %dma_start3A_561 = tpu.memref_slice %arg4[%add3A_559] : memref<320000xi32, #tpu.memory_space<hbm>> -> memref<128xi32, #tpu.memory_space<hbm>>
        tpu.enqueue_dma source(%dma_start3A_561 : memref<128xi32, #tpu.memory_space<hbm>>) target(%arg8 : memref<128xi32, #tpu.memory_space<vmem>>) target_semaphore(%arg22 : memref<!tpu.dma_semaphore, #tpu.memory_space<semaphore_mem>>)
      } else {
      }
      %dma_wait3A_400 = arith.constant 0 : i32
      %dma_wait3A_401 = arith.constant 0 : i32
      %dma_wait3A_402 = tpu.memref_slice %arg2[%dma_wait3A_400, %dma_wait3A_401] : memref<10000x128xf32, #tpu.memory_space<hbm>> -> memref<128x128xf32, #tpu.memory_space<hbm>>
      %dma_wait3A_403 = arith.constant 0 : i32
      %dma_wait3A_404 = arith.constant 0 : i32
      %dma_wait3A_405 = tpu.memref_slice %arg2[%dma_wait3A_403, %dma_wait3A_404] : memref<10000x128xf32, #tpu.memory_space<hbm>> -> memref<128x128xf32, #tpu.memory_space<hbm>>
      tpu.wait_dma2 semaphore(%arg25 : memref<!tpu.dma_semaphore, #tpu.memory_space<semaphore_mem>>) src(%dma_wait3A_405 : memref<128x128xf32, #tpu.memory_space<hbm>>) dst(%arg14 : memref<128x128xf32, #tpu.memory_space<vmem>>)
      "tpu.region"() ({
        %run_scoped3A = tpu.sem_alloc : memref<!tpu.dma_semaphore, #tpu.memory_space<semaphore_mem>>
        %dma_start3A_553 = arith.constant 0 : i32
        %dma_start3A_554 = arith.constant 0 : i32
        %dma_start3A_555 = tpu.memref_slice %arg20[%dma_start3A_553, %dma_start3A_554] : memref<5008x128xf32, #tpu.memory_space<vmem_shared>> -> memref<5008x128xf32, #tpu.memory_space<vmem_shared>>
        tpu.enqueue_indirect_dma source(%arg14 : memref<128x128xf32, #tpu.memory_space<vmem>>) target(%dma_start3A_555 : memref<5008x128xf32, #tpu.memory_space<vmem_shared>>) offsets(%arg11 : memref<128xi32, #tpu.memory_space<vmem>>) semaphore(%run_scoped3A : memref<!tpu.dma_semaphore, #tpu.memory_space<semaphore_mem>>) {add = true}
        %dma_wait3A_556 = arith.constant 0 : i32
        %dma_wait3A_557 = arith.constant 0 : i32
        %dma_wait3A_558 = tpu.memref_slice %arg20[%dma_wait3A_556, %dma_wait3A_557] : memref<5008x128xf32, #tpu.memory_space<vmem_shared>> -> memref<5008x128xf32, #tpu.memory_space<vmem_shared>>
        tpu.wait_indirect_dma semaphore(%run_scoped3A : memref<!tpu.dma_semaphore, #tpu.memory_space<semaphore_mem>>) src(%arg14 : memref<128x128xf32, #tpu.memory_space<vmem>>) dst(%dma_wait3A_558 : memref<5008x128xf32, #tpu.memory_space<vmem_shared>>)
        tpu.yield
      }) : () -> ()
      %add3A_406 = arith.constant 3 : i32
      %add3A_407 = arith.addi %add3A_276, %add3A_406 : i32
      %lt3A_408 = arith.constant 156 : i32
      %lt3A_409 = arith.cmpi slt, %add3A_407, %lt3A_408 : i32
      %convert_element_type3A_410 = arith.extui %lt3A_409 : i1 to i32
      %cond3A_411 = arith.constant 0 : i32
      %cond3A_412 = arith.cmpi ne, %convert_element_type3A_410, %cond3A_411 : i32
      scf.if %cond3A_412 {
        %add3A_553 = arith.constant 3 : i32
        %add3A_554 = arith.addi %add3A_276, %add3A_553 : i32
        %mul3A_555 = arith.constant 128 : i32
        %mul3A_556 = arith.muli %add3A_554, %mul3A_555 : i32
        %dma_start3A_557 = tpu.memref_slice %arg6[%mul3A_556] : memref<20000xi32, #tpu.memory_space<vmem>> -> memref<128xi32, #tpu.memory_space<vmem>>
        %dma_start3A_558 = arith.constant 0 : i32
        %dma_start3A_559 = arith.constant 0 : i32
        %dma_start3A_560 = tpu.memref_slice %arg2[%dma_start3A_558, %dma_start3A_559] : memref<10000x128xf32, #tpu.memory_space<hbm>> -> memref<10000x128xf32, #tpu.memory_space<hbm>>
        tpu.enqueue_indirect_dma source(%dma_start3A_560 : memref<10000x128xf32, #tpu.memory_space<hbm>>) target(%arg14 : memref<128x128xf32, #tpu.memory_space<vmem>>) offsets(%dma_start3A_557 : memref<128xi32, #tpu.memory_space<vmem>>) semaphore(%arg25 : memref<!tpu.dma_semaphore, #tpu.memory_space<semaphore_mem>>)
      } else {
      }
      %mul3A_413 = arith.constant 3 : i32
      %mul3A_414 = arith.muli %mul3A_413, %scan3A_132 : i32
      %add3A_415 = arith.constant 2 : i32
      %add3A_416 = arith.addi %mul3A_414, %add3A_415 : i32
      %dma_wait3A_417 = arith.constant 0 : i32
      %dma_wait3A_418 = tpu.memref_slice %arg4[%dma_wait3A_417] : memref<320000xi32, #tpu.memory_space<hbm>> -> memref<128xi32, #tpu.memory_space<hbm>>
      %dma_wait3A_419 = arith.constant 0 : i32
      %dma_wait3A_420 = tpu.memref_slice %arg4[%dma_wait3A_419] : memref<320000xi32, #tpu.memory_space<hbm>> -> memref<128xi32, #tpu.memory_space<hbm>>
      tpu.wait_dma2 semaphore(%arg23 : memref<!tpu.dma_semaphore, #tpu.memory_space<semaphore_mem>>) src(%dma_wait3A_420 : memref<128xi32, #tpu.memory_space<hbm>>) dst(%arg9 : memref<128xi32, #tpu.memory_space<vmem>>)
      %get3A_421 = arith.constant 0 : index
      %get3A_422 = tpu.vector_load %arg9[%get3A_421] {strides = array<i32>} : memref<128xi32, #tpu.memory_space<vmem>>, vector<16xi32>,
      %sub3A_423 = vector.broadcast %mul3A_20 : i32 to vector<16xi32>
      %sub3A_424 = arith.subi %get3A_422, %sub3A_423 : vector<16xi32>
      %ge3A_425 = arith.constant 0 : i32
      %ge3A_426 = vector.broadcast %ge3A_425 : i32 to vector<16xi32>
      %ge3A_427 = arith.cmpi sge, %sub3A_424, %ge3A_426 : vector<16xi32>
      %lt3A_428 = arith.constant 5000 : i32
      %lt3A_429 = vector.broadcast %lt3A_428 : i32 to vector<16xi32>
      %lt3A_430 = arith.cmpi slt, %sub3A_424, %lt3A_429 : vector<16xi32>
      %and3A_431 = arith.andi %ge3A_427, %lt3A_430 : vector<16xi1>
      %select_n3A_432 = arith.select %and3A_431, %sub3A_424, %add3A_25 : vector<16xi1>, vector<16xi32>
      %swap3A_433 = arith.constant 0 : index
      %swap3A_434 = tpu.vector_load %arg12[%swap3A_433] {strides = array<i32>} : memref<128xi32, #tpu.memory_space<vmem>>, vector<16xi32>,
      tpu.vector_store %arg12[%swap3A_433], %select_n3A_432 {strides = array<i32>} : memref<128xi32, #tpu.memory_space<vmem>>, vector<16xi32>,
      %get3A_435 = arith.constant 16 : index
      %get3A_436 = tpu.vector_load %arg9[%get3A_435] {strides = array<i32>} : memref<128xi32, #tpu.memory_space<vmem>>, vector<16xi32>,
      %sub3A_437 = vector.broadcast %mul3A_20 : i32 to vector<16xi32>
      %sub3A_438 = arith.subi %get3A_436, %sub3A_437 : vector<16xi32>
      %ge3A_439 = arith.constant 0 : i32
      %ge3A_440 = vector.broadcast %ge3A_439 : i32 to vector<16xi32>
      %ge3A_441 = arith.cmpi sge, %sub3A_438, %ge3A_440 : vector<16xi32>
      %lt3A_442 = arith.constant 5000 : i32
      %lt3A_443 = vector.broadcast %lt3A_442 : i32 to vector<16xi32>
      %lt3A_444 = arith.cmpi slt, %sub3A_438, %lt3A_443 : vector<16xi32>
      %and3A_445 = arith.andi %ge3A_441, %lt3A_444 : vector<16xi1>
      %select_n3A_446 = arith.select %and3A_445, %sub3A_438, %add3A_25 : vector<16xi1>, vector<16xi32>
      %swap3A_447 = arith.constant 16 : index
      %swap3A_448 = tpu.vector_load %arg12[%swap3A_447] {strides = array<i32>} : memref<128xi32, #tpu.memory_space<vmem>>, vector<16xi32>,
      tpu.vector_store %arg12[%swap3A_447], %select_n3A_446 {strides = array<i32>} : memref<128xi32, #tpu.memory_space<vmem>>, vector<16xi32>,
      %get3A_449 = arith.constant 32 : index
      %get3A_450 = tpu.vector_load %arg9[%get3A_449] {strides = array<i32>} : memref<128xi32, #tpu.memory_space<vmem>>, vector<16xi32>,
      %sub3A_451 = vector.broadcast %mul3A_20 : i32 to vector<16xi32>
      %sub3A_452 = arith.subi %get3A_450, %sub3A_451 : vector<16xi32>
      %ge3A_453 = arith.constant 0 : i32
      %ge3A_454 = vector.broadcast %ge3A_453 : i32 to vector<16xi32>
      %ge3A_455 = arith.cmpi sge, %sub3A_452, %ge3A_454 : vector<16xi32>
      %lt3A_456 = arith.constant 5000 : i32
      %lt3A_457 = vector.broadcast %lt3A_456 : i32 to vector<16xi32>
      %lt3A_458 = arith.cmpi slt, %sub3A_452, %lt3A_457 : vector<16xi32>
      %and3A_459 = arith.andi %ge3A_455, %lt3A_458 : vector<16xi1>
      %select_n3A_460 = arith.select %and3A_459, %sub3A_452, %add3A_25 : vector<16xi1>, vector<16xi32>
      %swap3A_461 = arith.constant 32 : index
      %swap3A_462 = tpu.vector_load %arg12[%swap3A_461] {strides = array<i32>} : memref<128xi32, #tpu.memory_space<vmem>>, vector<16xi32>,
      tpu.vector_store %arg12[%swap3A_461], %select_n3A_460 {strides = array<i32>} : memref<128xi32, #tpu.memory_space<vmem>>, vector<16xi32>,
      %get3A_463 = arith.constant 48 : index
      %get3A_464 = tpu.vector_load %arg9[%get3A_463] {strides = array<i32>} : memref<128xi32, #tpu.memory_space<vmem>>, vector<16xi32>,
      %sub3A_465 = vector.broadcast %mul3A_20 : i32 to vector<16xi32>
      %sub3A_466 = arith.subi %get3A_464, %sub3A_465 : vector<16xi32>
      %ge3A_467 = arith.constant 0 : i32
      %ge3A_468 = vector.broadcast %ge3A_467 : i32 to vector<16xi32>
      %ge3A_469 = arith.cmpi sge, %sub3A_466, %ge3A_468 : vector<16xi32>
      %lt3A_470 = arith.constant 5000 : i32
      %lt3A_471 = vector.broadcast %lt3A_470 : i32 to vector<16xi32>
      %lt3A_472 = arith.cmpi slt, %sub3A_466, %lt3A_471 : vector<16xi32>
      %and3A_473 = arith.andi %ge3A_469, %lt3A_472 : vector<16xi1>
      %select_n3A_474 = arith.select %and3A_473, %sub3A_466, %add3A_25 : vector<16xi1>, vector<16xi32>
      %swap3A_475 = arith.constant 48 : index
      %swap3A_476 = tpu.vector_load %arg12[%swap3A_475] {strides = array<i32>} : memref<128xi32, #tpu.memory_space<vmem>>, vector<16xi32>,
      tpu.vector_store %arg12[%swap3A_475], %select_n3A_474 {strides = array<i32>} : memref<128xi32, #tpu.memory_space<vmem>>, vector<16xi32>,
      %get3A_477 = arith.constant 64 : index
      %get3A_478 = tpu.vector_load %arg9[%get3A_477] {strides = array<i32>} : memref<128xi32, #tpu.memory_space<vmem>>, vector<16xi32>,
      %sub3A_479 = vector.broadcast %mul3A_20 : i32 to vector<16xi32>
      %sub3A_480 = arith.subi %get3A_478, %sub3A_479 : vector<16xi32>
      %ge3A_481 = arith.constant 0 : i32
      %ge3A_482 = vector.broadcast %ge3A_481 : i32 to vector<16xi32>
      %ge3A_483 = arith.cmpi sge, %sub3A_480, %ge3A_482 : vector<16xi32>
      %lt3A_484 = arith.constant 5000 : i32
      %lt3A_485 = vector.broadcast %lt3A_484 : i32 to vector<16xi32>
      %lt3A_486 = arith.cmpi slt, %sub3A_480, %lt3A_485 : vector<16xi32>
      %and3A_487 = arith.andi %ge3A_483, %lt3A_486 : vector<16xi1>
      %select_n3A_488 = arith.select %and3A_487, %sub3A_480, %add3A_25 : vector<16xi1>, vector<16xi32>
      %swap3A_489 = arith.constant 64 : index
      %swap3A_490 = tpu.vector_load %arg12[%swap3A_489] {strides = array<i32>} : memref<128xi32, #tpu.memory_space<vmem>>, vector<16xi32>,
      tpu.vector_store %arg12[%swap3A_489], %select_n3A_488 {strides = array<i32>} : memref<128xi32, #tpu.memory_space<vmem>>, vector<16xi32>,
      %get3A_491 = arith.constant 80 : index
      %get3A_492 = tpu.vector_load %arg9[%get3A_491] {strides = array<i32>} : memref<128xi32, #tpu.memory_space<vmem>>, vector<16xi32>,
      %sub3A_493 = vector.broadcast %mul3A_20 : i32 to vector<16xi32>
      %sub3A_494 = arith.subi %get3A_492, %sub3A_493 : vector<16xi32>
      %ge3A_495 = arith.constant 0 : i32
      %ge3A_496 = vector.broadcast %ge3A_495 : i32 to vector<16xi32>
      %ge3A_497 = arith.cmpi sge, %sub3A_494, %ge3A_496 : vector<16xi32>
      %lt3A_498 = arith.constant 5000 : i32
      %lt3A_499 = vector.broadcast %lt3A_498 : i32 to vector<16xi32>
      %lt3A_500 = arith.cmpi slt, %sub3A_494, %lt3A_499 : vector<16xi32>
      %and3A_501 = arith.andi %ge3A_497, %lt3A_500 : vector<16xi1>
      %select_n3A_502 = arith.select %and3A_501, %sub3A_494, %add3A_25 : vector<16xi1>, vector<16xi32>
      %swap3A_503 = arith.constant 80 : index
      %swap3A_504 = tpu.vector_load %arg12[%swap3A_503] {strides = array<i32>} : memref<128xi32, #tpu.memory_space<vmem>>, vector<16xi32>,
      tpu.vector_store %arg12[%swap3A_503], %select_n3A_502 {strides = array<i32>} : memref<128xi32, #tpu.memory_space<vmem>>, vector<16xi32>,
      %get3A_505 = arith.constant 96 : index
      %get3A_506 = tpu.vector_load %arg9[%get3A_505] {strides = array<i32>} : memref<128xi32, #tpu.memory_space<vmem>>, vector<16xi32>,
      %sub3A_507 = vector.broadcast %mul3A_20 : i32 to vector<16xi32>
      %sub3A_508 = arith.subi %get3A_506, %sub3A_507 : vector<16xi32>
      %ge3A_509 = arith.constant 0 : i32
      %ge3A_510 = vector.broadcast %ge3A_509 : i32 to vector<16xi32>
      %ge3A_511 = arith.cmpi sge, %sub3A_508, %ge3A_510 : vector<16xi32>
      %lt3A_512 = arith.constant 5000 : i32
      %lt3A_513 = vector.broadcast %lt3A_512 : i32 to vector<16xi32>
      %lt3A_514 = arith.cmpi slt, %sub3A_508, %lt3A_513 : vector<16xi32>
      %and3A_515 = arith.andi %ge3A_511, %lt3A_514 : vector<16xi1>
      %select_n3A_516 = arith.select %and3A_515, %sub3A_508, %add3A_25 : vector<16xi1>, vector<16xi32>
      %swap3A_517 = arith.constant 96 : index
      %swap3A_518 = tpu.vector_load %arg12[%swap3A_517] {strides = array<i32>} : memref<128xi32, #tpu.memory_space<vmem>>, vector<16xi32>,
      tpu.vector_store %arg12[%swap3A_517], %select_n3A_516 {strides = array<i32>} : memref<128xi32, #tpu.memory_space<vmem>>, vector<16xi32>,
      %get3A_519 = arith.constant 112 : index
      %get3A_520 = tpu.vector_load %arg9[%get3A_519] {strides = array<i32>} : memref<128xi32, #tpu.memory_space<vmem>>, vector<16xi32>,
      %sub3A_521 = vector.broadcast %mul3A_20 : i32 to vector<16xi32>
      %sub3A_522 = arith.subi %get3A_520, %sub3A_521 : vector<16xi32>
      %ge3A_523 = arith.constant 0 : i32
      %ge3A_524 = vector.broadcast %ge3A_523 : i32 to vector<16xi32>
      %ge3A_525 = arith.cmpi sge, %sub3A_522, %ge3A_524 : vector<16xi32>
      %lt3A_526 = arith.constant 5000 : i32
      %lt3A_527 = vector.broadcast %lt3A_526 : i32 to vector<16xi32>
      %lt3A_528 = arith.cmpi slt, %sub3A_522, %lt3A_527 : vector<16xi32>
      %and3A_529 = arith.andi %ge3A_525, %lt3A_528 : vector<16xi1>
      %select_n3A_530 = arith.select %and3A_529, %sub3A_522, %add3A_25 : vector<16xi1>, vector<16xi32>
      %swap3A_531 = arith.constant 112 : index
      %swap3A_532 = tpu.vector_load %arg12[%swap3A_531] {strides = array<i32>} : memref<128xi32, #tpu.memory_space<vmem>>, vector<16xi32>,
      tpu.vector_store %arg12[%swap3A_531], %select_n3A_530 {strides = array<i32>} : memref<128xi32, #tpu.memory_space<vmem>>, vector<16xi32>,
      %add3A_533 = arith.constant 3 : i32
      %add3A_534 = arith.addi %add3A_416, %add3A_533 : i32
      %lt3A_535 = arith.constant 156 : i32
      %lt3A_536 = arith.cmpi slt, %add3A_534, %lt3A_535 : i32
      %convert_element_type3A_537 = arith.extui %lt3A_536 : i1 to i32
      %cond3A_538 = arith.constant 0 : i32
      %cond3A_539 = arith.cmpi ne, %convert_element_type3A_537, %cond3A_538 : i32
      scf.if %cond3A_539 {
        %add3A_553 = arith.constant 3 : i32
        %add3A_554 = arith.addi %add3A_416, %add3A_553 : i32
        %mul3A_555 = arith.constant 20000 : i32
        %mul3A_556 = arith.muli %arg1, %mul3A_555 : i32
        %mul3A_557 = arith.constant 128 : i32
        %mul3A_558 = arith.muli %add3A_554, %mul3A_557 : i32
        %add3A_559 = arith.addi %mul3A_556, %mul3A_558 : i32
        %dma_start3A_560 = tpu.memref_slice %arg4[%add3A_559] : memref<320000xi32, #tpu.memory_space<hbm>> -> memref<128xi32, #tpu.memory_space<hbm>>
        %dma_start3A_561 = tpu.memref_slice %arg4[%add3A_559] : memref<320000xi32, #tpu.memory_space<hbm>> -> memref<128xi32, #tpu.memory_space<hbm>>
        tpu.enqueue_dma source(%dma_start3A_561 : memref<128xi32, #tpu.memory_space<hbm>>) target(%arg9 : memref<128xi32, #tpu.memory_space<vmem>>) target_semaphore(%arg23 : memref<!tpu.dma_semaphore, #tpu.memory_space<semaphore_mem>>)
      } else {
      }
      %dma_wait3A_540 = arith.constant 0 : i32
      %dma_wait3A_541 = arith.constant 0 : i32
      %dma_wait3A_542 = tpu.memref_slice %arg2[%dma_wait3A_540, %dma_wait3A_541] : memref<10000x128xf32, #tpu.memory_space<hbm>> -> memref<128x128xf32, #tpu.memory_space<hbm>>
      %dma_wait3A_543 = arith.constant 0 : i32
      %dma_wait3A_544 = arith.constant 0 : i32
      %dma_wait3A_545 = tpu.memref_slice %arg2[%dma_wait3A_543, %dma_wait3A_544] : memref<10000x128xf32, #tpu.memory_space<hbm>> -> memref<128x128xf32, #tpu.memory_space<hbm>>
      tpu.wait_dma2 semaphore(%arg26 : memref<!tpu.dma_semaphore, #tpu.memory_space<semaphore_mem>>) src(%dma_wait3A_545 : memref<128x128xf32, #tpu.memory_space<hbm>>) dst(%arg15 : memref<128x128xf32, #tpu.memory_space<vmem>>)
      "tpu.region"() ({
        %run_scoped3A = tpu.sem_alloc : memref<!tpu.dma_semaphore, #tpu.memory_space<semaphore_mem>>
        %dma_start3A_553 = arith.constant 0 : i32
        %dma_start3A_554 = arith.constant 0 : i32
        %dma_start3A_555 = tpu.memref_slice %arg20[%dma_start3A_553, %dma_start3A_554] : memref<5008x128xf32, #tpu.memory_space<vmem_shared>> -> memref<5008x128xf32, #tpu.memory_space<vmem_shared>>
        tpu.enqueue_indirect_dma source(%arg15 : memref<128x128xf32, #tpu.memory_space<vmem>>) target(%dma_start3A_555 : memref<5008x128xf32, #tpu.memory_space<vmem_shared>>) offsets(%arg12 : memref<128xi32, #tpu.memory_space<vmem>>) semaphore(%run_scoped3A : memref<!tpu.dma_semaphore, #tpu.memory_space<semaphore_mem>>) {add = true}
        %dma_wait3A_556 = arith.constant 0 : i32
        %dma_wait3A_557 = arith.constant 0 : i32
        %dma_wait3A_558 = tpu.memref_slice %arg20[%dma_wait3A_556, %dma_wait3A_557] : memref<5008x128xf32, #tpu.memory_space<vmem_shared>> -> memref<5008x128xf32, #tpu.memory_space<vmem_shared>>
        tpu.wait_indirect_dma semaphore(%run_scoped3A : memref<!tpu.dma_semaphore, #tpu.memory_space<semaphore_mem>>) src(%arg15 : memref<128x128xf32, #tpu.memory_space<vmem>>) dst(%dma_wait3A_558 : memref<5008x128xf32, #tpu.memory_space<vmem_shared>>)
        tpu.yield
      }) : () -> ()
      %add3A_546 = arith.constant 3 : i32
      %add3A_547 = arith.addi %add3A_416, %add3A_546 : i32
      %lt3A_548 = arith.constant 156 : i32
      %lt3A_549 = arith.cmpi slt, %add3A_547, %lt3A_548 : i32
      %convert_element_type3A_550 = arith.extui %lt3A_549 : i1 to i32
      %cond3A_551 = arith.constant 0 : i32
      %cond3A_552 = arith.cmpi ne, %convert_element_type3A_550, %cond3A_551 : i32
      scf.if %cond3A_552 {
        %add3A_553 = arith.constant 3 : i32
        %add3A_554 = arith.addi %add3A_416, %add3A_553 : i32
        %mul3A_555 = arith.constant 128 : i32
        %mul3A_556 = arith.muli %add3A_554, %mul3A_555 : i32
        %dma_start3A_557 = tpu.memref_slice %arg6[%mul3A_556] : memref<20000xi32, #tpu.memory_space<vmem>> -> memref<128xi32, #tpu.memory_space<vmem>>
        %dma_start3A_558 = arith.constant 0 : i32
        %dma_start3A_559 = arith.constant 0 : i32
        %dma_start3A_560 = tpu.memref_slice %arg2[%dma_start3A_558, %dma_start3A_559] : memref<10000x128xf32, #tpu.memory_space<hbm>> -> memref<10000x128xf32, #tpu.memory_space<hbm>>
        tpu.enqueue_indirect_dma source(%dma_start3A_560 : memref<10000x128xf32, #tpu.memory_space<hbm>>) target(%arg15 : memref<128x128xf32, #tpu.memory_space<vmem>>) offsets(%dma_start3A_557 : memref<128xi32, #tpu.memory_space<vmem>>) semaphore(%arg26 : memref<!tpu.dma_semaphore, #tpu.memory_space<semaphore_mem>>)
      } else {
      }
    }
    %scan3A_63 = arith.constant 52 : i32
    %mul3A_64 = arith.constant 20000 : i32
    %mul3A_65 = arith.muli %arg1, %mul3A_64 : i32
    %add3A_66 = arith.constant 19968 : i32
    %add3A_67 = arith.addi %mul3A_65, %add3A_66 : i32
    "tpu.region"() ({
      %run_scoped3A = tpu.sem_alloc : memref<!tpu.dma_semaphore, #tpu.memory_space<semaphore_mem>>
      %dma_start3A_132 = tpu.memref_slice %arg4[%add3A_67] : memref<320000xi32, #tpu.memory_space<hbm>> -> memref<32xi32, #tpu.memory_space<hbm>>
      %dma_start3A_133 = tpu.memref_slice %arg4[%add3A_67] : memref<320000xi32, #tpu.memory_space<hbm>> -> memref<32xi32, #tpu.memory_space<hbm>>
      tpu.enqueue_dma source(%dma_start3A_133 : memref<32xi32, #tpu.memory_space<hbm>>) target(%arg16 : memref<32xi32, #tpu.memory_space<vmem>>) target_semaphore(%run_scoped3A : memref<!tpu.dma_semaphore, #tpu.memory_space<semaphore_mem>>)
      %dma_wait3A_134 = tpu.memref_slice %arg4[%add3A_67] : memref<320000xi32, #tpu.memory_space<hbm>> -> memref<32xi32, #tpu.memory_space<hbm>>
      %dma_wait3A_135 = tpu.memref_slice %arg4[%add3A_67] : memref<320000xi32, #tpu.memory_space<hbm>> -> memref<32xi32, #tpu.memory_space<hbm>>
      tpu.wait_dma2 semaphore(%run_scoped3A : memref<!tpu.dma_semaphore, #tpu.memory_space<semaphore_mem>>) src(%dma_wait3A_135 : memref<32xi32, #tpu.memory_space<hbm>>) dst(%arg16 : memref<32xi32, #tpu.memory_space<vmem>>)
      tpu.yield
    }) : () -> ()
    %get3A = arith.constant 0 : index
    %get3A_68 = tpu.vector_load %arg16[%get3A] {strides = array<i32>} : memref<32xi32, #tpu.memory_space<vmem>>, vector<16xi32>,
    %sub3A = vector.broadcast %mul3A_20 : i32 to vector<16xi32>
    %sub3A_69 = arith.subi %get3A_68, %sub3A : vector<16xi32>
    %ge3A = arith.constant 0 : i32
    %ge3A_70 = vector.broadcast %ge3A : i32 to vector<16xi32>
    %ge3A_71 = arith.cmpi sge, %sub3A_69, %ge3A_70 : vector<16xi32>
    %lt3A = arith.constant 5000 : i32
    %lt3A_72 = vector.broadcast %lt3A : i32 to vector<16xi32>
    %lt3A_73 = arith.cmpi slt, %sub3A_69, %lt3A_72 : vector<16xi32>
    %and3A_74 = arith.andi %ge3A_71, %lt3A_73 : vector<16xi1>
    %select_n3A = arith.select %and3A_74, %sub3A_69, %add3A_25 : vector<16xi1>, vector<16xi32>
    %swap3A = arith.constant 0 : index
    %swap3A_75 = tpu.vector_load %arg17[%swap3A] {strides = array<i32>} : memref<32xi32, #tpu.memory_space<vmem>>, vector<16xi32>,
    tpu.vector_store %arg17[%swap3A], %select_n3A {strides = array<i32>} : memref<32xi32, #tpu.memory_space<vmem>>, vector<16xi32>,
    %get3A_76 = arith.constant 16 : index
    %get3A_77 = tpu.vector_load %arg16[%get3A_76] {strides = array<i32>} : memref<32xi32, #tpu.memory_space<vmem>>, vector<16xi32>,
    %sub3A_78 = vector.broadcast %mul3A_20 : i32 to vector<16xi32>
    %sub3A_79 = arith.subi %get3A_77, %sub3A_78 : vector<16xi32>
    %ge3A_80 = arith.constant 0 : i32
    %ge3A_81 = vector.broadcast %ge3A_80 : i32 to vector<16xi32>
    %ge3A_82 = arith.cmpi sge, %sub3A_79, %ge3A_81 : vector<16xi32>
    %lt3A_83 = arith.constant 5000 : i32
    %lt3A_84 = vector.broadcast %lt3A_83 : i32 to vector<16xi32>
    %lt3A_85 = arith.cmpi slt, %sub3A_79, %lt3A_84 : vector<16xi32>
    %and3A_86 = arith.andi %ge3A_82, %lt3A_85 : vector<16xi1>
    %select_n3A_87 = arith.select %and3A_86, %sub3A_79, %add3A_25 : vector<16xi1>, vector<16xi32>
    %swap3A_88 = arith.constant 16 : index
    %swap3A_89 = tpu.vector_load %arg17[%swap3A_88] {strides = array<i32>} : memref<32xi32, #tpu.memory_space<vmem>>, vector<16xi32>,
    tpu.vector_store %arg17[%swap3A_88], %select_n3A_87 {strides = array<i32>} : memref<32xi32, #tpu.memory_space<vmem>>, vector<16xi32>,
    %dma_start3A_90 = arith.constant 19968 : i32
    %dma_start3A_91 = tpu.memref_slice %arg6[%dma_start3A_90] : memref<20000xi32, #tpu.memory_space<vmem>> -> memref<32xi32, #tpu.memory_space<vmem>>
    %dma_start3A_92 = arith.constant 0 : i32
    %dma_start3A_93 = arith.constant 0 : i32
    %dma_start3A_94 = tpu.memref_slice %arg2[%dma_start3A_92, %dma_start3A_93] : memref<10000x128xf32, #tpu.memory_space<hbm>> -> memref<10000x128xf32, #tpu.memory_space<hbm>>
    tpu.enqueue_indirect_dma source(%dma_start3A_94 : memref<10000x128xf32, #tpu.memory_space<hbm>>) target(%arg18 : memref<32x128xf32, #tpu.memory_space<vmem>>) offsets(%dma_start3A_91 : memref<32xi32, #tpu.memory_space<vmem>>) semaphore(%arg24 : memref<!tpu.dma_semaphore, #tpu.memory_space<semaphore_mem>>)
    %dma_wait3A = arith.constant 19968 : i32
    %dma_wait3A_95 = tpu.memref_slice %arg6[%dma_wait3A] : memref<20000xi32, #tpu.memory_space<vmem>> -> memref<32xi32, #tpu.memory_space<vmem>>
    %dma_wait3A_96 = arith.constant 0 : i32
    %dma_wait3A_97 = arith.constant 0 : i32
    %dma_wait3A_98 = tpu.memref_slice %arg2[%dma_wait3A_96, %dma_wait3A_97] : memref<10000x128xf32, #tpu.memory_space<hbm>> -> memref<10000x128xf32, #tpu.memory_space<hbm>>
    tpu.wait_indirect_dma semaphore(%arg24 : memref<!tpu.dma_semaphore, #tpu.memory_space<semaphore_mem>>) src(%dma_wait3A_98 : memref<10000x128xf32, #tpu.memory_space<hbm>>) dst(%arg18 : memref<32x128xf32, #tpu.memory_space<vmem>>)
    "tpu.region"() ({
      %run_scoped3A = tpu.sem_alloc : memref<!tpu.dma_semaphore, #tpu.memory_space<semaphore_mem>>
      %dma_start3A_132 = arith.constant 0 : i32
      %dma_start3A_133 = arith.constant 0 : i32
      %dma_start3A_134 = tpu.memref_slice %arg20[%dma_start3A_132, %dma_start3A_133] : memref<5008x128xf32, #tpu.memory_space<vmem_shared>> -> memref<5008x128xf32, #tpu.memory_space<vmem_shared>>
      tpu.enqueue_indirect_dma source(%arg18 : memref<32x128xf32, #tpu.memory_space<vmem>>) target(%dma_start3A_134 : memref<5008x128xf32, #tpu.memory_space<vmem_shared>>) offsets(%arg17 : memref<32xi32, #tpu.memory_space<vmem>>) semaphore(%run_scoped3A : memref<!tpu.dma_semaphore, #tpu.memory_space<semaphore_mem>>) {add = true}
      %dma_wait3A_135 = arith.constant 0 : i32
      %dma_wait3A_136 = arith.constant 0 : i32
      %dma_wait3A_137 = tpu.memref_slice %arg20[%dma_wait3A_135, %dma_wait3A_136] : memref<5008x128xf32, #tpu.memory_space<vmem_shared>> -> memref<5008x128xf32, #tpu.memory_space<vmem_shared>>
      tpu.wait_indirect_dma semaphore(%run_scoped3A : memref<!tpu.dma_semaphore, #tpu.memory_space<semaphore_mem>>) src(%arg18 : memref<32x128xf32, #tpu.memory_space<vmem>>) dst(%dma_wait3A_137 : memref<5008x128xf32, #tpu.memory_space<vmem_shared>>)
      tpu.yield
    }) : () -> ()
    %barrier3A_99 = arith.constant 0 : index
    tpu.barrier barrier_id(%barrier3A_99)
    %mul3A_100 = arith.constant 312 : i32
    %mul3A_101 = arith.muli %arg1, %mul3A_100 : i32
    %add3A_102 = arith.constant 0 : i32
    %add3A_103 = arith.addi %mul3A_101, %add3A_102 : i32
    "tpu.region"() ({
      %run_scoped3A = tpu.sem_alloc : memref<!tpu.dma_semaphore, #tpu.memory_space<semaphore_mem>>
      %dma_start3A_132 = arith.constant 0 : i32
      %dma_start3A_133 = tpu.memref_slice %arg20[%add3A_103, %dma_start3A_132] : memref<5008x128xf32, #tpu.memory_space<vmem_shared>> -> memref<104x128xf32, #tpu.memory_space<vmem_shared>>
      %dma_start3A_134 = arith.constant 0 : i32
      %dma_start3A_135 = tpu.memref_slice %arg20[%add3A_103, %dma_start3A_134] : memref<5008x128xf32, #tpu.memory_space<vmem_shared>> -> memref<104x128xf32, #tpu.memory_space<vmem_shared>>
      tpu.enqueue_dma source(%dma_start3A_135 : memref<104x128xf32, #tpu.memory_space<vmem_shared>>) target(%arg19 : memref<104x128xf32, #tpu.memory_space<vmem>>) target_semaphore(%run_scoped3A : memref<!tpu.dma_semaphore, #tpu.memory_space<semaphore_mem>>)
      %dma_wait3A_136 = arith.constant 0 : i32
      %dma_wait3A_137 = tpu.memref_slice %arg20[%add3A_103, %dma_wait3A_136] : memref<5008x128xf32, #tpu.memory_space<vmem_shared>> -> memref<104x128xf32, #tpu.memory_space<vmem_shared>>
      %dma_wait3A_138 = arith.constant 0 : i32
      %dma_wait3A_139 = tpu.memref_slice %arg20[%add3A_103, %dma_wait3A_138] : memref<5008x128xf32, #tpu.memory_space<vmem_shared>> -> memref<104x128xf32, #tpu.memory_space<vmem_shared>>
      tpu.wait_dma2 semaphore(%run_scoped3A : memref<!tpu.dma_semaphore, #tpu.memory_space<semaphore_mem>>) src(%dma_wait3A_139 : memref<104x128xf32, #tpu.memory_space<vmem_shared>>) dst(%arg19 : memref<104x128xf32, #tpu.memory_space<vmem>>)
      tpu.yield
    }) : () -> ()
    %mul3A_104 = arith.constant 312 : i32
    %mul3A_105 = arith.muli %arg1, %mul3A_104 : i32
    %add3A_106 = arith.addi %mul3A_20, %mul3A_105 : i32
    %add3A_107 = arith.constant 0 : i32
    %add3A_108 = arith.addi %add3A_106, %add3A_107 : i32
    "tpu.region"() ({
      %run_scoped3A = tpu.sem_alloc : memref<!tpu.dma_semaphore, #tpu.memory_space<semaphore_mem>>
      %dma_start3A_132 = arith.constant 0 : i32
      %dma_start3A_133 = tpu.memref_slice %arg5[%add3A_108, %dma_start3A_132] : memref<10000x128xf32, #tpu.memory_space<hbm>> -> memref<104x128xf32, #tpu.memory_space<hbm>>
      %dma_start3A_134 = arith.constant 0 : i32
      %dma_start3A_135 = tpu.memref_slice %arg5[%add3A_108, %dma_start3A_134] : memref<10000x128xf32, #tpu.memory_space<hbm>> -> memref<104x128xf32, #tpu.memory_space<hbm>>
      tpu.enqueue_dma source(%arg19 : memref<104x128xf32, #tpu.memory_space<vmem>>) target(%dma_start3A_135 : memref<104x128xf32, #tpu.memory_space<hbm>>) target_semaphore(%run_scoped3A : memref<!tpu.dma_semaphore, #tpu.memory_space<semaphore_mem>>)
      %dma_wait3A_136 = arith.constant 0 : i32
      %dma_wait3A_137 = tpu.memref_slice %arg5[%add3A_108, %dma_wait3A_136] : memref<10000x128xf32, #tpu.memory_space<hbm>> -> memref<104x128xf32, #tpu.memory_space<hbm>>
      %dma_wait3A_138 = arith.constant 0 : i32
      %dma_wait3A_139 = tpu.memref_slice %arg5[%add3A_108, %dma_wait3A_138] : memref<10000x128xf32, #tpu.memory_space<hbm>> -> memref<104x128xf32, #tpu.memory_space<hbm>>
      tpu.wait_dma2 semaphore(%run_scoped3A : memref<!tpu.dma_semaphore, #tpu.memory_space<semaphore_mem>>) src(%arg19 : memref<104x128xf32, #tpu.memory_space<vmem>>) dst(%dma_wait3A_139 : memref<104x128xf32, #tpu.memory_space<hbm>>)
      tpu.yield
    }) : () -> ()
    %mul3A_109 = arith.constant 312 : i32
    %mul3A_110 = arith.muli %arg1, %mul3A_109 : i32
    %add3A_111 = arith.constant 104 : i32
    %add3A_112 = arith.addi %mul3A_110, %add3A_111 : i32
    "tpu.region"() ({
      %run_scoped3A = tpu.sem_alloc : memref<!tpu.dma_semaphore, #tpu.memory_space<semaphore_mem>>
      %dma_start3A_132 = arith.constant 0 : i32
      %dma_start3A_133 = tpu.memref_slice %arg20[%add3A_112, %dma_start3A_132] : memref<5008x128xf32, #tpu.memory_space<vmem_shared>> -> memref<104x128xf32, #tpu.memory_space<vmem_shared>>
      %dma_start3A_134 = arith.constant 0 : i32
      %dma_start3A_135 = tpu.memref_slice %arg20[%add3A_112, %dma_start3A_134] : memref<5008x128xf32, #tpu.memory_space<vmem_shared>> -> memref<104x128xf32, #tpu.memory_space<vmem_shared>>
      tpu.enqueue_dma source(%dma_start3A_135 : memref<104x128xf32, #tpu.memory_space<vmem_shared>>) target(%arg19 : memref<104x128xf32, #tpu.memory_space<vmem>>) target_semaphore(%run_scoped3A : memref<!tpu.dma_semaphore, #tpu.memory_space<semaphore_mem>>)
      %dma_wait3A_136 = arith.constant 0 : i32
      %dma_wait3A_137 = tpu.memref_slice %arg20[%add3A_112, %dma_wait3A_136] : memref<5008x128xf32, #tpu.memory_space<vmem_shared>> -> memref<104x128xf32, #tpu.memory_space<vmem_shared>>
      %dma_wait3A_138 = arith.constant 0 : i32
      %dma_wait3A_139 = tpu.memref_slice %arg20[%add3A_112, %dma_wait3A_138] : memref<5008x128xf32, #tpu.memory_space<vmem_shared>> -> memref<104x128xf32, #tpu.memory_space<vmem_shared>>
      tpu.wait_dma2 semaphore(%run_scoped3A : memref<!tpu.dma_semaphore, #tpu.memory_space<semaphore_mem>>) src(%dma_wait3A_139 : memref<104x128xf32, #tpu.memory_space<vmem_shared>>) dst(%arg19 : memref<104x128xf32, #tpu.memory_space<vmem>>)
      tpu.yield
    }) : () -> ()
    %mul3A_113 = arith.constant 312 : i32
    %mul3A_114 = arith.muli %arg1, %mul3A_113 : i32
    %add3A_115 = arith.addi %mul3A_20, %mul3A_114 : i32
    %add3A_116 = arith.constant 104 : i32
    %add3A_117 = arith.addi %add3A_115, %add3A_116 : i32
    "tpu.region"() ({
      %run_scoped3A = tpu.sem_alloc : memref<!tpu.dma_semaphore, #tpu.memory_space<semaphore_mem>>
      %dma_start3A_132 = arith.constant 0 : i32
      %dma_start3A_133 = tpu.memref_slice %arg5[%add3A_117, %dma_start3A_132] : memref<10000x128xf32, #tpu.memory_space<hbm>> -> memref<104x128xf32, #tpu.memory_space<hbm>>
      %dma_start3A_134 = arith.constant 0 : i32
      %dma_start3A_135 = tpu.memref_slice %arg5[%add3A_117, %dma_start3A_134] : memref<10000x128xf32, #tpu.memory_space<hbm>> -> memref<104x128xf32, #tpu.memory_space<hbm>>
      tpu.enqueue_dma source(%arg19 : memref<104x128xf32, #tpu.memory_space<vmem>>) target(%dma_start3A_135 : memref<104x128xf32, #tpu.memory_space<hbm>>) target_semaphore(%run_scoped3A : memref<!tpu.dma_semaphore, #tpu.memory_space<semaphore_mem>>)
      %dma_wait3A_136 = arith.constant 0 : i32
      %dma_wait3A_137 = tpu.memref_slice %arg5[%add3A_117, %dma_wait3A_136] : memref<10000x128xf32, #tpu.memory_space<hbm>> -> memref<104x128xf32, #tpu.memory_space<hbm>>
      %dma_wait3A_138 = arith.constant 0 : i32
      %dma_wait3A_139 = tpu.memref_slice %arg5[%add3A_117, %dma_wait3A_138] : memref<10000x128xf32, #tpu.memory_space<hbm>> -> memref<104x128xf32, #tpu.memory_space<hbm>>
      tpu.wait_dma2 semaphore(%run_scoped3A : memref<!tpu.dma_semaphore, #tpu.memory_space<semaphore_mem>>) src(%arg19 : memref<104x128xf32, #tpu.memory_space<vmem>>) dst(%dma_wait3A_139 : memref<104x128xf32, #tpu.memory_space<hbm>>)
      tpu.yield
    }) : () -> ()
    %mul3A_118 = arith.constant 312 : i32
    %mul3A_119 = arith.muli %arg1, %mul3A_118 : i32
    %add3A_120 = arith.constant 208 : i32
    %add3A_121 = arith.addi %mul3A_119, %add3A_120 : i32
    "tpu.region"() ({
      %run_scoped3A = tpu.sem_alloc : memref<!tpu.dma_semaphore, #tpu.memory_space<semaphore_mem>>
      %dma_start3A_132 = arith.constant 0 : i32
      %dma_start3A_133 = tpu.memref_slice %arg20[%add3A_121, %dma_start3A_132] : memref<5008x128xf32, #tpu.memory_space<vmem_shared>> -> memref<104x128xf32, #tpu.memory_space<vmem_shared>>
      %dma_start3A_134 = arith.constant 0 : i32
      %dma_start3A_135 = tpu.memref_slice %arg20[%add3A_121, %dma_start3A_134] : memref<5008x128xf32, #tpu.memory_space<vmem_shared>> -> memref<104x128xf32, #tpu.memory_space<vmem_shared>>
      tpu.enqueue_dma source(%dma_start3A_135 : memref<104x128xf32, #tpu.memory_space<vmem_shared>>) target(%arg19 : memref<104x128xf32, #tpu.memory_space<vmem>>) target_semaphore(%run_scoped3A : memref<!tpu.dma_semaphore, #tpu.memory_space<semaphore_mem>>)
      %dma_wait3A_136 = arith.constant 0 : i32
      %dma_wait3A_137 = tpu.memref_slice %arg20[%add3A_121, %dma_wait3A_136] : memref<5008x128xf32, #tpu.memory_space<vmem_shared>> -> memref<104x128xf32, #tpu.memory_space<vmem_shared>>
      %dma_wait3A_138 = arith.constant 0 : i32
      %dma_wait3A_139 = tpu.memref_slice %arg20[%add3A_121, %dma_wait3A_138] : memref<5008x128xf32, #tpu.memory_space<vmem_shared>> -> memref<104x128xf32, #tpu.memory_space<vmem_shared>>
      tpu.wait_dma2 semaphore(%run_scoped3A : memref<!tpu.dma_semaphore, #tpu.memory_space<semaphore_mem>>) src(%dma_wait3A_139 : memref<104x128xf32, #tpu.memory_space<vmem_shared>>) dst(%arg19 : memref<104x128xf32, #tpu.memory_space<vmem>>)
      tpu.yield
    }) : () -> ()
    %mul3A_122 = arith.constant 312 : i32
    %mul3A_123 = arith.muli %arg1, %mul3A_122 : i32
    %add3A_124 = arith.addi %mul3A_20, %mul3A_123 : i32
    %add3A_125 = arith.constant 208 : i32
    %add3A_126 = arith.addi %add3A_124, %add3A_125 : i32
    "tpu.region"() ({
      %run_scoped3A = tpu.sem_alloc : memref<!tpu.dma_semaphore, #tpu.memory_space<semaphore_mem>>
      %dma_start3A_132 = arith.constant 0 : i32
      %dma_start3A_133 = tpu.memref_slice %arg5[%add3A_126, %dma_start3A_132] : memref<10000x128xf32, #tpu.memory_space<hbm>> -> memref<104x128xf32, #tpu.memory_space<hbm>>
      %dma_start3A_134 = arith.constant 0 : i32
      %dma_start3A_135 = tpu.memref_slice %arg5[%add3A_126, %dma_start3A_134] : memref<10000x128xf32, #tpu.memory_space<hbm>> -> memref<104x128xf32, #tpu.memory_space<hbm>>
      tpu.enqueue_dma source(%arg19 : memref<104x128xf32, #tpu.memory_space<vmem>>) target(%dma_start3A_135 : memref<104x128xf32, #tpu.memory_space<hbm>>) target_semaphore(%run_scoped3A : memref<!tpu.dma_semaphore, #tpu.memory_space<semaphore_mem>>)
      %dma_wait3A_136 = arith.constant 0 : i32
      %dma_wait3A_137 = tpu.memref_slice %arg5[%add3A_126, %dma_wait3A_136] : memref<10000x128xf32, #tpu.memory_space<hbm>> -> memref<104x128xf32, #tpu.memory_space<hbm>>
      %dma_wait3A_138 = arith.constant 0 : i32
      %dma_wait3A_139 = tpu.memref_slice %arg5[%add3A_126, %dma_wait3A_138] : memref<10000x128xf32, #tpu.memory_space<hbm>> -> memref<104x128xf32, #tpu.memory_space<hbm>>
      tpu.wait_dma2 semaphore(%run_scoped3A : memref<!tpu.dma_semaphore, #tpu.memory_space<semaphore_mem>>) src(%arg19 : memref<104x128xf32, #tpu.memory_space<vmem>>) dst(%dma_wait3A_139 : memref<104x128xf32, #tpu.memory_space<hbm>>)
      tpu.yield
    }) : () -> ()
    %eq3A_127 = arith.constant 15 : i32
    %eq3A_128 = arith.cmpi eq, %arg1, %eq3A_127 : i32
    %convert_element_type3A_129 = arith.extui %eq3A_128 : i1 to i32
    %cond3A_130 = arith.constant 0 : i32
    %cond3A_131 = arith.cmpi ne, %convert_element_type3A_129, %cond3A_130 : i32
    scf.if %cond3A_131 {
      "tpu.region"() ({
        %run_scoped3A = tpu.sem_alloc : memref<!tpu.dma_semaphore, #tpu.memory_space<semaphore_mem>>
        %dma_start3A_134 = arith.constant 0 : i32
        %dma_start3A_135 = arith.constant 0 : i32
        %dma_start3A_136 = tpu.memref_slice %arg19[%dma_start3A_134, %dma_start3A_135] : memref<104x128xf32, #tpu.memory_space<vmem>> -> memref<8x128xf32, #tpu.memory_space<vmem>>
        %dma_start3A_137 = arith.constant 4992 : i32
        %dma_start3A_138 = arith.constant 0 : i32
        %dma_start3A_139 = tpu.memref_slice %arg20[%dma_start3A_137, %dma_start3A_138] : memref<5008x128xf32, #tpu.memory_space<vmem_shared>> -> memref<8x128xf32, #tpu.memory_space<vmem_shared>>
        %dma_start3A_140 = arith.constant 0 : i32
        %dma_start3A_141 = arith.constant 0 : i32
        %dma_start3A_142 = tpu.memref_slice %arg19[%dma_start3A_140, %dma_start3A_141] : memref<104x128xf32, #tpu.memory_space<vmem>> -> memref<8x128xf32, #tpu.memory_space<vmem>>
        %dma_start3A_143 = arith.constant 4992 : i32
        %dma_start3A_144 = arith.constant 0 : i32
        %dma_start3A_145 = tpu.memref_slice %arg20[%dma_start3A_143, %dma_start3A_144] : memref<5008x128xf32, #tpu.memory_space<vmem_shared>> -> memref<8x128xf32, #tpu.memory_space<vmem_shared>>
        tpu.enqueue_dma source(%dma_start3A_145 : memref<8x128xf32, #tpu.memory_space<vmem_shared>>) target(%dma_start3A_142 : memref<8x128xf32, #tpu.memory_space<vmem>>) target_semaphore(%run_scoped3A : memref<!tpu.dma_semaphore, #tpu.memory_space<semaphore_mem>>)
        %dma_wait3A_146 = arith.constant 0 : i32
        %dma_wait3A_147 = arith.constant 0 : i32
        %dma_wait3A_148 = tpu.memref_slice %arg19[%dma_wait3A_146, %dma_wait3A_147] : memref<104x128xf32, #tpu.memory_space<vmem>> -> memref<8x128xf32, #tpu.memory_space<vmem>>
        %dma_wait3A_149 = arith.constant 4992 : i32
        %dma_wait3A_150 = arith.constant 0 : i32
        %dma_wait3A_151 = tpu.memref_slice %arg20[%dma_wait3A_149, %dma_wait3A_150] : memref<5008x128xf32, #tpu.memory_space<vmem_shared>> -> memref<8x128xf32, #tpu.memory_space<vmem_shared>>
        %dma_wait3A_152 = arith.constant 0 : i32
        %dma_wait3A_153 = arith.constant 0 : i32
        %dma_wait3A_154 = tpu.memref_slice %arg19[%dma_wait3A_152, %dma_wait3A_153] : memref<104x128xf32, #tpu.memory_space<vmem>> -> memref<8x128xf32, #tpu.memory_space<vmem>>
        %dma_wait3A_155 = arith.constant 4992 : i32
        %dma_wait3A_156 = arith.constant 0 : i32
        %dma_wait3A_157 = tpu.memref_slice %arg20[%dma_wait3A_155, %dma_wait3A_156] : memref<5008x128xf32, #tpu.memory_space<vmem_shared>> -> memref<8x128xf32, #tpu.memory_space<vmem_shared>>
        tpu.wait_dma2 semaphore(%run_scoped3A : memref<!tpu.dma_semaphore, #tpu.memory_space<semaphore_mem>>) src(%dma_wait3A_157 : memref<8x128xf32, #tpu.memory_space<vmem_shared>>) dst(%dma_wait3A_154 : memref<8x128xf32, #tpu.memory_space<vmem>>)
        tpu.yield
      }) : () -> ()
      %add3A_132 = arith.constant 4992 : i32
      %add3A_133 = arith.addi %mul3A_20, %add3A_132 : i32
      "tpu.region"() ({
        %run_scoped3A = tpu.sem_alloc : memref<!tpu.dma_semaphore, #tpu.memory_space<semaphore_mem>>
        %dma_start3A_134 = arith.constant 0 : i32
        %dma_start3A_135 = arith.constant 0 : i32
        %dma_start3A_136 = tpu.memref_slice %arg19[%dma_start3A_134, %dma_start3A_135] : memref<104x128xf32, #tpu.memory_space<vmem>> -> memref<8x128xf32, #tpu.memory_space<vmem>>
        %dma_start3A_137 = arith.constant 0 : i32
        %dma_start3A_138 = tpu.memref_slice %arg5[%add3A_133, %dma_start3A_137] : memref<10000x128xf32, #tpu.memory_space<hbm>> -> memref<8x128xf32, #tpu.memory_space<hbm>>
        %dma_start3A_139 = arith.constant 0 : i32
        %dma_start3A_140 = tpu.memref_slice %arg5[%add3A_133, %dma_start3A_139] : memref<10000x128xf32, #tpu.memory_space<hbm>> -> memref<8x128xf32, #tpu.memory_space<hbm>>
        %dma_start3A_141 = arith.constant 0 : i32
        %dma_start3A_142 = arith.constant 0 : i32
        %dma_start3A_143 = tpu.memref_slice %arg19[%dma_start3A_141, %dma_start3A_142] : memref<104x128xf32, #tpu.memory_space<vmem>> -> memref<8x128xf32, #tpu.memory_space<vmem>>
        tpu.enqueue_dma source(%dma_start3A_143 : memref<8x128xf32, #tpu.memory_space<vmem>>) target(%dma_start3A_140 : memref<8x128xf32, #tpu.memory_space<hbm>>) target_semaphore(%run_scoped3A : memref<!tpu.dma_semaphore, #tpu.memory_space<semaphore_mem>>)
        %dma_wait3A_144 = arith.constant 0 : i32
        %dma_wait3A_145 = arith.constant 0 : i32
        %dma_wait3A_146 = tpu.memref_slice %arg19[%dma_wait3A_144, %dma_wait3A_145] : memref<104x128xf32, #tpu.memory_space<vmem>> -> memref<8x128xf32, #tpu.memory_space<vmem>>
        %dma_wait3A_147 = arith.constant 0 : i32
        %dma_wait3A_148 = tpu.memref_slice %arg5[%add3A_133, %dma_wait3A_147] : memref<10000x128xf32, #tpu.memory_space<hbm>> -> memref<8x128xf32, #tpu.memory_space<hbm>>
        %dma_wait3A_149 = arith.constant 0 : i32
        %dma_wait3A_150 = tpu.memref_slice %arg5[%add3A_133, %dma_wait3A_149] : memref<10000x128xf32, #tpu.memory_space<hbm>> -> memref<8x128xf32, #tpu.memory_space<hbm>>
        %dma_wait3A_151 = arith.constant 0 : i32
        %dma_wait3A_152 = arith.constant 0 : i32
        %dma_wait3A_153 = tpu.memref_slice %arg19[%dma_wait3A_151, %dma_wait3A_152] : memref<104x128xf32, #tpu.memory_space<vmem>> -> memref<8x128xf32, #tpu.memory_space<vmem>>
        tpu.wait_dma2 semaphore(%run_scoped3A : memref<!tpu.dma_semaphore, #tpu.memory_space<semaphore_mem>>) src(%dma_wait3A_153 : memref<8x128xf32, #tpu.memory_space<vmem>>) dst(%dma_wait3A_150 : memref<8x128xf32, #tpu.memory_space<hbm>>)
        tpu.yield
      }) : () -> ()
    } else {
    }
    return
  }
}

#map = affine_map<(d0, d1) -> (0, 0)>
#map1 = affine_map<(d0, d1) -> (0)>
module attributes {stable_mosaic.version = 14 : i64} {
  func.func @_seg_body(%arg0: i32, %arg1: i32, %arg2: memref<10000x128xf32, #tpu.memory_space<hbm>>, %arg3: memref<320000xi32, #tpu.memory_space<hbm>>, %arg4: memref<320000xi32, #tpu.memory_space<hbm>>, %arg5: memref<10000x128xf32, #tpu.memory_space<hbm>>, %arg6: memref<20000xi32, #tpu.memory_space<vmem>>, %arg7: memref<128xi32, #tpu.memory_space<vmem>>, %arg8: memref<128xi32, #tpu.memory_space<vmem>>, %arg9: memref<128xi32, #tpu.memory_space<vmem>>, %arg10: memref<128xi32, #tpu.memory_space<vmem>>, %arg11: memref<128xi32, #tpu.memory_space<vmem>>, %arg12: memref<128xi32, #tpu.memory_space<vmem>>, %arg13: memref<128x128xf32, #tpu.memory_space<vmem>>, %arg14: memref<128x128xf32, #tpu.memory_space<vmem>>, %arg15: memref<128x128xf32, #tpu.memory_space<vmem>>, %arg16: memref<32xi32, #tpu.memory_space<vmem>>, %arg17: memref<32xi32, #tpu.memory_space<vmem>>, %arg18: memref<32x128xf32, #tpu.memory_space<vmem>>, %arg19: memref<104x128xf32, #tpu.memory_space<vmem>>, %arg20: memref<5008x128xf32, #tpu.memory_space<vmem_shared>>, %arg21: memref<!tpu.dma_semaphore, #tpu.memory_space<semaphore_mem>>, %arg22: memref<!tpu.dma_semaphore, #tpu.memory_space<semaphore_mem>>, %arg23: memref<!tpu.dma_semaphore, #tpu.memory_space<semaphore_mem>>, %arg24: memref<!tpu.dma_semaphore, #tpu.memory_space<semaphore_mem>>, %arg25: memref<!tpu.dma_semaphore, #tpu.memory_space<semaphore_mem>>, %arg26: memref<!tpu.dma_semaphore, #tpu.memory_space<semaphore_mem>>) attributes {dimension_semantics = [#tpu.dimension_semantics<core_parallel>, #tpu.dimension_semantics<subcore_parallel>], iteration_bounds = array<i64: 2, 16>, scalar_prefetch = 0 : i64, scratch_operands = 21 : i64, tpu.core_type = #tpu.core_type<sc_vector_subcore>, window_params = [{transform_indices = #map}, {transform_indices = #map1}, {transform_indices = #map1}, {transform_indices = #map}]} {
    %scan3A = arith.constant 0 : i32
    %scan3A_0 = arith.constant 0 : i32
    %scan3A_1 = arith.constant 104 : i32
    %scan3A_2 = arith.addi %scan3A_0, %scan3A_1 : i32
    %scan3A_3 = arith.constant 1 : i32
    scf.for %scan3A_132 = %scan3A_0 to %scan3A_2 step %scan3A_3  : i32 {
      %scan3A_133 = arith.constant 0 : i32
      %scan3A_134 = arith.constant 8 : i32
      %scan3A_135 = arith.addi %scan3A_133, %scan3A_134 : i32
      %scan3A_136 = arith.constant 1 : i32
      scf.for %scan3A_138 = %scan3A_133 to %scan3A_135 step %scan3A_136  : i32 {
        %broadcast_in_dim3A = arith.constant 0.000000e+00 : f32
        %broadcast_in_dim3A_139 = vector.broadcast %broadcast_in_dim3A : f32 to vector<16xf32>
        %mul3A_140 = arith.constant 16 : i32
        %mul3A_141 = arith.muli %scan3A_138, %mul3A_140 : i32
        %swap3A_142 = arith.index_cast %scan3A_132 : i32 to index
        %swap3A_143 = arith.index_cast %mul3A_141 : i32 to index
        %swap3A_144 = tpu.vector_load %arg19[%swap3A_142, %swap3A_143] {strides = array<i32>} : memref<104x128xf32, #tpu.memory_space<vmem>>, vector<16xf32>,
        tpu.vector_store %arg19[%swap3A_142, %swap3A_143], %broadcast_in_dim3A_139 {strides = array<i32>} : memref<104x128xf32, #tpu.memory_space<vmem>>, vector<16xf32>,
      }
      %scan3A_137 = arith.constant 8 : i32
    }
    %scan3A_4 = arith.constant 104 : i32
    %mul3A = arith.constant 312 : i32
    %mul3A_5 = arith.muli %arg1, %mul3A : i32
    %add3A = arith.constant 0 : i32
    %add3A_6 = arith.addi %mul3A_5, %add3A : i32
    "tpu.region"() ({
      %run_scoped3A = tpu.sem_alloc : memref<!tpu.dma_semaphore, #tpu.memory_space<semaphore_mem>>
      %dma_start3A_132 = arith.constant 0 : i32
      %dma_start3A_133 = tpu.memref_slice %arg20[%add3A_6, %dma_start3A_132] : memref<5008x128xf32, #tpu.memory_space<vmem_shared>> -> memref<104x128xf32, #tpu.memory_space<vmem_shared>>
      %dma_start3A_134 = arith.constant 0 : i32
      %dma_start3A_135 = tpu.memref_slice %arg20[%add3A_6, %dma_start3A_134] : memref<5008x128xf32, #tpu.memory_space<vmem_shared>> -> memref<104x128xf32, #tpu.memory_space<vmem_shared>>
      tpu.enqueue_dma source(%arg19 : memref<104x128xf32, #tpu.memory_space<vmem>>) target(%dma_start3A_135 : memref<104x128xf32, #tpu.memory_space<vmem_shared>>) target_semaphore(%run_scoped3A : memref<!tpu.dma_semaphore, #tpu.memory_space<semaphore_mem>>)
      %dma_wait3A_136 = arith.constant 0 : i32
      %dma_wait3A_137 = tpu.memref_slice %arg20[%add3A_6, %dma_wait3A_136] : memref<5008x128xf32, #tpu.memory_space<vmem_shared>> -> memref<104x128xf32, #tpu.memory_space<vmem_shared>>
      %dma_wait3A_138 = arith.constant 0 : i32
      %dma_wait3A_139 = tpu.memref_slice %arg20[%add3A_6, %dma_wait3A_138] : memref<5008x128xf32, #tpu.memory_space<vmem_shared>> -> memref<104x128xf32, #tpu.memory_space<vmem_shared>>
      tpu.wait_dma2 semaphore(%run_scoped3A : memref<!tpu.dma_semaphore, #tpu.memory_space<semaphore_mem>>) src(%arg19 : memref<104x128xf32, #tpu.memory_space<vmem>>) dst(%dma_wait3A_139 : memref<104x128xf32, #tpu.memory_space<vmem_shared>>)
      tpu.yield
    }) : () -> ()
    %mul3A_7 = arith.constant 312 : i32
    %mul3A_8 = arith.muli %arg1, %mul3A_7 : i32
    %add3A_9 = arith.constant 104 : i32
    %add3A_10 = arith.addi %mul3A_8, %add3A_9 : i32
    "tpu.region"() ({
      %run_scoped3A = tpu.sem_alloc : memref<!tpu.dma_semaphore, #tpu.memory_space<semaphore_mem>>
      %dma_start3A_132 = arith.constant 0 : i32
      %dma_start3A_133 = tpu.memref_slice %arg20[%add3A_10, %dma_start3A_132] : memref<5008x128xf32, #tpu.memory_space<vmem_shared>> -> memref<104x128xf32, #tpu.memory_space<vmem_shared>>
      %dma_start3A_134 = arith.constant 0 : i32
      %dma_start3A_135 = tpu.memref_slice %arg20[%add3A_10, %dma_start3A_134] : memref<5008x128xf32, #tpu.memory_space<vmem_shared>> -> memref<104x128xf32, #tpu.memory_space<vmem_shared>>
      tpu.enqueue_dma source(%arg19 : memref<104x128xf32, #tpu.memory_space<vmem>>) target(%dma_start3A_135 : memref<104x128xf32, #tpu.memory_space<vmem_shared>>) target_semaphore(%run_scoped3A : memref<!tpu.dma_semaphore, #tpu.memory_space<semaphore_mem>>)
      %dma_wait3A_136 = arith.constant 0 : i32
      %dma_wait3A_137 = tpu.memref_slice %arg20[%add3A_10, %dma_wait3A_136] : memref<5008x128xf32, #tpu.memory_space<vmem_shared>> -> memref<104x128xf32, #tpu.memory_space<vmem_shared>>
      %dma_wait3A_138 = arith.constant 0 : i32
      %dma_wait3A_139 = tpu.memref_slice %arg20[%add3A_10, %dma_wait3A_138] : memref<5008x128xf32, #tpu.memory_space<vmem_shared>> -> memref<104x128xf32, #tpu.memory_space<vmem_shared>>
      tpu.wait_dma2 semaphore(%run_scoped3A : memref<!tpu.dma_semaphore, #tpu.memory_space<semaphore_mem>>) src(%arg19 : memref<104x128xf32, #tpu.memory_space<vmem>>) dst(%dma_wait3A_139 : memref<104x128xf32, #tpu.memory_space<vmem_shared>>)
      tpu.yield
    }) : () -> ()
    %mul3A_11 = arith.constant 312 : i32
    %mul3A_12 = arith.muli %arg1, %mul3A_11 : i32
    %add3A_13 = arith.constant 208 : i32
    %add3A_14 = arith.addi %mul3A_12, %add3A_13 : i32
    "tpu.region"() ({
      %run_scoped3A = tpu.sem_alloc : memref<!tpu.dma_semaphore, #tpu.memory_space<semaphore_mem>>
      %dma_start3A_132 = arith.constant 0 : i32
      %dma_start3A_133 = tpu.memref_slice %arg20[%add3A_14, %dma_start3A_132] : memref<5008x128xf32, #tpu.memory_space<vmem_shared>> -> memref<104x128xf32, #tpu.memory_space<vmem_shared>>
      %dma_start3A_134 = arith.constant 0 : i32
      %dma_start3A_135 = tpu.memref_slice %arg20[%add3A_14, %dma_start3A_134] : memref<5008x128xf32, #tpu.memory_space<vmem_shared>> -> memref<104x128xf32, #tpu.memory_space<vmem_shared>>
      tpu.enqueue_dma source(%arg19 : memref<104x128xf32, #tpu.memory_space<vmem>>) target(%dma_start3A_135 : memref<104x128xf32, #tpu.memory_space<vmem_shared>>) target_semaphore(%run_scoped3A : memref<!tpu.dma_semaphore, #tpu.memory_space<semaphore_mem>>)
      %dma_wait3A_136 = arith.constant 0 : i32
      %dma_wait3A_137 = tpu.memref_slice %arg20[%add3A_14, %dma_wait3A_136] : memref<5008x128xf32, #tpu.memory_space<vmem_shared>> -> memref<104x128xf32, #tpu.memory_space<vmem_shared>>
      %dma_wait3A_138 = arith.constant 0 : i32
      %dma_wait3A_139 = tpu.memref_slice %arg20[%add3A_14, %dma_wait3A_138] : memref<5008x128xf32, #tpu.memory_space<vmem_shared>> -> memref<104x128xf32, #tpu.memory_space<vmem_shared>>
      tpu.wait_dma2 semaphore(%run_scoped3A : memref<!tpu.dma_semaphore, #tpu.memory_space<semaphore_mem>>) src(%arg19 : memref<104x128xf32, #tpu.memory_space<vmem>>) dst(%dma_wait3A_139 : memref<104x128xf32, #tpu.memory_space<vmem_shared>>)
      tpu.yield
    }) : () -> ()
    %eq3A = arith.constant 15 : i32
    %eq3A_15 = arith.cmpi eq, %arg1, %eq3A : i32
    %convert_element_type3A = arith.extui %eq3A_15 : i1 to i32
    %cond3A = arith.constant 0 : i32
    %cond3A_16 = arith.cmpi ne, %convert_element_type3A, %cond3A : i32
    scf.if %cond3A_16 {
      "tpu.region"() ({
        %run_scoped3A = tpu.sem_alloc : memref<!tpu.dma_semaphore, #tpu.memory_space<semaphore_mem>>
        %dma_start3A_132 = arith.constant 0 : i32
        %dma_start3A_133 = arith.constant 0 : i32
        %dma_start3A_134 = tpu.memref_slice %arg19[%dma_start3A_132, %dma_start3A_133] : memref<104x128xf32, #tpu.memory_space<vmem>> -> memref<16x128xf32, #tpu.memory_space<vmem>>
        %dma_start3A_135 = arith.constant 4992 : i32
        %dma_start3A_136 = arith.constant 0 : i32
        %dma_start3A_137 = tpu.memref_slice %arg20[%dma_start3A_135, %dma_start3A_136] : memref<5008x128xf32, #tpu.memory_space<vmem_shared>> -> memref<16x128xf32, #tpu.memory_space<vmem_shared>>
        %dma_start3A_138 = arith.constant 4992 : i32
        %dma_start3A_139 = arith.constant 0 : i32
        %dma_start3A_140 = tpu.memref_slice %arg20[%dma_start3A_138, %dma_start3A_139] : memref<5008x128xf32, #tpu.memory_space<vmem_shared>> -> memref<16x128xf32, #tpu.memory_space<vmem_shared>>
        %dma_start3A_141 = arith.constant 0 : i32
        %dma_start3A_142 = arith.constant 0 : i32
        %dma_start3A_143 = tpu.memref_slice %arg19[%dma_start3A_141, %dma_start3A_142] : memref<104x128xf32, #tpu.memory_space<vmem>> -> memref<16x128xf32, #tpu.memory_space<vmem>>
        tpu.enqueue_dma source(%dma_start3A_143 : memref<16x128xf32, #tpu.memory_space<vmem>>) target(%dma_start3A_140 : memref<16x128xf32, #tpu.memory_space<vmem_shared>>) target_semaphore(%run_scoped3A : memref<!tpu.dma_semaphore, #tpu.memory_space<semaphore_mem>>)
        %dma_wait3A_144 = arith.constant 0 : i32
        %dma_wait3A_145 = arith.constant 0 : i32
        %dma_wait3A_146 = tpu.memref_slice %arg19[%dma_wait3A_144, %dma_wait3A_145] : memref<104x128xf32, #tpu.memory_space<vmem>> -> memref<16x128xf32, #tpu.memory_space<vmem>>
        %dma_wait3A_147 = arith.constant 4992 : i32
        %dma_wait3A_148 = arith.constant 0 : i32
        %dma_wait3A_149 = tpu.memref_slice %arg20[%dma_wait3A_147, %dma_wait3A_148] : memref<5008x128xf32, #tpu.memory_space<vmem_shared>> -> memref<16x128xf32, #tpu.memory_space<vmem_shared>>
        %dma_wait3A_150 = arith.constant 4992 : i32
        %dma_wait3A_151 = arith.constant 0 : i32
        %dma_wait3A_152 = tpu.memref_slice %arg20[%dma_wait3A_150, %dma_wait3A_151] : memref<5008x128xf32, #tpu.memory_space<vmem_shared>> -> memref<16x128xf32, #tpu.memory_space<vmem_shared>>
        %dma_wait3A_153 = arith.constant 0 : i32
        %dma_wait3A_154 = arith.constant 0 : i32
        %dma_wait3A_155 = tpu.memref_slice %arg19[%dma_wait3A_153, %dma_wait3A_154] : memref<104x128xf32, #tpu.memory_space<vmem>> -> memref<16x128xf32, #tpu.memory_space<vmem>>
        tpu.wait_dma2 semaphore(%run_scoped3A : memref<!tpu.dma_semaphore, #tpu.memory_space<semaphore_mem>>) src(%dma_wait3A_155 : memref<16x128xf32, #tpu.memory_space<vmem>>) dst(%dma_wait3A_152 : memref<16x128xf32, #tpu.memory_space<vmem_shared>>)
        tpu.yield
      }) : () -> ()
    } else {
    }
    %barrier3A = arith.constant 0 : index
    tpu.barrier barrier_id(%barrier3A)
    %mul3A_17 = arith.constant 20000 : i32
    %mul3A_18 = arith.muli %arg1, %mul3A_17 : i32
    "tpu.region"() ({
      %run_scoped3A = tpu.sem_alloc : memref<!tpu.dma_semaphore, #tpu.memory_space<semaphore_mem>>
      %dma_start3A_132 = tpu.memref_slice %arg3[%mul3A_18] : memref<320000xi32, #tpu.memory_space<hbm>> -> memref<20000xi32, #tpu.memory_space<hbm>>
      %dma_start3A_133 = tpu.memref_slice %arg3[%mul3A_18] : memref<320000xi32, #tpu.memory_space<hbm>> -> memref<20000xi32, #tpu.memory_space<hbm>>
      tpu.enqueue_dma source(%dma_start3A_133 : memref<20000xi32, #tpu.memory_space<hbm>>) target(%arg6 : memref<20000xi32, #tpu.memory_space<vmem>>) target_semaphore(%run_scoped3A : memref<!tpu.dma_semaphore, #tpu.memory_space<semaphore_mem>>)
      %dma_wait3A_134 = tpu.memref_slice %arg3[%mul3A_18] : memref<320000xi32, #tpu.memory_space<hbm>> -> memref<20000xi32, #tpu.memory_space<hbm>>
      %dma_wait3A_135 = tpu.memref_slice %arg3[%mul3A_18] : memref<320000xi32, #tpu.memory_space<hbm>> -> memref<20000xi32, #tpu.memory_space<hbm>>
      tpu.wait_dma2 semaphore(%run_scoped3A : memref<!tpu.dma_semaphore, #tpu.memory_space<semaphore_mem>>) src(%dma_wait3A_135 : memref<20000xi32, #tpu.memory_space<hbm>>) dst(%arg6 : memref<20000xi32, #tpu.memory_space<vmem>>)
      tpu.yield
    }) : () -> ()
    %mul3A_19 = arith.constant 5000 : i32
    %mul3A_20 = arith.muli %arg0, %mul3A_19 : i32
    %iota3A = tpu.iota {dimensions = array<i32: 0>} : vector<16xi32>
    %and3A = arith.constant 7 : i32
    %and3A_21 = vector.broadcast %and3A : i32 to vector<16xi32>
    %and3A_22 = arith.andi %iota3A, %and3A_21 : vector<16xi32>
    %add3A_23 = arith.constant 5000 : i32
    %add3A_24 = vector.broadcast %add3A_23 : i32 to vector<16xi32>
    %add3A_25 = arith.addi %add3A_24, %and3A_22 : vector<16xi32>
    %mul3A_26 = arith.constant 20000 : i32
    %mul3A_27 = arith.muli %arg1, %mul3A_26 : i32
    %add3A_28 = arith.constant 0 : i32
    %add3A_29 = arith.addi %mul3A_27, %add3A_28 : i32
    %dma_start3A = tpu.memref_slice %arg4[%add3A_29] : memref<320000xi32, #tpu.memory_space<hbm>> -> memref<128xi32, #tpu.memory_space<hbm>>
    %dma_start3A_30 = tpu.memref_slice %arg4[%add3A_29] : memref<320000xi32, #tpu.memory_space<hbm>> -> memref<128xi32, #tpu.memory_space<hbm>>
    tpu.enqueue_dma source(%dma_start3A_30 : memref<128xi32, #tpu.memory_space<hbm>>) target(%arg7 : memref<128xi32, #tpu.memory_space<vmem>>) target_semaphore(%arg21 : memref<!tpu.dma_semaphore, #tpu.memory_space<semaphore_mem>>)
    %dma_start3A_31 = arith.constant 0 : i32
    %dma_start3A_32 = tpu.memref_slice %arg6[%dma_start3A_31] : memref<20000xi32, #tpu.memory_space<vmem>> -> memref<128xi32, #tpu.memory_space<vmem>>
    %dma_start3A_33 = arith.constant 0 : i32
    %dma_start3A_34 = arith.constant 0 : i32
    %dma_start3A_35 = tpu.memref_slice %arg2[%dma_start3A_33, %dma_start3A_34] : memref<10000x128xf32, #tpu.memory_space<hbm>> -> memref<10000x128xf32, #tpu.memory_space<hbm>>
    tpu.enqueue_indirect_dma source(%dma_start3A_35 : memref<10000x128xf32, #tpu.memory_space<hbm>>) target(%arg13 : memref<128x128xf32, #tpu.memory_space<vmem>>) offsets(%dma_start3A_32 : memref<128xi32, #tpu.memory_space<vmem>>) semaphore(%arg24 : memref<!tpu.dma_semaphore, #tpu.memory_space<semaphore_mem>>)
    %mul3A_36 = arith.constant 20000 : i32
    %mul3A_37 = arith.muli %arg1, %mul3A_36 : i32
    %add3A_38 = arith.constant 128 : i32
    %add3A_39 = arith.addi %mul3A_37, %add3A_38 : i32
    %dma_start3A_40 = tpu.memref_slice %arg4[%add3A_39] : memref<320000xi32, #tpu.memory_space<hbm>> -> memref<128xi32, #tpu.memory_space<hbm>>
    %dma_start3A_41 = tpu.memref_slice %arg4[%add3A_39] : memref<320000xi32, #tpu.memory_space<hbm>> -> memref<128xi32, #tpu.memory_space<hbm>>
    tpu.enqueue_dma source(%dma_start3A_41 : memref<128xi32, #tpu.memory_space<hbm>>) target(%arg8 : memref<128xi32, #tpu.memory_space<vmem>>) target_semaphore(%arg22 : memref<!tpu.dma_semaphore, #tpu.memory_space<semaphore_mem>>)
    %dma_start3A_42 = arith.constant 128 : i32
    %dma_start3A_43 = tpu.memref_slice %arg6[%dma_start3A_42] : memref<20000xi32, #tpu.memory_space<vmem>> -> memref<128xi32, #tpu.memory_space<vmem>>
    %dma_start3A_44 = arith.constant 0 : i32
    %dma_start3A_45 = arith.constant 0 : i32
    %dma_start3A_46 = tpu.memref_slice %arg2[%dma_start3A_44, %dma_start3A_45] : memref<10000x128xf32, #tpu.memory_space<hbm>> -> memref<10000x128xf32, #tpu.memory_space<hbm>>
    tpu.enqueue_indirect_dma source(%dma_start3A_46 : memref<10000x128xf32, #tpu.memory_space<hbm>>) target(%arg14 : memref<128x128xf32, #tpu.memory_space<vmem>>) offsets(%dma_start3A_43 : memref<128xi32, #tpu.memory_space<vmem>>) semaphore(%arg25 : memref<!tpu.dma_semaphore, #tpu.memory_space<semaphore_mem>>)
    %mul3A_47 = arith.constant 20000 : i32
    %mul3A_48 = arith.muli %arg1, %mul3A_47 : i32
    %add3A_49 = arith.constant 256 : i32
    %add3A_50 = arith.addi %mul3A_48, %add3A_49 : i32
    %dma_start3A_51 = tpu.memref_slice %arg4[%add3A_50] : memref<320000xi32, #tpu.memory_space<hbm>> -> memref<128xi32, #tpu.memory_space<hbm>>
    %dma_start3A_52 = tpu.memref_slice %arg4[%add3A_50] : memref<320000xi32, #tpu.memory_space<hbm>> -> memref<128xi32, #tpu.memory_space<hbm>>
    tpu.enqueue_dma source(%dma_start3A_52 : memref<128xi32, #tpu.memory_space<hbm>>) target(%arg9 : memref<128xi32, #tpu.memory_space<vmem>>) target_semaphore(%arg23 : memref<!tpu.dma_semaphore, #tpu.memory_space<semaphore_mem>>)
    %dma_start3A_53 = arith.constant 256 : i32
    %dma_start3A_54 = tpu.memref_slice %arg6[%dma_start3A_53] : memref<20000xi32, #tpu.memory_space<vmem>> -> memref<128xi32, #tpu.memory_space<vmem>>
    %dma_start3A_55 = arith.constant 0 : i32
    %dma_start3A_56 = arith.constant 0 : i32
    %dma_start3A_57 = tpu.memref_slice %arg2[%dma_start3A_55, %dma_start3A_56] : memref<10000x128xf32, #tpu.memory_space<hbm>> -> memref<10000x128xf32, #tpu.memory_space<hbm>>
    tpu.enqueue_indirect_dma source(%dma_start3A_57 : memref<10000x128xf32, #tpu.memory_space<hbm>>) target(%arg15 : memref<128x128xf32, #tpu.memory_space<vmem>>) offsets(%dma_start3A_54 : memref<128xi32, #tpu.memory_space<vmem>>) semaphore(%arg26 : memref<!tpu.dma_semaphore, #tpu.memory_space<semaphore_mem>>)
    %scan3A_58 = arith.constant 0 : i32
    %scan3A_59 = arith.constant 0 : i32
    %scan3A_60 = arith.constant 52 : i32
    %scan3A_61 = arith.addi %scan3A_59, %scan3A_60 : i32
    %scan3A_62 = arith.constant 1 : i32
    scf.for %scan3A_132 = %scan3A_59 to %scan3A_61 step %scan3A_62  : i32 {
      %mul3A_133 = arith.constant 3 : i32
      %mul3A_134 = arith.muli %mul3A_133, %scan3A_132 : i32
      %add3A_135 = arith.constant 0 : i32
      %add3A_136 = arith.addi %mul3A_134, %add3A_135 : i32
      %dma_wait3A_137 = arith.constant 0 : i32
      %dma_wait3A_138 = tpu.memref_slice %arg4[%dma_wait3A_137] : memref<320000xi32, #tpu.memory_space<hbm>> -> memref<128xi32, #tpu.memory_space<hbm>>
      %dma_wait3A_139 = arith.constant 0 : i32
      %dma_wait3A_140 = tpu.memref_slice %arg4[%dma_wait3A_139] : memref<320000xi32, #tpu.memory_space<hbm>> -> memref<128xi32, #tpu.memory_space<hbm>>
      tpu.wait_dma2 semaphore(%arg21 : memref<!tpu.dma_semaphore, #tpu.memory_space<semaphore_mem>>) src(%dma_wait3A_140 : memref<128xi32, #tpu.memory_space<hbm>>) dst(%arg7 : memref<128xi32, #tpu.memory_space<vmem>>)
      %get3A_141 = arith.constant 0 : index
      %get3A_142 = tpu.vector_load %arg7[%get3A_141] {strides = array<i32>} : memref<128xi32, #tpu.memory_space<vmem>>, vector<16xi32>,
      %sub3A_143 = vector.broadcast %mul3A_20 : i32 to vector<16xi32>
      %sub3A_144 = arith.subi %get3A_142, %sub3A_143 : vector<16xi32>
      %ge3A_145 = arith.constant 0 : i32
      %ge3A_146 = vector.broadcast %ge3A_145 : i32 to vector<16xi32>
      %ge3A_147 = arith.cmpi sge, %sub3A_144, %ge3A_146 : vector<16xi32>
      %lt3A_148 = arith.constant 5000 : i32
      %lt3A_149 = vector.broadcast %lt3A_148 : i32 to vector<16xi32>
      %lt3A_150 = arith.cmpi slt, %sub3A_144, %lt3A_149 : vector<16xi32>
      %and3A_151 = arith.andi %ge3A_147, %lt3A_150 : vector<16xi1>
      %select_n3A_152 = arith.select %and3A_151, %sub3A_144, %add3A_25 : vector<16xi1>, vector<16xi32>
      %swap3A_153 = arith.constant 0 : index
      %swap3A_154 = tpu.vector_load %arg10[%swap3A_153] {strides = array<i32>} : memref<128xi32, #tpu.memory_space<vmem>>, vector<16xi32>,
      tpu.vector_store %arg10[%swap3A_153], %select_n3A_152 {strides = array<i32>} : memref<128xi32, #tpu.memory_space<vmem>>, vector<16xi32>,
      %get3A_155 = arith.constant 16 : index
      %get3A_156 = tpu.vector_load %arg7[%get3A_155] {strides = array<i32>} : memref<128xi32, #tpu.memory_space<vmem>>, vector<16xi32>,
      %sub3A_157 = vector.broadcast %mul3A_20 : i32 to vector<16xi32>
      %sub3A_158 = arith.subi %get3A_156, %sub3A_157 : vector<16xi32>
      %ge3A_159 = arith.constant 0 : i32
      %ge3A_160 = vector.broadcast %ge3A_159 : i32 to vector<16xi32>
      %ge3A_161 = arith.cmpi sge, %sub3A_158, %ge3A_160 : vector<16xi32>
      %lt3A_162 = arith.constant 5000 : i32
      %lt3A_163 = vector.broadcast %lt3A_162 : i32 to vector<16xi32>
      %lt3A_164 = arith.cmpi slt, %sub3A_158, %lt3A_163 : vector<16xi32>
      %and3A_165 = arith.andi %ge3A_161, %lt3A_164 : vector<16xi1>
      %select_n3A_166 = arith.select %and3A_165, %sub3A_158, %add3A_25 : vector<16xi1>, vector<16xi32>
      %swap3A_167 = arith.constant 16 : index
      %swap3A_168 = tpu.vector_load %arg10[%swap3A_167] {strides = array<i32>} : memref<128xi32, #tpu.memory_space<vmem>>, vector<16xi32>,
      tpu.vector_store %arg10[%swap3A_167], %select_n3A_166 {strides = array<i32>} : memref<128xi32, #tpu.memory_space<vmem>>, vector<16xi32>,
      %get3A_169 = arith.constant 32 : index
      %get3A_170 = tpu.vector_load %arg7[%get3A_169] {strides = array<i32>} : memref<128xi32, #tpu.memory_space<vmem>>, vector<16xi32>,
      %sub3A_171 = vector.broadcast %mul3A_20 : i32 to vector<16xi32>
      %sub3A_172 = arith.subi %get3A_170, %sub3A_171 : vector<16xi32>
      %ge3A_173 = arith.constant 0 : i32
      %ge3A_174 = vector.broadcast %ge3A_173 : i32 to vector<16xi32>
      %ge3A_175 = arith.cmpi sge, %sub3A_172, %ge3A_174 : vector<16xi32>
      %lt3A_176 = arith.constant 5000 : i32
      %lt3A_177 = vector.broadcast %lt3A_176 : i32 to vector<16xi32>
      %lt3A_178 = arith.cmpi slt, %sub3A_172, %lt3A_177 : vector<16xi32>
      %and3A_179 = arith.andi %ge3A_175, %lt3A_178 : vector<16xi1>
      %select_n3A_180 = arith.select %and3A_179, %sub3A_172, %add3A_25 : vector<16xi1>, vector<16xi32>
      %swap3A_181 = arith.constant 32 : index
      %swap3A_182 = tpu.vector_load %arg10[%swap3A_181] {strides = array<i32>} : memref<128xi32, #tpu.memory_space<vmem>>, vector<16xi32>,
      tpu.vector_store %arg10[%swap3A_181], %select_n3A_180 {strides = array<i32>} : memref<128xi32, #tpu.memory_space<vmem>>, vector<16xi32>,
      %get3A_183 = arith.constant 48 : index
      %get3A_184 = tpu.vector_load %arg7[%get3A_183] {strides = array<i32>} : memref<128xi32, #tpu.memory_space<vmem>>, vector<16xi32>,
      %sub3A_185 = vector.broadcast %mul3A_20 : i32 to vector<16xi32>
      %sub3A_186 = arith.subi %get3A_184, %sub3A_185 : vector<16xi32>
      %ge3A_187 = arith.constant 0 : i32
      %ge3A_188 = vector.broadcast %ge3A_187 : i32 to vector<16xi32>
      %ge3A_189 = arith.cmpi sge, %sub3A_186, %ge3A_188 : vector<16xi32>
      %lt3A_190 = arith.constant 5000 : i32
      %lt3A_191 = vector.broadcast %lt3A_190 : i32 to vector<16xi32>
      %lt3A_192 = arith.cmpi slt, %sub3A_186, %lt3A_191 : vector<16xi32>
      %and3A_193 = arith.andi %ge3A_189, %lt3A_192 : vector<16xi1>
      %select_n3A_194 = arith.select %and3A_193, %sub3A_186, %add3A_25 : vector<16xi1>, vector<16xi32>
      %swap3A_195 = arith.constant 48 : index
      %swap3A_196 = tpu.vector_load %arg10[%swap3A_195] {strides = array<i32>} : memref<128xi32, #tpu.memory_space<vmem>>, vector<16xi32>,
      tpu.vector_store %arg10[%swap3A_195], %select_n3A_194 {strides = array<i32>} : memref<128xi32, #tpu.memory_space<vmem>>, vector<16xi32>,
      %get3A_197 = arith.constant 64 : index
      %get3A_198 = tpu.vector_load %arg7[%get3A_197] {strides = array<i32>} : memref<128xi32, #tpu.memory_space<vmem>>, vector<16xi32>,
      %sub3A_199 = vector.broadcast %mul3A_20 : i32 to vector<16xi32>
      %sub3A_200 = arith.subi %get3A_198, %sub3A_199 : vector<16xi32>
      %ge3A_201 = arith.constant 0 : i32
      %ge3A_202 = vector.broadcast %ge3A_201 : i32 to vector<16xi32>
      %ge3A_203 = arith.cmpi sge, %sub3A_200, %ge3A_202 : vector<16xi32>
      %lt3A_204 = arith.constant 5000 : i32
      %lt3A_205 = vector.broadcast %lt3A_204 : i32 to vector<16xi32>
      %lt3A_206 = arith.cmpi slt, %sub3A_200, %lt3A_205 : vector<16xi32>
      %and3A_207 = arith.andi %ge3A_203, %lt3A_206 : vector<16xi1>
      %select_n3A_208 = arith.select %and3A_207, %sub3A_200, %add3A_25 : vector<16xi1>, vector<16xi32>
      %swap3A_209 = arith.constant 64 : index
      %swap3A_210 = tpu.vector_load %arg10[%swap3A_209] {strides = array<i32>} : memref<128xi32, #tpu.memory_space<vmem>>, vector<16xi32>,
      tpu.vector_store %arg10[%swap3A_209], %select_n3A_208 {strides = array<i32>} : memref<128xi32, #tpu.memory_space<vmem>>, vector<16xi32>,
      %get3A_211 = arith.constant 80 : index
      %get3A_212 = tpu.vector_load %arg7[%get3A_211] {strides = array<i32>} : memref<128xi32, #tpu.memory_space<vmem>>, vector<16xi32>,
      %sub3A_213 = vector.broadcast %mul3A_20 : i32 to vector<16xi32>
      %sub3A_214 = arith.subi %get3A_212, %sub3A_213 : vector<16xi32>
      %ge3A_215 = arith.constant 0 : i32
      %ge3A_216 = vector.broadcast %ge3A_215 : i32 to vector<16xi32>
      %ge3A_217 = arith.cmpi sge, %sub3A_214, %ge3A_216 : vector<16xi32>
      %lt3A_218 = arith.constant 5000 : i32
      %lt3A_219 = vector.broadcast %lt3A_218 : i32 to vector<16xi32>
      %lt3A_220 = arith.cmpi slt, %sub3A_214, %lt3A_219 : vector<16xi32>
      %and3A_221 = arith.andi %ge3A_217, %lt3A_220 : vector<16xi1>
      %select_n3A_222 = arith.select %and3A_221, %sub3A_214, %add3A_25 : vector<16xi1>, vector<16xi32>
      %swap3A_223 = arith.constant 80 : index
      %swap3A_224 = tpu.vector_load %arg10[%swap3A_223] {strides = array<i32>} : memref<128xi32, #tpu.memory_space<vmem>>, vector<16xi32>,
      tpu.vector_store %arg10[%swap3A_223], %select_n3A_222 {strides = array<i32>} : memref<128xi32, #tpu.memory_space<vmem>>, vector<16xi32>,
      %get3A_225 = arith.constant 96 : index
      %get3A_226 = tpu.vector_load %arg7[%get3A_225] {strides = array<i32>} : memref<128xi32, #tpu.memory_space<vmem>>, vector<16xi32>,
      %sub3A_227 = vector.broadcast %mul3A_20 : i32 to vector<16xi32>
      %sub3A_228 = arith.subi %get3A_226, %sub3A_227 : vector<16xi32>
      %ge3A_229 = arith.constant 0 : i32
      %ge3A_230 = vector.broadcast %ge3A_229 : i32 to vector<16xi32>
      %ge3A_231 = arith.cmpi sge, %sub3A_228, %ge3A_230 : vector<16xi32>
      %lt3A_232 = arith.constant 5000 : i32
      %lt3A_233 = vector.broadcast %lt3A_232 : i32 to vector<16xi32>
      %lt3A_234 = arith.cmpi slt, %sub3A_228, %lt3A_233 : vector<16xi32>
      %and3A_235 = arith.andi %ge3A_231, %lt3A_234 : vector<16xi1>
      %select_n3A_236 = arith.select %and3A_235, %sub3A_228, %add3A_25 : vector<16xi1>, vector<16xi32>
      %swap3A_237 = arith.constant 96 : index
      %swap3A_238 = tpu.vector_load %arg10[%swap3A_237] {strides = array<i32>} : memref<128xi32, #tpu.memory_space<vmem>>, vector<16xi32>,
      tpu.vector_store %arg10[%swap3A_237], %select_n3A_236 {strides = array<i32>} : memref<128xi32, #tpu.memory_space<vmem>>, vector<16xi32>,
      %get3A_239 = arith.constant 112 : index
      %get3A_240 = tpu.vector_load %arg7[%get3A_239] {strides = array<i32>} : memref<128xi32, #tpu.memory_space<vmem>>, vector<16xi32>,
      %sub3A_241 = vector.broadcast %mul3A_20 : i32 to vector<16xi32>
      %sub3A_242 = arith.subi %get3A_240, %sub3A_241 : vector<16xi32>
      %ge3A_243 = arith.constant 0 : i32
      %ge3A_244 = vector.broadcast %ge3A_243 : i32 to vector<16xi32>
      %ge3A_245 = arith.cmpi sge, %sub3A_242, %ge3A_244 : vector<16xi32>
      %lt3A_246 = arith.constant 5000 : i32
      %lt3A_247 = vector.broadcast %lt3A_246 : i32 to vector<16xi32>
      %lt3A_248 = arith.cmpi slt, %sub3A_242, %lt3A_247 : vector<16xi32>
      %and3A_249 = arith.andi %ge3A_245, %lt3A_248 : vector<16xi1>
      %select_n3A_250 = arith.select %and3A_249, %sub3A_242, %add3A_25 : vector<16xi1>, vector<16xi32>
      %swap3A_251 = arith.constant 112 : index
      %swap3A_252 = tpu.vector_load %arg10[%swap3A_251] {strides = array<i32>} : memref<128xi32, #tpu.memory_space<vmem>>, vector<16xi32>,
      tpu.vector_store %arg10[%swap3A_251], %select_n3A_250 {strides = array<i32>} : memref<128xi32, #tpu.memory_space<vmem>>, vector<16xi32>,
      %add3A_253 = arith.constant 3 : i32
      %add3A_254 = arith.addi %add3A_136, %add3A_253 : i32
      %lt3A_255 = arith.constant 156 : i32
      %lt3A_256 = arith.cmpi slt, %add3A_254, %lt3A_255 : i32
      %convert_element_type3A_257 = arith.extui %lt3A_256 : i1 to i32
      %cond3A_258 = arith.constant 0 : i32
      %cond3A_259 = arith.cmpi ne, %convert_element_type3A_257, %cond3A_258 : i32
      scf.if %cond3A_259 {
        %add3A_553 = arith.constant 3 : i32
        %add3A_554 = arith.addi %add3A_136, %add3A_553 : i32
        %mul3A_555 = arith.constant 20000 : i32
        %mul3A_556 = arith.muli %arg1, %mul3A_555 : i32
        %mul3A_557 = arith.constant 128 : i32
        %mul3A_558 = arith.muli %add3A_554, %mul3A_557 : i32
        %add3A_559 = arith.addi %mul3A_556, %mul3A_558 : i32
        %dma_start3A_560 = tpu.memref_slice %arg4[%add3A_559] : memref<320000xi32, #tpu.memory_space<hbm>> -> memref<128xi32, #tpu.memory_space<hbm>>
        %dma_start3A_561 = tpu.memref_slice %arg4[%add3A_559] : memref<320000xi32, #tpu.memory_space<hbm>> -> memref<128xi32, #tpu.memory_space<hbm>>
        tpu.enqueue_dma source(%dma_start3A_561 : memref<128xi32, #tpu.memory_space<hbm>>) target(%arg7 : memref<128xi32, #tpu.memory_space<vmem>>) target_semaphore(%arg21 : memref<!tpu.dma_semaphore, #tpu.memory_space<semaphore_mem>>)
      } else {
      }
      %dma_wait3A_260 = arith.constant 0 : i32
      %dma_wait3A_261 = arith.constant 0 : i32
      %dma_wait3A_262 = tpu.memref_slice %arg2[%dma_wait3A_260, %dma_wait3A_261] : memref<10000x128xf32, #tpu.memory_space<hbm>> -> memref<128x128xf32, #tpu.memory_space<hbm>>
      %dma_wait3A_263 = arith.constant 0 : i32
      %dma_wait3A_264 = arith.constant 0 : i32
      %dma_wait3A_265 = tpu.memref_slice %arg2[%dma_wait3A_263, %dma_wait3A_264] : memref<10000x128xf32, #tpu.memory_space<hbm>> -> memref<128x128xf32, #tpu.memory_space<hbm>>
      tpu.wait_dma2 semaphore(%arg24 : memref<!tpu.dma_semaphore, #tpu.memory_space<semaphore_mem>>) src(%dma_wait3A_265 : memref<128x128xf32, #tpu.memory_space<hbm>>) dst(%arg13 : memref<128x128xf32, #tpu.memory_space<vmem>>)
      "tpu.region"() ({
        %run_scoped3A = tpu.sem_alloc : memref<!tpu.dma_semaphore, #tpu.memory_space<semaphore_mem>>
        %dma_start3A_553 = arith.constant 0 : i32
        %dma_start3A_554 = arith.constant 0 : i32
        %dma_start3A_555 = tpu.memref_slice %arg20[%dma_start3A_553, %dma_start3A_554] : memref<5008x128xf32, #tpu.memory_space<vmem_shared>> -> memref<5008x128xf32, #tpu.memory_space<vmem_shared>>
        tpu.enqueue_indirect_dma source(%arg13 : memref<128x128xf32, #tpu.memory_space<vmem>>) target(%dma_start3A_555 : memref<5008x128xf32, #tpu.memory_space<vmem_shared>>) offsets(%arg10 : memref<128xi32, #tpu.memory_space<vmem>>) semaphore(%run_scoped3A : memref<!tpu.dma_semaphore, #tpu.memory_space<semaphore_mem>>) {add = true}
        %dma_wait3A_556 = arith.constant 0 : i32
        %dma_wait3A_557 = arith.constant 0 : i32
        %dma_wait3A_558 = tpu.memref_slice %arg20[%dma_wait3A_556, %dma_wait3A_557] : memref<5008x128xf32, #tpu.memory_space<vmem_shared>> -> memref<5008x128xf32, #tpu.memory_space<vmem_shared>>
        tpu.wait_indirect_dma semaphore(%run_scoped3A : memref<!tpu.dma_semaphore, #tpu.memory_space<semaphore_mem>>) src(%arg13 : memref<128x128xf32, #tpu.memory_space<vmem>>) dst(%dma_wait3A_558 : memref<5008x128xf32, #tpu.memory_space<vmem_shared>>)
        tpu.yield
      }) : () -> ()
      %add3A_266 = arith.constant 3 : i32
      %add3A_267 = arith.addi %add3A_136, %add3A_266 : i32
      %lt3A_268 = arith.constant 156 : i32
      %lt3A_269 = arith.cmpi slt, %add3A_267, %lt3A_268 : i32
      %convert_element_type3A_270 = arith.extui %lt3A_269 : i1 to i32
      %cond3A_271 = arith.constant 0 : i32
      %cond3A_272 = arith.cmpi ne, %convert_element_type3A_270, %cond3A_271 : i32
      scf.if %cond3A_272 {
        %add3A_553 = arith.constant 3 : i32
        %add3A_554 = arith.addi %add3A_136, %add3A_553 : i32
        %mul3A_555 = arith.constant 128 : i32
        %mul3A_556 = arith.muli %add3A_554, %mul3A_555 : i32
        %dma_start3A_557 = tpu.memref_slice %arg6[%mul3A_556] : memref<20000xi32, #tpu.memory_space<vmem>> -> memref<128xi32, #tpu.memory_space<vmem>>
        %dma_start3A_558 = arith.constant 0 : i32
        %dma_start3A_559 = arith.constant 0 : i32
        %dma_start3A_560 = tpu.memref_slice %arg2[%dma_start3A_558, %dma_start3A_559] : memref<10000x128xf32, #tpu.memory_space<hbm>> -> memref<10000x128xf32, #tpu.memory_space<hbm>>
        tpu.enqueue_indirect_dma source(%dma_start3A_560 : memref<10000x128xf32, #tpu.memory_space<hbm>>) target(%arg13 : memref<128x128xf32, #tpu.memory_space<vmem>>) offsets(%dma_start3A_557 : memref<128xi32, #tpu.memory_space<vmem>>) semaphore(%arg24 : memref<!tpu.dma_semaphore, #tpu.memory_space<semaphore_mem>>)
      } else {
      }
      %mul3A_273 = arith.constant 3 : i32
      %mul3A_274 = arith.muli %mul3A_273, %scan3A_132 : i32
      %add3A_275 = arith.constant 1 : i32
      %add3A_276 = arith.addi %mul3A_274, %add3A_275 : i32
      %dma_wait3A_277 = arith.constant 0 : i32
      %dma_wait3A_278 = tpu.memref_slice %arg4[%dma_wait3A_277] : memref<320000xi32, #tpu.memory_space<hbm>> -> memref<128xi32, #tpu.memory_space<hbm>>
      %dma_wait3A_279 = arith.constant 0 : i32
      %dma_wait3A_280 = tpu.memref_slice %arg4[%dma_wait3A_279] : memref<320000xi32, #tpu.memory_space<hbm>> -> memref<128xi32, #tpu.memory_space<hbm>>
      tpu.wait_dma2 semaphore(%arg22 : memref<!tpu.dma_semaphore, #tpu.memory_space<semaphore_mem>>) src(%dma_wait3A_280 : memref<128xi32, #tpu.memory_space<hbm>>) dst(%arg8 : memref<128xi32, #tpu.memory_space<vmem>>)
      %get3A_281 = arith.constant 0 : index
      %get3A_282 = tpu.vector_load %arg8[%get3A_281] {strides = array<i32>} : memref<128xi32, #tpu.memory_space<vmem>>, vector<16xi32>,
      %sub3A_283 = vector.broadcast %mul3A_20 : i32 to vector<16xi32>
      %sub3A_284 = arith.subi %get3A_282, %sub3A_283 : vector<16xi32>
      %ge3A_285 = arith.constant 0 : i32
      %ge3A_286 = vector.broadcast %ge3A_285 : i32 to vector<16xi32>
      %ge3A_287 = arith.cmpi sge, %sub3A_284, %ge3A_286 : vector<16xi32>
      %lt3A_288 = arith.constant 5000 : i32
      %lt3A_289 = vector.broadcast %lt3A_288 : i32 to vector<16xi32>
      %lt3A_290 = arith.cmpi slt, %sub3A_284, %lt3A_289 : vector<16xi32>
      %and3A_291 = arith.andi %ge3A_287, %lt3A_290 : vector<16xi1>
      %select_n3A_292 = arith.select %and3A_291, %sub3A_284, %add3A_25 : vector<16xi1>, vector<16xi32>
      %swap3A_293 = arith.constant 0 : index
      %swap3A_294 = tpu.vector_load %arg11[%swap3A_293] {strides = array<i32>} : memref<128xi32, #tpu.memory_space<vmem>>, vector<16xi32>,
      tpu.vector_store %arg11[%swap3A_293], %select_n3A_292 {strides = array<i32>} : memref<128xi32, #tpu.memory_space<vmem>>, vector<16xi32>,
      %get3A_295 = arith.constant 16 : index
      %get3A_296 = tpu.vector_load %arg8[%get3A_295] {strides = array<i32>} : memref<128xi32, #tpu.memory_space<vmem>>, vector<16xi32>,
      %sub3A_297 = vector.broadcast %mul3A_20 : i32 to vector<16xi32>
      %sub3A_298 = arith.subi %get3A_296, %sub3A_297 : vector<16xi32>
      %ge3A_299 = arith.constant 0 : i32
      %ge3A_300 = vector.broadcast %ge3A_299 : i32 to vector<16xi32>
      %ge3A_301 = arith.cmpi sge, %sub3A_298, %ge3A_300 : vector<16xi32>
      %lt3A_302 = arith.constant 5000 : i32
      %lt3A_303 = vector.broadcast %lt3A_302 : i32 to vector<16xi32>
      %lt3A_304 = arith.cmpi slt, %sub3A_298, %lt3A_303 : vector<16xi32>
      %and3A_305 = arith.andi %ge3A_301, %lt3A_304 : vector<16xi1>
      %select_n3A_306 = arith.select %and3A_305, %sub3A_298, %add3A_25 : vector<16xi1>, vector<16xi32>
      %swap3A_307 = arith.constant 16 : index
      %swap3A_308 = tpu.vector_load %arg11[%swap3A_307] {strides = array<i32>} : memref<128xi32, #tpu.memory_space<vmem>>, vector<16xi32>,
      tpu.vector_store %arg11[%swap3A_307], %select_n3A_306 {strides = array<i32>} : memref<128xi32, #tpu.memory_space<vmem>>, vector<16xi32>,
      %get3A_309 = arith.constant 32 : index
      %get3A_310 = tpu.vector_load %arg8[%get3A_309] {strides = array<i32>} : memref<128xi32, #tpu.memory_space<vmem>>, vector<16xi32>,
      %sub3A_311 = vector.broadcast %mul3A_20 : i32 to vector<16xi32>
      %sub3A_312 = arith.subi %get3A_310, %sub3A_311 : vector<16xi32>
      %ge3A_313 = arith.constant 0 : i32
      %ge3A_314 = vector.broadcast %ge3A_313 : i32 to vector<16xi32>
      %ge3A_315 = arith.cmpi sge, %sub3A_312, %ge3A_314 : vector<16xi32>
      %lt3A_316 = arith.constant 5000 : i32
      %lt3A_317 = vector.broadcast %lt3A_316 : i32 to vector<16xi32>
      %lt3A_318 = arith.cmpi slt, %sub3A_312, %lt3A_317 : vector<16xi32>
      %and3A_319 = arith.andi %ge3A_315, %lt3A_318 : vector<16xi1>
      %select_n3A_320 = arith.select %and3A_319, %sub3A_312, %add3A_25 : vector<16xi1>, vector<16xi32>
      %swap3A_321 = arith.constant 32 : index
      %swap3A_322 = tpu.vector_load %arg11[%swap3A_321] {strides = array<i32>} : memref<128xi32, #tpu.memory_space<vmem>>, vector<16xi32>,
      tpu.vector_store %arg11[%swap3A_321], %select_n3A_320 {strides = array<i32>} : memref<128xi32, #tpu.memory_space<vmem>>, vector<16xi32>,
      %get3A_323 = arith.constant 48 : index
      %get3A_324 = tpu.vector_load %arg8[%get3A_323] {strides = array<i32>} : memref<128xi32, #tpu.memory_space<vmem>>, vector<16xi32>,
      %sub3A_325 = vector.broadcast %mul3A_20 : i32 to vector<16xi32>
      %sub3A_326 = arith.subi %get3A_324, %sub3A_325 : vector<16xi32>
      %ge3A_327 = arith.constant 0 : i32
      %ge3A_328 = vector.broadcast %ge3A_327 : i32 to vector<16xi32>
      %ge3A_329 = arith.cmpi sge, %sub3A_326, %ge3A_328 : vector<16xi32>
      %lt3A_330 = arith.constant 5000 : i32
      %lt3A_331 = vector.broadcast %lt3A_330 : i32 to vector<16xi32>
      %lt3A_332 = arith.cmpi slt, %sub3A_326, %lt3A_331 : vector<16xi32>
      %and3A_333 = arith.andi %ge3A_329, %lt3A_332 : vector<16xi1>
      %select_n3A_334 = arith.select %and3A_333, %sub3A_326, %add3A_25 : vector<16xi1>, vector<16xi32>
      %swap3A_335 = arith.constant 48 : index
      %swap3A_336 = tpu.vector_load %arg11[%swap3A_335] {strides = array<i32>} : memref<128xi32, #tpu.memory_space<vmem>>, vector<16xi32>,
      tpu.vector_store %arg11[%swap3A_335], %select_n3A_334 {strides = array<i32>} : memref<128xi32, #tpu.memory_space<vmem>>, vector<16xi32>,
      %get3A_337 = arith.constant 64 : index
      %get3A_338 = tpu.vector_load %arg8[%get3A_337] {strides = array<i32>} : memref<128xi32, #tpu.memory_space<vmem>>, vector<16xi32>,
      %sub3A_339 = vector.broadcast %mul3A_20 : i32 to vector<16xi32>
      %sub3A_340 = arith.subi %get3A_338, %sub3A_339 : vector<16xi32>
      %ge3A_341 = arith.constant 0 : i32
      %ge3A_342 = vector.broadcast %ge3A_341 : i32 to vector<16xi32>
      %ge3A_343 = arith.cmpi sge, %sub3A_340, %ge3A_342 : vector<16xi32>
      %lt3A_344 = arith.constant 5000 : i32
      %lt3A_345 = vector.broadcast %lt3A_344 : i32 to vector<16xi32>
      %lt3A_346 = arith.cmpi slt, %sub3A_340, %lt3A_345 : vector<16xi32>
      %and3A_347 = arith.andi %ge3A_343, %lt3A_346 : vector<16xi1>
      %select_n3A_348 = arith.select %and3A_347, %sub3A_340, %add3A_25 : vector<16xi1>, vector<16xi32>
      %swap3A_349 = arith.constant 64 : index
      %swap3A_350 = tpu.vector_load %arg11[%swap3A_349] {strides = array<i32>} : memref<128xi32, #tpu.memory_space<vmem>>, vector<16xi32>,
      tpu.vector_store %arg11[%swap3A_349], %select_n3A_348 {strides = array<i32>} : memref<128xi32, #tpu.memory_space<vmem>>, vector<16xi32>,
      %get3A_351 = arith.constant 80 : index
      %get3A_352 = tpu.vector_load %arg8[%get3A_351] {strides = array<i32>} : memref<128xi32, #tpu.memory_space<vmem>>, vector<16xi32>,
      %sub3A_353 = vector.broadcast %mul3A_20 : i32 to vector<16xi32>
      %sub3A_354 = arith.subi %get3A_352, %sub3A_353 : vector<16xi32>
      %ge3A_355 = arith.constant 0 : i32
      %ge3A_356 = vector.broadcast %ge3A_355 : i32 to vector<16xi32>
      %ge3A_357 = arith.cmpi sge, %sub3A_354, %ge3A_356 : vector<16xi32>
      %lt3A_358 = arith.constant 5000 : i32
      %lt3A_359 = vector.broadcast %lt3A_358 : i32 to vector<16xi32>
      %lt3A_360 = arith.cmpi slt, %sub3A_354, %lt3A_359 : vector<16xi32>
      %and3A_361 = arith.andi %ge3A_357, %lt3A_360 : vector<16xi1>
      %select_n3A_362 = arith.select %and3A_361, %sub3A_354, %add3A_25 : vector<16xi1>, vector<16xi32>
      %swap3A_363 = arith.constant 80 : index
      %swap3A_364 = tpu.vector_load %arg11[%swap3A_363] {strides = array<i32>} : memref<128xi32, #tpu.memory_space<vmem>>, vector<16xi32>,
      tpu.vector_store %arg11[%swap3A_363], %select_n3A_362 {strides = array<i32>} : memref<128xi32, #tpu.memory_space<vmem>>, vector<16xi32>,
      %get3A_365 = arith.constant 96 : index
      %get3A_366 = tpu.vector_load %arg8[%get3A_365] {strides = array<i32>} : memref<128xi32, #tpu.memory_space<vmem>>, vector<16xi32>,
      %sub3A_367 = vector.broadcast %mul3A_20 : i32 to vector<16xi32>
      %sub3A_368 = arith.subi %get3A_366, %sub3A_367 : vector<16xi32>
      %ge3A_369 = arith.constant 0 : i32
      %ge3A_370 = vector.broadcast %ge3A_369 : i32 to vector<16xi32>
      %ge3A_371 = arith.cmpi sge, %sub3A_368, %ge3A_370 : vector<16xi32>
      %lt3A_372 = arith.constant 5000 : i32
      %lt3A_373 = vector.broadcast %lt3A_372 : i32 to vector<16xi32>
      %lt3A_374 = arith.cmpi slt, %sub3A_368, %lt3A_373 : vector<16xi32>
      %and3A_375 = arith.andi %ge3A_371, %lt3A_374 : vector<16xi1>
      %select_n3A_376 = arith.select %and3A_375, %sub3A_368, %add3A_25 : vector<16xi1>, vector<16xi32>
      %swap3A_377 = arith.constant 96 : index
      %swap3A_378 = tpu.vector_load %arg11[%swap3A_377] {strides = array<i32>} : memref<128xi32, #tpu.memory_space<vmem>>, vector<16xi32>,
      tpu.vector_store %arg11[%swap3A_377], %select_n3A_376 {strides = array<i32>} : memref<128xi32, #tpu.memory_space<vmem>>, vector<16xi32>,
      %get3A_379 = arith.constant 112 : index
      %get3A_380 = tpu.vector_load %arg8[%get3A_379] {strides = array<i32>} : memref<128xi32, #tpu.memory_space<vmem>>, vector<16xi32>,
      %sub3A_381 = vector.broadcast %mul3A_20 : i32 to vector<16xi32>
      %sub3A_382 = arith.subi %get3A_380, %sub3A_381 : vector<16xi32>
      %ge3A_383 = arith.constant 0 : i32
      %ge3A_384 = vector.broadcast %ge3A_383 : i32 to vector<16xi32>
      %ge3A_385 = arith.cmpi sge, %sub3A_382, %ge3A_384 : vector<16xi32>
      %lt3A_386 = arith.constant 5000 : i32
      %lt3A_387 = vector.broadcast %lt3A_386 : i32 to vector<16xi32>
      %lt3A_388 = arith.cmpi slt, %sub3A_382, %lt3A_387 : vector<16xi32>
      %and3A_389 = arith.andi %ge3A_385, %lt3A_388 : vector<16xi1>
      %select_n3A_390 = arith.select %and3A_389, %sub3A_382, %add3A_25 : vector<16xi1>, vector<16xi32>
      %swap3A_391 = arith.constant 112 : index
      %swap3A_392 = tpu.vector_load %arg11[%swap3A_391] {strides = array<i32>} : memref<128xi32, #tpu.memory_space<vmem>>, vector<16xi32>,
      tpu.vector_store %arg11[%swap3A_391], %select_n3A_390 {strides = array<i32>} : memref<128xi32, #tpu.memory_space<vmem>>, vector<16xi32>,
      %add3A_393 = arith.constant 3 : i32
      %add3A_394 = arith.addi %add3A_276, %add3A_393 : i32
      %lt3A_395 = arith.constant 156 : i32
      %lt3A_396 = arith.cmpi slt, %add3A_394, %lt3A_395 : i32
      %convert_element_type3A_397 = arith.extui %lt3A_396 : i1 to i32
      %cond3A_398 = arith.constant 0 : i32
      %cond3A_399 = arith.cmpi ne, %convert_element_type3A_397, %cond3A_398 : i32
      scf.if %cond3A_399 {
        %add3A_553 = arith.constant 3 : i32
        %add3A_554 = arith.addi %add3A_276, %add3A_553 : i32
        %mul3A_555 = arith.constant 20000 : i32
        %mul3A_556 = arith.muli %arg1, %mul3A_555 : i32
        %mul3A_557 = arith.constant 128 : i32
        %mul3A_558 = arith.muli %add3A_554, %mul3A_557 : i32
        %add3A_559 = arith.addi %mul3A_556, %mul3A_558 : i32
        %dma_start3A_560 = tpu.memref_slice %arg4[%add3A_559] : memref<320000xi32, #tpu.memory_space<hbm>> -> memref<128xi32, #tpu.memory_space<hbm>>
        %dma_start3A_561 = tpu.memref_slice %arg4[%add3A_559] : memref<320000xi32, #tpu.memory_space<hbm>> -> memref<128xi32, #tpu.memory_space<hbm>>
        tpu.enqueue_dma source(%dma_start3A_561 : memref<128xi32, #tpu.memory_space<hbm>>) target(%arg8 : memref<128xi32, #tpu.memory_space<vmem>>) target_semaphore(%arg22 : memref<!tpu.dma_semaphore, #tpu.memory_space<semaphore_mem>>)
      } else {
      }
      %dma_wait3A_400 = arith.constant 0 : i32
      %dma_wait3A_401 = arith.constant 0 : i32
      %dma_wait3A_402 = tpu.memref_slice %arg2[%dma_wait3A_400, %dma_wait3A_401] : memref<10000x128xf32, #tpu.memory_space<hbm>> -> memref<128x128xf32, #tpu.memory_space<hbm>>
      %dma_wait3A_403 = arith.constant 0 : i32
      %dma_wait3A_404 = arith.constant 0 : i32
      %dma_wait3A_405 = tpu.memref_slice %arg2[%dma_wait3A_403, %dma_wait3A_404] : memref<10000x128xf32, #tpu.memory_space<hbm>> -> memref<128x128xf32, #tpu.memory_space<hbm>>
      tpu.wait_dma2 semaphore(%arg25 : memref<!tpu.dma_semaphore, #tpu.memory_space<semaphore_mem>>) src(%dma_wait3A_405 : memref<128x128xf32, #tpu.memory_space<hbm>>) dst(%arg14 : memref<128x128xf32, #tpu.memory_space<vmem>>)
      "tpu.region"() ({
        %run_scoped3A = tpu.sem_alloc : memref<!tpu.dma_semaphore, #tpu.memory_space<semaphore_mem>>
        %dma_start3A_553 = arith.constant 0 : i32
        %dma_start3A_554 = arith.constant 0 : i32
        %dma_start3A_555 = tpu.memref_slice %arg20[%dma_start3A_553, %dma_start3A_554] : memref<5008x128xf32, #tpu.memory_space<vmem_shared>> -> memref<5008x128xf32, #tpu.memory_space<vmem_shared>>
        tpu.enqueue_indirect_dma source(%arg14 : memref<128x128xf32, #tpu.memory_space<vmem>>) target(%dma_start3A_555 : memref<5008x128xf32, #tpu.memory_space<vmem_shared>>) offsets(%arg11 : memref<128xi32, #tpu.memory_space<vmem>>) semaphore(%run_scoped3A : memref<!tpu.dma_semaphore, #tpu.memory_space<semaphore_mem>>) {add = true}
        %dma_wait3A_556 = arith.constant 0 : i32
        %dma_wait3A_557 = arith.constant 0 : i32
        %dma_wait3A_558 = tpu.memref_slice %arg20[%dma_wait3A_556, %dma_wait3A_557] : memref<5008x128xf32, #tpu.memory_space<vmem_shared>> -> memref<5008x128xf32, #tpu.memory_space<vmem_shared>>
        tpu.wait_indirect_dma semaphore(%run_scoped3A : memref<!tpu.dma_semaphore, #tpu.memory_space<semaphore_mem>>) src(%arg14 : memref<128x128xf32, #tpu.memory_space<vmem>>) dst(%dma_wait3A_558 : memref<5008x128xf32, #tpu.memory_space<vmem_shared>>)
        tpu.yield
      }) : () -> ()
      %add3A_406 = arith.constant 3 : i32
      %add3A_407 = arith.addi %add3A_276, %add3A_406 : i32
      %lt3A_408 = arith.constant 156 : i32
      %lt3A_409 = arith.cmpi slt, %add3A_407, %lt3A_408 : i32
      %convert_element_type3A_410 = arith.extui %lt3A_409 : i1 to i32
      %cond3A_411 = arith.constant 0 : i32
      %cond3A_412 = arith.cmpi ne, %convert_element_type3A_410, %cond3A_411 : i32
      scf.if %cond3A_412 {
        %add3A_553 = arith.constant 3 : i32
        %add3A_554 = arith.addi %add3A_276, %add3A_553 : i32
        %mul3A_555 = arith.constant 128 : i32
        %mul3A_556 = arith.muli %add3A_554, %mul3A_555 : i32
        %dma_start3A_557 = tpu.memref_slice %arg6[%mul3A_556] : memref<20000xi32, #tpu.memory_space<vmem>> -> memref<128xi32, #tpu.memory_space<vmem>>
        %dma_start3A_558 = arith.constant 0 : i32
        %dma_start3A_559 = arith.constant 0 : i32
        %dma_start3A_560 = tpu.memref_slice %arg2[%dma_start3A_558, %dma_start3A_559] : memref<10000x128xf32, #tpu.memory_space<hbm>> -> memref<10000x128xf32, #tpu.memory_space<hbm>>
        tpu.enqueue_indirect_dma source(%dma_start3A_560 : memref<10000x128xf32, #tpu.memory_space<hbm>>) target(%arg14 : memref<128x128xf32, #tpu.memory_space<vmem>>) offsets(%dma_start3A_557 : memref<128xi32, #tpu.memory_space<vmem>>) semaphore(%arg25 : memref<!tpu.dma_semaphore, #tpu.memory_space<semaphore_mem>>)
      } else {
      }
      %mul3A_413 = arith.constant 3 : i32
      %mul3A_414 = arith.muli %mul3A_413, %scan3A_132 : i32
      %add3A_415 = arith.constant 2 : i32
      %add3A_416 = arith.addi %mul3A_414, %add3A_415 : i32
      %dma_wait3A_417 = arith.constant 0 : i32
      %dma_wait3A_418 = tpu.memref_slice %arg4[%dma_wait3A_417] : memref<320000xi32, #tpu.memory_space<hbm>> -> memref<128xi32, #tpu.memory_space<hbm>>
      %dma_wait3A_419 = arith.constant 0 : i32
      %dma_wait3A_420 = tpu.memref_slice %arg4[%dma_wait3A_419] : memref<320000xi32, #tpu.memory_space<hbm>> -> memref<128xi32, #tpu.memory_space<hbm>>
      tpu.wait_dma2 semaphore(%arg23 : memref<!tpu.dma_semaphore, #tpu.memory_space<semaphore_mem>>) src(%dma_wait3A_420 : memref<128xi32, #tpu.memory_space<hbm>>) dst(%arg9 : memref<128xi32, #tpu.memory_space<vmem>>)
      %get3A_421 = arith.constant 0 : index
      %get3A_422 = tpu.vector_load %arg9[%get3A_421] {strides = array<i32>} : memref<128xi32, #tpu.memory_space<vmem>>, vector<16xi32>,
      %sub3A_423 = vector.broadcast %mul3A_20 : i32 to vector<16xi32>
      %sub3A_424 = arith.subi %get3A_422, %sub3A_423 : vector<16xi32>
      %ge3A_425 = arith.constant 0 : i32
      %ge3A_426 = vector.broadcast %ge3A_425 : i32 to vector<16xi32>
      %ge3A_427 = arith.cmpi sge, %sub3A_424, %ge3A_426 : vector<16xi32>
      %lt3A_428 = arith.constant 5000 : i32
      %lt3A_429 = vector.broadcast %lt3A_428 : i32 to vector<16xi32>
      %lt3A_430 = arith.cmpi slt, %sub3A_424, %lt3A_429 : vector<16xi32>
      %and3A_431 = arith.andi %ge3A_427, %lt3A_430 : vector<16xi1>
      %select_n3A_432 = arith.select %and3A_431, %sub3A_424, %add3A_25 : vector<16xi1>, vector<16xi32>
      %swap3A_433 = arith.constant 0 : index
      %swap3A_434 = tpu.vector_load %arg12[%swap3A_433] {strides = array<i32>} : memref<128xi32, #tpu.memory_space<vmem>>, vector<16xi32>,
      tpu.vector_store %arg12[%swap3A_433], %select_n3A_432 {strides = array<i32>} : memref<128xi32, #tpu.memory_space<vmem>>, vector<16xi32>,
      %get3A_435 = arith.constant 16 : index
      %get3A_436 = tpu.vector_load %arg9[%get3A_435] {strides = array<i32>} : memref<128xi32, #tpu.memory_space<vmem>>, vector<16xi32>,
      %sub3A_437 = vector.broadcast %mul3A_20 : i32 to vector<16xi32>
      %sub3A_438 = arith.subi %get3A_436, %sub3A_437 : vector<16xi32>
      %ge3A_439 = arith.constant 0 : i32
      %ge3A_440 = vector.broadcast %ge3A_439 : i32 to vector<16xi32>
      %ge3A_441 = arith.cmpi sge, %sub3A_438, %ge3A_440 : vector<16xi32>
      %lt3A_442 = arith.constant 5000 : i32
      %lt3A_443 = vector.broadcast %lt3A_442 : i32 to vector<16xi32>
      %lt3A_444 = arith.cmpi slt, %sub3A_438, %lt3A_443 : vector<16xi32>
      %and3A_445 = arith.andi %ge3A_441, %lt3A_444 : vector<16xi1>
      %select_n3A_446 = arith.select %and3A_445, %sub3A_438, %add3A_25 : vector<16xi1>, vector<16xi32>
      %swap3A_447 = arith.constant 16 : index
      %swap3A_448 = tpu.vector_load %arg12[%swap3A_447] {strides = array<i32>} : memref<128xi32, #tpu.memory_space<vmem>>, vector<16xi32>,
      tpu.vector_store %arg12[%swap3A_447], %select_n3A_446 {strides = array<i32>} : memref<128xi32, #tpu.memory_space<vmem>>, vector<16xi32>,
      %get3A_449 = arith.constant 32 : index
      %get3A_450 = tpu.vector_load %arg9[%get3A_449] {strides = array<i32>} : memref<128xi32, #tpu.memory_space<vmem>>, vector<16xi32>,
      %sub3A_451 = vector.broadcast %mul3A_20 : i32 to vector<16xi32>
      %sub3A_452 = arith.subi %get3A_450, %sub3A_451 : vector<16xi32>
      %ge3A_453 = arith.constant 0 : i32
      %ge3A_454 = vector.broadcast %ge3A_453 : i32 to vector<16xi32>
      %ge3A_455 = arith.cmpi sge, %sub3A_452, %ge3A_454 : vector<16xi32>
      %lt3A_456 = arith.constant 5000 : i32
      %lt3A_457 = vector.broadcast %lt3A_456 : i32 to vector<16xi32>
      %lt3A_458 = arith.cmpi slt, %sub3A_452, %lt3A_457 : vector<16xi32>
      %and3A_459 = arith.andi %ge3A_455, %lt3A_458 : vector<16xi1>
      %select_n3A_460 = arith.select %and3A_459, %sub3A_452, %add3A_25 : vector<16xi1>, vector<16xi32>
      %swap3A_461 = arith.constant 32 : index
      %swap3A_462 = tpu.vector_load %arg12[%swap3A_461] {strides = array<i32>} : memref<128xi32, #tpu.memory_space<vmem>>, vector<16xi32>,
      tpu.vector_store %arg12[%swap3A_461], %select_n3A_460 {strides = array<i32>} : memref<128xi32, #tpu.memory_space<vmem>>, vector<16xi32>,
      %get3A_463 = arith.constant 48 : index
      %get3A_464 = tpu.vector_load %arg9[%get3A_463] {strides = array<i32>} : memref<128xi32, #tpu.memory_space<vmem>>, vector<16xi32>,
      %sub3A_465 = vector.broadcast %mul3A_20 : i32 to vector<16xi32>
      %sub3A_466 = arith.subi %get3A_464, %sub3A_465 : vector<16xi32>
      %ge3A_467 = arith.constant 0 : i32
      %ge3A_468 = vector.broadcast %ge3A_467 : i32 to vector<16xi32>
      %ge3A_469 = arith.cmpi sge, %sub3A_466, %ge3A_468 : vector<16xi32>
      %lt3A_470 = arith.constant 5000 : i32
      %lt3A_471 = vector.broadcast %lt3A_470 : i32 to vector<16xi32>
      %lt3A_472 = arith.cmpi slt, %sub3A_466, %lt3A_471 : vector<16xi32>
      %and3A_473 = arith.andi %ge3A_469, %lt3A_472 : vector<16xi1>
      %select_n3A_474 = arith.select %and3A_473, %sub3A_466, %add3A_25 : vector<16xi1>, vector<16xi32>
      %swap3A_475 = arith.constant 48 : index
      %swap3A_476 = tpu.vector_load %arg12[%swap3A_475] {strides = array<i32>} : memref<128xi32, #tpu.memory_space<vmem>>, vector<16xi32>,
      tpu.vector_store %arg12[%swap3A_475], %select_n3A_474 {strides = array<i32>} : memref<128xi32, #tpu.memory_space<vmem>>, vector<16xi32>,
      %get3A_477 = arith.constant 64 : index
      %get3A_478 = tpu.vector_load %arg9[%get3A_477] {strides = array<i32>} : memref<128xi32, #tpu.memory_space<vmem>>, vector<16xi32>,
      %sub3A_479 = vector.broadcast %mul3A_20 : i32 to vector<16xi32>
      %sub3A_480 = arith.subi %get3A_478, %sub3A_479 : vector<16xi32>
      %ge3A_481 = arith.constant 0 : i32
      %ge3A_482 = vector.broadcast %ge3A_481 : i32 to vector<16xi32>
      %ge3A_483 = arith.cmpi sge, %sub3A_480, %ge3A_482 : vector<16xi32>
      %lt3A_484 = arith.constant 5000 : i32
      %lt3A_485 = vector.broadcast %lt3A_484 : i32 to vector<16xi32>
      %lt3A_486 = arith.cmpi slt, %sub3A_480, %lt3A_485 : vector<16xi32>
      %and3A_487 = arith.andi %ge3A_483, %lt3A_486 : vector<16xi1>
      %select_n3A_488 = arith.select %and3A_487, %sub3A_480, %add3A_25 : vector<16xi1>, vector<16xi32>
      %swap3A_489 = arith.constant 64 : index
      %swap3A_490 = tpu.vector_load %arg12[%swap3A_489] {strides = array<i32>} : memref<128xi32, #tpu.memory_space<vmem>>, vector<16xi32>,
      tpu.vector_store %arg12[%swap3A_489], %select_n3A_488 {strides = array<i32>} : memref<128xi32, #tpu.memory_space<vmem>>, vector<16xi32>,
      %get3A_491 = arith.constant 80 : index
      %get3A_492 = tpu.vector_load %arg9[%get3A_491] {strides = array<i32>} : memref<128xi32, #tpu.memory_space<vmem>>, vector<16xi32>,
      %sub3A_493 = vector.broadcast %mul3A_20 : i32 to vector<16xi32>
      %sub3A_494 = arith.subi %get3A_492, %sub3A_493 : vector<16xi32>
      %ge3A_495 = arith.constant 0 : i32
      %ge3A_496 = vector.broadcast %ge3A_495 : i32 to vector<16xi32>
      %ge3A_497 = arith.cmpi sge, %sub3A_494, %ge3A_496 : vector<16xi32>
      %lt3A_498 = arith.constant 5000 : i32
      %lt3A_499 = vector.broadcast %lt3A_498 : i32 to vector<16xi32>
      %lt3A_500 = arith.cmpi slt, %sub3A_494, %lt3A_499 : vector<16xi32>
      %and3A_501 = arith.andi %ge3A_497, %lt3A_500 : vector<16xi1>
      %select_n3A_502 = arith.select %and3A_501, %sub3A_494, %add3A_25 : vector<16xi1>, vector<16xi32>
      %swap3A_503 = arith.constant 80 : index
      %swap3A_504 = tpu.vector_load %arg12[%swap3A_503] {strides = array<i32>} : memref<128xi32, #tpu.memory_space<vmem>>, vector<16xi32>,
      tpu.vector_store %arg12[%swap3A_503], %select_n3A_502 {strides = array<i32>} : memref<128xi32, #tpu.memory_space<vmem>>, vector<16xi32>,
      %get3A_505 = arith.constant 96 : index
      %get3A_506 = tpu.vector_load %arg9[%get3A_505] {strides = array<i32>} : memref<128xi32, #tpu.memory_space<vmem>>, vector<16xi32>,
      %sub3A_507 = vector.broadcast %mul3A_20 : i32 to vector<16xi32>
      %sub3A_508 = arith.subi %get3A_506, %sub3A_507 : vector<16xi32>
      %ge3A_509 = arith.constant 0 : i32
      %ge3A_510 = vector.broadcast %ge3A_509 : i32 to vector<16xi32>
      %ge3A_511 = arith.cmpi sge, %sub3A_508, %ge3A_510 : vector<16xi32>
      %lt3A_512 = arith.constant 5000 : i32
      %lt3A_513 = vector.broadcast %lt3A_512 : i32 to vector<16xi32>
      %lt3A_514 = arith.cmpi slt, %sub3A_508, %lt3A_513 : vector<16xi32>
      %and3A_515 = arith.andi %ge3A_511, %lt3A_514 : vector<16xi1>
      %select_n3A_516 = arith.select %and3A_515, %sub3A_508, %add3A_25 : vector<16xi1>, vector<16xi32>
      %swap3A_517 = arith.constant 96 : index
      %swap3A_518 = tpu.vector_load %arg12[%swap3A_517] {strides = array<i32>} : memref<128xi32, #tpu.memory_space<vmem>>, vector<16xi32>,
      tpu.vector_store %arg12[%swap3A_517], %select_n3A_516 {strides = array<i32>} : memref<128xi32, #tpu.memory_space<vmem>>, vector<16xi32>,
      %get3A_519 = arith.constant 112 : index
      %get3A_520 = tpu.vector_load %arg9[%get3A_519] {strides = array<i32>} : memref<128xi32, #tpu.memory_space<vmem>>, vector<16xi32>,
      %sub3A_521 = vector.broadcast %mul3A_20 : i32 to vector<16xi32>
      %sub3A_522 = arith.subi %get3A_520, %sub3A_521 : vector<16xi32>
      %ge3A_523 = arith.constant 0 : i32
      %ge3A_524 = vector.broadcast %ge3A_523 : i32 to vector<16xi32>
      %ge3A_525 = arith.cmpi sge, %sub3A_522, %ge3A_524 : vector<16xi32>
      %lt3A_526 = arith.constant 5000 : i32
      %lt3A_527 = vector.broadcast %lt3A_526 : i32 to vector<16xi32>
      %lt3A_528 = arith.cmpi slt, %sub3A_522, %lt3A_527 : vector<16xi32>
      %and3A_529 = arith.andi %ge3A_525, %lt3A_528 : vector<16xi1>
      %select_n3A_530 = arith.select %and3A_529, %sub3A_522, %add3A_25 : vector<16xi1>, vector<16xi32>
      %swap3A_531 = arith.constant 112 : index
      %swap3A_532 = tpu.vector_load %arg12[%swap3A_531] {strides = array<i32>} : memref<128xi32, #tpu.memory_space<vmem>>, vector<16xi32>,
      tpu.vector_store %arg12[%swap3A_531], %select_n3A_530 {strides = array<i32>} : memref<128xi32, #tpu.memory_space<vmem>>, vector<16xi32>,
      %add3A_533 = arith.constant 3 : i32
      %add3A_534 = arith.addi %add3A_416, %add3A_533 : i32
      %lt3A_535 = arith.constant 156 : i32
      %lt3A_536 = arith.cmpi slt, %add3A_534, %lt3A_535 : i32
      %convert_element_type3A_537 = arith.extui %lt3A_536 : i1 to i32
      %cond3A_538 = arith.constant 0 : i32
      %cond3A_539 = arith.cmpi ne, %convert_element_type3A_537, %cond3A_538 : i32
      scf.if %cond3A_539 {
        %add3A_553 = arith.constant 3 : i32
        %add3A_554 = arith.addi %add3A_416, %add3A_553 : i32
        %mul3A_555 = arith.constant 20000 : i32
        %mul3A_556 = arith.muli %arg1, %mul3A_555 : i32
        %mul3A_557 = arith.constant 128 : i32
        %mul3A_558 = arith.muli %add3A_554, %mul3A_557 : i32
        %add3A_559 = arith.addi %mul3A_556, %mul3A_558 : i32
        %dma_start3A_560 = tpu.memref_slice %arg4[%add3A_559] : memref<320000xi32, #tpu.memory_space<hbm>> -> memref<128xi32, #tpu.memory_space<hbm>>
        %dma_start3A_561 = tpu.memref_slice %arg4[%add3A_559] : memref<320000xi32, #tpu.memory_space<hbm>> -> memref<128xi32, #tpu.memory_space<hbm>>
        tpu.enqueue_dma source(%dma_start3A_561 : memref<128xi32, #tpu.memory_space<hbm>>) target(%arg9 : memref<128xi32, #tpu.memory_space<vmem>>) target_semaphore(%arg23 : memref<!tpu.dma_semaphore, #tpu.memory_space<semaphore_mem>>)
      } else {
      }
      %dma_wait3A_540 = arith.constant 0 : i32
      %dma_wait3A_541 = arith.constant 0 : i32
      %dma_wait3A_542 = tpu.memref_slice %arg2[%dma_wait3A_540, %dma_wait3A_541] : memref<10000x128xf32, #tpu.memory_space<hbm>> -> memref<128x128xf32, #tpu.memory_space<hbm>>
      %dma_wait3A_543 = arith.constant 0 : i32
      %dma_wait3A_544 = arith.constant 0 : i32
      %dma_wait3A_545 = tpu.memref_slice %arg2[%dma_wait3A_543, %dma_wait3A_544] : memref<10000x128xf32, #tpu.memory_space<hbm>> -> memref<128x128xf32, #tpu.memory_space<hbm>>
      tpu.wait_dma2 semaphore(%arg26 : memref<!tpu.dma_semaphore, #tpu.memory_space<semaphore_mem>>) src(%dma_wait3A_545 : memref<128x128xf32, #tpu.memory_space<hbm>>) dst(%arg15 : memref<128x128xf32, #tpu.memory_space<vmem>>)
      "tpu.region"() ({
        %run_scoped3A = tpu.sem_alloc : memref<!tpu.dma_semaphore, #tpu.memory_space<semaphore_mem>>
        %dma_start3A_553 = arith.constant 0 : i32
        %dma_start3A_554 = arith.constant 0 : i32
        %dma_start3A_555 = tpu.memref_slice %arg20[%dma_start3A_553, %dma_start3A_554] : memref<5008x128xf32, #tpu.memory_space<vmem_shared>> -> memref<5008x128xf32, #tpu.memory_space<vmem_shared>>
        tpu.enqueue_indirect_dma source(%arg15 : memref<128x128xf32, #tpu.memory_space<vmem>>) target(%dma_start3A_555 : memref<5008x128xf32, #tpu.memory_space<vmem_shared>>) offsets(%arg12 : memref<128xi32, #tpu.memory_space<vmem>>) semaphore(%run_scoped3A : memref<!tpu.dma_semaphore, #tpu.memory_space<semaphore_mem>>) {add = true}
        %dma_wait3A_556 = arith.constant 0 : i32
        %dma_wait3A_557 = arith.constant 0 : i32
        %dma_wait3A_558 = tpu.memref_slice %arg20[%dma_wait3A_556, %dma_wait3A_557] : memref<5008x128xf32, #tpu.memory_space<vmem_shared>> -> memref<5008x128xf32, #tpu.memory_space<vmem_shared>>
        tpu.wait_indirect_dma semaphore(%run_scoped3A : memref<!tpu.dma_semaphore, #tpu.memory_space<semaphore_mem>>) src(%arg15 : memref<128x128xf32, #tpu.memory_space<vmem>>) dst(%dma_wait3A_558 : memref<5008x128xf32, #tpu.memory_space<vmem_shared>>)
        tpu.yield
      }) : () -> ()
      %add3A_546 = arith.constant 3 : i32
      %add3A_547 = arith.addi %add3A_416, %add3A_546 : i32
      %lt3A_548 = arith.constant 156 : i32
      %lt3A_549 = arith.cmpi slt, %add3A_547, %lt3A_548 : i32
      %convert_element_type3A_550 = arith.extui %lt3A_549 : i1 to i32
      %cond3A_551 = arith.constant 0 : i32
      %cond3A_552 = arith.cmpi ne, %convert_element_type3A_550, %cond3A_551 : i32
      scf.if %cond3A_552 {
        %add3A_553 = arith.constant 3 : i32
        %add3A_554 = arith.addi %add3A_416, %add3A_553 : i32
        %mul3A_555 = arith.constant 128 : i32
        %mul3A_556 = arith.muli %add3A_554, %mul3A_555 : i32
        %dma_start3A_557 = tpu.memref_slice %arg6[%mul3A_556] : memref<20000xi32, #tpu.memory_space<vmem>> -> memref<128xi32, #tpu.memory_space<vmem>>
        %dma_start3A_558 = arith.constant 0 : i32
        %dma_start3A_559 = arith.constant 0 : i32
        %dma_start3A_560 = tpu.memref_slice %arg2[%dma_start3A_558, %dma_start3A_559] : memref<10000x128xf32, #tpu.memory_space<hbm>> -> memref<10000x128xf32, #tpu.memory_space<hbm>>
        tpu.enqueue_indirect_dma source(%dma_start3A_560 : memref<10000x128xf32, #tpu.memory_space<hbm>>) target(%arg15 : memref<128x128xf32, #tpu.memory_space<vmem>>) offsets(%dma_start3A_557 : memref<128xi32, #tpu.memory_space<vmem>>) semaphore(%arg26 : memref<!tpu.dma_semaphore, #tpu.memory_space<semaphore_mem>>)
      } else {
      }
    }
    %scan3A_63 = arith.constant 52 : i32
    %mul3A_64 = arith.constant 20000 : i32
    %mul3A_65 = arith.muli %arg1, %mul3A_64 : i32
    %add3A_66 = arith.constant 19968 : i32
    %add3A_67 = arith.addi %mul3A_65, %add3A_66 : i32
    "tpu.region"() ({
      %run_scoped3A = tpu.sem_alloc : memref<!tpu.dma_semaphore, #tpu.memory_space<semaphore_mem>>
      %dma_start3A_132 = tpu.memref_slice %arg4[%add3A_67] : memref<320000xi32, #tpu.memory_space<hbm>> -> memref<32xi32, #tpu.memory_space<hbm>>
      %dma_start3A_133 = tpu.memref_slice %arg4[%add3A_67] : memref<320000xi32, #tpu.memory_space<hbm>> -> memref<32xi32, #tpu.memory_space<hbm>>
      tpu.enqueue_dma source(%dma_start3A_133 : memref<32xi32, #tpu.memory_space<hbm>>) target(%arg16 : memref<32xi32, #tpu.memory_space<vmem>>) target_semaphore(%run_scoped3A : memref<!tpu.dma_semaphore, #tpu.memory_space<semaphore_mem>>)
      %dma_wait3A_134 = tpu.memref_slice %arg4[%add3A_67] : memref<320000xi32, #tpu.memory_space<hbm>> -> memref<32xi32, #tpu.memory_space<hbm>>
      %dma_wait3A_135 = tpu.memref_slice %arg4[%add3A_67] : memref<320000xi32, #tpu.memory_space<hbm>> -> memref<32xi32, #tpu.memory_space<hbm>>
      tpu.wait_dma2 semaphore(%run_scoped3A : memref<!tpu.dma_semaphore, #tpu.memory_space<semaphore_mem>>) src(%dma_wait3A_135 : memref<32xi32, #tpu.memory_space<hbm>>) dst(%arg16 : memref<32xi32, #tpu.memory_space<vmem>>)
      tpu.yield
    }) : () -> ()
    %get3A = arith.constant 0 : index
    %get3A_68 = tpu.vector_load %arg16[%get3A] {strides = array<i32>} : memref<32xi32, #tpu.memory_space<vmem>>, vector<16xi32>,
    %sub3A = vector.broadcast %mul3A_20 : i32 to vector<16xi32>
    %sub3A_69 = arith.subi %get3A_68, %sub3A : vector<16xi32>
    %ge3A = arith.constant 0 : i32
    %ge3A_70 = vector.broadcast %ge3A : i32 to vector<16xi32>
    %ge3A_71 = arith.cmpi sge, %sub3A_69, %ge3A_70 : vector<16xi32>
    %lt3A = arith.constant 5000 : i32
    %lt3A_72 = vector.broadcast %lt3A : i32 to vector<16xi32>
    %lt3A_73 = arith.cmpi slt, %sub3A_69, %lt3A_72 : vector<16xi32>
    %and3A_74 = arith.andi %ge3A_71, %lt3A_73 : vector<16xi1>
    %select_n3A = arith.select %and3A_74, %sub3A_69, %add3A_25 : vector<16xi1>, vector<16xi32>
    %swap3A = arith.constant 0 : index
    %swap3A_75 = tpu.vector_load %arg17[%swap3A] {strides = array<i32>} : memref<32xi32, #tpu.memory_space<vmem>>, vector<16xi32>,
    tpu.vector_store %arg17[%swap3A], %select_n3A {strides = array<i32>} : memref<32xi32, #tpu.memory_space<vmem>>, vector<16xi32>,
    %get3A_76 = arith.constant 16 : index
    %get3A_77 = tpu.vector_load %arg16[%get3A_76] {strides = array<i32>} : memref<32xi32, #tpu.memory_space<vmem>>, vector<16xi32>,
    %sub3A_78 = vector.broadcast %mul3A_20 : i32 to vector<16xi32>
    %sub3A_79 = arith.subi %get3A_77, %sub3A_78 : vector<16xi32>
    %ge3A_80 = arith.constant 0 : i32
    %ge3A_81 = vector.broadcast %ge3A_80 : i32 to vector<16xi32>
    %ge3A_82 = arith.cmpi sge, %sub3A_79, %ge3A_81 : vector<16xi32>
    %lt3A_83 = arith.constant 5000 : i32
    %lt3A_84 = vector.broadcast %lt3A_83 : i32 to vector<16xi32>
    %lt3A_85 = arith.cmpi slt, %sub3A_79, %lt3A_84 : vector<16xi32>
    %and3A_86 = arith.andi %ge3A_82, %lt3A_85 : vector<16xi1>
    %select_n3A_87 = arith.select %and3A_86, %sub3A_79, %add3A_25 : vector<16xi1>, vector<16xi32>
    %swap3A_88 = arith.constant 16 : index
    %swap3A_89 = tpu.vector_load %arg17[%swap3A_88] {strides = array<i32>} : memref<32xi32, #tpu.memory_space<vmem>>, vector<16xi32>,
    tpu.vector_store %arg17[%swap3A_88], %select_n3A_87 {strides = array<i32>} : memref<32xi32, #tpu.memory_space<vmem>>, vector<16xi32>,
    %dma_start3A_90 = arith.constant 19968 : i32
    %dma_start3A_91 = tpu.memref_slice %arg6[%dma_start3A_90] : memref<20000xi32, #tpu.memory_space<vmem>> -> memref<32xi32, #tpu.memory_space<vmem>>
    %dma_start3A_92 = arith.constant 0 : i32
    %dma_start3A_93 = arith.constant 0 : i32
    %dma_start3A_94 = tpu.memref_slice %arg2[%dma_start3A_92, %dma_start3A_93] : memref<10000x128xf32, #tpu.memory_space<hbm>> -> memref<10000x128xf32, #tpu.memory_space<hbm>>
    tpu.enqueue_indirect_dma source(%dma_start3A_94 : memref<10000x128xf32, #tpu.memory_space<hbm>>) target(%arg18 : memref<32x128xf32, #tpu.memory_space<vmem>>) offsets(%dma_start3A_91 : memref<32xi32, #tpu.memory_space<vmem>>) semaphore(%arg24 : memref<!tpu.dma_semaphore, #tpu.memory_space<semaphore_mem>>)
    %dma_wait3A = arith.constant 19968 : i32
    %dma_wait3A_95 = tpu.memref_slice %arg6[%dma_wait3A] : memref<20000xi32, #tpu.memory_space<vmem>> -> memref<32xi32, #tpu.memory_space<vmem>>
    %dma_wait3A_96 = arith.constant 0 : i32
    %dma_wait3A_97 = arith.constant 0 : i32
    %dma_wait3A_98 = tpu.memref_slice %arg2[%dma_wait3A_96, %dma_wait3A_97] : memref<10000x128xf32, #tpu.memory_space<hbm>> -> memref<10000x128xf32, #tpu.memory_space<hbm>>
    tpu.wait_indirect_dma semaphore(%arg24 : memref<!tpu.dma_semaphore, #tpu.memory_space<semaphore_mem>>) src(%dma_wait3A_98 : memref<10000x128xf32, #tpu.memory_space<hbm>>) dst(%arg18 : memref<32x128xf32, #tpu.memory_space<vmem>>)
    "tpu.region"() ({
      %run_scoped3A = tpu.sem_alloc : memref<!tpu.dma_semaphore, #tpu.memory_space<semaphore_mem>>
      %dma_start3A_132 = arith.constant 0 : i32
      %dma_start3A_133 = arith.constant 0 : i32
      %dma_start3A_134 = tpu.memref_slice %arg20[%dma_start3A_132, %dma_start3A_133] : memref<5008x128xf32, #tpu.memory_space<vmem_shared>> -> memref<5008x128xf32, #tpu.memory_space<vmem_shared>>
      tpu.enqueue_indirect_dma source(%arg18 : memref<32x128xf32, #tpu.memory_space<vmem>>) target(%dma_start3A_134 : memref<5008x128xf32, #tpu.memory_space<vmem_shared>>) offsets(%arg17 : memref<32xi32, #tpu.memory_space<vmem>>) semaphore(%run_scoped3A : memref<!tpu.dma_semaphore, #tpu.memory_space<semaphore_mem>>) {add = true}
      %dma_wait3A_135 = arith.constant 0 : i32
      %dma_wait3A_136 = arith.constant 0 : i32
      %dma_wait3A_137 = tpu.memref_slice %arg20[%dma_wait3A_135, %dma_wait3A_136] : memref<5008x128xf32, #tpu.memory_space<vmem_shared>> -> memref<5008x128xf32, #tpu.memory_space<vmem_shared>>
      tpu.wait_indirect_dma semaphore(%run_scoped3A : memref<!tpu.dma_semaphore, #tpu.memory_space<semaphore_mem>>) src(%arg18 : memref<32x128xf32, #tpu.memory_space<vmem>>) dst(%dma_wait3A_137 : memref<5008x128xf32, #tpu.memory_space<vmem_shared>>)
      tpu.yield
    }) : () -> ()
    %barrier3A_99 = arith.constant 0 : index
    tpu.barrier barrier_id(%barrier3A_99)
    %mul3A_100 = arith.constant 312 : i32
    %mul3A_101 = arith.muli %arg1, %mul3A_100 : i32
    %add3A_102 = arith.constant 0 : i32
    %add3A_103 = arith.addi %mul3A_101, %add3A_102 : i32
    "tpu.region"() ({
      %run_scoped3A = tpu.sem_alloc : memref<!tpu.dma_semaphore, #tpu.memory_space<semaphore_mem>>
      %dma_start3A_132 = arith.constant 0 : i32
      %dma_start3A_133 = tpu.memref_slice %arg20[%add3A_103, %dma_start3A_132] : memref<5008x128xf32, #tpu.memory_space<vmem_shared>> -> memref<104x128xf32, #tpu.memory_space<vmem_shared>>
      %dma_start3A_134 = arith.constant 0 : i32
      %dma_start3A_135 = tpu.memref_slice %arg20[%add3A_103, %dma_start3A_134] : memref<5008x128xf32, #tpu.memory_space<vmem_shared>> -> memref<104x128xf32, #tpu.memory_space<vmem_shared>>
      tpu.enqueue_dma source(%dma_start3A_135 : memref<104x128xf32, #tpu.memory_space<vmem_shared>>) target(%arg19 : memref<104x128xf32, #tpu.memory_space<vmem>>) target_semaphore(%run_scoped3A : memref<!tpu.dma_semaphore, #tpu.memory_space<semaphore_mem>>)
      %dma_wait3A_136 = arith.constant 0 : i32
      %dma_wait3A_137 = tpu.memref_slice %arg20[%add3A_103, %dma_wait3A_136] : memref<5008x128xf32, #tpu.memory_space<vmem_shared>> -> memref<104x128xf32, #tpu.memory_space<vmem_shared>>
      %dma_wait3A_138 = arith.constant 0 : i32
      %dma_wait3A_139 = tpu.memref_slice %arg20[%add3A_103, %dma_wait3A_138] : memref<5008x128xf32, #tpu.memory_space<vmem_shared>> -> memref<104x128xf32, #tpu.memory_space<vmem_shared>>
      tpu.wait_dma2 semaphore(%run_scoped3A : memref<!tpu.dma_semaphore, #tpu.memory_space<semaphore_mem>>) src(%dma_wait3A_139 : memref<104x128xf32, #tpu.memory_space<vmem_shared>>) dst(%arg19 : memref<104x128xf32, #tpu.memory_space<vmem>>)
      tpu.yield
    }) : () -> ()
    %mul3A_104 = arith.constant 312 : i32
    %mul3A_105 = arith.muli %arg1, %mul3A_104 : i32
    %add3A_106 = arith.addi %mul3A_20, %mul3A_105 : i32
    %add3A_107 = arith.constant 0 : i32
    %add3A_108 = arith.addi %add3A_106, %add3A_107 : i32
    "tpu.region"() ({
      %run_scoped3A = tpu.sem_alloc : memref<!tpu.dma_semaphore, #tpu.memory_space<semaphore_mem>>
      %dma_start3A_132 = arith.constant 0 : i32
      %dma_start3A_133 = tpu.memref_slice %arg5[%add3A_108, %dma_start3A_132] : memref<10000x128xf32, #tpu.memory_space<hbm>> -> memref<104x128xf32, #tpu.memory_space<hbm>>
      %dma_start3A_134 = arith.constant 0 : i32
      %dma_start3A_135 = tpu.memref_slice %arg5[%add3A_108, %dma_start3A_134] : memref<10000x128xf32, #tpu.memory_space<hbm>> -> memref<104x128xf32, #tpu.memory_space<hbm>>
      tpu.enqueue_dma source(%arg19 : memref<104x128xf32, #tpu.memory_space<vmem>>) target(%dma_start3A_135 : memref<104x128xf32, #tpu.memory_space<hbm>>) target_semaphore(%run_scoped3A : memref<!tpu.dma_semaphore, #tpu.memory_space<semaphore_mem>>)
      %dma_wait3A_136 = arith.constant 0 : i32
      %dma_wait3A_137 = tpu.memref_slice %arg5[%add3A_108, %dma_wait3A_136] : memref<10000x128xf32, #tpu.memory_space<hbm>> -> memref<104x128xf32, #tpu.memory_space<hbm>>
      %dma_wait3A_138 = arith.constant 0 : i32
      %dma_wait3A_139 = tpu.memref_slice %arg5[%add3A_108, %dma_wait3A_138] : memref<10000x128xf32, #tpu.memory_space<hbm>> -> memref<104x128xf32, #tpu.memory_space<hbm>>
      tpu.wait_dma2 semaphore(%run_scoped3A : memref<!tpu.dma_semaphore, #tpu.memory_space<semaphore_mem>>) src(%arg19 : memref<104x128xf32, #tpu.memory_space<vmem>>) dst(%dma_wait3A_139 : memref<104x128xf32, #tpu.memory_space<hbm>>)
      tpu.yield
    }) : () -> ()
    %mul3A_109 = arith.constant 312 : i32
    %mul3A_110 = arith.muli %arg1, %mul3A_109 : i32
    %add3A_111 = arith.constant 104 : i32
    %add3A_112 = arith.addi %mul3A_110, %add3A_111 : i32
    "tpu.region"() ({
      %run_scoped3A = tpu.sem_alloc : memref<!tpu.dma_semaphore, #tpu.memory_space<semaphore_mem>>
      %dma_start3A_132 = arith.constant 0 : i32
      %dma_start3A_133 = tpu.memref_slice %arg20[%add3A_112, %dma_start3A_132] : memref<5008x128xf32, #tpu.memory_space<vmem_shared>> -> memref<104x128xf32, #tpu.memory_space<vmem_shared>>
      %dma_start3A_134 = arith.constant 0 : i32
      %dma_start3A_135 = tpu.memref_slice %arg20[%add3A_112, %dma_start3A_134] : memref<5008x128xf32, #tpu.memory_space<vmem_shared>> -> memref<104x128xf32, #tpu.memory_space<vmem_shared>>
      tpu.enqueue_dma source(%dma_start3A_135 : memref<104x128xf32, #tpu.memory_space<vmem_shared>>) target(%arg19 : memref<104x128xf32, #tpu.memory_space<vmem>>) target_semaphore(%run_scoped3A : memref<!tpu.dma_semaphore, #tpu.memory_space<semaphore_mem>>)
      %dma_wait3A_136 = arith.constant 0 : i32
      %dma_wait3A_137 = tpu.memref_slice %arg20[%add3A_112, %dma_wait3A_136] : memref<5008x128xf32, #tpu.memory_space<vmem_shared>> -> memref<104x128xf32, #tpu.memory_space<vmem_shared>>
      %dma_wait3A_138 = arith.constant 0 : i32
      %dma_wait3A_139 = tpu.memref_slice %arg20[%add3A_112, %dma_wait3A_138] : memref<5008x128xf32, #tpu.memory_space<vmem_shared>> -> memref<104x128xf32, #tpu.memory_space<vmem_shared>>
      tpu.wait_dma2 semaphore(%run_scoped3A : memref<!tpu.dma_semaphore, #tpu.memory_space<semaphore_mem>>) src(%dma_wait3A_139 : memref<104x128xf32, #tpu.memory_space<vmem_shared>>) dst(%arg19 : memref<104x128xf32, #tpu.memory_space<vmem>>)
      tpu.yield
    }) : () -> ()
    %mul3A_113 = arith.constant 312 : i32
    %mul3A_114 = arith.muli %arg1, %mul3A_113 : i32
    %add3A_115 = arith.addi %mul3A_20, %mul3A_114 : i32
    %add3A_116 = arith.constant 104 : i32
    %add3A_117 = arith.addi %add3A_115, %add3A_116 : i32
    "tpu.region"() ({
      %run_scoped3A = tpu.sem_alloc : memref<!tpu.dma_semaphore, #tpu.memory_space<semaphore_mem>>
      %dma_start3A_132 = arith.constant 0 : i32
      %dma_start3A_133 = tpu.memref_slice %arg5[%add3A_117, %dma_start3A_132] : memref<10000x128xf32, #tpu.memory_space<hbm>> -> memref<104x128xf32, #tpu.memory_space<hbm>>
      %dma_start3A_134 = arith.constant 0 : i32
      %dma_start3A_135 = tpu.memref_slice %arg5[%add3A_117, %dma_start3A_134] : memref<10000x128xf32, #tpu.memory_space<hbm>> -> memref<104x128xf32, #tpu.memory_space<hbm>>
      tpu.enqueue_dma source(%arg19 : memref<104x128xf32, #tpu.memory_space<vmem>>) target(%dma_start3A_135 : memref<104x128xf32, #tpu.memory_space<hbm>>) target_semaphore(%run_scoped3A : memref<!tpu.dma_semaphore, #tpu.memory_space<semaphore_mem>>)
      %dma_wait3A_136 = arith.constant 0 : i32
      %dma_wait3A_137 = tpu.memref_slice %arg5[%add3A_117, %dma_wait3A_136] : memref<10000x128xf32, #tpu.memory_space<hbm>> -> memref<104x128xf32, #tpu.memory_space<hbm>>
      %dma_wait3A_138 = arith.constant 0 : i32
      %dma_wait3A_139 = tpu.memref_slice %arg5[%add3A_117, %dma_wait3A_138] : memref<10000x128xf32, #tpu.memory_space<hbm>> -> memref<104x128xf32, #tpu.memory_space<hbm>>
      tpu.wait_dma2 semaphore(%run_scoped3A : memref<!tpu.dma_semaphore, #tpu.memory_space<semaphore_mem>>) src(%arg19 : memref<104x128xf32, #tpu.memory_space<vmem>>) dst(%dma_wait3A_139 : memref<104x128xf32, #tpu.memory_space<hbm>>)
      tpu.yield
    }) : () -> ()
    %mul3A_118 = arith.constant 312 : i32
    %mul3A_119 = arith.muli %arg1, %mul3A_118 : i32
    %add3A_120 = arith.constant 208 : i32
    %add3A_121 = arith.addi %mul3A_119, %add3A_120 : i32
    "tpu.region"() ({
      %run_scoped3A = tpu.sem_alloc : memref<!tpu.dma_semaphore, #tpu.memory_space<semaphore_mem>>
      %dma_start3A_132 = arith.constant 0 : i32
      %dma_start3A_133 = tpu.memref_slice %arg20[%add3A_121, %dma_start3A_132] : memref<5008x128xf32, #tpu.memory_space<vmem_shared>> -> memref<104x128xf32, #tpu.memory_space<vmem_shared>>
      %dma_start3A_134 = arith.constant 0 : i32
      %dma_start3A_135 = tpu.memref_slice %arg20[%add3A_121, %dma_start3A_134] : memref<5008x128xf32, #tpu.memory_space<vmem_shared>> -> memref<104x128xf32, #tpu.memory_space<vmem_shared>>
      tpu.enqueue_dma source(%dma_start3A_135 : memref<104x128xf32, #tpu.memory_space<vmem_shared>>) target(%arg19 : memref<104x128xf32, #tpu.memory_space<vmem>>) target_semaphore(%run_scoped3A : memref<!tpu.dma_semaphore, #tpu.memory_space<semaphore_mem>>)
      %dma_wait3A_136 = arith.constant 0 : i32
      %dma_wait3A_137 = tpu.memref_slice %arg20[%add3A_121, %dma_wait3A_136] : memref<5008x128xf32, #tpu.memory_space<vmem_shared>> -> memref<104x128xf32, #tpu.memory_space<vmem_shared>>
      %dma_wait3A_138 = arith.constant 0 : i32
      %dma_wait3A_139 = tpu.memref_slice %arg20[%add3A_121, %dma_wait3A_138] : memref<5008x128xf32, #tpu.memory_space<vmem_shared>> -> memref<104x128xf32, #tpu.memory_space<vmem_shared>>
      tpu.wait_dma2 semaphore(%run_scoped3A : memref<!tpu.dma_semaphore, #tpu.memory_space<semaphore_mem>>) src(%dma_wait3A_139 : memref<104x128xf32, #tpu.memory_space<vmem_shared>>) dst(%arg19 : memref<104x128xf32, #tpu.memory_space<vmem>>)
      tpu.yield
    }) : () -> ()
    %mul3A_122 = arith.constant 312 : i32
    %mul3A_123 = arith.muli %arg1, %mul3A_122 : i32
    %add3A_124 = arith.addi %mul3A_20, %mul3A_123 : i32
    %add3A_125 = arith.constant 208 : i32
    %add3A_126 = arith.addi %add3A_124, %add3A_125 : i32
    "tpu.region"() ({
      %run_scoped3A = tpu.sem_alloc : memref<!tpu.dma_semaphore, #tpu.memory_space<semaphore_mem>>
      %dma_start3A_132 = arith.constant 0 : i32
      %dma_start3A_133 = tpu.memref_slice %arg5[%add3A_126, %dma_start3A_132] : memref<10000x128xf32, #tpu.memory_space<hbm>> -> memref<104x128xf32, #tpu.memory_space<hbm>>
      %dma_start3A_134 = arith.constant 0 : i32
      %dma_start3A_135 = tpu.memref_slice %arg5[%add3A_126, %dma_start3A_134] : memref<10000x128xf32, #tpu.memory_space<hbm>> -> memref<104x128xf32, #tpu.memory_space<hbm>>
      tpu.enqueue_dma source(%arg19 : memref<104x128xf32, #tpu.memory_space<vmem>>) target(%dma_start3A_135 : memref<104x128xf32, #tpu.memory_space<hbm>>) target_semaphore(%run_scoped3A : memref<!tpu.dma_semaphore, #tpu.memory_space<semaphore_mem>>)
      %dma_wait3A_136 = arith.constant 0 : i32
      %dma_wait3A_137 = tpu.memref_slice %arg5[%add3A_126, %dma_wait3A_136] : memref<10000x128xf32, #tpu.memory_space<hbm>> -> memref<104x128xf32, #tpu.memory_space<hbm>>
      %dma_wait3A_138 = arith.constant 0 : i32
      %dma_wait3A_139 = tpu.memref_slice %arg5[%add3A_126, %dma_wait3A_138] : memref<10000x128xf32, #tpu.memory_space<hbm>> -> memref<104x128xf32, #tpu.memory_space<hbm>>
      tpu.wait_dma2 semaphore(%run_scoped3A : memref<!tpu.dma_semaphore, #tpu.memory_space<semaphore_mem>>) src(%arg19 : memref<104x128xf32, #tpu.memory_space<vmem>>) dst(%dma_wait3A_139 : memref<104x128xf32, #tpu.memory_space<hbm>>)
      tpu.yield
    }) : () -> ()
    %eq3A_127 = arith.constant 15 : i32
    %eq3A_128 = arith.cmpi eq, %arg1, %eq3A_127 : i32
    %convert_element_type3A_129 = arith.extui %eq3A_128 : i1 to i32
    %cond3A_130 = arith.constant 0 : i32
    %cond3A_131 = arith.cmpi ne, %convert_element_type3A_129, %cond3A_130 : i32
    scf.if %cond3A_131 {
      "tpu.region"() ({
        %run_scoped3A = tpu.sem_alloc : memref<!tpu.dma_semaphore, #tpu.memory_space<semaphore_mem>>
        %dma_start3A_134 = arith.constant 0 : i32
        %dma_start3A_135 = arith.constant 0 : i32
        %dma_start3A_136 = tpu.memref_slice %arg19[%dma_start3A_134, %dma_start3A_135] : memref<104x128xf32, #tpu.memory_space<vmem>> -> memref<8x128xf32, #tpu.memory_space<vmem>>
        %dma_start3A_137 = arith.constant 4992 : i32
        %dma_start3A_138 = arith.constant 0 : i32
        %dma_start3A_139 = tpu.memref_slice %arg20[%dma_start3A_137, %dma_start3A_138] : memref<5008x128xf32, #tpu.memory_space<vmem_shared>> -> memref<8x128xf32, #tpu.memory_space<vmem_shared>>
        %dma_start3A_140 = arith.constant 0 : i32
        %dma_start3A_141 = arith.constant 0 : i32
        %dma_start3A_142 = tpu.memref_slice %arg19[%dma_start3A_140, %dma_start3A_141] : memref<104x128xf32, #tpu.memory_space<vmem>> -> memref<8x128xf32, #tpu.memory_space<vmem>>
        %dma_start3A_143 = arith.constant 4992 : i32
        %dma_start3A_144 = arith.constant 0 : i32
        %dma_start3A_145 = tpu.memref_slice %arg20[%dma_start3A_143, %dma_start3A_144] : memref<5008x128xf32, #tpu.memory_space<vmem_shared>> -> memref<8x128xf32, #tpu.memory_space<vmem_shared>>
        tpu.enqueue_dma source(%dma_start3A_145 : memref<8x128xf32, #tpu.memory_space<vmem_shared>>) target(%dma_start3A_142 : memref<8x128xf32, #tpu.memory_space<vmem>>) target_semaphore(%run_scoped3A : memref<!tpu.dma_semaphore, #tpu.memory_space<semaphore_mem>>)
        %dma_wait3A_146 = arith.constant 0 : i32
        %dma_wait3A_147 = arith.constant 0 : i32
        %dma_wait3A_148 = tpu.memref_slice %arg19[%dma_wait3A_146, %dma_wait3A_147] : memref<104x128xf32, #tpu.memory_space<vmem>> -> memref<8x128xf32, #tpu.memory_space<vmem>>
        %dma_wait3A_149 = arith.constant 4992 : i32
        %dma_wait3A_150 = arith.constant 0 : i32
        %dma_wait3A_151 = tpu.memref_slice %arg20[%dma_wait3A_149, %dma_wait3A_150] : memref<5008x128xf32, #tpu.memory_space<vmem_shared>> -> memref<8x128xf32, #tpu.memory_space<vmem_shared>>
        %dma_wait3A_152 = arith.constant 0 : i32
        %dma_wait3A_153 = arith.constant 0 : i32
        %dma_wait3A_154 = tpu.memref_slice %arg19[%dma_wait3A_152, %dma_wait3A_153] : memref<104x128xf32, #tpu.memory_space<vmem>> -> memref<8x128xf32, #tpu.memory_space<vmem>>
        %dma_wait3A_155 = arith.constant 4992 : i32
        %dma_wait3A_156 = arith.constant 0 : i32
        %dma_wait3A_157 = tpu.memref_slice %arg20[%dma_wait3A_155, %dma_wait3A_156] : memref<5008x128xf32, #tpu.memory_space<vmem_shared>> -> memref<8x128xf32, #tpu.memory_space<vmem_shared>>
        tpu.wait_dma2 semaphore(%run_scoped3A : memref<!tpu.dma_semaphore, #tpu.memory_space<semaphore_mem>>) src(%dma_wait3A_157 : memref<8x128xf32, #tpu.memory_space<vmem_shared>>) dst(%dma_wait3A_154 : memref<8x128xf32, #tpu.memory_space<vmem>>)
        tpu.yield
      }) : () -> ()
      %add3A_132 = arith.constant 4992 : i32
      %add3A_133 = arith.addi %mul3A_20, %add3A_132 : i32
      "tpu.region"() ({
        %run_scoped3A = tpu.sem_alloc : memref<!tpu.dma_semaphore, #tpu.memory_space<semaphore_mem>>
        %dma_start3A_134 = arith.constant 0 : i32
        %dma_start3A_135 = arith.constant 0 : i32
        %dma_start3A_136 = tpu.memref_slice %arg19[%dma_start3A_134, %dma_start3A_135] : memref<104x128xf32, #tpu.memory_space<vmem>> -> memref<8x128xf32, #tpu.memory_space<vmem>>
        %dma_start3A_137 = arith.constant 0 : i32
        %dma_start3A_138 = tpu.memref_slice %arg5[%add3A_133, %dma_start3A_137] : memref<10000x128xf32, #tpu.memory_space<hbm>> -> memref<8x128xf32, #tpu.memory_space<hbm>>
        %dma_start3A_139 = arith.constant 0 : i32
        %dma_start3A_140 = tpu.memref_slice %arg5[%add3A_133, %dma_start3A_139] : memref<10000x128xf32, #tpu.memory_space<hbm>> -> memref<8x128xf32, #tpu.memory_space<hbm>>
        %dma_start3A_141 = arith.constant 0 : i32
        %dma_start3A_142 = arith.constant 0 : i32
        %dma_start3A_143 = tpu.memref_slice %arg19[%dma_start3A_141, %dma_start3A_142] : memref<104x128xf32, #tpu.memory_space<vmem>> -> memref<8x128xf32, #tpu.memory_space<vmem>>
        tpu.enqueue_dma source(%dma_start3A_143 : memref<8x128xf32, #tpu.memory_space<vmem>>) target(%dma_start3A_140 : memref<8x128xf32, #tpu.memory_space<hbm>>) target_semaphore(%run_scoped3A : memref<!tpu.dma_semaphore, #tpu.memory_space<semaphore_mem>>)
        %dma_wait3A_144 = arith.constant 0 : i32
        %dma_wait3A_145 = arith.constant 0 : i32
        %dma_wait3A_146 = tpu.memref_slice %arg19[%dma_wait3A_144, %dma_wait3A_145] : memref<104x128xf32, #tpu.memory_space<vmem>> -> memref<8x128xf32, #tpu.memory_space<vmem>>
        %dma_wait3A_147 = arith.constant 0 : i32
        %dma_wait3A_148 = tpu.memref_slice %arg5[%add3A_133, %dma_wait3A_147] : memref<10000x128xf32, #tpu.memory_space<hbm>> -> memref<8x128xf32, #tpu.memory_space<hbm>>
        %dma_wait3A_149 = arith.constant 0 : i32
        %dma_wait3A_150 = tpu.memref_slice %arg5[%add3A_133, %dma_wait3A_149] : memref<10000x128xf32, #tpu.memory_space<hbm>> -> memref<8x128xf32, #tpu.memory_space<hbm>>
        %dma_wait3A_151 = arith.constant 0 : i32
        %dma_wait3A_152 = arith.constant 0 : i32
        %dma_wait3A_153 = tpu.memref_slice %arg19[%dma_wait3A_151, %dma_wait3A_152] : memref<104x128xf32, #tpu.memory_space<vmem>> -> memref<8x128xf32, #tpu.memory_space<vmem>>
        tpu.wait_dma2 semaphore(%run_scoped3A : memref<!tpu.dma_semaphore, #tpu.memory_space<semaphore_mem>>) src(%dma_wait3A_153 : memref<8x128xf32, #tpu.memory_space<vmem>>) dst(%dma_wait3A_150 : memref<8x128xf32, #tpu.memory_space<hbm>>)
        tpu.yield
      }) : () -> ()
    } else {
    }
    return
  }
}

#map = affine_map<(d0, d1) -> (0, 0)>
#map1 = affine_map<(d0, d1) -> (0)>
module attributes {stable_mosaic.version = 14 : i64} {
  func.func @_seg_body(%arg0: i32, %arg1: i32, %arg2: memref<10000x128xf32, #tpu.memory_space<hbm>>, %arg3: memref<320000xi32, #tpu.memory_space<hbm>>, %arg4: memref<320000xi32, #tpu.memory_space<hbm>>, %arg5: memref<10000x128xf32, #tpu.memory_space<hbm>>, %arg6: memref<20000xi32, #tpu.memory_space<vmem>>, %arg7: memref<128xi32, #tpu.memory_space<vmem>>, %arg8: memref<128xi32, #tpu.memory_space<vmem>>, %arg9: memref<128xi32, #tpu.memory_space<vmem>>, %arg10: memref<128xi32, #tpu.memory_space<vmem>>, %arg11: memref<128xi32, #tpu.memory_space<vmem>>, %arg12: memref<128xi32, #tpu.memory_space<vmem>>, %arg13: memref<128x128xf32, #tpu.memory_space<vmem>>, %arg14: memref<128x128xf32, #tpu.memory_space<vmem>>, %arg15: memref<128x128xf32, #tpu.memory_space<vmem>>, %arg16: memref<32xi32, #tpu.memory_space<vmem>>, %arg17: memref<32xi32, #tpu.memory_space<vmem>>, %arg18: memref<32x128xf32, #tpu.memory_space<vmem>>, %arg19: memref<104x128xf32, #tpu.memory_space<vmem>>, %arg20: memref<5008x128xf32, #tpu.memory_space<vmem_shared>>, %arg21: memref<!tpu.dma_semaphore, #tpu.memory_space<semaphore_mem>>, %arg22: memref<!tpu.dma_semaphore, #tpu.memory_space<semaphore_mem>>, %arg23: memref<!tpu.dma_semaphore, #tpu.memory_space<semaphore_mem>>, %arg24: memref<!tpu.dma_semaphore, #tpu.memory_space<semaphore_mem>>, %arg25: memref<!tpu.dma_semaphore, #tpu.memory_space<semaphore_mem>>, %arg26: memref<!tpu.dma_semaphore, #tpu.memory_space<semaphore_mem>>) attributes {dimension_semantics = [#tpu.dimension_semantics<core_parallel>, #tpu.dimension_semantics<subcore_parallel>], iteration_bounds = array<i64: 2, 16>, scalar_prefetch = 0 : i64, scratch_operands = 21 : i64, tpu.core_type = #tpu.core_type<sc_vector_subcore>, window_params = [{transform_indices = #map}, {transform_indices = #map1}, {transform_indices = #map1}, {transform_indices = #map}]} {
    %scan3A = arith.constant 0 : i32
    %scan3A_0 = arith.constant 0 : i32
    %scan3A_1 = arith.constant 104 : i32
    %scan3A_2 = arith.addi %scan3A_0, %scan3A_1 : i32
    %scan3A_3 = arith.constant 1 : i32
    scf.for %scan3A_132 = %scan3A_0 to %scan3A_2 step %scan3A_3  : i32 {
      %scan3A_133 = arith.constant 0 : i32
      %scan3A_134 = arith.constant 8 : i32
      %scan3A_135 = arith.addi %scan3A_133, %scan3A_134 : i32
      %scan3A_136 = arith.constant 1 : i32
      scf.for %scan3A_138 = %scan3A_133 to %scan3A_135 step %scan3A_136  : i32 {
        %broadcast_in_dim3A = arith.constant 0.000000e+00 : f32
        %broadcast_in_dim3A_139 = vector.broadcast %broadcast_in_dim3A : f32 to vector<16xf32>
        %mul3A_140 = arith.constant 16 : i32
        %mul3A_141 = arith.muli %scan3A_138, %mul3A_140 : i32
        %swap3A_142 = arith.index_cast %scan3A_132 : i32 to index
        %swap3A_143 = arith.index_cast %mul3A_141 : i32 to index
        %swap3A_144 = tpu.vector_load %arg19[%swap3A_142, %swap3A_143] {strides = array<i32>} : memref<104x128xf32, #tpu.memory_space<vmem>>, vector<16xf32>,
        tpu.vector_store %arg19[%swap3A_142, %swap3A_143], %broadcast_in_dim3A_139 {strides = array<i32>} : memref<104x128xf32, #tpu.memory_space<vmem>>, vector<16xf32>,
      }
      %scan3A_137 = arith.constant 8 : i32
    }
    %scan3A_4 = arith.constant 104 : i32
    %mul3A = arith.constant 312 : i32
    %mul3A_5 = arith.muli %arg1, %mul3A : i32
    %add3A = arith.constant 0 : i32
    %add3A_6 = arith.addi %mul3A_5, %add3A : i32
    "tpu.region"() ({
      %run_scoped3A = tpu.sem_alloc : memref<!tpu.dma_semaphore, #tpu.memory_space<semaphore_mem>>
      %dma_start3A_132 = arith.constant 0 : i32
      %dma_start3A_133 = tpu.memref_slice %arg20[%add3A_6, %dma_start3A_132] : memref<5008x128xf32, #tpu.memory_space<vmem_shared>> -> memref<104x128xf32, #tpu.memory_space<vmem_shared>>
      %dma_start3A_134 = arith.constant 0 : i32
      %dma_start3A_135 = tpu.memref_slice %arg20[%add3A_6, %dma_start3A_134] : memref<5008x128xf32, #tpu.memory_space<vmem_shared>> -> memref<104x128xf32, #tpu.memory_space<vmem_shared>>
      tpu.enqueue_dma source(%arg19 : memref<104x128xf32, #tpu.memory_space<vmem>>) target(%dma_start3A_135 : memref<104x128xf32, #tpu.memory_space<vmem_shared>>) target_semaphore(%run_scoped3A : memref<!tpu.dma_semaphore, #tpu.memory_space<semaphore_mem>>)
      %dma_wait3A_136 = arith.constant 0 : i32
      %dma_wait3A_137 = tpu.memref_slice %arg20[%add3A_6, %dma_wait3A_136] : memref<5008x128xf32, #tpu.memory_space<vmem_shared>> -> memref<104x128xf32, #tpu.memory_space<vmem_shared>>
      %dma_wait3A_138 = arith.constant 0 : i32
      %dma_wait3A_139 = tpu.memref_slice %arg20[%add3A_6, %dma_wait3A_138] : memref<5008x128xf32, #tpu.memory_space<vmem_shared>> -> memref<104x128xf32, #tpu.memory_space<vmem_shared>>
      tpu.wait_dma2 semaphore(%run_scoped3A : memref<!tpu.dma_semaphore, #tpu.memory_space<semaphore_mem>>) src(%arg19 : memref<104x128xf32, #tpu.memory_space<vmem>>) dst(%dma_wait3A_139 : memref<104x128xf32, #tpu.memory_space<vmem_shared>>)
      tpu.yield
    }) : () -> ()
    %mul3A_7 = arith.constant 312 : i32
    %mul3A_8 = arith.muli %arg1, %mul3A_7 : i32
    %add3A_9 = arith.constant 104 : i32
    %add3A_10 = arith.addi %mul3A_8, %add3A_9 : i32
    "tpu.region"() ({
      %run_scoped3A = tpu.sem_alloc : memref<!tpu.dma_semaphore, #tpu.memory_space<semaphore_mem>>
      %dma_start3A_132 = arith.constant 0 : i32
      %dma_start3A_133 = tpu.memref_slice %arg20[%add3A_10, %dma_start3A_132] : memref<5008x128xf32, #tpu.memory_space<vmem_shared>> -> memref<104x128xf32, #tpu.memory_space<vmem_shared>>
      %dma_start3A_134 = arith.constant 0 : i32
      %dma_start3A_135 = tpu.memref_slice %arg20[%add3A_10, %dma_start3A_134] : memref<5008x128xf32, #tpu.memory_space<vmem_shared>> -> memref<104x128xf32, #tpu.memory_space<vmem_shared>>
      tpu.enqueue_dma source(%arg19 : memref<104x128xf32, #tpu.memory_space<vmem>>) target(%dma_start3A_135 : memref<104x128xf32, #tpu.memory_space<vmem_shared>>) target_semaphore(%run_scoped3A : memref<!tpu.dma_semaphore, #tpu.memory_space<semaphore_mem>>)
      %dma_wait3A_136 = arith.constant 0 : i32
      %dma_wait3A_137 = tpu.memref_slice %arg20[%add3A_10, %dma_wait3A_136] : memref<5008x128xf32, #tpu.memory_space<vmem_shared>> -> memref<104x128xf32, #tpu.memory_space<vmem_shared>>
      %dma_wait3A_138 = arith.constant 0 : i32
      %dma_wait3A_139 = tpu.memref_slice %arg20[%add3A_10, %dma_wait3A_138] : memref<5008x128xf32, #tpu.memory_space<vmem_shared>> -> memref<104x128xf32, #tpu.memory_space<vmem_shared>>
      tpu.wait_dma2 semaphore(%run_scoped3A : memref<!tpu.dma_semaphore, #tpu.memory_space<semaphore_mem>>) src(%arg19 : memref<104x128xf32, #tpu.memory_space<vmem>>) dst(%dma_wait3A_139 : memref<104x128xf32, #tpu.memory_space<vmem_shared>>)
      tpu.yield
    }) : () -> ()
    %mul3A_11 = arith.constant 312 : i32
    %mul3A_12 = arith.muli %arg1, %mul3A_11 : i32
    %add3A_13 = arith.constant 208 : i32
    %add3A_14 = arith.addi %mul3A_12, %add3A_13 : i32
    "tpu.region"() ({
      %run_scoped3A = tpu.sem_alloc : memref<!tpu.dma_semaphore, #tpu.memory_space<semaphore_mem>>
      %dma_start3A_132 = arith.constant 0 : i32
      %dma_start3A_133 = tpu.memref_slice %arg20[%add3A_14, %dma_start3A_132] : memref<5008x128xf32, #tpu.memory_space<vmem_shared>> -> memref<104x128xf32, #tpu.memory_space<vmem_shared>>
      %dma_start3A_134 = arith.constant 0 : i32
      %dma_start3A_135 = tpu.memref_slice %arg20[%add3A_14, %dma_start3A_134] : memref<5008x128xf32, #tpu.memory_space<vmem_shared>> -> memref<104x128xf32, #tpu.memory_space<vmem_shared>>
      tpu.enqueue_dma source(%arg19 : memref<104x128xf32, #tpu.memory_space<vmem>>) target(%dma_start3A_135 : memref<104x128xf32, #tpu.memory_space<vmem_shared>>) target_semaphore(%run_scoped3A : memref<!tpu.dma_semaphore, #tpu.memory_space<semaphore_mem>>)
      %dma_wait3A_136 = arith.constant 0 : i32
      %dma_wait3A_137 = tpu.memref_slice %arg20[%add3A_14, %dma_wait3A_136] : memref<5008x128xf32, #tpu.memory_space<vmem_shared>> -> memref<104x128xf32, #tpu.memory_space<vmem_shared>>
      %dma_wait3A_138 = arith.constant 0 : i32
      %dma_wait3A_139 = tpu.memref_slice %arg20[%add3A_14, %dma_wait3A_138] : memref<5008x128xf32, #tpu.memory_space<vmem_shared>> -> memref<104x128xf32, #tpu.memory_space<vmem_shared>>
      tpu.wait_dma2 semaphore(%run_scoped3A : memref<!tpu.dma_semaphore, #tpu.memory_space<semaphore_mem>>) src(%arg19 : memref<104x128xf32, #tpu.memory_space<vmem>>) dst(%dma_wait3A_139 : memref<104x128xf32, #tpu.memory_space<vmem_shared>>)
      tpu.yield
    }) : () -> ()
    %eq3A = arith.constant 15 : i32
    %eq3A_15 = arith.cmpi eq, %arg1, %eq3A : i32
    %convert_element_type3A = arith.extui %eq3A_15 : i1 to i32
    %cond3A = arith.constant 0 : i32
    %cond3A_16 = arith.cmpi ne, %convert_element_type3A, %cond3A : i32
    scf.if %cond3A_16 {
      "tpu.region"() ({
        %run_scoped3A = tpu.sem_alloc : memref<!tpu.dma_semaphore, #tpu.memory_space<semaphore_mem>>
        %dma_start3A_132 = arith.constant 0 : i32
        %dma_start3A_133 = arith.constant 0 : i32
        %dma_start3A_134 = tpu.memref_slice %arg19[%dma_start3A_132, %dma_start3A_133] : memref<104x128xf32, #tpu.memory_space<vmem>> -> memref<16x128xf32, #tpu.memory_space<vmem>>
        %dma_start3A_135 = arith.constant 4992 : i32
        %dma_start3A_136 = arith.constant 0 : i32
        %dma_start3A_137 = tpu.memref_slice %arg20[%dma_start3A_135, %dma_start3A_136] : memref<5008x128xf32, #tpu.memory_space<vmem_shared>> -> memref<16x128xf32, #tpu.memory_space<vmem_shared>>
        %dma_start3A_138 = arith.constant 4992 : i32
        %dma_start3A_139 = arith.constant 0 : i32
        %dma_start3A_140 = tpu.memref_slice %arg20[%dma_start3A_138, %dma_start3A_139] : memref<5008x128xf32, #tpu.memory_space<vmem_shared>> -> memref<16x128xf32, #tpu.memory_space<vmem_shared>>
        %dma_start3A_141 = arith.constant 0 : i32
        %dma_start3A_142 = arith.constant 0 : i32
        %dma_start3A_143 = tpu.memref_slice %arg19[%dma_start3A_141, %dma_start3A_142] : memref<104x128xf32, #tpu.memory_space<vmem>> -> memref<16x128xf32, #tpu.memory_space<vmem>>
        tpu.enqueue_dma source(%dma_start3A_143 : memref<16x128xf32, #tpu.memory_space<vmem>>) target(%dma_start3A_140 : memref<16x128xf32, #tpu.memory_space<vmem_shared>>) target_semaphore(%run_scoped3A : memref<!tpu.dma_semaphore, #tpu.memory_space<semaphore_mem>>)
        %dma_wait3A_144 = arith.constant 0 : i32
        %dma_wait3A_145 = arith.constant 0 : i32
        %dma_wait3A_146 = tpu.memref_slice %arg19[%dma_wait3A_144, %dma_wait3A_145] : memref<104x128xf32, #tpu.memory_space<vmem>> -> memref<16x128xf32, #tpu.memory_space<vmem>>
        %dma_wait3A_147 = arith.constant 4992 : i32
        %dma_wait3A_148 = arith.constant 0 : i32
        %dma_wait3A_149 = tpu.memref_slice %arg20[%dma_wait3A_147, %dma_wait3A_148] : memref<5008x128xf32, #tpu.memory_space<vmem_shared>> -> memref<16x128xf32, #tpu.memory_space<vmem_shared>>
        %dma_wait3A_150 = arith.constant 4992 : i32
        %dma_wait3A_151 = arith.constant 0 : i32
        %dma_wait3A_152 = tpu.memref_slice %arg20[%dma_wait3A_150, %dma_wait3A_151] : memref<5008x128xf32, #tpu.memory_space<vmem_shared>> -> memref<16x128xf32, #tpu.memory_space<vmem_shared>>
        %dma_wait3A_153 = arith.constant 0 : i32
        %dma_wait3A_154 = arith.constant 0 : i32
        %dma_wait3A_155 = tpu.memref_slice %arg19[%dma_wait3A_153, %dma_wait3A_154] : memref<104x128xf32, #tpu.memory_space<vmem>> -> memref<16x128xf32, #tpu.memory_space<vmem>>
        tpu.wait_dma2 semaphore(%run_scoped3A : memref<!tpu.dma_semaphore, #tpu.memory_space<semaphore_mem>>) src(%dma_wait3A_155 : memref<16x128xf32, #tpu.memory_space<vmem>>) dst(%dma_wait3A_152 : memref<16x128xf32, #tpu.memory_space<vmem_shared>>)
        tpu.yield
      }) : () -> ()
    } else {
    }
    %barrier3A = arith.constant 0 : index
    tpu.barrier barrier_id(%barrier3A)
    %mul3A_17 = arith.constant 20000 : i32
    %mul3A_18 = arith.muli %arg1, %mul3A_17 : i32
    "tpu.region"() ({
      %run_scoped3A = tpu.sem_alloc : memref<!tpu.dma_semaphore, #tpu.memory_space<semaphore_mem>>
      %dma_start3A_132 = tpu.memref_slice %arg3[%mul3A_18] : memref<320000xi32, #tpu.memory_space<hbm>> -> memref<20000xi32, #tpu.memory_space<hbm>>
      %dma_start3A_133 = tpu.memref_slice %arg3[%mul3A_18] : memref<320000xi32, #tpu.memory_space<hbm>> -> memref<20000xi32, #tpu.memory_space<hbm>>
      tpu.enqueue_dma source(%dma_start3A_133 : memref<20000xi32, #tpu.memory_space<hbm>>) target(%arg6 : memref<20000xi32, #tpu.memory_space<vmem>>) target_semaphore(%run_scoped3A : memref<!tpu.dma_semaphore, #tpu.memory_space<semaphore_mem>>)
      %dma_wait3A_134 = tpu.memref_slice %arg3[%mul3A_18] : memref<320000xi32, #tpu.memory_space<hbm>> -> memref<20000xi32, #tpu.memory_space<hbm>>
      %dma_wait3A_135 = tpu.memref_slice %arg3[%mul3A_18] : memref<320000xi32, #tpu.memory_space<hbm>> -> memref<20000xi32, #tpu.memory_space<hbm>>
      tpu.wait_dma2 semaphore(%run_scoped3A : memref<!tpu.dma_semaphore, #tpu.memory_space<semaphore_mem>>) src(%dma_wait3A_135 : memref<20000xi32, #tpu.memory_space<hbm>>) dst(%arg6 : memref<20000xi32, #tpu.memory_space<vmem>>)
      tpu.yield
    }) : () -> ()
    %mul3A_19 = arith.constant 5000 : i32
    %mul3A_20 = arith.muli %arg0, %mul3A_19 : i32
    %iota3A = tpu.iota {dimensions = array<i32: 0>} : vector<16xi32>
    %and3A = arith.constant 7 : i32
    %and3A_21 = vector.broadcast %and3A : i32 to vector<16xi32>
    %and3A_22 = arith.andi %iota3A, %and3A_21 : vector<16xi32>
    %add3A_23 = arith.constant 5000 : i32
    %add3A_24 = vector.broadcast %add3A_23 : i32 to vector<16xi32>
    %add3A_25 = arith.addi %add3A_24, %and3A_22 : vector<16xi32>
    %mul3A_26 = arith.constant 20000 : i32
    %mul3A_27 = arith.muli %arg1, %mul3A_26 : i32
    %add3A_28 = arith.constant 0 : i32
    %add3A_29 = arith.addi %mul3A_27, %add3A_28 : i32
    %dma_start3A = tpu.memref_slice %arg4[%add3A_29] : memref<320000xi32, #tpu.memory_space<hbm>> -> memref<128xi32, #tpu.memory_space<hbm>>
    %dma_start3A_30 = tpu.memref_slice %arg4[%add3A_29] : memref<320000xi32, #tpu.memory_space<hbm>> -> memref<128xi32, #tpu.memory_space<hbm>>
    tpu.enqueue_dma source(%dma_start3A_30 : memref<128xi32, #tpu.memory_space<hbm>>) target(%arg7 : memref<128xi32, #tpu.memory_space<vmem>>) target_semaphore(%arg21 : memref<!tpu.dma_semaphore, #tpu.memory_space<semaphore_mem>>)
    %dma_start3A_31 = arith.constant 0 : i32
    %dma_start3A_32 = tpu.memref_slice %arg6[%dma_start3A_31] : memref<20000xi32, #tpu.memory_space<vmem>> -> memref<128xi32, #tpu.memory_space<vmem>>
    %dma_start3A_33 = arith.constant 0 : i32
    %dma_start3A_34 = arith.constant 0 : i32
    %dma_start3A_35 = tpu.memref_slice %arg2[%dma_start3A_33, %dma_start3A_34] : memref<10000x128xf32, #tpu.memory_space<hbm>> -> memref<10000x128xf32, #tpu.memory_space<hbm>>
    tpu.enqueue_indirect_dma source(%dma_start3A_35 : memref<10000x128xf32, #tpu.memory_space<hbm>>) target(%arg13 : memref<128x128xf32, #tpu.memory_space<vmem>>) offsets(%dma_start3A_32 : memref<128xi32, #tpu.memory_space<vmem>>) semaphore(%arg24 : memref<!tpu.dma_semaphore, #tpu.memory_space<semaphore_mem>>)
    %mul3A_36 = arith.constant 20000 : i32
    %mul3A_37 = arith.muli %arg1, %mul3A_36 : i32
    %add3A_38 = arith.constant 128 : i32
    %add3A_39 = arith.addi %mul3A_37, %add3A_38 : i32
    %dma_start3A_40 = tpu.memref_slice %arg4[%add3A_39] : memref<320000xi32, #tpu.memory_space<hbm>> -> memref<128xi32, #tpu.memory_space<hbm>>
    %dma_start3A_41 = tpu.memref_slice %arg4[%add3A_39] : memref<320000xi32, #tpu.memory_space<hbm>> -> memref<128xi32, #tpu.memory_space<hbm>>
    tpu.enqueue_dma source(%dma_start3A_41 : memref<128xi32, #tpu.memory_space<hbm>>) target(%arg8 : memref<128xi32, #tpu.memory_space<vmem>>) target_semaphore(%arg22 : memref<!tpu.dma_semaphore, #tpu.memory_space<semaphore_mem>>)
    %dma_start3A_42 = arith.constant 128 : i32
    %dma_start3A_43 = tpu.memref_slice %arg6[%dma_start3A_42] : memref<20000xi32, #tpu.memory_space<vmem>> -> memref<128xi32, #tpu.memory_space<vmem>>
    %dma_start3A_44 = arith.constant 0 : i32
    %dma_start3A_45 = arith.constant 0 : i32
    %dma_start3A_46 = tpu.memref_slice %arg2[%dma_start3A_44, %dma_start3A_45] : memref<10000x128xf32, #tpu.memory_space<hbm>> -> memref<10000x128xf32, #tpu.memory_space<hbm>>
    tpu.enqueue_indirect_dma source(%dma_start3A_46 : memref<10000x128xf32, #tpu.memory_space<hbm>>) target(%arg14 : memref<128x128xf32, #tpu.memory_space<vmem>>) offsets(%dma_start3A_43 : memref<128xi32, #tpu.memory_space<vmem>>) semaphore(%arg25 : memref<!tpu.dma_semaphore, #tpu.memory_space<semaphore_mem>>)
    %mul3A_47 = arith.constant 20000 : i32
    %mul3A_48 = arith.muli %arg1, %mul3A_47 : i32
    %add3A_49 = arith.constant 256 : i32
    %add3A_50 = arith.addi %mul3A_48, %add3A_49 : i32
    %dma_start3A_51 = tpu.memref_slice %arg4[%add3A_50] : memref<320000xi32, #tpu.memory_space<hbm>> -> memref<128xi32, #tpu.memory_space<hbm>>
    %dma_start3A_52 = tpu.memref_slice %arg4[%add3A_50] : memref<320000xi32, #tpu.memory_space<hbm>> -> memref<128xi32, #tpu.memory_space<hbm>>
    tpu.enqueue_dma source(%dma_start3A_52 : memref<128xi32, #tpu.memory_space<hbm>>) target(%arg9 : memref<128xi32, #tpu.memory_space<vmem>>) target_semaphore(%arg23 : memref<!tpu.dma_semaphore, #tpu.memory_space<semaphore_mem>>)
    %dma_start3A_53 = arith.constant 256 : i32
    %dma_start3A_54 = tpu.memref_slice %arg6[%dma_start3A_53] : memref<20000xi32, #tpu.memory_space<vmem>> -> memref<128xi32, #tpu.memory_space<vmem>>
    %dma_start3A_55 = arith.constant 0 : i32
    %dma_start3A_56 = arith.constant 0 : i32
    %dma_start3A_57 = tpu.memref_slice %arg2[%dma_start3A_55, %dma_start3A_56] : memref<10000x128xf32, #tpu.memory_space<hbm>> -> memref<10000x128xf32, #tpu.memory_space<hbm>>
    tpu.enqueue_indirect_dma source(%dma_start3A_57 : memref<10000x128xf32, #tpu.memory_space<hbm>>) target(%arg15 : memref<128x128xf32, #tpu.memory_space<vmem>>) offsets(%dma_start3A_54 : memref<128xi32, #tpu.memory_space<vmem>>) semaphore(%arg26 : memref<!tpu.dma_semaphore, #tpu.memory_space<semaphore_mem>>)
    %scan3A_58 = arith.constant 0 : i32
    %scan3A_59 = arith.constant 0 : i32
    %scan3A_60 = arith.constant 52 : i32
    %scan3A_61 = arith.addi %scan3A_59, %scan3A_60 : i32
    %scan3A_62 = arith.constant 1 : i32
    scf.for %scan3A_132 = %scan3A_59 to %scan3A_61 step %scan3A_62  : i32 {
      %mul3A_133 = arith.constant 3 : i32
      %mul3A_134 = arith.muli %mul3A_133, %scan3A_132 : i32
      %add3A_135 = arith.constant 0 : i32
      %add3A_136 = arith.addi %mul3A_134, %add3A_135 : i32
      %dma_wait3A_137 = arith.constant 0 : i32
      %dma_wait3A_138 = tpu.memref_slice %arg4[%dma_wait3A_137] : memref<320000xi32, #tpu.memory_space<hbm>> -> memref<128xi32, #tpu.memory_space<hbm>>
      %dma_wait3A_139 = arith.constant 0 : i32
      %dma_wait3A_140 = tpu.memref_slice %arg4[%dma_wait3A_139] : memref<320000xi32, #tpu.memory_space<hbm>> -> memref<128xi32, #tpu.memory_space<hbm>>
      tpu.wait_dma2 semaphore(%arg21 : memref<!tpu.dma_semaphore, #tpu.memory_space<semaphore_mem>>) src(%dma_wait3A_140 : memref<128xi32, #tpu.memory_space<hbm>>) dst(%arg7 : memref<128xi32, #tpu.memory_space<vmem>>)
      %get3A_141 = arith.constant 0 : index
      %get3A_142 = tpu.vector_load %arg7[%get3A_141] {strides = array<i32>} : memref<128xi32, #tpu.memory_space<vmem>>, vector<16xi32>,
      %sub3A_143 = vector.broadcast %mul3A_20 : i32 to vector<16xi32>
      %sub3A_144 = arith.subi %get3A_142, %sub3A_143 : vector<16xi32>
      %ge3A_145 = arith.constant 0 : i32
      %ge3A_146 = vector.broadcast %ge3A_145 : i32 to vector<16xi32>
      %ge3A_147 = arith.cmpi sge, %sub3A_144, %ge3A_146 : vector<16xi32>
      %lt3A_148 = arith.constant 5000 : i32
      %lt3A_149 = vector.broadcast %lt3A_148 : i32 to vector<16xi32>
      %lt3A_150 = arith.cmpi slt, %sub3A_144, %lt3A_149 : vector<16xi32>
      %and3A_151 = arith.andi %ge3A_147, %lt3A_150 : vector<16xi1>
      %select_n3A_152 = arith.select %and3A_151, %sub3A_144, %add3A_25 : vector<16xi1>, vector<16xi32>
      %swap3A_153 = arith.constant 0 : index
      %swap3A_154 = tpu.vector_load %arg10[%swap3A_153] {strides = array<i32>} : memref<128xi32, #tpu.memory_space<vmem>>, vector<16xi32>,
      tpu.vector_store %arg10[%swap3A_153], %select_n3A_152 {strides = array<i32>} : memref<128xi32, #tpu.memory_space<vmem>>, vector<16xi32>,
      %get3A_155 = arith.constant 16 : index
      %get3A_156 = tpu.vector_load %arg7[%get3A_155] {strides = array<i32>} : memref<128xi32, #tpu.memory_space<vmem>>, vector<16xi32>,
      %sub3A_157 = vector.broadcast %mul3A_20 : i32 to vector<16xi32>
      %sub3A_158 = arith.subi %get3A_156, %sub3A_157 : vector<16xi32>
      %ge3A_159 = arith.constant 0 : i32
      %ge3A_160 = vector.broadcast %ge3A_159 : i32 to vector<16xi32>
      %ge3A_161 = arith.cmpi sge, %sub3A_158, %ge3A_160 : vector<16xi32>
      %lt3A_162 = arith.constant 5000 : i32
      %lt3A_163 = vector.broadcast %lt3A_162 : i32 to vector<16xi32>
      %lt3A_164 = arith.cmpi slt, %sub3A_158, %lt3A_163 : vector<16xi32>
      %and3A_165 = arith.andi %ge3A_161, %lt3A_164 : vector<16xi1>
      %select_n3A_166 = arith.select %and3A_165, %sub3A_158, %add3A_25 : vector<16xi1>, vector<16xi32>
      %swap3A_167 = arith.constant 16 : index
      %swap3A_168 = tpu.vector_load %arg10[%swap3A_167] {strides = array<i32>} : memref<128xi32, #tpu.memory_space<vmem>>, vector<16xi32>,
      tpu.vector_store %arg10[%swap3A_167], %select_n3A_166 {strides = array<i32>} : memref<128xi32, #tpu.memory_space<vmem>>, vector<16xi32>,
      %get3A_169 = arith.constant 32 : index
      %get3A_170 = tpu.vector_load %arg7[%get3A_169] {strides = array<i32>} : memref<128xi32, #tpu.memory_space<vmem>>, vector<16xi32>,
      %sub3A_171 = vector.broadcast %mul3A_20 : i32 to vector<16xi32>
      %sub3A_172 = arith.subi %get3A_170, %sub3A_171 : vector<16xi32>
      %ge3A_173 = arith.constant 0 : i32
      %ge3A_174 = vector.broadcast %ge3A_173 : i32 to vector<16xi32>
      %ge3A_175 = arith.cmpi sge, %sub3A_172, %ge3A_174 : vector<16xi32>
      %lt3A_176 = arith.constant 5000 : i32
      %lt3A_177 = vector.broadcast %lt3A_176 : i32 to vector<16xi32>
      %lt3A_178 = arith.cmpi slt, %sub3A_172, %lt3A_177 : vector<16xi32>
      %and3A_179 = arith.andi %ge3A_175, %lt3A_178 : vector<16xi1>
      %select_n3A_180 = arith.select %and3A_179, %sub3A_172, %add3A_25 : vector<16xi1>, vector<16xi32>
      %swap3A_181 = arith.constant 32 : index
      %swap3A_182 = tpu.vector_load %arg10[%swap3A_181] {strides = array<i32>} : memref<128xi32, #tpu.memory_space<vmem>>, vector<16xi32>,
      tpu.vector_store %arg10[%swap3A_181], %select_n3A_180 {strides = array<i32>} : memref<128xi32, #tpu.memory_space<vmem>>, vector<16xi32>,
      %get3A_183 = arith.constant 48 : index
      %get3A_184 = tpu.vector_load %arg7[%get3A_183] {strides = array<i32>} : memref<128xi32, #tpu.memory_space<vmem>>, vector<16xi32>,
      %sub3A_185 = vector.broadcast %mul3A_20 : i32 to vector<16xi32>
      %sub3A_186 = arith.subi %get3A_184, %sub3A_185 : vector<16xi32>
      %ge3A_187 = arith.constant 0 : i32
      %ge3A_188 = vector.broadcast %ge3A_187 : i32 to vector<16xi32>
      %ge3A_189 = arith.cmpi sge, %sub3A_186, %ge3A_188 : vector<16xi32>
      %lt3A_190 = arith.constant 5000 : i32
      %lt3A_191 = vector.broadcast %lt3A_190 : i32 to vector<16xi32>
      %lt3A_192 = arith.cmpi slt, %sub3A_186, %lt3A_191 : vector<16xi32>
      %and3A_193 = arith.andi %ge3A_189, %lt3A_192 : vector<16xi1>
      %select_n3A_194 = arith.select %and3A_193, %sub3A_186, %add3A_25 : vector<16xi1>, vector<16xi32>
      %swap3A_195 = arith.constant 48 : index
      %swap3A_196 = tpu.vector_load %arg10[%swap3A_195] {strides = array<i32>} : memref<128xi32, #tpu.memory_space<vmem>>, vector<16xi32>,
      tpu.vector_store %arg10[%swap3A_195], %select_n3A_194 {strides = array<i32>} : memref<128xi32, #tpu.memory_space<vmem>>, vector<16xi32>,
      %get3A_197 = arith.constant 64 : index
      %get3A_198 = tpu.vector_load %arg7[%get3A_197] {strides = array<i32>} : memref<128xi32, #tpu.memory_space<vmem>>, vector<16xi32>,
      %sub3A_199 = vector.broadcast %mul3A_20 : i32 to vector<16xi32>
      %sub3A_200 = arith.subi %get3A_198, %sub3A_199 : vector<16xi32>
      %ge3A_201 = arith.constant 0 : i32
      %ge3A_202 = vector.broadcast %ge3A_201 : i32 to vector<16xi32>
      %ge3A_203 = arith.cmpi sge, %sub3A_200, %ge3A_202 : vector<16xi32>
      %lt3A_204 = arith.constant 5000 : i32
      %lt3A_205 = vector.broadcast %lt3A_204 : i32 to vector<16xi32>
      %lt3A_206 = arith.cmpi slt, %sub3A_200, %lt3A_205 : vector<16xi32>
      %and3A_207 = arith.andi %ge3A_203, %lt3A_206 : vector<16xi1>
      %select_n3A_208 = arith.select %and3A_207, %sub3A_200, %add3A_25 : vector<16xi1>, vector<16xi32>
      %swap3A_209 = arith.constant 64 : index
      %swap3A_210 = tpu.vector_load %arg10[%swap3A_209] {strides = array<i32>} : memref<128xi32, #tpu.memory_space<vmem>>, vector<16xi32>,
      tpu.vector_store %arg10[%swap3A_209], %select_n3A_208 {strides = array<i32>} : memref<128xi32, #tpu.memory_space<vmem>>, vector<16xi32>,
      %get3A_211 = arith.constant 80 : index
      %get3A_212 = tpu.vector_load %arg7[%get3A_211] {strides = array<i32>} : memref<128xi32, #tpu.memory_space<vmem>>, vector<16xi32>,
      %sub3A_213 = vector.broadcast %mul3A_20 : i32 to vector<16xi32>
      %sub3A_214 = arith.subi %get3A_212, %sub3A_213 : vector<16xi32>
      %ge3A_215 = arith.constant 0 : i32
      %ge3A_216 = vector.broadcast %ge3A_215 : i32 to vector<16xi32>
      %ge3A_217 = arith.cmpi sge, %sub3A_214, %ge3A_216 : vector<16xi32>
      %lt3A_218 = arith.constant 5000 : i32
      %lt3A_219 = vector.broadcast %lt3A_218 : i32 to vector<16xi32>
      %lt3A_220 = arith.cmpi slt, %sub3A_214, %lt3A_219 : vector<16xi32>
      %and3A_221 = arith.andi %ge3A_217, %lt3A_220 : vector<16xi1>
      %select_n3A_222 = arith.select %and3A_221, %sub3A_214, %add3A_25 : vector<16xi1>, vector<16xi32>
      %swap3A_223 = arith.constant 80 : index
      %swap3A_224 = tpu.vector_load %arg10[%swap3A_223] {strides = array<i32>} : memref<128xi32, #tpu.memory_space<vmem>>, vector<16xi32>,
      tpu.vector_store %arg10[%swap3A_223], %select_n3A_222 {strides = array<i32>} : memref<128xi32, #tpu.memory_space<vmem>>, vector<16xi32>,
      %get3A_225 = arith.constant 96 : index
      %get3A_226 = tpu.vector_load %arg7[%get3A_225] {strides = array<i32>} : memref<128xi32, #tpu.memory_space<vmem>>, vector<16xi32>,
      %sub3A_227 = vector.broadcast %mul3A_20 : i32 to vector<16xi32>
      %sub3A_228 = arith.subi %get3A_226, %sub3A_227 : vector<16xi32>
      %ge3A_229 = arith.constant 0 : i32
      %ge3A_230 = vector.broadcast %ge3A_229 : i32 to vector<16xi32>
      %ge3A_231 = arith.cmpi sge, %sub3A_228, %ge3A_230 : vector<16xi32>
      %lt3A_232 = arith.constant 5000 : i32
      %lt3A_233 = vector.broadcast %lt3A_232 : i32 to vector<16xi32>
      %lt3A_234 = arith.cmpi slt, %sub3A_228, %lt3A_233 : vector<16xi32>
      %and3A_235 = arith.andi %ge3A_231, %lt3A_234 : vector<16xi1>
      %select_n3A_236 = arith.select %and3A_235, %sub3A_228, %add3A_25 : vector<16xi1>, vector<16xi32>
      %swap3A_237 = arith.constant 96 : index
      %swap3A_238 = tpu.vector_load %arg10[%swap3A_237] {strides = array<i32>} : memref<128xi32, #tpu.memory_space<vmem>>, vector<16xi32>,
      tpu.vector_store %arg10[%swap3A_237], %select_n3A_236 {strides = array<i32>} : memref<128xi32, #tpu.memory_space<vmem>>, vector<16xi32>,
      %get3A_239 = arith.constant 112 : index
      %get3A_240 = tpu.vector_load %arg7[%get3A_239] {strides = array<i32>} : memref<128xi32, #tpu.memory_space<vmem>>, vector<16xi32>,
      %sub3A_241 = vector.broadcast %mul3A_20 : i32 to vector<16xi32>
      %sub3A_242 = arith.subi %get3A_240, %sub3A_241 : vector<16xi32>
      %ge3A_243 = arith.constant 0 : i32
      %ge3A_244 = vector.broadcast %ge3A_243 : i32 to vector<16xi32>
      %ge3A_245 = arith.cmpi sge, %sub3A_242, %ge3A_244 : vector<16xi32>
      %lt3A_246 = arith.constant 5000 : i32
      %lt3A_247 = vector.broadcast %lt3A_246 : i32 to vector<16xi32>
      %lt3A_248 = arith.cmpi slt, %sub3A_242, %lt3A_247 : vector<16xi32>
      %and3A_249 = arith.andi %ge3A_245, %lt3A_248 : vector<16xi1>
      %select_n3A_250 = arith.select %and3A_249, %sub3A_242, %add3A_25 : vector<16xi1>, vector<16xi32>
      %swap3A_251 = arith.constant 112 : index
      %swap3A_252 = tpu.vector_load %arg10[%swap3A_251] {strides = array<i32>} : memref<128xi32, #tpu.memory_space<vmem>>, vector<16xi32>,
      tpu.vector_store %arg10[%swap3A_251], %select_n3A_250 {strides = array<i32>} : memref<128xi32, #tpu.memory_space<vmem>>, vector<16xi32>,
      %add3A_253 = arith.constant 3 : i32
      %add3A_254 = arith.addi %add3A_136, %add3A_253 : i32
      %lt3A_255 = arith.constant 156 : i32
      %lt3A_256 = arith.cmpi slt, %add3A_254, %lt3A_255 : i32
      %convert_element_type3A_257 = arith.extui %lt3A_256 : i1 to i32
      %cond3A_258 = arith.constant 0 : i32
      %cond3A_259 = arith.cmpi ne, %convert_element_type3A_257, %cond3A_258 : i32
      scf.if %cond3A_259 {
        %add3A_553 = arith.constant 3 : i32
        %add3A_554 = arith.addi %add3A_136, %add3A_553 : i32
        %mul3A_555 = arith.constant 20000 : i32
        %mul3A_556 = arith.muli %arg1, %mul3A_555 : i32
        %mul3A_557 = arith.constant 128 : i32
        %mul3A_558 = arith.muli %add3A_554, %mul3A_557 : i32
        %add3A_559 = arith.addi %mul3A_556, %mul3A_558 : i32
        %dma_start3A_560 = tpu.memref_slice %arg4[%add3A_559] : memref<320000xi32, #tpu.memory_space<hbm>> -> memref<128xi32, #tpu.memory_space<hbm>>
        %dma_start3A_561 = tpu.memref_slice %arg4[%add3A_559] : memref<320000xi32, #tpu.memory_space<hbm>> -> memref<128xi32, #tpu.memory_space<hbm>>
        tpu.enqueue_dma source(%dma_start3A_561 : memref<128xi32, #tpu.memory_space<hbm>>) target(%arg7 : memref<128xi32, #tpu.memory_space<vmem>>) target_semaphore(%arg21 : memref<!tpu.dma_semaphore, #tpu.memory_space<semaphore_mem>>)
      } else {
      }
      %dma_wait3A_260 = arith.constant 0 : i32
      %dma_wait3A_261 = arith.constant 0 : i32
      %dma_wait3A_262 = tpu.memref_slice %arg2[%dma_wait3A_260, %dma_wait3A_261] : memref<10000x128xf32, #tpu.memory_space<hbm>> -> memref<128x128xf32, #tpu.memory_space<hbm>>
      %dma_wait3A_263 = arith.constant 0 : i32
      %dma_wait3A_264 = arith.constant 0 : i32
      %dma_wait3A_265 = tpu.memref_slice %arg2[%dma_wait3A_263, %dma_wait3A_264] : memref<10000x128xf32, #tpu.memory_space<hbm>> -> memref<128x128xf32, #tpu.memory_space<hbm>>
      tpu.wait_dma2 semaphore(%arg24 : memref<!tpu.dma_semaphore, #tpu.memory_space<semaphore_mem>>) src(%dma_wait3A_265 : memref<128x128xf32, #tpu.memory_space<hbm>>) dst(%arg13 : memref<128x128xf32, #tpu.memory_space<vmem>>)
      "tpu.region"() ({
        %run_scoped3A = tpu.sem_alloc : memref<!tpu.dma_semaphore, #tpu.memory_space<semaphore_mem>>
        %dma_start3A_553 = arith.constant 0 : i32
        %dma_start3A_554 = arith.constant 0 : i32
        %dma_start3A_555 = tpu.memref_slice %arg20[%dma_start3A_553, %dma_start3A_554] : memref<5008x128xf32, #tpu.memory_space<vmem_shared>> -> memref<5008x128xf32, #tpu.memory_space<vmem_shared>>
        tpu.enqueue_indirect_dma source(%arg13 : memref<128x128xf32, #tpu.memory_space<vmem>>) target(%dma_start3A_555 : memref<5008x128xf32, #tpu.memory_space<vmem_shared>>) offsets(%arg10 : memref<128xi32, #tpu.memory_space<vmem>>) semaphore(%run_scoped3A : memref<!tpu.dma_semaphore, #tpu.memory_space<semaphore_mem>>) {add = true}
        %dma_wait3A_556 = arith.constant 0 : i32
        %dma_wait3A_557 = arith.constant 0 : i32
        %dma_wait3A_558 = tpu.memref_slice %arg20[%dma_wait3A_556, %dma_wait3A_557] : memref<5008x128xf32, #tpu.memory_space<vmem_shared>> -> memref<5008x128xf32, #tpu.memory_space<vmem_shared>>
        tpu.wait_indirect_dma semaphore(%run_scoped3A : memref<!tpu.dma_semaphore, #tpu.memory_space<semaphore_mem>>) src(%arg13 : memref<128x128xf32, #tpu.memory_space<vmem>>) dst(%dma_wait3A_558 : memref<5008x128xf32, #tpu.memory_space<vmem_shared>>)
        tpu.yield
      }) : () -> ()
      %add3A_266 = arith.constant 3 : i32
      %add3A_267 = arith.addi %add3A_136, %add3A_266 : i32
      %lt3A_268 = arith.constant 156 : i32
      %lt3A_269 = arith.cmpi slt, %add3A_267, %lt3A_268 : i32
      %convert_element_type3A_270 = arith.extui %lt3A_269 : i1 to i32
      %cond3A_271 = arith.constant 0 : i32
      %cond3A_272 = arith.cmpi ne, %convert_element_type3A_270, %cond3A_271 : i32
      scf.if %cond3A_272 {
        %add3A_553 = arith.constant 3 : i32
        %add3A_554 = arith.addi %add3A_136, %add3A_553 : i32
        %mul3A_555 = arith.constant 128 : i32
        %mul3A_556 = arith.muli %add3A_554, %mul3A_555 : i32
        %dma_start3A_557 = tpu.memref_slice %arg6[%mul3A_556] : memref<20000xi32, #tpu.memory_space<vmem>> -> memref<128xi32, #tpu.memory_space<vmem>>
        %dma_start3A_558 = arith.constant 0 : i32
        %dma_start3A_559 = arith.constant 0 : i32
        %dma_start3A_560 = tpu.memref_slice %arg2[%dma_start3A_558, %dma_start3A_559] : memref<10000x128xf32, #tpu.memory_space<hbm>> -> memref<10000x128xf32, #tpu.memory_space<hbm>>
        tpu.enqueue_indirect_dma source(%dma_start3A_560 : memref<10000x128xf32, #tpu.memory_space<hbm>>) target(%arg13 : memref<128x128xf32, #tpu.memory_space<vmem>>) offsets(%dma_start3A_557 : memref<128xi32, #tpu.memory_space<vmem>>) semaphore(%arg24 : memref<!tpu.dma_semaphore, #tpu.memory_space<semaphore_mem>>)
      } else {
      }
      %mul3A_273 = arith.constant 3 : i32
      %mul3A_274 = arith.muli %mul3A_273, %scan3A_132 : i32
      %add3A_275 = arith.constant 1 : i32
      %add3A_276 = arith.addi %mul3A_274, %add3A_275 : i32
      %dma_wait3A_277 = arith.constant 0 : i32
      %dma_wait3A_278 = tpu.memref_slice %arg4[%dma_wait3A_277] : memref<320000xi32, #tpu.memory_space<hbm>> -> memref<128xi32, #tpu.memory_space<hbm>>
      %dma_wait3A_279 = arith.constant 0 : i32
      %dma_wait3A_280 = tpu.memref_slice %arg4[%dma_wait3A_279] : memref<320000xi32, #tpu.memory_space<hbm>> -> memref<128xi32, #tpu.memory_space<hbm>>
      tpu.wait_dma2 semaphore(%arg22 : memref<!tpu.dma_semaphore, #tpu.memory_space<semaphore_mem>>) src(%dma_wait3A_280 : memref<128xi32, #tpu.memory_space<hbm>>) dst(%arg8 : memref<128xi32, #tpu.memory_space<vmem>>)
      %get3A_281 = arith.constant 0 : index
      %get3A_282 = tpu.vector_load %arg8[%get3A_281] {strides = array<i32>} : memref<128xi32, #tpu.memory_space<vmem>>, vector<16xi32>,
      %sub3A_283 = vector.broadcast %mul3A_20 : i32 to vector<16xi32>
      %sub3A_284 = arith.subi %get3A_282, %sub3A_283 : vector<16xi32>
      %ge3A_285 = arith.constant 0 : i32
      %ge3A_286 = vector.broadcast %ge3A_285 : i32 to vector<16xi32>
      %ge3A_287 = arith.cmpi sge, %sub3A_284, %ge3A_286 : vector<16xi32>
      %lt3A_288 = arith.constant 5000 : i32
      %lt3A_289 = vector.broadcast %lt3A_288 : i32 to vector<16xi32>
      %lt3A_290 = arith.cmpi slt, %sub3A_284, %lt3A_289 : vector<16xi32>
      %and3A_291 = arith.andi %ge3A_287, %lt3A_290 : vector<16xi1>
      %select_n3A_292 = arith.select %and3A_291, %sub3A_284, %add3A_25 : vector<16xi1>, vector<16xi32>
      %swap3A_293 = arith.constant 0 : index
      %swap3A_294 = tpu.vector_load %arg11[%swap3A_293] {strides = array<i32>} : memref<128xi32, #tpu.memory_space<vmem>>, vector<16xi32>,
      tpu.vector_store %arg11[%swap3A_293], %select_n3A_292 {strides = array<i32>} : memref<128xi32, #tpu.memory_space<vmem>>, vector<16xi32>,
      %get3A_295 = arith.constant 16 : index
      %get3A_296 = tpu.vector_load %arg8[%get3A_295] {strides = array<i32>} : memref<128xi32, #tpu.memory_space<vmem>>, vector<16xi32>,
      %sub3A_297 = vector.broadcast %mul3A_20 : i32 to vector<16xi32>
      %sub3A_298 = arith.subi %get3A_296, %sub3A_297 : vector<16xi32>
      %ge3A_299 = arith.constant 0 : i32
      %ge3A_300 = vector.broadcast %ge3A_299 : i32 to vector<16xi32>
      %ge3A_301 = arith.cmpi sge, %sub3A_298, %ge3A_300 : vector<16xi32>
      %lt3A_302 = arith.constant 5000 : i32
      %lt3A_303 = vector.broadcast %lt3A_302 : i32 to vector<16xi32>
      %lt3A_304 = arith.cmpi slt, %sub3A_298, %lt3A_303 : vector<16xi32>
      %and3A_305 = arith.andi %ge3A_301, %lt3A_304 : vector<16xi1>
      %select_n3A_306 = arith.select %and3A_305, %sub3A_298, %add3A_25 : vector<16xi1>, vector<16xi32>
      %swap3A_307 = arith.constant 16 : index
      %swap3A_308 = tpu.vector_load %arg11[%swap3A_307] {strides = array<i32>} : memref<128xi32, #tpu.memory_space<vmem>>, vector<16xi32>,
      tpu.vector_store %arg11[%swap3A_307], %select_n3A_306 {strides = array<i32>} : memref<128xi32, #tpu.memory_space<vmem>>, vector<16xi32>,
      %get3A_309 = arith.constant 32 : index
      %get3A_310 = tpu.vector_load %arg8[%get3A_309] {strides = array<i32>} : memref<128xi32, #tpu.memory_space<vmem>>, vector<16xi32>,
      %sub3A_311 = vector.broadcast %mul3A_20 : i32 to vector<16xi32>
      %sub3A_312 = arith.subi %get3A_310, %sub3A_311 : vector<16xi32>
      %ge3A_313 = arith.constant 0 : i32
      %ge3A_314 = vector.broadcast %ge3A_313 : i32 to vector<16xi32>
      %ge3A_315 = arith.cmpi sge, %sub3A_312, %ge3A_314 : vector<16xi32>
      %lt3A_316 = arith.constant 5000 : i32
      %lt3A_317 = vector.broadcast %lt3A_316 : i32 to vector<16xi32>
      %lt3A_318 = arith.cmpi slt, %sub3A_312, %lt3A_317 : vector<16xi32>
      %and3A_319 = arith.andi %ge3A_315, %lt3A_318 : vector<16xi1>
      %select_n3A_320 = arith.select %and3A_319, %sub3A_312, %add3A_25 : vector<16xi1>, vector<16xi32>
      %swap3A_321 = arith.constant 32 : index
      %swap3A_322 = tpu.vector_load %arg11[%swap3A_321] {strides = array<i32>} : memref<128xi32, #tpu.memory_space<vmem>>, vector<16xi32>,
      tpu.vector_store %arg11[%swap3A_321], %select_n3A_320 {strides = array<i32>} : memref<128xi32, #tpu.memory_space<vmem>>, vector<16xi32>,
      %get3A_323 = arith.constant 48 : index
      %get3A_324 = tpu.vector_load %arg8[%get3A_323] {strides = array<i32>} : memref<128xi32, #tpu.memory_space<vmem>>, vector<16xi32>,
      %sub3A_325 = vector.broadcast %mul3A_20 : i32 to vector<16xi32>
      %sub3A_326 = arith.subi %get3A_324, %sub3A_325 : vector<16xi32>
      %ge3A_327 = arith.constant 0 : i32
      %ge3A_328 = vector.broadcast %ge3A_327 : i32 to vector<16xi32>
      %ge3A_329 = arith.cmpi sge, %sub3A_326, %ge3A_328 : vector<16xi32>
      %lt3A_330 = arith.constant 5000 : i32
      %lt3A_331 = vector.broadcast %lt3A_330 : i32 to vector<16xi32>
      %lt3A_332 = arith.cmpi slt, %sub3A_326, %lt3A_331 : vector<16xi32>
      %and3A_333 = arith.andi %ge3A_329, %lt3A_332 : vector<16xi1>
      %select_n3A_334 = arith.select %and3A_333, %sub3A_326, %add3A_25 : vector<16xi1>, vector<16xi32>
      %swap3A_335 = arith.constant 48 : index
      %swap3A_336 = tpu.vector_load %arg11[%swap3A_335] {strides = array<i32>} : memref<128xi32, #tpu.memory_space<vmem>>, vector<16xi32>,
      tpu.vector_store %arg11[%swap3A_335], %select_n3A_334 {strides = array<i32>} : memref<128xi32, #tpu.memory_space<vmem>>, vector<16xi32>,
      %get3A_337 = arith.constant 64 : index
      %get3A_338 = tpu.vector_load %arg8[%get3A_337] {strides = array<i32>} : memref<128xi32, #tpu.memory_space<vmem>>, vector<16xi32>,
      %sub3A_339 = vector.broadcast %mul3A_20 : i32 to vector<16xi32>
      %sub3A_340 = arith.subi %get3A_338, %sub3A_339 : vector<16xi32>
      %ge3A_341 = arith.constant 0 : i32
      %ge3A_342 = vector.broadcast %ge3A_341 : i32 to vector<16xi32>
      %ge3A_343 = arith.cmpi sge, %sub3A_340, %ge3A_342 : vector<16xi32>
      %lt3A_344 = arith.constant 5000 : i32
      %lt3A_345 = vector.broadcast %lt3A_344 : i32 to vector<16xi32>
      %lt3A_346 = arith.cmpi slt, %sub3A_340, %lt3A_345 : vector<16xi32>
      %and3A_347 = arith.andi %ge3A_343, %lt3A_346 : vector<16xi1>
      %select_n3A_348 = arith.select %and3A_347, %sub3A_340, %add3A_25 : vector<16xi1>, vector<16xi32>
      %swap3A_349 = arith.constant 64 : index
      %swap3A_350 = tpu.vector_load %arg11[%swap3A_349] {strides = array<i32>} : memref<128xi32, #tpu.memory_space<vmem>>, vector<16xi32>,
      tpu.vector_store %arg11[%swap3A_349], %select_n3A_348 {strides = array<i32>} : memref<128xi32, #tpu.memory_space<vmem>>, vector<16xi32>,
      %get3A_351 = arith.constant 80 : index
      %get3A_352 = tpu.vector_load %arg8[%get3A_351] {strides = array<i32>} : memref<128xi32, #tpu.memory_space<vmem>>, vector<16xi32>,
      %sub3A_353 = vector.broadcast %mul3A_20 : i32 to vector<16xi32>
      %sub3A_354 = arith.subi %get3A_352, %sub3A_353 : vector<16xi32>
      %ge3A_355 = arith.constant 0 : i32
      %ge3A_356 = vector.broadcast %ge3A_355 : i32 to vector<16xi32>
      %ge3A_357 = arith.cmpi sge, %sub3A_354, %ge3A_356 : vector<16xi32>
      %lt3A_358 = arith.constant 5000 : i32
      %lt3A_359 = vector.broadcast %lt3A_358 : i32 to vector<16xi32>
      %lt3A_360 = arith.cmpi slt, %sub3A_354, %lt3A_359 : vector<16xi32>
      %and3A_361 = arith.andi %ge3A_357, %lt3A_360 : vector<16xi1>
      %select_n3A_362 = arith.select %and3A_361, %sub3A_354, %add3A_25 : vector<16xi1>, vector<16xi32>
      %swap3A_363 = arith.constant 80 : index
      %swap3A_364 = tpu.vector_load %arg11[%swap3A_363] {strides = array<i32>} : memref<128xi32, #tpu.memory_space<vmem>>, vector<16xi32>,
      tpu.vector_store %arg11[%swap3A_363], %select_n3A_362 {strides = array<i32>} : memref<128xi32, #tpu.memory_space<vmem>>, vector<16xi32>,
      %get3A_365 = arith.constant 96 : index
      %get3A_366 = tpu.vector_load %arg8[%get3A_365] {strides = array<i32>} : memref<128xi32, #tpu.memory_space<vmem>>, vector<16xi32>,
      %sub3A_367 = vector.broadcast %mul3A_20 : i32 to vector<16xi32>
      %sub3A_368 = arith.subi %get3A_366, %sub3A_367 : vector<16xi32>
      %ge3A_369 = arith.constant 0 : i32
      %ge3A_370 = vector.broadcast %ge3A_369 : i32 to vector<16xi32>
      %ge3A_371 = arith.cmpi sge, %sub3A_368, %ge3A_370 : vector<16xi32>
      %lt3A_372 = arith.constant 5000 : i32
      %lt3A_373 = vector.broadcast %lt3A_372 : i32 to vector<16xi32>
      %lt3A_374 = arith.cmpi slt, %sub3A_368, %lt3A_373 : vector<16xi32>
      %and3A_375 = arith.andi %ge3A_371, %lt3A_374 : vector<16xi1>
      %select_n3A_376 = arith.select %and3A_375, %sub3A_368, %add3A_25 : vector<16xi1>, vector<16xi32>
      %swap3A_377 = arith.constant 96 : index
      %swap3A_378 = tpu.vector_load %arg11[%swap3A_377] {strides = array<i32>} : memref<128xi32, #tpu.memory_space<vmem>>, vector<16xi32>,
      tpu.vector_store %arg11[%swap3A_377], %select_n3A_376 {strides = array<i32>} : memref<128xi32, #tpu.memory_space<vmem>>, vector<16xi32>,
      %get3A_379 = arith.constant 112 : index
      %get3A_380 = tpu.vector_load %arg8[%get3A_379] {strides = array<i32>} : memref<128xi32, #tpu.memory_space<vmem>>, vector<16xi32>,
      %sub3A_381 = vector.broadcast %mul3A_20 : i32 to vector<16xi32>
      %sub3A_382 = arith.subi %get3A_380, %sub3A_381 : vector<16xi32>
      %ge3A_383 = arith.constant 0 : i32
      %ge3A_384 = vector.broadcast %ge3A_383 : i32 to vector<16xi32>
      %ge3A_385 = arith.cmpi sge, %sub3A_382, %ge3A_384 : vector<16xi32>
      %lt3A_386 = arith.constant 5000 : i32
      %lt3A_387 = vector.broadcast %lt3A_386 : i32 to vector<16xi32>
      %lt3A_388 = arith.cmpi slt, %sub3A_382, %lt3A_387 : vector<16xi32>
      %and3A_389 = arith.andi %ge3A_385, %lt3A_388 : vector<16xi1>
      %select_n3A_390 = arith.select %and3A_389, %sub3A_382, %add3A_25 : vector<16xi1>, vector<16xi32>
      %swap3A_391 = arith.constant 112 : index
      %swap3A_392 = tpu.vector_load %arg11[%swap3A_391] {strides = array<i32>} : memref<128xi32, #tpu.memory_space<vmem>>, vector<16xi32>,
      tpu.vector_store %arg11[%swap3A_391], %select_n3A_390 {strides = array<i32>} : memref<128xi32, #tpu.memory_space<vmem>>, vector<16xi32>,
      %add3A_393 = arith.constant 3 : i32
      %add3A_394 = arith.addi %add3A_276, %add3A_393 : i32
      %lt3A_395 = arith.constant 156 : i32
      %lt3A_396 = arith.cmpi slt, %add3A_394, %lt3A_395 : i32
      %convert_element_type3A_397 = arith.extui %lt3A_396 : i1 to i32
      %cond3A_398 = arith.constant 0 : i32
      %cond3A_399 = arith.cmpi ne, %convert_element_type3A_397, %cond3A_398 : i32
      scf.if %cond3A_399 {
        %add3A_553 = arith.constant 3 : i32
        %add3A_554 = arith.addi %add3A_276, %add3A_553 : i32
        %mul3A_555 = arith.constant 20000 : i32
        %mul3A_556 = arith.muli %arg1, %mul3A_555 : i32
        %mul3A_557 = arith.constant 128 : i32
        %mul3A_558 = arith.muli %add3A_554, %mul3A_557 : i32
        %add3A_559 = arith.addi %mul3A_556, %mul3A_558 : i32
        %dma_start3A_560 = tpu.memref_slice %arg4[%add3A_559] : memref<320000xi32, #tpu.memory_space<hbm>> -> memref<128xi32, #tpu.memory_space<hbm>>
        %dma_start3A_561 = tpu.memref_slice %arg4[%add3A_559] : memref<320000xi32, #tpu.memory_space<hbm>> -> memref<128xi32, #tpu.memory_space<hbm>>
        tpu.enqueue_dma source(%dma_start3A_561 : memref<128xi32, #tpu.memory_space<hbm>>) target(%arg8 : memref<128xi32, #tpu.memory_space<vmem>>) target_semaphore(%arg22 : memref<!tpu.dma_semaphore, #tpu.memory_space<semaphore_mem>>)
      } else {
      }
      %dma_wait3A_400 = arith.constant 0 : i32
      %dma_wait3A_401 = arith.constant 0 : i32
      %dma_wait3A_402 = tpu.memref_slice %arg2[%dma_wait3A_400, %dma_wait3A_401] : memref<10000x128xf32, #tpu.memory_space<hbm>> -> memref<128x128xf32, #tpu.memory_space<hbm>>
      %dma_wait3A_403 = arith.constant 0 : i32
      %dma_wait3A_404 = arith.constant 0 : i32
      %dma_wait3A_405 = tpu.memref_slice %arg2[%dma_wait3A_403, %dma_wait3A_404] : memref<10000x128xf32, #tpu.memory_space<hbm>> -> memref<128x128xf32, #tpu.memory_space<hbm>>
      tpu.wait_dma2 semaphore(%arg25 : memref<!tpu.dma_semaphore, #tpu.memory_space<semaphore_mem>>) src(%dma_wait3A_405 : memref<128x128xf32, #tpu.memory_space<hbm>>) dst(%arg14 : memref<128x128xf32, #tpu.memory_space<vmem>>)
      "tpu.region"() ({
        %run_scoped3A = tpu.sem_alloc : memref<!tpu.dma_semaphore, #tpu.memory_space<semaphore_mem>>
        %dma_start3A_553 = arith.constant 0 : i32
        %dma_start3A_554 = arith.constant 0 : i32
        %dma_start3A_555 = tpu.memref_slice %arg20[%dma_start3A_553, %dma_start3A_554] : memref<5008x128xf32, #tpu.memory_space<vmem_shared>> -> memref<5008x128xf32, #tpu.memory_space<vmem_shared>>
        tpu.enqueue_indirect_dma source(%arg14 : memref<128x128xf32, #tpu.memory_space<vmem>>) target(%dma_start3A_555 : memref<5008x128xf32, #tpu.memory_space<vmem_shared>>) offsets(%arg11 : memref<128xi32, #tpu.memory_space<vmem>>) semaphore(%run_scoped3A : memref<!tpu.dma_semaphore, #tpu.memory_space<semaphore_mem>>) {add = true}
        %dma_wait3A_556 = arith.constant 0 : i32
        %dma_wait3A_557 = arith.constant 0 : i32
        %dma_wait3A_558 = tpu.memref_slice %arg20[%dma_wait3A_556, %dma_wait3A_557] : memref<5008x128xf32, #tpu.memory_space<vmem_shared>> -> memref<5008x128xf32, #tpu.memory_space<vmem_shared>>
        tpu.wait_indirect_dma semaphore(%run_scoped3A : memref<!tpu.dma_semaphore, #tpu.memory_space<semaphore_mem>>) src(%arg14 : memref<128x128xf32, #tpu.memory_space<vmem>>) dst(%dma_wait3A_558 : memref<5008x128xf32, #tpu.memory_space<vmem_shared>>)
        tpu.yield
      }) : () -> ()
      %add3A_406 = arith.constant 3 : i32
      %add3A_407 = arith.addi %add3A_276, %add3A_406 : i32
      %lt3A_408 = arith.constant 156 : i32
      %lt3A_409 = arith.cmpi slt, %add3A_407, %lt3A_408 : i32
      %convert_element_type3A_410 = arith.extui %lt3A_409 : i1 to i32
      %cond3A_411 = arith.constant 0 : i32
      %cond3A_412 = arith.cmpi ne, %convert_element_type3A_410, %cond3A_411 : i32
      scf.if %cond3A_412 {
        %add3A_553 = arith.constant 3 : i32
        %add3A_554 = arith.addi %add3A_276, %add3A_553 : i32
        %mul3A_555 = arith.constant 128 : i32
        %mul3A_556 = arith.muli %add3A_554, %mul3A_555 : i32
        %dma_start3A_557 = tpu.memref_slice %arg6[%mul3A_556] : memref<20000xi32, #tpu.memory_space<vmem>> -> memref<128xi32, #tpu.memory_space<vmem>>
        %dma_start3A_558 = arith.constant 0 : i32
        %dma_start3A_559 = arith.constant 0 : i32
        %dma_start3A_560 = tpu.memref_slice %arg2[%dma_start3A_558, %dma_start3A_559] : memref<10000x128xf32, #tpu.memory_space<hbm>> -> memref<10000x128xf32, #tpu.memory_space<hbm>>
        tpu.enqueue_indirect_dma source(%dma_start3A_560 : memref<10000x128xf32, #tpu.memory_space<hbm>>) target(%arg14 : memref<128x128xf32, #tpu.memory_space<vmem>>) offsets(%dma_start3A_557 : memref<128xi32, #tpu.memory_space<vmem>>) semaphore(%arg25 : memref<!tpu.dma_semaphore, #tpu.memory_space<semaphore_mem>>)
      } else {
      }
      %mul3A_413 = arith.constant 3 : i32
      %mul3A_414 = arith.muli %mul3A_413, %scan3A_132 : i32
      %add3A_415 = arith.constant 2 : i32
      %add3A_416 = arith.addi %mul3A_414, %add3A_415 : i32
      %dma_wait3A_417 = arith.constant 0 : i32
      %dma_wait3A_418 = tpu.memref_slice %arg4[%dma_wait3A_417] : memref<320000xi32, #tpu.memory_space<hbm>> -> memref<128xi32, #tpu.memory_space<hbm>>
      %dma_wait3A_419 = arith.constant 0 : i32
      %dma_wait3A_420 = tpu.memref_slice %arg4[%dma_wait3A_419] : memref<320000xi32, #tpu.memory_space<hbm>> -> memref<128xi32, #tpu.memory_space<hbm>>
      tpu.wait_dma2 semaphore(%arg23 : memref<!tpu.dma_semaphore, #tpu.memory_space<semaphore_mem>>) src(%dma_wait3A_420 : memref<128xi32, #tpu.memory_space<hbm>>) dst(%arg9 : memref<128xi32, #tpu.memory_space<vmem>>)
      %get3A_421 = arith.constant 0 : index
      %get3A_422 = tpu.vector_load %arg9[%get3A_421] {strides = array<i32>} : memref<128xi32, #tpu.memory_space<vmem>>, vector<16xi32>,
      %sub3A_423 = vector.broadcast %mul3A_20 : i32 to vector<16xi32>
      %sub3A_424 = arith.subi %get3A_422, %sub3A_423 : vector<16xi32>
      %ge3A_425 = arith.constant 0 : i32
      %ge3A_426 = vector.broadcast %ge3A_425 : i32 to vector<16xi32>
      %ge3A_427 = arith.cmpi sge, %sub3A_424, %ge3A_426 : vector<16xi32>
      %lt3A_428 = arith.constant 5000 : i32
      %lt3A_429 = vector.broadcast %lt3A_428 : i32 to vector<16xi32>
      %lt3A_430 = arith.cmpi slt, %sub3A_424, %lt3A_429 : vector<16xi32>
      %and3A_431 = arith.andi %ge3A_427, %lt3A_430 : vector<16xi1>
      %select_n3A_432 = arith.select %and3A_431, %sub3A_424, %add3A_25 : vector<16xi1>, vector<16xi32>
      %swap3A_433 = arith.constant 0 : index
      %swap3A_434 = tpu.vector_load %arg12[%swap3A_433] {strides = array<i32>} : memref<128xi32, #tpu.memory_space<vmem>>, vector<16xi32>,
      tpu.vector_store %arg12[%swap3A_433], %select_n3A_432 {strides = array<i32>} : memref<128xi32, #tpu.memory_space<vmem>>, vector<16xi32>,
      %get3A_435 = arith.constant 16 : index
      %get3A_436 = tpu.vector_load %arg9[%get3A_435] {strides = array<i32>} : memref<128xi32, #tpu.memory_space<vmem>>, vector<16xi32>,
      %sub3A_437 = vector.broadcast %mul3A_20 : i32 to vector<16xi32>
      %sub3A_438 = arith.subi %get3A_436, %sub3A_437 : vector<16xi32>
      %ge3A_439 = arith.constant 0 : i32
      %ge3A_440 = vector.broadcast %ge3A_439 : i32 to vector<16xi32>
      %ge3A_441 = arith.cmpi sge, %sub3A_438, %ge3A_440 : vector<16xi32>
      %lt3A_442 = arith.constant 5000 : i32
      %lt3A_443 = vector.broadcast %lt3A_442 : i32 to vector<16xi32>
      %lt3A_444 = arith.cmpi slt, %sub3A_438, %lt3A_443 : vector<16xi32>
      %and3A_445 = arith.andi %ge3A_441, %lt3A_444 : vector<16xi1>
      %select_n3A_446 = arith.select %and3A_445, %sub3A_438, %add3A_25 : vector<16xi1>, vector<16xi32>
      %swap3A_447 = arith.constant 16 : index
      %swap3A_448 = tpu.vector_load %arg12[%swap3A_447] {strides = array<i32>} : memref<128xi32, #tpu.memory_space<vmem>>, vector<16xi32>,
      tpu.vector_store %arg12[%swap3A_447], %select_n3A_446 {strides = array<i32>} : memref<128xi32, #tpu.memory_space<vmem>>, vector<16xi32>,
      %get3A_449 = arith.constant 32 : index
      %get3A_450 = tpu.vector_load %arg9[%get3A_449] {strides = array<i32>} : memref<128xi32, #tpu.memory_space<vmem>>, vector<16xi32>,
      %sub3A_451 = vector.broadcast %mul3A_20 : i32 to vector<16xi32>
      %sub3A_452 = arith.subi %get3A_450, %sub3A_451 : vector<16xi32>
      %ge3A_453 = arith.constant 0 : i32
      %ge3A_454 = vector.broadcast %ge3A_453 : i32 to vector<16xi32>
      %ge3A_455 = arith.cmpi sge, %sub3A_452, %ge3A_454 : vector<16xi32>
      %lt3A_456 = arith.constant 5000 : i32
      %lt3A_457 = vector.broadcast %lt3A_456 : i32 to vector<16xi32>
      %lt3A_458 = arith.cmpi slt, %sub3A_452, %lt3A_457 : vector<16xi32>
      %and3A_459 = arith.andi %ge3A_455, %lt3A_458 : vector<16xi1>
      %select_n3A_460 = arith.select %and3A_459, %sub3A_452, %add3A_25 : vector<16xi1>, vector<16xi32>
      %swap3A_461 = arith.constant 32 : index
      %swap3A_462 = tpu.vector_load %arg12[%swap3A_461] {strides = array<i32>} : memref<128xi32, #tpu.memory_space<vmem>>, vector<16xi32>,
      tpu.vector_store %arg12[%swap3A_461], %select_n3A_460 {strides = array<i32>} : memref<128xi32, #tpu.memory_space<vmem>>, vector<16xi32>,
      %get3A_463 = arith.constant 48 : index
      %get3A_464 = tpu.vector_load %arg9[%get3A_463] {strides = array<i32>} : memref<128xi32, #tpu.memory_space<vmem>>, vector<16xi32>,
      %sub3A_465 = vector.broadcast %mul3A_20 : i32 to vector<16xi32>
      %sub3A_466 = arith.subi %get3A_464, %sub3A_465 : vector<16xi32>
      %ge3A_467 = arith.constant 0 : i32
      %ge3A_468 = vector.broadcast %ge3A_467 : i32 to vector<16xi32>
      %ge3A_469 = arith.cmpi sge, %sub3A_466, %ge3A_468 : vector<16xi32>
      %lt3A_470 = arith.constant 5000 : i32
      %lt3A_471 = vector.broadcast %lt3A_470 : i32 to vector<16xi32>
      %lt3A_472 = arith.cmpi slt, %sub3A_466, %lt3A_471 : vector<16xi32>
      %and3A_473 = arith.andi %ge3A_469, %lt3A_472 : vector<16xi1>
      %select_n3A_474 = arith.select %and3A_473, %sub3A_466, %add3A_25 : vector<16xi1>, vector<16xi32>
      %swap3A_475 = arith.constant 48 : index
      %swap3A_476 = tpu.vector_load %arg12[%swap3A_475] {strides = array<i32>} : memref<128xi32, #tpu.memory_space<vmem>>, vector<16xi32>,
      tpu.vector_store %arg12[%swap3A_475], %select_n3A_474 {strides = array<i32>} : memref<128xi32, #tpu.memory_space<vmem>>, vector<16xi32>,
      %get3A_477 = arith.constant 64 : index
      %get3A_478 = tpu.vector_load %arg9[%get3A_477] {strides = array<i32>} : memref<128xi32, #tpu.memory_space<vmem>>, vector<16xi32>,
      %sub3A_479 = vector.broadcast %mul3A_20 : i32 to vector<16xi32>
      %sub3A_480 = arith.subi %get3A_478, %sub3A_479 : vector<16xi32>
      %ge3A_481 = arith.constant 0 : i32
      %ge3A_482 = vector.broadcast %ge3A_481 : i32 to vector<16xi32>
      %ge3A_483 = arith.cmpi sge, %sub3A_480, %ge3A_482 : vector<16xi32>
      %lt3A_484 = arith.constant 5000 : i32
      %lt3A_485 = vector.broadcast %lt3A_484 : i32 to vector<16xi32>
      %lt3A_486 = arith.cmpi slt, %sub3A_480, %lt3A_485 : vector<16xi32>
      %and3A_487 = arith.andi %ge3A_483, %lt3A_486 : vector<16xi1>
      %select_n3A_488 = arith.select %and3A_487, %sub3A_480, %add3A_25 : vector<16xi1>, vector<16xi32>
      %swap3A_489 = arith.constant 64 : index
      %swap3A_490 = tpu.vector_load %arg12[%swap3A_489] {strides = array<i32>} : memref<128xi32, #tpu.memory_space<vmem>>, vector<16xi32>,
      tpu.vector_store %arg12[%swap3A_489], %select_n3A_488 {strides = array<i32>} : memref<128xi32, #tpu.memory_space<vmem>>, vector<16xi32>,
      %get3A_491 = arith.constant 80 : index
      %get3A_492 = tpu.vector_load %arg9[%get3A_491] {strides = array<i32>} : memref<128xi32, #tpu.memory_space<vmem>>, vector<16xi32>,
      %sub3A_493 = vector.broadcast %mul3A_20 : i32 to vector<16xi32>
      %sub3A_494 = arith.subi %get3A_492, %sub3A_493 : vector<16xi32>
      %ge3A_495 = arith.constant 0 : i32
      %ge3A_496 = vector.broadcast %ge3A_495 : i32 to vector<16xi32>
      %ge3A_497 = arith.cmpi sge, %sub3A_494, %ge3A_496 : vector<16xi32>
      %lt3A_498 = arith.constant 5000 : i32
      %lt3A_499 = vector.broadcast %lt3A_498 : i32 to vector<16xi32>
      %lt3A_500 = arith.cmpi slt, %sub3A_494, %lt3A_499 : vector<16xi32>
      %and3A_501 = arith.andi %ge3A_497, %lt3A_500 : vector<16xi1>
      %select_n3A_502 = arith.select %and3A_501, %sub3A_494, %add3A_25 : vector<16xi1>, vector<16xi32>
      %swap3A_503 = arith.constant 80 : index
      %swap3A_504 = tpu.vector_load %arg12[%swap3A_503] {strides = array<i32>} : memref<128xi32, #tpu.memory_space<vmem>>, vector<16xi32>,
      tpu.vector_store %arg12[%swap3A_503], %select_n3A_502 {strides = array<i32>} : memref<128xi32, #tpu.memory_space<vmem>>, vector<16xi32>,
      %get3A_505 = arith.constant 96 : index
      %get3A_506 = tpu.vector_load %arg9[%get3A_505] {strides = array<i32>} : memref<128xi32, #tpu.memory_space<vmem>>, vector<16xi32>,
      %sub3A_507 = vector.broadcast %mul3A_20 : i32 to vector<16xi32>
      %sub3A_508 = arith.subi %get3A_506, %sub3A_507 : vector<16xi32>
      %ge3A_509 = arith.constant 0 : i32
      %ge3A_510 = vector.broadcast %ge3A_509 : i32 to vector<16xi32>
      %ge3A_511 = arith.cmpi sge, %sub3A_508, %ge3A_510 : vector<16xi32>
      %lt3A_512 = arith.constant 5000 : i32
      %lt3A_513 = vector.broadcast %lt3A_512 : i32 to vector<16xi32>
      %lt3A_514 = arith.cmpi slt, %sub3A_508, %lt3A_513 : vector<16xi32>
      %and3A_515 = arith.andi %ge3A_511, %lt3A_514 : vector<16xi1>
      %select_n3A_516 = arith.select %and3A_515, %sub3A_508, %add3A_25 : vector<16xi1>, vector<16xi32>
      %swap3A_517 = arith.constant 96 : index
      %swap3A_518 = tpu.vector_load %arg12[%swap3A_517] {strides = array<i32>} : memref<128xi32, #tpu.memory_space<vmem>>, vector<16xi32>,
      tpu.vector_store %arg12[%swap3A_517], %select_n3A_516 {strides = array<i32>} : memref<128xi32, #tpu.memory_space<vmem>>, vector<16xi32>,
      %get3A_519 = arith.constant 112 : index
      %get3A_520 = tpu.vector_load %arg9[%get3A_519] {strides = array<i32>} : memref<128xi32, #tpu.memory_space<vmem>>, vector<16xi32>,
      %sub3A_521 = vector.broadcast %mul3A_20 : i32 to vector<16xi32>
      %sub3A_522 = arith.subi %get3A_520, %sub3A_521 : vector<16xi32>
      %ge3A_523 = arith.constant 0 : i32
      %ge3A_524 = vector.broadcast %ge3A_523 : i32 to vector<16xi32>
      %ge3A_525 = arith.cmpi sge, %sub3A_522, %ge3A_524 : vector<16xi32>
      %lt3A_526 = arith.constant 5000 : i32
      %lt3A_527 = vector.broadcast %lt3A_526 : i32 to vector<16xi32>
      %lt3A_528 = arith.cmpi slt, %sub3A_522, %lt3A_527 : vector<16xi32>
      %and3A_529 = arith.andi %ge3A_525, %lt3A_528 : vector<16xi1>
      %select_n3A_530 = arith.select %and3A_529, %sub3A_522, %add3A_25 : vector<16xi1>, vector<16xi32>
      %swap3A_531 = arith.constant 112 : index
      %swap3A_532 = tpu.vector_load %arg12[%swap3A_531] {strides = array<i32>} : memref<128xi32, #tpu.memory_space<vmem>>, vector<16xi32>,
      tpu.vector_store %arg12[%swap3A_531], %select_n3A_530 {strides = array<i32>} : memref<128xi32, #tpu.memory_space<vmem>>, vector<16xi32>,
      %add3A_533 = arith.constant 3 : i32
      %add3A_534 = arith.addi %add3A_416, %add3A_533 : i32
      %lt3A_535 = arith.constant 156 : i32
      %lt3A_536 = arith.cmpi slt, %add3A_534, %lt3A_535 : i32
      %convert_element_type3A_537 = arith.extui %lt3A_536 : i1 to i32
      %cond3A_538 = arith.constant 0 : i32
      %cond3A_539 = arith.cmpi ne, %convert_element_type3A_537, %cond3A_538 : i32
      scf.if %cond3A_539 {
        %add3A_553 = arith.constant 3 : i32
        %add3A_554 = arith.addi %add3A_416, %add3A_553 : i32
        %mul3A_555 = arith.constant 20000 : i32
        %mul3A_556 = arith.muli %arg1, %mul3A_555 : i32
        %mul3A_557 = arith.constant 128 : i32
        %mul3A_558 = arith.muli %add3A_554, %mul3A_557 : i32
        %add3A_559 = arith.addi %mul3A_556, %mul3A_558 : i32
        %dma_start3A_560 = tpu.memref_slice %arg4[%add3A_559] : memref<320000xi32, #tpu.memory_space<hbm>> -> memref<128xi32, #tpu.memory_space<hbm>>
        %dma_start3A_561 = tpu.memref_slice %arg4[%add3A_559] : memref<320000xi32, #tpu.memory_space<hbm>> -> memref<128xi32, #tpu.memory_space<hbm>>
        tpu.enqueue_dma source(%dma_start3A_561 : memref<128xi32, #tpu.memory_space<hbm>>) target(%arg9 : memref<128xi32, #tpu.memory_space<vmem>>) target_semaphore(%arg23 : memref<!tpu.dma_semaphore, #tpu.memory_space<semaphore_mem>>)
      } else {
      }
      %dma_wait3A_540 = arith.constant 0 : i32
      %dma_wait3A_541 = arith.constant 0 : i32
      %dma_wait3A_542 = tpu.memref_slice %arg2[%dma_wait3A_540, %dma_wait3A_541] : memref<10000x128xf32, #tpu.memory_space<hbm>> -> memref<128x128xf32, #tpu.memory_space<hbm>>
      %dma_wait3A_543 = arith.constant 0 : i32
      %dma_wait3A_544 = arith.constant 0 : i32
      %dma_wait3A_545 = tpu.memref_slice %arg2[%dma_wait3A_543, %dma_wait3A_544] : memref<10000x128xf32, #tpu.memory_space<hbm>> -> memref<128x128xf32, #tpu.memory_space<hbm>>
      tpu.wait_dma2 semaphore(%arg26 : memref<!tpu.dma_semaphore, #tpu.memory_space<semaphore_mem>>) src(%dma_wait3A_545 : memref<128x128xf32, #tpu.memory_space<hbm>>) dst(%arg15 : memref<128x128xf32, #tpu.memory_space<vmem>>)
      "tpu.region"() ({
        %run_scoped3A = tpu.sem_alloc : memref<!tpu.dma_semaphore, #tpu.memory_space<semaphore_mem>>
        %dma_start3A_553 = arith.constant 0 : i32
        %dma_start3A_554 = arith.constant 0 : i32
        %dma_start3A_555 = tpu.memref_slice %arg20[%dma_start3A_553, %dma_start3A_554] : memref<5008x128xf32, #tpu.memory_space<vmem_shared>> -> memref<5008x128xf32, #tpu.memory_space<vmem_shared>>
        tpu.enqueue_indirect_dma source(%arg15 : memref<128x128xf32, #tpu.memory_space<vmem>>) target(%dma_start3A_555 : memref<5008x128xf32, #tpu.memory_space<vmem_shared>>) offsets(%arg12 : memref<128xi32, #tpu.memory_space<vmem>>) semaphore(%run_scoped3A : memref<!tpu.dma_semaphore, #tpu.memory_space<semaphore_mem>>) {add = true}
        %dma_wait3A_556 = arith.constant 0 : i32
        %dma_wait3A_557 = arith.constant 0 : i32
        %dma_wait3A_558 = tpu.memref_slice %arg20[%dma_wait3A_556, %dma_wait3A_557] : memref<5008x128xf32, #tpu.memory_space<vmem_shared>> -> memref<5008x128xf32, #tpu.memory_space<vmem_shared>>
        tpu.wait_indirect_dma semaphore(%run_scoped3A : memref<!tpu.dma_semaphore, #tpu.memory_space<semaphore_mem>>) src(%arg15 : memref<128x128xf32, #tpu.memory_space<vmem>>) dst(%dma_wait3A_558 : memref<5008x128xf32, #tpu.memory_space<vmem_shared>>)
        tpu.yield
      }) : () -> ()
      %add3A_546 = arith.constant 3 : i32
      %add3A_547 = arith.addi %add3A_416, %add3A_546 : i32
      %lt3A_548 = arith.constant 156 : i32
      %lt3A_549 = arith.cmpi slt, %add3A_547, %lt3A_548 : i32
      %convert_element_type3A_550 = arith.extui %lt3A_549 : i1 to i32
      %cond3A_551 = arith.constant 0 : i32
      %cond3A_552 = arith.cmpi ne, %convert_element_type3A_550, %cond3A_551 : i32
      scf.if %cond3A_552 {
        %add3A_553 = arith.constant 3 : i32
        %add3A_554 = arith.addi %add3A_416, %add3A_553 : i32
        %mul3A_555 = arith.constant 128 : i32
        %mul3A_556 = arith.muli %add3A_554, %mul3A_555 : i32
        %dma_start3A_557 = tpu.memref_slice %arg6[%mul3A_556] : memref<20000xi32, #tpu.memory_space<vmem>> -> memref<128xi32, #tpu.memory_space<vmem>>
        %dma_start3A_558 = arith.constant 0 : i32
        %dma_start3A_559 = arith.constant 0 : i32
        %dma_start3A_560 = tpu.memref_slice %arg2[%dma_start3A_558, %dma_start3A_559] : memref<10000x128xf32, #tpu.memory_space<hbm>> -> memref<10000x128xf32, #tpu.memory_space<hbm>>
        tpu.enqueue_indirect_dma source(%dma_start3A_560 : memref<10000x128xf32, #tpu.memory_space<hbm>>) target(%arg15 : memref<128x128xf32, #tpu.memory_space<vmem>>) offsets(%dma_start3A_557 : memref<128xi32, #tpu.memory_space<vmem>>) semaphore(%arg26 : memref<!tpu.dma_semaphore, #tpu.memory_space<semaphore_mem>>)
      } else {
      }
    }
    %scan3A_63 = arith.constant 52 : i32
    %mul3A_64 = arith.constant 20000 : i32
    %mul3A_65 = arith.muli %arg1, %mul3A_64 : i32
    %add3A_66 = arith.constant 19968 : i32
    %add3A_67 = arith.addi %mul3A_65, %add3A_66 : i32
    "tpu.region"() ({
      %run_scoped3A = tpu.sem_alloc : memref<!tpu.dma_semaphore, #tpu.memory_space<semaphore_mem>>
      %dma_start3A_132 = tpu.memref_slice %arg4[%add3A_67] : memref<320000xi32, #tpu.memory_space<hbm>> -> memref<32xi32, #tpu.memory_space<hbm>>
      %dma_start3A_133 = tpu.memref_slice %arg4[%add3A_67] : memref<320000xi32, #tpu.memory_space<hbm>> -> memref<32xi32, #tpu.memory_space<hbm>>
      tpu.enqueue_dma source(%dma_start3A_133 : memref<32xi32, #tpu.memory_space<hbm>>) target(%arg16 : memref<32xi32, #tpu.memory_space<vmem>>) target_semaphore(%run_scoped3A : memref<!tpu.dma_semaphore, #tpu.memory_space<semaphore_mem>>)
      %dma_wait3A_134 = tpu.memref_slice %arg4[%add3A_67] : memref<320000xi32, #tpu.memory_space<hbm>> -> memref<32xi32, #tpu.memory_space<hbm>>
      %dma_wait3A_135 = tpu.memref_slice %arg4[%add3A_67] : memref<320000xi32, #tpu.memory_space<hbm>> -> memref<32xi32, #tpu.memory_space<hbm>>
      tpu.wait_dma2 semaphore(%run_scoped3A : memref<!tpu.dma_semaphore, #tpu.memory_space<semaphore_mem>>) src(%dma_wait3A_135 : memref<32xi32, #tpu.memory_space<hbm>>) dst(%arg16 : memref<32xi32, #tpu.memory_space<vmem>>)
      tpu.yield
    }) : () -> ()
    %get3A = arith.constant 0 : index
    %get3A_68 = tpu.vector_load %arg16[%get3A] {strides = array<i32>} : memref<32xi32, #tpu.memory_space<vmem>>, vector<16xi32>,
    %sub3A = vector.broadcast %mul3A_20 : i32 to vector<16xi32>
    %sub3A_69 = arith.subi %get3A_68, %sub3A : vector<16xi32>
    %ge3A = arith.constant 0 : i32
    %ge3A_70 = vector.broadcast %ge3A : i32 to vector<16xi32>
    %ge3A_71 = arith.cmpi sge, %sub3A_69, %ge3A_70 : vector<16xi32>
    %lt3A = arith.constant 5000 : i32
    %lt3A_72 = vector.broadcast %lt3A : i32 to vector<16xi32>
    %lt3A_73 = arith.cmpi slt, %sub3A_69, %lt3A_72 : vector<16xi32>
    %and3A_74 = arith.andi %ge3A_71, %lt3A_73 : vector<16xi1>
    %select_n3A = arith.select %and3A_74, %sub3A_69, %add3A_25 : vector<16xi1>, vector<16xi32>
    %swap3A = arith.constant 0 : index
    %swap3A_75 = tpu.vector_load %arg17[%swap3A] {strides = array<i32>} : memref<32xi32, #tpu.memory_space<vmem>>, vector<16xi32>,
    tpu.vector_store %arg17[%swap3A], %select_n3A {strides = array<i32>} : memref<32xi32, #tpu.memory_space<vmem>>, vector<16xi32>,
    %get3A_76 = arith.constant 16 : index
    %get3A_77 = tpu.vector_load %arg16[%get3A_76] {strides = array<i32>} : memref<32xi32, #tpu.memory_space<vmem>>, vector<16xi32>,
    %sub3A_78 = vector.broadcast %mul3A_20 : i32 to vector<16xi32>
    %sub3A_79 = arith.subi %get3A_77, %sub3A_78 : vector<16xi32>
    %ge3A_80 = arith.constant 0 : i32
    %ge3A_81 = vector.broadcast %ge3A_80 : i32 to vector<16xi32>
    %ge3A_82 = arith.cmpi sge, %sub3A_79, %ge3A_81 : vector<16xi32>
    %lt3A_83 = arith.constant 5000 : i32
    %lt3A_84 = vector.broadcast %lt3A_83 : i32 to vector<16xi32>
    %lt3A_85 = arith.cmpi slt, %sub3A_79, %lt3A_84 : vector<16xi32>
    %and3A_86 = arith.andi %ge3A_82, %lt3A_85 : vector<16xi1>
    %select_n3A_87 = arith.select %and3A_86, %sub3A_79, %add3A_25 : vector<16xi1>, vector<16xi32>
    %swap3A_88 = arith.constant 16 : index
    %swap3A_89 = tpu.vector_load %arg17[%swap3A_88] {strides = array<i32>} : memref<32xi32, #tpu.memory_space<vmem>>, vector<16xi32>,
    tpu.vector_store %arg17[%swap3A_88], %select_n3A_87 {strides = array<i32>} : memref<32xi32, #tpu.memory_space<vmem>>, vector<16xi32>,
    %dma_start3A_90 = arith.constant 19968 : i32
    %dma_start3A_91 = tpu.memref_slice %arg6[%dma_start3A_90] : memref<20000xi32, #tpu.memory_space<vmem>> -> memref<32xi32, #tpu.memory_space<vmem>>
    %dma_start3A_92 = arith.constant 0 : i32
    %dma_start3A_93 = arith.constant 0 : i32
    %dma_start3A_94 = tpu.memref_slice %arg2[%dma_start3A_92, %dma_start3A_93] : memref<10000x128xf32, #tpu.memory_space<hbm>> -> memref<10000x128xf32, #tpu.memory_space<hbm>>
    tpu.enqueue_indirect_dma source(%dma_start3A_94 : memref<10000x128xf32, #tpu.memory_space<hbm>>) target(%arg18 : memref<32x128xf32, #tpu.memory_space<vmem>>) offsets(%dma_start3A_91 : memref<32xi32, #tpu.memory_space<vmem>>) semaphore(%arg24 : memref<!tpu.dma_semaphore, #tpu.memory_space<semaphore_mem>>)
    %dma_wait3A = arith.constant 19968 : i32
    %dma_wait3A_95 = tpu.memref_slice %arg6[%dma_wait3A] : memref<20000xi32, #tpu.memory_space<vmem>> -> memref<32xi32, #tpu.memory_space<vmem>>
    %dma_wait3A_96 = arith.constant 0 : i32
    %dma_wait3A_97 = arith.constant 0 : i32
    %dma_wait3A_98 = tpu.memref_slice %arg2[%dma_wait3A_96, %dma_wait3A_97] : memref<10000x128xf32, #tpu.memory_space<hbm>> -> memref<10000x128xf32, #tpu.memory_space<hbm>>
    tpu.wait_indirect_dma semaphore(%arg24 : memref<!tpu.dma_semaphore, #tpu.memory_space<semaphore_mem>>) src(%dma_wait3A_98 : memref<10000x128xf32, #tpu.memory_space<hbm>>) dst(%arg18 : memref<32x128xf32, #tpu.memory_space<vmem>>)
    "tpu.region"() ({
      %run_scoped3A = tpu.sem_alloc : memref<!tpu.dma_semaphore, #tpu.memory_space<semaphore_mem>>
      %dma_start3A_132 = arith.constant 0 : i32
      %dma_start3A_133 = arith.constant 0 : i32
      %dma_start3A_134 = tpu.memref_slice %arg20[%dma_start3A_132, %dma_start3A_133] : memref<5008x128xf32, #tpu.memory_space<vmem_shared>> -> memref<5008x128xf32, #tpu.memory_space<vmem_shared>>
      tpu.enqueue_indirect_dma source(%arg18 : memref<32x128xf32, #tpu.memory_space<vmem>>) target(%dma_start3A_134 : memref<5008x128xf32, #tpu.memory_space<vmem_shared>>) offsets(%arg17 : memref<32xi32, #tpu.memory_space<vmem>>) semaphore(%run_scoped3A : memref<!tpu.dma_semaphore, #tpu.memory_space<semaphore_mem>>) {add = true}
      %dma_wait3A_135 = arith.constant 0 : i32
      %dma_wait3A_136 = arith.constant 0 : i32
      %dma_wait3A_137 = tpu.memref_slice %arg20[%dma_wait3A_135, %dma_wait3A_136] : memref<5008x128xf32, #tpu.memory_space<vmem_shared>> -> memref<5008x128xf32, #tpu.memory_space<vmem_shared>>
      tpu.wait_indirect_dma semaphore(%run_scoped3A : memref<!tpu.dma_semaphore, #tpu.memory_space<semaphore_mem>>) src(%arg18 : memref<32x128xf32, #tpu.memory_space<vmem>>) dst(%dma_wait3A_137 : memref<5008x128xf32, #tpu.memory_space<vmem_shared>>)
      tpu.yield
    }) : () -> ()
    %barrier3A_99 = arith.constant 0 : index
    tpu.barrier barrier_id(%barrier3A_99)
    %mul3A_100 = arith.constant 312 : i32
    %mul3A_101 = arith.muli %arg1, %mul3A_100 : i32
    %add3A_102 = arith.constant 0 : i32
    %add3A_103 = arith.addi %mul3A_101, %add3A_102 : i32
    "tpu.region"() ({
      %run_scoped3A = tpu.sem_alloc : memref<!tpu.dma_semaphore, #tpu.memory_space<semaphore_mem>>
      %dma_start3A_132 = arith.constant 0 : i32
      %dma_start3A_133 = tpu.memref_slice %arg20[%add3A_103, %dma_start3A_132] : memref<5008x128xf32, #tpu.memory_space<vmem_shared>> -> memref<104x128xf32, #tpu.memory_space<vmem_shared>>
      %dma_start3A_134 = arith.constant 0 : i32
      %dma_start3A_135 = tpu.memref_slice %arg20[%add3A_103, %dma_start3A_134] : memref<5008x128xf32, #tpu.memory_space<vmem_shared>> -> memref<104x128xf32, #tpu.memory_space<vmem_shared>>
      tpu.enqueue_dma source(%dma_start3A_135 : memref<104x128xf32, #tpu.memory_space<vmem_shared>>) target(%arg19 : memref<104x128xf32, #tpu.memory_space<vmem>>) target_semaphore(%run_scoped3A : memref<!tpu.dma_semaphore, #tpu.memory_space<semaphore_mem>>)
      %dma_wait3A_136 = arith.constant 0 : i32
      %dma_wait3A_137 = tpu.memref_slice %arg20[%add3A_103, %dma_wait3A_136] : memref<5008x128xf32, #tpu.memory_space<vmem_shared>> -> memref<104x128xf32, #tpu.memory_space<vmem_shared>>
      %dma_wait3A_138 = arith.constant 0 : i32
      %dma_wait3A_139 = tpu.memref_slice %arg20[%add3A_103, %dma_wait3A_138] : memref<5008x128xf32, #tpu.memory_space<vmem_shared>> -> memref<104x128xf32, #tpu.memory_space<vmem_shared>>
      tpu.wait_dma2 semaphore(%run_scoped3A : memref<!tpu.dma_semaphore, #tpu.memory_space<semaphore_mem>>) src(%dma_wait3A_139 : memref<104x128xf32, #tpu.memory_space<vmem_shared>>) dst(%arg19 : memref<104x128xf32, #tpu.memory_space<vmem>>)
      tpu.yield
    }) : () -> ()
    %mul3A_104 = arith.constant 312 : i32
    %mul3A_105 = arith.muli %arg1, %mul3A_104 : i32
    %add3A_106 = arith.addi %mul3A_20, %mul3A_105 : i32
    %add3A_107 = arith.constant 0 : i32
    %add3A_108 = arith.addi %add3A_106, %add3A_107 : i32
    "tpu.region"() ({
      %run_scoped3A = tpu.sem_alloc : memref<!tpu.dma_semaphore, #tpu.memory_space<semaphore_mem>>
      %dma_start3A_132 = arith.constant 0 : i32
      %dma_start3A_133 = tpu.memref_slice %arg5[%add3A_108, %dma_start3A_132] : memref<10000x128xf32, #tpu.memory_space<hbm>> -> memref<104x128xf32, #tpu.memory_space<hbm>>
      %dma_start3A_134 = arith.constant 0 : i32
      %dma_start3A_135 = tpu.memref_slice %arg5[%add3A_108, %dma_start3A_134] : memref<10000x128xf32, #tpu.memory_space<hbm>> -> memref<104x128xf32, #tpu.memory_space<hbm>>
      tpu.enqueue_dma source(%arg19 : memref<104x128xf32, #tpu.memory_space<vmem>>) target(%dma_start3A_135 : memref<104x128xf32, #tpu.memory_space<hbm>>) target_semaphore(%run_scoped3A : memref<!tpu.dma_semaphore, #tpu.memory_space<semaphore_mem>>)
      %dma_wait3A_136 = arith.constant 0 : i32
      %dma_wait3A_137 = tpu.memref_slice %arg5[%add3A_108, %dma_wait3A_136] : memref<10000x128xf32, #tpu.memory_space<hbm>> -> memref<104x128xf32, #tpu.memory_space<hbm>>
      %dma_wait3A_138 = arith.constant 0 : i32
      %dma_wait3A_139 = tpu.memref_slice %arg5[%add3A_108, %dma_wait3A_138] : memref<10000x128xf32, #tpu.memory_space<hbm>> -> memref<104x128xf32, #tpu.memory_space<hbm>>
      tpu.wait_dma2 semaphore(%run_scoped3A : memref<!tpu.dma_semaphore, #tpu.memory_space<semaphore_mem>>) src(%arg19 : memref<104x128xf32, #tpu.memory_space<vmem>>) dst(%dma_wait3A_139 : memref<104x128xf32, #tpu.memory_space<hbm>>)
      tpu.yield
    }) : () -> ()
    %mul3A_109 = arith.constant 312 : i32
    %mul3A_110 = arith.muli %arg1, %mul3A_109 : i32
    %add3A_111 = arith.constant 104 : i32
    %add3A_112 = arith.addi %mul3A_110, %add3A_111 : i32
    "tpu.region"() ({
      %run_scoped3A = tpu.sem_alloc : memref<!tpu.dma_semaphore, #tpu.memory_space<semaphore_mem>>
      %dma_start3A_132 = arith.constant 0 : i32
      %dma_start3A_133 = tpu.memref_slice %arg20[%add3A_112, %dma_start3A_132] : memref<5008x128xf32, #tpu.memory_space<vmem_shared>> -> memref<104x128xf32, #tpu.memory_space<vmem_shared>>
      %dma_start3A_134 = arith.constant 0 : i32
      %dma_start3A_135 = tpu.memref_slice %arg20[%add3A_112, %dma_start3A_134] : memref<5008x128xf32, #tpu.memory_space<vmem_shared>> -> memref<104x128xf32, #tpu.memory_space<vmem_shared>>
      tpu.enqueue_dma source(%dma_start3A_135 : memref<104x128xf32, #tpu.memory_space<vmem_shared>>) target(%arg19 : memref<104x128xf32, #tpu.memory_space<vmem>>) target_semaphore(%run_scoped3A : memref<!tpu.dma_semaphore, #tpu.memory_space<semaphore_mem>>)
      %dma_wait3A_136 = arith.constant 0 : i32
      %dma_wait3A_137 = tpu.memref_slice %arg20[%add3A_112, %dma_wait3A_136] : memref<5008x128xf32, #tpu.memory_space<vmem_shared>> -> memref<104x128xf32, #tpu.memory_space<vmem_shared>>
      %dma_wait3A_138 = arith.constant 0 : i32
      %dma_wait3A_139 = tpu.memref_slice %arg20[%add3A_112, %dma_wait3A_138] : memref<5008x128xf32, #tpu.memory_space<vmem_shared>> -> memref<104x128xf32, #tpu.memory_space<vmem_shared>>
      tpu.wait_dma2 semaphore(%run_scoped3A : memref<!tpu.dma_semaphore, #tpu.memory_space<semaphore_mem>>) src(%dma_wait3A_139 : memref<104x128xf32, #tpu.memory_space<vmem_shared>>) dst(%arg19 : memref<104x128xf32, #tpu.memory_space<vmem>>)
      tpu.yield
    }) : () -> ()
    %mul3A_113 = arith.constant 312 : i32
    %mul3A_114 = arith.muli %arg1, %mul3A_113 : i32
    %add3A_115 = arith.addi %mul3A_20, %mul3A_114 : i32
    %add3A_116 = arith.constant 104 : i32
    %add3A_117 = arith.addi %add3A_115, %add3A_116 : i32
    "tpu.region"() ({
      %run_scoped3A = tpu.sem_alloc : memref<!tpu.dma_semaphore, #tpu.memory_space<semaphore_mem>>
      %dma_start3A_132 = arith.constant 0 : i32
      %dma_start3A_133 = tpu.memref_slice %arg5[%add3A_117, %dma_start3A_132] : memref<10000x128xf32, #tpu.memory_space<hbm>> -> memref<104x128xf32, #tpu.memory_space<hbm>>
      %dma_start3A_134 = arith.constant 0 : i32
      %dma_start3A_135 = tpu.memref_slice %arg5[%add3A_117, %dma_start3A_134] : memref<10000x128xf32, #tpu.memory_space<hbm>> -> memref<104x128xf32, #tpu.memory_space<hbm>>
      tpu.enqueue_dma source(%arg19 : memref<104x128xf32, #tpu.memory_space<vmem>>) target(%dma_start3A_135 : memref<104x128xf32, #tpu.memory_space<hbm>>) target_semaphore(%run_scoped3A : memref<!tpu.dma_semaphore, #tpu.memory_space<semaphore_mem>>)
      %dma_wait3A_136 = arith.constant 0 : i32
      %dma_wait3A_137 = tpu.memref_slice %arg5[%add3A_117, %dma_wait3A_136] : memref<10000x128xf32, #tpu.memory_space<hbm>> -> memref<104x128xf32, #tpu.memory_space<hbm>>
      %dma_wait3A_138 = arith.constant 0 : i32
      %dma_wait3A_139 = tpu.memref_slice %arg5[%add3A_117, %dma_wait3A_138] : memref<10000x128xf32, #tpu.memory_space<hbm>> -> memref<104x128xf32, #tpu.memory_space<hbm>>
      tpu.wait_dma2 semaphore(%run_scoped3A : memref<!tpu.dma_semaphore, #tpu.memory_space<semaphore_mem>>) src(%arg19 : memref<104x128xf32, #tpu.memory_space<vmem>>) dst(%dma_wait3A_139 : memref<104x128xf32, #tpu.memory_space<hbm>>)
      tpu.yield
    }) : () -> ()
    %mul3A_118 = arith.constant 312 : i32
    %mul3A_119 = arith.muli %arg1, %mul3A_118 : i32
    %add3A_120 = arith.constant 208 : i32
    %add3A_121 = arith.addi %mul3A_119, %add3A_120 : i32
    "tpu.region"() ({
      %run_scoped3A = tpu.sem_alloc : memref<!tpu.dma_semaphore, #tpu.memory_space<semaphore_mem>>
      %dma_start3A_132 = arith.constant 0 : i32
      %dma_start3A_133 = tpu.memref_slice %arg20[%add3A_121, %dma_start3A_132] : memref<5008x128xf32, #tpu.memory_space<vmem_shared>> -> memref<104x128xf32, #tpu.memory_space<vmem_shared>>
      %dma_start3A_134 = arith.constant 0 : i32
      %dma_start3A_135 = tpu.memref_slice %arg20[%add3A_121, %dma_start3A_134] : memref<5008x128xf32, #tpu.memory_space<vmem_shared>> -> memref<104x128xf32, #tpu.memory_space<vmem_shared>>
      tpu.enqueue_dma source(%dma_start3A_135 : memref<104x128xf32, #tpu.memory_space<vmem_shared>>) target(%arg19 : memref<104x128xf32, #tpu.memory_space<vmem>>) target_semaphore(%run_scoped3A : memref<!tpu.dma_semaphore, #tpu.memory_space<semaphore_mem>>)
      %dma_wait3A_136 = arith.constant 0 : i32
      %dma_wait3A_137 = tpu.memref_slice %arg20[%add3A_121, %dma_wait3A_136] : memref<5008x128xf32, #tpu.memory_space<vmem_shared>> -> memref<104x128xf32, #tpu.memory_space<vmem_shared>>
      %dma_wait3A_138 = arith.constant 0 : i32
      %dma_wait3A_139 = tpu.memref_slice %arg20[%add3A_121, %dma_wait3A_138] : memref<5008x128xf32, #tpu.memory_space<vmem_shared>> -> memref<104x128xf32, #tpu.memory_space<vmem_shared>>
      tpu.wait_dma2 semaphore(%run_scoped3A : memref<!tpu.dma_semaphore, #tpu.memory_space<semaphore_mem>>) src(%dma_wait3A_139 : memref<104x128xf32, #tpu.memory_space<vmem_shared>>) dst(%arg19 : memref<104x128xf32, #tpu.memory_space<vmem>>)
      tpu.yield
    }) : () -> ()
    %mul3A_122 = arith.constant 312 : i32
    %mul3A_123 = arith.muli %arg1, %mul3A_122 : i32
    %add3A_124 = arith.addi %mul3A_20, %mul3A_123 : i32
    %add3A_125 = arith.constant 208 : i32
    %add3A_126 = arith.addi %add3A_124, %add3A_125 : i32
    "tpu.region"() ({
      %run_scoped3A = tpu.sem_alloc : memref<!tpu.dma_semaphore, #tpu.memory_space<semaphore_mem>>
      %dma_start3A_132 = arith.constant 0 : i32
      %dma_start3A_133 = tpu.memref_slice %arg5[%add3A_126, %dma_start3A_132] : memref<10000x128xf32, #tpu.memory_space<hbm>> -> memref<104x128xf32, #tpu.memory_space<hbm>>
      %dma_start3A_134 = arith.constant 0 : i32
      %dma_start3A_135 = tpu.memref_slice %arg5[%add3A_126, %dma_start3A_134] : memref<10000x128xf32, #tpu.memory_space<hbm>> -> memref<104x128xf32, #tpu.memory_space<hbm>>
      tpu.enqueue_dma source(%arg19 : memref<104x128xf32, #tpu.memory_space<vmem>>) target(%dma_start3A_135 : memref<104x128xf32, #tpu.memory_space<hbm>>) target_semaphore(%run_scoped3A : memref<!tpu.dma_semaphore, #tpu.memory_space<semaphore_mem>>)
      %dma_wait3A_136 = arith.constant 0 : i32
      %dma_wait3A_137 = tpu.memref_slice %arg5[%add3A_126, %dma_wait3A_136] : memref<10000x128xf32, #tpu.memory_space<hbm>> -> memref<104x128xf32, #tpu.memory_space<hbm>>
      %dma_wait3A_138 = arith.constant 0 : i32
      %dma_wait3A_139 = tpu.memref_slice %arg5[%add3A_126, %dma_wait3A_138] : memref<10000x128xf32, #tpu.memory_space<hbm>> -> memref<104x128xf32, #tpu.memory_space<hbm>>
      tpu.wait_dma2 semaphore(%run_scoped3A : memref<!tpu.dma_semaphore, #tpu.memory_space<semaphore_mem>>) src(%arg19 : memref<104x128xf32, #tpu.memory_space<vmem>>) dst(%dma_wait3A_139 : memref<104x128xf32, #tpu.memory_space<hbm>>)
      tpu.yield
    }) : () -> ()
    %eq3A_127 = arith.constant 15 : i32
    %eq3A_128 = arith.cmpi eq, %arg1, %eq3A_127 : i32
    %convert_element_type3A_129 = arith.extui %eq3A_128 : i1 to i32
    %cond3A_130 = arith.constant 0 : i32
    %cond3A_131 = arith.cmpi ne, %convert_element_type3A_129, %cond3A_130 : i32
    scf.if %cond3A_131 {
      "tpu.region"() ({
        %run_scoped3A = tpu.sem_alloc : memref<!tpu.dma_semaphore, #tpu.memory_space<semaphore_mem>>
        %dma_start3A_134 = arith.constant 0 : i32
        %dma_start3A_135 = arith.constant 0 : i32
        %dma_start3A_136 = tpu.memref_slice %arg19[%dma_start3A_134, %dma_start3A_135] : memref<104x128xf32, #tpu.memory_space<vmem>> -> memref<8x128xf32, #tpu.memory_space<vmem>>
        %dma_start3A_137 = arith.constant 4992 : i32
        %dma_start3A_138 = arith.constant 0 : i32
        %dma_start3A_139 = tpu.memref_slice %arg20[%dma_start3A_137, %dma_start3A_138] : memref<5008x128xf32, #tpu.memory_space<vmem_shared>> -> memref<8x128xf32, #tpu.memory_space<vmem_shared>>
        %dma_start3A_140 = arith.constant 0 : i32
        %dma_start3A_141 = arith.constant 0 : i32
        %dma_start3A_142 = tpu.memref_slice %arg19[%dma_start3A_140, %dma_start3A_141] : memref<104x128xf32, #tpu.memory_space<vmem>> -> memref<8x128xf32, #tpu.memory_space<vmem>>
        %dma_start3A_143 = arith.constant 4992 : i32
        %dma_start3A_144 = arith.constant 0 : i32
        %dma_start3A_145 = tpu.memref_slice %arg20[%dma_start3A_143, %dma_start3A_144] : memref<5008x128xf32, #tpu.memory_space<vmem_shared>> -> memref<8x128xf32, #tpu.memory_space<vmem_shared>>
        tpu.enqueue_dma source(%dma_start3A_145 : memref<8x128xf32, #tpu.memory_space<vmem_shared>>) target(%dma_start3A_142 : memref<8x128xf32, #tpu.memory_space<vmem>>) target_semaphore(%run_scoped3A : memref<!tpu.dma_semaphore, #tpu.memory_space<semaphore_mem>>)
        %dma_wait3A_146 = arith.constant 0 : i32
        %dma_wait3A_147 = arith.constant 0 : i32
        %dma_wait3A_148 = tpu.memref_slice %arg19[%dma_wait3A_146, %dma_wait3A_147] : memref<104x128xf32, #tpu.memory_space<vmem>> -> memref<8x128xf32, #tpu.memory_space<vmem>>
        %dma_wait3A_149 = arith.constant 4992 : i32
        %dma_wait3A_150 = arith.constant 0 : i32
        %dma_wait3A_151 = tpu.memref_slice %arg20[%dma_wait3A_149, %dma_wait3A_150] : memref<5008x128xf32, #tpu.memory_space<vmem_shared>> -> memref<8x128xf32, #tpu.memory_space<vmem_shared>>
        %dma_wait3A_152 = arith.constant 0 : i32
        %dma_wait3A_153 = arith.constant 0 : i32
        %dma_wait3A_154 = tpu.memref_slice %arg19[%dma_wait3A_152, %dma_wait3A_153] : memref<104x128xf32, #tpu.memory_space<vmem>> -> memref<8x128xf32, #tpu.memory_space<vmem>>
        %dma_wait3A_155 = arith.constant 4992 : i32
        %dma_wait3A_156 = arith.constant 0 : i32
        %dma_wait3A_157 = tpu.memref_slice %arg20[%dma_wait3A_155, %dma_wait3A_156] : memref<5008x128xf32, #tpu.memory_space<vmem_shared>> -> memref<8x128xf32, #tpu.memory_space<vmem_shared>>
        tpu.wait_dma2 semaphore(%run_scoped3A : memref<!tpu.dma_semaphore, #tpu.memory_space<semaphore_mem>>) src(%dma_wait3A_157 : memref<8x128xf32, #tpu.memory_space<vmem_shared>>) dst(%dma_wait3A_154 : memref<8x128xf32, #tpu.memory_space<vmem>>)
        tpu.yield
      }) : () -> ()
      %add3A_132 = arith.constant 4992 : i32
      %add3A_133 = arith.addi %mul3A_20, %add3A_132 : i32
      "tpu.region"() ({
        %run_scoped3A = tpu.sem_alloc : memref<!tpu.dma_semaphore, #tpu.memory_space<semaphore_mem>>
        %dma_start3A_134 = arith.constant 0 : i32
        %dma_start3A_135 = arith.constant 0 : i32
        %dma_start3A_136 = tpu.memref_slice %arg19[%dma_start3A_134, %dma_start3A_135] : memref<104x128xf32, #tpu.memory_space<vmem>> -> memref<8x128xf32, #tpu.memory_space<vmem>>
        %dma_start3A_137 = arith.constant 0 : i32
        %dma_start3A_138 = tpu.memref_slice %arg5[%add3A_133, %dma_start3A_137] : memref<10000x128xf32, #tpu.memory_space<hbm>> -> memref<8x128xf32, #tpu.memory_space<hbm>>
        %dma_start3A_139 = arith.constant 0 : i32
        %dma_start3A_140 = tpu.memref_slice %arg5[%add3A_133, %dma_start3A_139] : memref<10000x128xf32, #tpu.memory_space<hbm>> -> memref<8x128xf32, #tpu.memory_space<hbm>>
        %dma_start3A_141 = arith.constant 0 : i32
        %dma_start3A_142 = arith.constant 0 : i32
        %dma_start3A_143 = tpu.memref_slice %arg19[%dma_start3A_141, %dma_start3A_142] : memref<104x128xf32, #tpu.memory_space<vmem>> -> memref<8x128xf32, #tpu.memory_space<vmem>>
        tpu.enqueue_dma source(%dma_start3A_143 : memref<8x128xf32, #tpu.memory_space<vmem>>) target(%dma_start3A_140 : memref<8x128xf32, #tpu.memory_space<hbm>>) target_semaphore(%run_scoped3A : memref<!tpu.dma_semaphore, #tpu.memory_space<semaphore_mem>>)
        %dma_wait3A_144 = arith.constant 0 : i32
        %dma_wait3A_145 = arith.constant 0 : i32
        %dma_wait3A_146 = tpu.memref_slice %arg19[%dma_wait3A_144, %dma_wait3A_145] : memref<104x128xf32, #tpu.memory_space<vmem>> -> memref<8x128xf32, #tpu.memory_space<vmem>>
        %dma_wait3A_147 = arith.constant 0 : i32
        %dma_wait3A_148 = tpu.memref_slice %arg5[%add3A_133, %dma_wait3A_147] : memref<10000x128xf32, #tpu.memory_space<hbm>> -> memref<8x128xf32, #tpu.memory_space<hbm>>
        %dma_wait3A_149 = arith.constant 0 : i32
        %dma_wait3A_150 = tpu.memref_slice %arg5[%add3A_133, %dma_wait3A_149] : memref<10000x128xf32, #tpu.memory_space<hbm>> -> memref<8x128xf32, #tpu.memory_space<hbm>>
        %dma_wait3A_151 = arith.constant 0 : i32
        %dma_wait3A_152 = arith.constant 0 : i32
        %dma_wait3A_153 = tpu.memref_slice %arg19[%dma_wait3A_151, %dma_wait3A_152] : memref<104x128xf32, #tpu.memory_space<vmem>> -> memref<8x128xf32, #tpu.memory_space<vmem>>
        tpu.wait_dma2 semaphore(%run_scoped3A : memref<!tpu.dma_semaphore, #tpu.memory_space<semaphore_mem>>) src(%dma_wait3A_153 : memref<8x128xf32, #tpu.memory_space<vmem>>) dst(%dma_wait3A_150 : memref<8x128xf32, #tpu.memory_space<hbm>>)
        tpu.yield
      }) : () -> ()
    } else {
    }
    return
  }
}

module attributes {stable_mosaic.version = 14 : i64} {
  func.func @_tc_first(%arg0: memref<32x10000xf32, #tpu.memory_space<vmem>>, %arg1: memref<10000x128xf32, #tpu.memory_space<vmem>>, %arg2: memref<128x128xf32, #tpu.memory_space<vmem>>, %arg3: memref<10000xf32, #tpu.memory_space<vmem>>, %arg4: memref<10000x128xf32, #tpu.memory_space<vmem>>) attributes {dimension_semantics = [], scalar_prefetch = 0 : i64, scratch_operands = 0 : i64, tpu.core_type = #tpu.core_type<tc>} {
    %get3A = arith.constant 0 : index
    %get3A_0 = arith.constant 0 : index
    %get3A_1 = vector.load %arg0[%get3A, %get3A_0] : memref<32x10000xf32, #tpu.memory_space<vmem>>, vector<32x10000xf32>
    %reduce_sum3A = arith.constant dense<0.000000e+00> : vector<10000xf32>
    %reduce_sum3A_2 = vector.multi_reduction <add>, %get3A_1, %reduce_sum3A [0] : vector<32x10000xf32> to vector<10000xf32>
    %add3A = arith.constant 1.000000e+00 : f32
    %add3A_3 = vector.broadcast %add3A : f32 to vector<10000xf32>
    %add3A_4 = arith.addf %reduce_sum3A_2, %add3A_3 : vector<10000xf32>
    %rsqrt3A = math.rsqrt %add3A_4 : vector<10000xf32>
    %swap3A = arith.constant 0 : index
    %swap3A_5 = vector.load %arg3[%swap3A] : memref<10000xf32, #tpu.memory_space<vmem>>, vector<10000xf32>
    tpu.vector_store %arg3[%swap3A], %rsqrt3A {strides = array<i32>} : memref<10000xf32, #tpu.memory_space<vmem>>, vector<10000xf32>,
    %get3A_6 = arith.constant 0 : index
    %get3A_7 = arith.constant 0 : index
    %get3A_8 = vector.load %arg1[%get3A_6, %get3A_7] : memref<10000x128xf32, #tpu.memory_space<vmem>>, vector<10000x128xf32>
    %get3A_9 = arith.constant 0 : index
    %get3A_10 = arith.constant 0 : index
    %get3A_11 = vector.load %arg2[%get3A_9, %get3A_10] : memref<128x128xf32, #tpu.memory_space<vmem>>, vector<128x128xf32>
    %dot_general3A = arith.constant dense<0.000000e+00> : vector<10000x128xf32>
    %dot_general3A_12 = tpu.matmul %get3A_8, %get3A_11, %dot_general3A {dimension_numbers = #tpu.dot_dimension_numbers<[1], [0], [0], [1], [0, 0, 1, 1], [], []>, transpose_lhs_hint = false} : vector<10000x128xf32>, vector<128x128xf32>, vector<10000x128xf32> -> vector<10000x128xf32>
    %broadcast_in_dim3A = vector.shape_cast %rsqrt3A : vector<10000xf32> to vector<10000x1xf32>
    %mul3A = vector.broadcast %broadcast_in_dim3A : vector<10000x1xf32> to vector<10000x128xf32>
    %mul3A_13 = arith.mulf %dot_general3A_12, %mul3A : vector<10000x128xf32>
    %swap3A_14 = arith.constant 0 : index
    %swap3A_15 = arith.constant 0 : index
    %swap3A_16 = vector.load %arg4[%swap3A_14, %swap3A_15] : memref<10000x128xf32, #tpu.memory_space<vmem>>, vector<10000x128xf32>
    tpu.vector_store %arg4[%swap3A_14, %swap3A_15], %mul3A_13 {strides = array<i32>} : memref<10000x128xf32, #tpu.memory_space<vmem>>, vector<10000x128xf32>,
    return
  }
}

module attributes {stable_mosaic.version = 14 : i64} {
  func.func @_tc_mid(%arg0: memref<10000x128xf32, #tpu.memory_space<vmem>>, %arg1: memref<10000x128xf32, #tpu.memory_space<vmem>>, %arg2: memref<10000xf32, #tpu.memory_space<vmem>>, %arg3: memref<128xf32, #tpu.memory_space<vmem>>, %arg4: memref<128x128xf32, #tpu.memory_space<vmem>>, %arg5: memref<10000x128xf32, #tpu.memory_space<vmem>>) attributes {dimension_semantics = [], scalar_prefetch = 0 : i64, scratch_operands = 0 : i64, tpu.core_type = #tpu.core_type<tc>} {
    %get3A = arith.constant 0 : index
    %get3A_0 = vector.load %arg2[%get3A] : memref<10000xf32, #tpu.memory_space<vmem>>, vector<10000xf32>
    %get3A_1 = arith.constant 0 : index
    %get3A_2 = arith.constant 0 : index
    %get3A_3 = vector.load %arg0[%get3A_1, %get3A_2] : memref<10000x128xf32, #tpu.memory_space<vmem>>, vector<10000x128xf32>
    %get3A_4 = arith.constant 0 : index
    %get3A_5 = arith.constant 0 : index
    %get3A_6 = vector.load %arg1[%get3A_4, %get3A_5] : memref<10000x128xf32, #tpu.memory_space<vmem>>, vector<10000x128xf32>
    %add3A = arith.addf %get3A_3, %get3A_6 : vector<10000x128xf32>
    %broadcast_in_dim3A = vector.shape_cast %get3A_0 : vector<10000xf32> to vector<10000x1xf32>
    %mul3A = vector.broadcast %broadcast_in_dim3A : vector<10000x1xf32> to vector<10000x128xf32>
    %mul3A_7 = arith.mulf %mul3A, %add3A : vector<10000x128xf32>
    %get3A_8 = arith.constant 0 : index
    %get3A_9 = vector.load %arg3[%get3A_8] : memref<128xf32, #tpu.memory_space<vmem>>, vector<128xf32>
    %broadcast_in_dim3A_10 = vector.shape_cast %get3A_9 : vector<128xf32> to vector<1x128xf32>
    %add3A_11 = vector.broadcast %broadcast_in_dim3A_10 : vector<1x128xf32> to vector<10000x128xf32>
    %add3A_12 = arith.addf %mul3A_7, %add3A_11 : vector<10000x128xf32>
    %max3A = arith.constant 0.000000e+00 : f32
    %max3A_13 = vector.broadcast %max3A : f32 to vector<10000x128xf32>
    %max3A_14 = arith.maximumf %add3A_12, %max3A_13 : vector<10000x128xf32>
    %get3A_15 = arith.constant 0 : index
    %get3A_16 = arith.constant 0 : index
    %get3A_17 = vector.load %arg4[%get3A_15, %get3A_16] : memref<128x128xf32, #tpu.memory_space<vmem>>, vector<128x128xf32>
    %dot_general3A = arith.constant dense<0.000000e+00> : vector<10000x128xf32>
    %dot_general3A_18 = tpu.matmul %max3A_14, %get3A_17, %dot_general3A {dimension_numbers = #tpu.dot_dimension_numbers<[1], [0], [0], [1], [0, 0, 1, 1], [], []>, transpose_lhs_hint = false} : vector<10000x128xf32>, vector<128x128xf32>, vector<10000x128xf32> -> vector<10000x128xf32>
    %broadcast_in_dim3A_19 = vector.shape_cast %get3A_0 : vector<10000xf32> to vector<10000x1xf32>
    %mul3A_20 = vector.broadcast %broadcast_in_dim3A_19 : vector<10000x1xf32> to vector<10000x128xf32>
    %mul3A_21 = arith.mulf %dot_general3A_18, %mul3A_20 : vector<10000x128xf32>
    %swap3A = arith.constant 0 : index
    %swap3A_22 = arith.constant 0 : index
    %swap3A_23 = vector.load %arg5[%swap3A, %swap3A_22] : memref<10000x128xf32, #tpu.memory_space<vmem>>, vector<10000x128xf32>
    tpu.vector_store %arg5[%swap3A, %swap3A_22], %mul3A_21 {strides = array<i32>} : memref<10000x128xf32, #tpu.memory_space<vmem>>, vector<10000x128xf32>,
    return
  }
}

module attributes {stable_mosaic.version = 14 : i64} {
  func.func @_tc_last(%arg0: memref<10000x128xf32, #tpu.memory_space<vmem>>, %arg1: memref<10000x128xf32, #tpu.memory_space<vmem>>, %arg2: memref<10000xf32, #tpu.memory_space<vmem>>, %arg3: memref<128xf32, #tpu.memory_space<vmem>>, %arg4: memref<10000xi32, #tpu.memory_space<vmem>>, %arg5: memref<128x40xf32, #tpu.memory_space<vmem>>, %arg6: memref<40xf32, #tpu.memory_space<vmem>>, %arg7: memref<64x40xf32, #tpu.memory_space<vmem>>) attributes {dimension_semantics = [], scalar_prefetch = 0 : i64, scratch_operands = 0 : i64, tpu.core_type = #tpu.core_type<tc>} {
    %get3A = arith.constant 0 : index
    %get3A_0 = vector.load %arg2[%get3A] : memref<10000xf32, #tpu.memory_space<vmem>>, vector<10000xf32>
    %get3A_1 = arith.constant 0 : index
    %get3A_2 = arith.constant 0 : index
    %get3A_3 = vector.load %arg0[%get3A_1, %get3A_2] : memref<10000x128xf32, #tpu.memory_space<vmem>>, vector<10000x128xf32>
    %get3A_4 = arith.constant 0 : index
    %get3A_5 = arith.constant 0 : index
    %get3A_6 = vector.load %arg1[%get3A_4, %get3A_5] : memref<10000x128xf32, #tpu.memory_space<vmem>>, vector<10000x128xf32>
    %add3A = arith.addf %get3A_3, %get3A_6 : vector<10000x128xf32>
    %broadcast_in_dim3A = vector.shape_cast %get3A_0 : vector<10000xf32> to vector<10000x1xf32>
    %mul3A = vector.broadcast %broadcast_in_dim3A : vector<10000x1xf32> to vector<10000x128xf32>
    %mul3A_7 = arith.mulf %mul3A, %add3A : vector<10000x128xf32>
    %get3A_8 = arith.constant 0 : index
    %get3A_9 = vector.load %arg3[%get3A_8] : memref<128xf32, #tpu.memory_space<vmem>>, vector<128xf32>
    %broadcast_in_dim3A_10 = vector.shape_cast %get3A_9 : vector<128xf32> to vector<1x128xf32>
    %add3A_11 = vector.broadcast %broadcast_in_dim3A_10 : vector<1x128xf32> to vector<10000x128xf32>
    %add3A_12 = arith.addf %mul3A_7, %add3A_11 : vector<10000x128xf32>
    %max3A = arith.constant 0.000000e+00 : f32
    %max3A_13 = vector.broadcast %max3A : f32 to vector<10000x128xf32>
    %max3A_14 = arith.maximumf %add3A_12, %max3A_13 : vector<10000x128xf32>
    %iota3A = tpu.iota {dimensions = array<i32: 0>} : vector<64x10000xi32>
    %get3A_15 = arith.constant 0 : index
    %get3A_16 = vector.load %arg4[%get3A_15] : memref<10000xi32, #tpu.memory_space<vmem>>, vector<10000xi32>
    %broadcast_in_dim3A_17 = vector.shape_cast %get3A_16 : vector<10000xi32> to vector<1x10000xi32>
    %eq3A = vector.broadcast %broadcast_in_dim3A_17 : vector<1x10000xi32> to vector<64x10000xi32>
    %eq3A_18 = arith.cmpi eq, %eq3A, %iota3A : vector<64x10000xi32>
    %convert_element_type3A = arith.extui %eq3A_18 : vector<64x10000xi1> to vector<64x10000xi32>
    %convert_element_type3A_19 = arith.sitofp %convert_element_type3A : vector<64x10000xi32> to vector<64x10000xf32>
    %reduce_sum3A = arith.constant dense<0.000000e+00> : vector<64xf32>
    %reduce_sum3A_20 = vector.multi_reduction <add>, %convert_element_type3A_19, %reduce_sum3A [1] : vector<64x10000xf32> to vector<64xf32>
    %dot_general3A = arith.constant dense<0.000000e+00> : vector<64x128xf32>
    %dot_general3A_21 = tpu.matmul %convert_element_type3A_19, %max3A_14, %dot_general3A {dimension_numbers = #tpu.dot_dimension_numbers<[1], [0], [0], [1], [0, 0, 1, 1], [], []>, transpose_lhs_hint = false} : vector<64x10000xf32>, vector<10000x128xf32>, vector<64x128xf32> -> vector<64x128xf32>
    %jit3A = arith.constant 1.000000e+00 : f32
    %max3A_22 = vector.broadcast %jit3A : f32 to vector<64xf32>
    %max3A_23 = arith.maximumf %max3A_22, %reduce_sum3A_20 : vector<64xf32>
    %broadcast_in_dim3A_24 = vector.shape_cast %max3A_23 : vector<64xf32> to vector<64x1xf32>
    %div3A = vector.broadcast %broadcast_in_dim3A_24 : vector<64x1xf32> to vector<64x128xf32>
    %div3A_25 = arith.divf %dot_general3A_21, %div3A : vector<64x128xf32>
    %get3A_26 = arith.constant 0 : index
    %get3A_27 = arith.constant 0 : index
    %get3A_28 = vector.load %arg5[%get3A_26, %get3A_27] : memref<128x40xf32, #tpu.memory_space<vmem>>, vector<128x40xf32>
    %dot_general3A_29 = arith.constant dense<0.000000e+00> : vector<64x40xf32>
    %dot_general3A_30 = tpu.matmul %div3A_25, %get3A_28, %dot_general3A_29 {dimension_numbers = #tpu.dot_dimension_numbers<[1], [0], [0], [1], [0, 0, 1, 1], [], []>, transpose_lhs_hint = false} : vector<64x128xf32>, vector<128x40xf32>, vector<64x40xf32> -> vector<64x40xf32>
    %get3A_31 = arith.constant 0 : index
    %get3A_32 = vector.load %arg6[%get3A_31] : memref<40xf32, #tpu.memory_space<vmem>>, vector<40xf32>
    %broadcast_in_dim3A_33 = vector.shape_cast %get3A_32 : vector<40xf32> to vector<1x40xf32>
    %add3A_34 = vector.broadcast %broadcast_in_dim3A_33 : vector<1x40xf32> to vector<64x40xf32>
    %add3A_35 = arith.addf %dot_general3A_30, %add3A_34 : vector<64x40xf32>
    %swap3A = arith.constant 0 : index
    %swap3A_36 = arith.constant 0 : index
    %swap3A_37 = vector.load %arg7[%swap3A, %swap3A_36] : memref<64x40xf32, #tpu.memory_space<vmem>>, vector<64x40xf32>
    tpu.vector_store %arg7[%swap3A, %swap3A_36], %add3A_35 {strides = array<i32>} : memref<64x40xf32, #tpu.memory_space<vmem>>, vector<64x40xf32>,
    return
  }
}

</mosaic_0001>

<sc_bundles>
// kernel: kernel.10.cloned.1.call-start
scs
__scs_entry_jumppad:
0x0: {  	(pc) =	sbr.rel $0x88, $3  }
0x1: {  	(tag) =	ssettag $0x0;
	lr =	simm.s32 $0x1  }
0x2: {  	[smem:$0x3F96] =	sst lr;
	_ =	strace $0xD0000000  }
0x3: {  	_ = 	snop  }
0x4: {  	_ = 	snop  }
0x5: {  	_ = 	snop  }
0x6: {  	_ = 	snop  }
0x7: {  	_ = 	snop  }
__scs_overlays_trampoline_lowered:
0x8: {  	[smem:$0x3FA5] =	sst s0  }
0x9: {  	[smem:$0x3FA6] =	sst s1  }
0xa: {  	[smem:$0x3FA7] =	sst s2  }
0xb: {  	[smem:$0x3FA8] =	sst s3  }
0xc: {  	[smem:$0x3FA9] =	sst s4  }
0xd: {  	[smem:$0x3FAA] =	sst s5  }
0xe: {  	[smem:$0x3FAB] =	sst s6  }
0xf: {  	[smem:$0x3FAC] =	sst s7  }
0x10: {  	[smem:$0x3FAD] =	sst s8  }
0x11: {  	[smem:$0x3FAE] =	sst s9;
	s0 =	simm.s32 @!p0 $0x0  }
0x12: {  	s1 =	sld [smem:$0x3F94];
	s0 =	simm.s32 @p0 $0x1  }
0x13: {  	[smem:$0x3FAF] =	sst s0;
	s0 =	simm.s32 @!p1 $0x0  }
0x14: {  	s2 =	sld [smem:$0x3F93];
	s0 =	simm.s32 @p1 $0x1  }
0x15: {  	[smem:$0x3FB0] =	sst s0;
	s0 =	simm.s32 @!p2 $0x0  }
0x16: {  	s3 =	sld [smem:$0x3FDB];
	s0 =	simm.s32 @p2 $0x1  }
0x17: {  	s4 =	simm.s32 $0x1BF5;
	[smem:$0x3FB2] =	sst s0  }
0x18: {  	s0 =	sld [smem:$0x3F95];
	_ =	swait.ge [sflag:s4], $0x0  }
0x19: {  	s7 =	sld [smem:$0x3F96]  }
0x1a: {  	s8 =	sadd.s32 $0xFFFFE003, lr  }
0x1b: {  	s9 =	sadd.s32 $0xFFFFFEF7, lr;
	s5 =	simm.s32 $0xFFFFFFFF;
	p2 =	slt.u32 s8, $0xFFFFF086  }
0x1c: {  	p1 =	slt.u32 s9, $0xF7A;
	s5 =	simm.s32 @!p2 $0x0  }
0x1d: {  	s5 =	simm.s32 @p1 $0x1;
	p0 =	seq.s32 s7, s2  }
0x1e: {  	s7 =	smul.u32 @!p0 $0xF7A, s2;
	p2 =	seq.s32 @!p0 s5, $0x0  }
0x1f: {  	s9 =	smul.u32 $0xF7A, s1;
	s8 =	simm.s32 @!p0 $0x1BF5;
	p2 =	por !p2, p0  }
0x20: {  	[sflag:s8] =	ssyncset.s32 @!p0 $0xFFFFF086;
	s6 =	sadd.s32 @!p0 s3, s7;
	s7 =	simm.s32 @!p0 $0x108  }
0x21: {  	s3 =	sadd.s32 s3, s9;
	s6 =	sadd.s32 @!p0 $0x88, s6;
	s7 =	simm.s32 @p2 $0x1082  }
0x22: {  	[simem:s7], [sflag:s8] =	dma.local @!p0 [hbm:s6], $0xF7A  }
0x23: {  	s9 =	sor.u32 $0xD0000000, s2;
	s6 =	simm.s32 $0x108;
	_ =	swait.ge @!p0 [sflag:s8], $0x0  }
0x24: {  	s3 =	sadd.s32 $0x88, s3;
	s6 =	simm.s32 @!p1 $0x1082;
	[sflag:s4] =	ssyncset.s32 $0xFFFFF086  }
0x25: {  	[simem:s6], [sflag:s4] =	dma.local [hbm:s3], $0xF7A  }
0x26: {  	[smem:$0x3F96] =	sst s1;
	(tag) =	ssettag s2;
	_ =	strace s9  }
0x27: {  	s1 =	sld [smem:$0x3FA6]  }
0x28: {  	s2 =	sld [smem:$0x3FA7]  }
0x29: {  	s4 =	sld [smem:$0x3FA9]  }
0x2a: {  	p0 =	seq.s32 s5, $0x0;
	s5 =	sld [smem:$0x3FAA]  }
0x2b: {  	s6 =	sld [smem:$0x3FAB]  }
0x2c: {  	s7 =	sld [smem:$0x3FAC]  }
0x2d: {  	s3 =	simm.s32 $0x108;
	s8 =	sld [smem:$0x3FAD]  }
0x2e: {  	s3 =	simm.s32 @!p0 $0x1082;
	s9 =	sld [smem:$0x3FAE]  }
0x2f: {  	lr =	sadd.s32 s0, s3;
	s0 =	sld [smem:$0x3FA5]  }
0x30: {  	s3 =	sld [smem:$0x3FA8]  }
0x31: {  	[smem:$0x3FB1] =	sst s10  }
0x32: {  	s10 =	sld [smem:$0x3FAF];
	_ =	sdelay $0x3  }
0x33: {  	p0 =	seq.s32 s10, $0x1;
	s10 =	sld [smem:$0x3FB1];
	_ =	sdelay $0x3  }
0x34: {  	[smem:$0x3FB1] =	sst s10  }
0x35: {  	s10 =	sld [smem:$0x3FB0];
	_ =	sdelay $0x3  }
0x36: {  	p1 =	seq.s32 s10, $0x1;
	s10 =	sld [smem:$0x3FB1];
	_ =	sdelay $0x3  }
0x37: {  	[smem:$0x3FB1] =	sst s10  }
0x38: {  	s10 =	sld [smem:$0x3FB2]  }
0x39: {  	_ = 	snop;
	(pc) =	sbr.ind lr, $3  }
0x3a: {  	_ = 	snop  }
0x3b: {  	_ = 	snop  }
0x3c: {  	p2 =	seq.s32 s10, $0x1;
	s10 =	sld [smem:$0x3FB1]  }
0x3d: {  	_ =	shalt  }
0x3e: {  	_ =	shalt  }
0x3f: {  	_ =	shalt  }
0x40: {  	_ =	shalt  }
0x41: {  	_ =	shalt  }
0x42: {  	_ =	shalt  }
0x43: {  	_ =	shalt  }
0x44: {  	_ =	shalt  }
0x45: {  	_ =	shalt  }
0x46: {  	_ =	shalt  }
0x47: {  	_ =	shalt  }
0x48: {  	_ =	shalt  }
0x49: {  	_ =	shalt  }
0x4a: {  	_ =	shalt  }
0x4b: {  	_ =	shalt  }
0x4c: {  	_ =	shalt  }
0x4d: {  	_ =	shalt  }
0x4e: {  	_ =	shalt  }
0x4f: {  	_ =	shalt  }
0x50: {  	_ =	shalt  }
0x51: {  	_ =	shalt  }
0x52: {  	_ =	shalt  }
0x53: {  	_ =	shalt  }
0x54: {  	_ =	shalt  }
0x55: {  	_ =	shalt  }
0x56: {  	_ =	shalt  }
0x57: {  	_ =	shalt  }
0x58: {  	_ =	shalt  }
0x59: {  	_ =	shalt  }
0x5a: {  	_ =	shalt  }
0x5b: {  	_ =	shalt  }
0x5c: {  	_ =	shalt  }
0x5d: {  	_ =	shalt  }
0x5e: {  	_ =	shalt  }
0x5f: {  	_ =	shalt  }
0x60: {  	_ =	shalt  }
0x61: {  	_ =	shalt  }
0x62: {  	_ =	shalt  }
0x63: {  	_ =	shalt  }
0x64: {  	_ =	shalt  }
0x65: {  	_ =	shalt  }
0x66: {  	_ =	shalt  }
0x67: {  	_ =	shalt  }
0x68: {  	_ =	shalt  }
0x69: {  	_ =	shalt  }
0x6a: {  	_ =	shalt  }
0x6b: {  	_ =	shalt  }
0x6c: {  	_ =	shalt  }
0x6d: {  	_ =	shalt  }
0x6e: {  	_ =	shalt  }
0x6f: {  	_ =	shalt  }
0x70: {  	_ =	shalt  }
0x71: {  	_ =	shalt  }
0x72: {  	_ =	shalt  }
0x73: {  	_ =	shalt  }
0x74: {  	_ =	shalt  }
0x75: {  	_ =	shalt  }
0x76: {  	_ =	shalt  }
0x77: {  	_ =	shalt  }
0x78: {  	_ =	shalt  }
0x79: {  	_ =	shalt  }
0x7a: {  	_ =	shalt  }
0x7b: {  	_ =	shalt  }
0x7c: {  	_ =	shalt  }
0x7d: {  	_ =	shalt  }
0x7e: {  	_ =	shalt  }
0x7f: {  	_ =	shalt  }
0x80: {  	_ =	shalt  }
0x81: {  	_ =	shalt  }
0x82: {  	_ =	shalt  }
0x83: {  	_ =	shalt  }
0x84: {  	_ =	shalt  }
0x85: {  	_ =	shalt  }
0x86: {  	_ =	shalt  }
0x87: {  	_ =	shalt  }
.Lfunc_end0:
.L_simem_size_0:
called_computation_lowered:
.L_overlay_start_0:
0x88: {  	s2 =	sld [smem:$0x3FD9]  }
0x89: {  	s3 =	sld [smem:$0x3FFE];
	_ =	sdelay $0x1  }
0x8a: {  	s1 =	srdreg.scid  }
0x8b: {  	s0 =	sand.u32 $0x1, s1  }
0x8c: {  	s16 =	sshll.u32 s0, $0xA;
	s2 =	sadd.s32 s3, s2  }
0x8d: {  	s2 =	sadd.s32 s2, s16  }
0x8e: {  	[smem:$0x3FBD] =	sst s2  }
0x8f: {  	_ = 	snop  }
0x90: {  	(tm) =	ssettm $0x1  }
0x91: {  	s17 =	sld [smem:$0x3FFB];
	_ =	sdelay $0x3  }
0x92: {  	_ =	strace s17  }
0x93: {  	s2 =	sld [smem:$0x3FFC];
	_ =	sdelay $0x3  }
0x94: {  	_ =	strace s2  }
0x95: {  	s2 =	sld [smem:$0x3FFD];
	_ =	sdelay $0x3  }
0x96: {  	_ =	strace s2  }
0x97: {  	_ =	strace $0x8FFFFFFF  }
0x98: {  	s18 =	sld [smem:$0x3FDB];
	_ =	sdelay $0x1  }
0x99: {  	s19 =	simm.s32 $_scs_section_size  }
0x9a: {  	s4 =	simm.s32 $_size__tile_overlayer_lowered;
	s5 =	simm.s32 $_tile_overlayer_lowered  }
0x9b: {  	s22 =	simm.s32 $0x1BFF;
	s21 =	sshll.u32 s5, $0x1;
	s2 =	sadd.s32 s19, s18  }
0x9c: {  	s6 =	simm.s32 $0x0;
	s20 =	sshll.u32 s4, $0x1;
	s4 =	sadd.s32 s21, s2  }
0x9d: {  	[timem:s6], [sflag:s22] =	dma.local [hbm:s4], s20  }
0x9e: {  	_ =	swait.ge [sflag:s22], s20  }
0x9f: {  	s3 =	ssub.s32 $0x0, s20;
	[sflag:s22] =	ssyncset.done $0x0  }
0xa0: {  	[sflag:s22] =	ssyncadd.s32 s3;
	_ =	sdelay $0x1  }
0xa1: {  	s23 =	simm.s32 $0x1B8B  }
0xa2: {  	_ =	swait.ge [sflag:s23], $0x1  }
0xa3: {  	[sflag:s23] =	ssyncset.done $0x0  }
0xa4: {  	s25 =	simm.s32 $0x1B8E;
	s24 =	sld [smem:$0x3FFE];
	[sflag:s23] =	ssyncadd.s32 $0xFFFFFFFF  }
0xa5: {  	s26 =	simm.s32 $execute0_lowered;
	[smem:$0x3FD2] =	sst s25  }
0xa6: {  	s4 =	sshll.u32 s26, $0x1;
	_ =	strace $0x80000046;
	[dreg:$0x1] =	wrdreg $0xFFFFFFFF  }
0xa7: {  	s28 =	simm.s32 $_size_execute0_lowered;
	s2 =	sadd.s32 s2, s4;
	[dreg:$0x0] =	wrdreg $0x0  }
0xa8: {  	s4 =	sshll.u32 s28, $0x1;
	[dreg:$0x2] =	wrdreg s2  }
0xa9: {  	[dreg:$0x3] =	wrdreg s4  }
0xaa: {  	[dreg:$0x4] =	wrdreg $0xC0  }
0xab: {  	_ =	task [dreg:s6], $0x5FFFF  }
0xac: {  	[dreg:$0x1] =	wrdreg $0xFFFFFFFF  }
0xad: {  	[dreg:$0x0] =	wrdreg $0x60  }
0xae: {  	[dreg:$0x2] =	wrdreg s24  }
0xaf: {  	[dreg:$0x3] =	wrdreg $0x9  }
0xb0: {  	_ =	task.clear_ibuf [dreg:s6], $0x4FFFF;
	_ =	strace $0x90000046  }
0xb1: {  	s29 =	simm.s32 $0x9;
	_ =	strace $0x80000048  }
0xb2: {  	_ =	swait.ge [sflag:s29], $0x1  }
0xb3: {  	[sflag:s29] =	ssyncadd.s32 $0xFFFFFFFF  }
0xb4: {  	_ =	strace $0x90000048  }
0xb5: {  	_ =	sfence  }
0xb6: {  	s30 =	sld [smem:$0x0];
	_ =	sdelay $0x2  }
0xb7: {  	s31 =	sshll.u32 s1, $0xD;
	s1 =	sshrl.u32 s1, $0x2  }
0xb8: {  	s3 =	sand.u32 $0x4000, s31;
	s1 =	sadd.s32 s1, s30  }
0xb9: {  	s0 =	sor.u32 s3, s0;
	s1 =	sshll.u32 s1, $0x11  }
0xba: {  	s0 =	sor.u32 s1, s0  }
0xbb: {  	s0 =	sadd.s32 $0x8F2B, s0  }
0xbc: {  	[sflag:s0] =	ssyncadd.remote.s32 $0x1  }
0xbd: {  	_ =	sfence.sel $0xFFFF  }
0xbe: {  	[dreg:$0x0] =	wrdreg $0xFFFFFFFF;
	(pc) =	sbr.abs _section_cstart, $3  }
0xbf: {  	[dreg:$0x1] =	wrdreg $0xFFFFFFFF  }
0xc0: {  	_ =	task.clear_ibuf [dreg:s6], $0x2FFFF;
	_ =	strace $0x9FFFFFFF  }
0xc1: {  	(tm) =	ssettm $0x7FFFFFFF  }
tec
execute0_lowered:
.L_overlay_start_1:
0x0: {  	(tag) =	ssettag $0x1  }
0x1: {  	s1 =	srdreg.scid  }
0x2: {  	s0 =	stileid.u32;
	s5 =	rddreg [dreg:$0x0]  }
0x3: {  	s2 =	simm.s32 $0x0;
	s8 =	simm.s32 $0x80;
	s9 =	simm.s32 $0x400  }
0x4: {  	s10 =	simm.s32 $0x0;
	s3 =	sand.u32 $0x1, s1;
	s29 =	sshll.u32 s0, $0x1  }
0x5: {  	s30 =	sshrl.u32 s0, $0x2;
	s1 =	rddreg [dreg:$0x1];
	s4 =	sor.u32 s3, s29  }
0x6: {  	[smem:$0x7FF] =	sst s2;
	s6 =	smul.u32 $0x13C00, s30;
	s7 =	sshll.u32 s4, $0x7  }
0x7: {  	s3 =	ssub.s32 $0x2, s3;
	s4 =	smul.u32 $0x4E2, s4;
	s7 =	sand.u32 $0x380, s7  }
0x8: {  	_ =	strace $0x80000047;
	s31 =	sshrl.u32 s3, $0x1;
	s6 =	sor.u32 s6, s7  }
0x9: {  	s4 =	sadd.s32 s4, s5;
	s7 =	simm.s32 $0x1;
	s6 =	sshrl.u32 s6, $0x3  }
0xa: {  	s5 =	sadd.s32 s6, s5;
	s6 =	ssub.s32 s3, s31;
	s3 =	sadd.s32 $0xDC00, s4  }
0xb: {  	v0 =	vimm.f32 $0.0e+00;
	v1 =	vimm.f32 $1.000000000e+00;
	s4 =	sadd.s32 $0x17A00, s5;
	s5 =	smax.u32 s6, $0x1;
	s6 =	simm.s32 $0x2780  }
.LBB2_1:
0xc: {  	s11 =	simm.s32 $0x40;
	s12 =	simm.s32 $0x0  }
.LBB2_2:
0xd: {  	p0 =	sne.s32 s11, $0x9C00;
	[tilespmem:s12+$0x0] =	vst v0;
	s12 =	smov.u32 s11;
	s11 =	sadd.s32 $0x40, s11  }
.Ltmp0:
0xe: {  	(pc) =	sbr.rel @p0 .LBB2_2-.Ltmp0, $2  }
0xf: {  	_ =	sdelay $0x2  }
0x10: {  	s12 =	sshra.s32 s12, $0x2  }
0x11: {  	[tilespmem:s12+$0x0] =	vst v0;
	s11 =	simm.s32 $0x0  }
0x12: {  	[tilespmem:s6], [sflag:$0x1] =	stream.linear.gather [hbm4b:s3+s11], $0x2710, $0x38;
	[tilespmem:$0x4F00] =	vst v63  }
0x13: {  	_ =	swait.ge [sflag:s7], $0x2710  }
0x14: {  	[sflag:s7] =	ssyncset.done $0x0  }
0x15: {  	s12 =	simm.s32 $0x0;
	s11 =	simm.s32 $0x40;
	[sflag:s7] =	ssyncadd.s32 $0xFFFFD8F0  }
.LBB2_4:
0x16: {  	p0 =	sne.s32 s11, $0x9C00;
	v2 =	vld [tilespmem:s12+$0x2780];
	_ =	sdelay $0x3  }
.Ltmp1:
0x17: {  	(pc) =	sbr.rel @p0 .LBB2_4-.Ltmp1, $2  }
0x18: {  	_ =	sdelay $0x2  }
0x19: {  	s12 =	sshra.s32 s11, $0x2;
	s11 =	sadd.s32 $0x40, s11;
	[tilespmem:v2+s2+$0x0] =	vst.idx.add.f32.msk $0xffff, v1  }
0x1a: {  	v2 =	vld [tilespmem:s12+$0x2780];
	_ =	sdelay $0x5  }
0x1b: {  	s10 =	sadd.s32 $0x1, s10  }
0x1c: {  	p0 =	sne.s32 s10, s5  }
.Ltmp2:
0x1d: {  	[tilespmem:v2+s2+$0x0] =	vst.idx.add.f32.msk $0xffff, v1;
	(pc) =	sbr.rel @p0 .LBB2_1-.Ltmp2, $4  }
0x1e: {  	[hbm4b:s4+s8] =	stream.strided.scatter [tilespmem:s2], [sflag:$0x1], $0x2780, s9, s8, $0x38;
	[tilespmem:$0x4F00] =	vst v63  }
0x1f: {  	_ =	swait.ge [sflag:s7], $0x2780  }
0x20: {  	[sflag:s7] =	ssyncset.done $0x0  }
0x21: {  	[sflag:s7] =	ssyncadd.s32 $0xFFFFD880  }
0x22: {  	_ =	sfence.sel $0x180000  }
0x23: {  	[bflag:$0x0] =	sbarrier.arrive $0xFFFF  }
0x24: {  	p0 =	sne.s32 s0, $0x0;
	_ =	strace $0x90000047  }
0x25: {  	s0 =	sadd.s32 @!p0 $0x100000, s1;
	[bflag:$0x2] =	sbarrier.arrive $0xFFFF  }
0x26: {  	[sflag:s0] =	ssyncadd.tile.s32 @!p0 $0x1;
	_ =	shalt  }
.Lfunc_end2:
_tile_overlayer_lowered:
.L_overlay_start_2:
0x27: {  	(tag) =	ssettag $0x2  }
0x28: {  	s0 =	rddreg [dreg:$0x0];
	s2 =	stileid.u32  }
0x29: {  	s1 =	rddreg [dreg:$0x1];
	p0 =	sne.s32 s2, $0x0  }
0x2a: {  	s3 =	rddreg [dreg:$0x2];
	[bflag:$0x3] =	sbarrier.arrive $0xFFFF;
	s2 =	simm.s32 @!p0 $0x1C01  }
0x2b: {  	[timem:s3], [sflag:s2] =	dma.local @!p0 [hbm:s0], s1  }
0x2c: {  	s0 =	simm.s32 @!p0 $0x1  }
0x2d: {  	_ =	swait.ge @!p0 [sflag:s0], s1  }
0x2e: {  	s1 =	ssub.s32 @!p0 $0x0, s1;
	[sflag:s0] =	ssyncset.done @!p0 $0x0  }
0x2f: {  	[sflag:s0] =	ssyncadd.s32 @!p0 s1  }
0x30: {  	[bflag:$0x3] =	sbarrier.arrive $0xFFFF  }
0x31: {  	_ =	shalt  }

// kernel: kernel.13.cloned.1.call-start
scs
__scs_entry_jumppad:
0x0: {  	(pc) =	sbr.rel $0x88, $3  }
0x1: {  	(tag) =	ssettag $0x0;
	lr =	simm.s32 $0x1  }
0x2: {  	[smem:$0x3F96] =	sst lr;
	_ =	strace $0xD0000000  }
0x3: {  	_ = 	snop  }
0x4: {  	_ = 	snop  }
0x5: {  	_ = 	snop  }
0x6: {  	_ = 	snop  }
0x7: {  	_ = 	snop  }
__scs_overlays_trampoline_lowered:
0x8: {  	[smem:$0x3FA5] =	sst s0  }
0x9: {  	[smem:$0x3FA6] =	sst s1  }
0xa: {  	[smem:$0x3FA7] =	sst s2  }
0xb: {  	[smem:$0x3FA8] =	sst s3  }
0xc: {  	[smem:$0x3FA9] =	sst s4  }
0xd: {  	[smem:$0x3FAA] =	sst s5  }
0xe: {  	[smem:$0x3FAB] =	sst s6  }
0xf: {  	[smem:$0x3FAC] =	sst s7  }
0x10: {  	[smem:$0x3FAD] =	sst s8  }
0x11: {  	[smem:$0x3FAE] =	sst s9;
	s0 =	simm.s32 @!p0 $0x0  }
0x12: {  	s1 =	sld [smem:$0x3F94];
	s0 =	simm.s32 @p0 $0x1  }
0x13: {  	[smem:$0x3FAF] =	sst s0;
	s0 =	simm.s32 @!p1 $0x0  }
0x14: {  	s2 =	sld [smem:$0x3F93];
	s0 =	simm.s32 @p1 $0x1  }
0x15: {  	[smem:$0x3FB0] =	sst s0;
	s0 =	simm.s32 @!p2 $0x0  }
0x16: {  	s3 =	sld [smem:$0x3FDB];
	s0 =	simm.s32 @p2 $0x1  }
0x17: {  	s4 =	simm.s32 $0x1BF5;
	[smem:$0x3FB2] =	sst s0  }
0x18: {  	s0 =	sld [smem:$0x3F95];
	_ =	swait.ge [sflag:s4], $0x0  }
0x19: {  	s7 =	sld [smem:$0x3F96]  }
0x1a: {  	s8 =	sadd.s32 $0xFFFFE003, lr  }
0x1b: {  	s9 =	sadd.s32 $0xFFFFFEF7, lr;
	s5 =	simm.s32 $0xFFFFFFFF;
	p2 =	slt.u32 s8, $0xFFFFF086  }
0x1c: {  	p1 =	slt.u32 s9, $0xF7A;
	s5 =	simm.s32 @!p2 $0x0  }
0x1d: {  	s5 =	simm.s32 @p1 $0x1;
	p0 =	seq.s32 s7, s2  }
0x1e: {  	s7 =	smul.u32 @!p0 $0xF7A, s2;
	p2 =	seq.s32 @!p0 s5, $0x0  }
0x1f: {  	s9 =	smul.u32 $0xF7A, s1;
	s8 =	simm.s32 @!p0 $0x1BF5;
	p2 =	por !p2, p0  }
0x20: {  	[sflag:s8] =	ssyncset.s32 @!p0 $0xFFFFF086;
	s6 =	sadd.s32 @!p0 s3, s7;
	s7 =	simm.s32 @!p0 $0x108  }
0x21: {  	s3 =	sadd.s32 s3, s9;
	s6 =	sadd.s32 @!p0 $0x88, s6;
	s7 =	simm.s32 @p2 $0x1082  }
0x22: {  	[simem:s7], [sflag:s8] =	dma.local @!p0 [hbm:s6], $0xF7A  }
0x23: {  	s9 =	sor.u32 $0xD0000000, s2;
	s6 =	simm.s32 $0x108;
	_ =	swait.ge @!p0 [sflag:s8], $0x0  }
0x24: {  	s3 =	sadd.s32 $0x88, s3;
	s6 =	simm.s32 @!p1 $0x1082;
	[sflag:s4] =	ssyncset.s32 $0xFFFFF086  }
0x25: {  	[simem:s6], [sflag:s4] =	dma.local [hbm:s3], $0xF7A  }
0x26: {  	[smem:$0x3F96] =	sst s1;
	(tag) =	ssettag s2;
	_ =	strace s9  }
0x27: {  	s1 =	sld [smem:$0x3FA6]  }
0x28: {  	s2 =	sld [smem:$0x3FA7]  }
0x29: {  	s4 =	sld [smem:$0x3FA9]  }
0x2a: {  	p0 =	seq.s32 s5, $0x0;
	s5 =	sld [smem:$0x3FAA]  }
0x2b: {  	s6 =	sld [smem:$0x3FAB]  }
0x2c: {  	s7 =	sld [smem:$0x3FAC]  }
0x2d: {  	s3 =	simm.s32 $0x108;
	s8 =	sld [smem:$0x3FAD]  }
0x2e: {  	s3 =	simm.s32 @!p0 $0x1082;
	s9 =	sld [smem:$0x3FAE]  }
0x2f: {  	lr =	sadd.s32 s0, s3;
	s0 =	sld [smem:$0x3FA5]  }
0x30: {  	s3 =	sld [smem:$0x3FA8]  }
0x31: {  	[smem:$0x3FB1] =	sst s10  }
0x32: {  	s10 =	sld [smem:$0x3FAF];
	_ =	sdelay $0x3  }
0x33: {  	p0 =	seq.s32 s10, $0x1;
	s10 =	sld [smem:$0x3FB1];
	_ =	sdelay $0x3  }
0x34: {  	[smem:$0x3FB1] =	sst s10  }
0x35: {  	s10 =	sld [smem:$0x3FB0];
	_ =	sdelay $0x3  }
0x36: {  	p1 =	seq.s32 s10, $0x1;
	s10 =	sld [smem:$0x3FB1];
	_ =	sdelay $0x3  }
0x37: {  	[smem:$0x3FB1] =	sst s10  }
0x38: {  	s10 =	sld [smem:$0x3FB2]  }
0x39: {  	_ = 	snop;
	(pc) =	sbr.ind lr, $3  }
0x3a: {  	_ = 	snop  }
0x3b: {  	_ = 	snop  }
0x3c: {  	p2 =	seq.s32 s10, $0x1;
	s10 =	sld [smem:$0x3FB1]  }
0x3d: {  	_ =	shalt  }
0x3e: {  	_ =	shalt  }
0x3f: {  	_ =	shalt  }
0x40: {  	_ =	shalt  }
0x41: {  	_ =	shalt  }
0x42: {  	_ =	shalt  }
0x43: {  	_ =	shalt  }
0x44: {  	_ =	shalt  }
0x45: {  	_ =	shalt  }
0x46: {  	_ =	shalt  }
0x47: {  	_ =	shalt  }
0x48: {  	_ =	shalt  }
0x49: {  	_ =	shalt  }
0x4a: {  	_ =	shalt  }
0x4b: {  	_ =	shalt  }
0x4c: {  	_ =	shalt  }
0x4d: {  	_ =	shalt  }
0x4e: {  	_ =	shalt  }
0x4f: {  	_ =	shalt  }
0x50: {  	_ =	shalt  }
0x51: {  	_ =	shalt  }
0x52: {  	_ =	shalt  }
0x53: {  	_ =	shalt  }
0x54: {  	_ =	shalt  }
0x55: {  	_ =	shalt  }
0x56: {  	_ =	shalt  }
0x57: {  	_ =	shalt  }
0x58: {  	_ =	shalt  }
0x59: {  	_ =	shalt  }
0x5a: {  	_ =	shalt  }
0x5b: {  	_ =	shalt  }
0x5c: {  	_ =	shalt  }
0x5d: {  	_ =	shalt  }
0x5e: {  	_ =	shalt  }
0x5f: {  	_ =	shalt  }
0x60: {  	_ =	shalt  }
0x61: {  	_ =	shalt  }
0x62: {  	_ =	shalt  }
0x63: {  	_ =	shalt  }
0x64: {  	_ =	shalt  }
0x65: {  	_ =	shalt  }
0x66: {  	_ =	shalt  }
0x67: {  	_ =	shalt  }
0x68: {  	_ =	shalt  }
0x69: {  	_ =	shalt  }
0x6a: {  	_ =	shalt  }
0x6b: {  	_ =	shalt  }
0x6c: {  	_ =	shalt  }
0x6d: {  	_ =	shalt  }
0x6e: {  	_ =	shalt  }
0x6f: {  	_ =	shalt  }
0x70: {  	_ =	shalt  }
0x71: {  	_ =	shalt  }
0x72: {  	_ =	shalt  }
0x73: {  	_ =	shalt  }
0x74: {  	_ =	shalt  }
0x75: {  	_ =	shalt  }
0x76: {  	_ =	shalt  }
0x77: {  	_ =	shalt  }
0x78: {  	_ =	shalt  }
0x79: {  	_ =	shalt  }
0x7a: {  	_ =	shalt  }
0x7b: {  	_ =	shalt  }
0x7c: {  	_ =	shalt  }
0x7d: {  	_ =	shalt  }
0x7e: {  	_ =	shalt  }
0x7f: {  	_ =	shalt  }
0x80: {  	_ =	shalt  }
0x81: {  	_ =	shalt  }
0x82: {  	_ =	shalt  }
0x83: {  	_ =	shalt  }
0x84: {  	_ =	shalt  }
0x85: {  	_ =	shalt  }
0x86: {  	_ =	shalt  }
0x87: {  	_ =	shalt  }
.Lfunc_end0:
.L_simem_size_0:
called_computation.1_lowered:
.L_overlay_start_0:
0x88: {  	s2 =	sld [smem:$0x3FD9]  }
0x89: {  	s3 =	sld [smem:$0x3FFE];
	_ =	sdelay $0x1  }
0x8a: {  	s1 =	srdreg.scid  }
0x8b: {  	s0 =	sand.u32 $0x1, s1  }
0x8c: {  	s16 =	sshll.u32 s0, $0xA;
	s2 =	sadd.s32 s3, s2  }
0x8d: {  	s2 =	sadd.s32 s2, s16  }
0x8e: {  	[smem:$0x3FBD] =	sst s2  }
0x8f: {  	_ = 	snop  }
0x90: {  	(tm) =	ssettm $0x1  }
0x91: {  	s17 =	sld [smem:$0x3FFB];
	_ =	sdelay $0x3  }
0x92: {  	_ =	strace s17  }
0x93: {  	s2 =	sld [smem:$0x3FFC];
	_ =	sdelay $0x3  }
0x94: {  	_ =	strace s2  }
0x95: {  	s2 =	sld [smem:$0x3FFD];
	_ =	sdelay $0x3  }
0x96: {  	_ =	strace s2  }
0x97: {  	_ =	strace $0x8FFFFFFF  }
0x98: {  	s18 =	sld [smem:$0x3FDB];
	_ =	sdelay $0x1  }
0x99: {  	s19 =	simm.s32 $_scs_section_size  }
0x9a: {  	s4 =	simm.s32 $_size__tile_overlayer_lowered;
	s5 =	simm.s32 $_tile_overlayer_lowered  }
0x9b: {  	s22 =	simm.s32 $0x1BFF;
	s21 =	sshll.u32 s5, $0x1;
	s2 =	sadd.s32 s19, s18  }
0x9c: {  	s6 =	simm.s32 $0x0;
	s20 =	sshll.u32 s4, $0x1;
	s4 =	sadd.s32 s21, s2  }
0x9d: {  	[timem:s6], [sflag:s22] =	dma.local [hbm:s4], s20  }
0x9e: {  	_ =	swait.ge [sflag:s22], s20  }
0x9f: {  	s3 =	ssub.s32 $0x0, s20;
	[sflag:s22] =	ssyncset.done $0x0  }
0xa0: {  	[sflag:s22] =	ssyncadd.s32 s3;
	_ =	sdelay $0x1  }
0xa1: {  	s23 =	simm.s32 $0x1B8B  }
0xa2: {  	_ =	swait.ge [sflag:s23], $0x1  }
0xa3: {  	[sflag:s23] =	ssyncset.done $0x0  }
0xa4: {  	s25 =	simm.s32 $0x1B8E;
	s24 =	sld [smem:$0x3FFE];
	[sflag:s23] =	ssyncadd.s32 $0xFFFFFFFF  }
0xa5: {  	s26 =	simm.s32 $execute0_lowered;
	[smem:$0x3FD2] =	sst s25  }
0xa6: {  	s4 =	sshll.u32 s26, $0x1;
	_ =	strace $0x80000049;
	[dreg:$0x1] =	wrdreg $0xFFFFFFFF  }
0xa7: {  	s28 =	simm.s32 $_size_execute0_lowered;
	s2 =	sadd.s32 s2, s4;
	[dreg:$0x0] =	wrdreg $0x0  }
0xa8: {  	s4 =	sshll.u32 s28, $0x1;
	[dreg:$0x2] =	wrdreg s2  }
0xa9: {  	[dreg:$0x3] =	wrdreg s4  }
0xaa: {  	[dreg:$0x4] =	wrdreg $0xC0  }
0xab: {  	_ =	task [dreg:s6], $0x5FFFF  }
0xac: {  	[dreg:$0x1] =	wrdreg $0xFFFFFFFF  }
0xad: {  	[dreg:$0x0] =	wrdreg $0x60  }
0xae: {  	[dreg:$0x2] =	wrdreg s24  }
0xaf: {  	[dreg:$0x3] =	wrdreg $0x156800  }
0xb0: {  	[dreg:$0x4] =	wrdreg $0x9  }
0xb1: {  	_ =	task.clear_ibuf [dreg:s6], $0x5FFFF;
	_ =	strace $0x90000049  }
0xb2: {  	s29 =	simm.s32 $0x9;
	_ =	strace $0x8000004B  }
0xb3: {  	_ =	swait.ge [sflag:s29], $0x1  }
0xb4: {  	[sflag:s29] =	ssyncadd.s32 $0xFFFFFFFF  }
0xb5: {  	_ =	strace $0x9000004B  }
0xb6: {  	_ =	sfence  }
0xb7: {  	s30 =	sld [smem:$0x0];
	_ =	sdelay $0x2  }
0xb8: {  	s31 =	sshll.u32 s1, $0xD;
	s1 =	sshrl.u32 s1, $0x2  }
0xb9: {  	s3 =	sand.u32 $0x4000, s31;
	s1 =	sadd.s32 s1, s30  }
0xba: {  	s0 =	sor.u32 s3, s0;
	s1 =	sshll.u32 s1, $0x11  }
0xbb: {  	s0 =	sor.u32 s1, s0  }
0xbc: {  	s0 =	sadd.s32 $0x8F2B, s0  }
0xbd: {  	[sflag:s0] =	ssyncadd.remote.s32 $0x1  }
0xbe: {  	_ =	sfence.sel $0xFFFF  }
0xbf: {  	[dreg:$0x0] =	wrdreg $0xFFFFFFFF;
	(pc) =	sbr.abs _section_cstart, $3  }
0xc0: {  	[dreg:$0x1] =	wrdreg $0xFFFFFFFF  }
0xc1: {  	_ =	task.clear_ibuf [dreg:s6], $0x2FFFF;
	_ =	strace $0x9FFFFFFF  }
0xc2: {  	(tm) =	ssettm $0x7FFFFFFF  }
0xc3: {  	_ =	shalt  }
tec
execute0_lowered:
.L_overlay_start_1:
0x0: {  	(tag) =	ssettag $0x1  }
0x1: {  	s0 =	rddreg [dreg:$0x0]  }
0x2: {  	s2 =	rddreg [dreg:$0x1]  }
0x3: {  	s3 =	simm.s32 $0x0;
	s14 =	stileid.u32;
	s5 =	srdreg.scid  }
0x4: {  	s28 =	simm.s32 $0x4F80;
	s30 =	simm.s32 $0xD180;
	s1 =	smul.u32 $0x4E20, s14  }
0x5: {  	s31 =	simm.s32 $0x1;
	s29 =	simm.s32 $0x4;
	s6 =	smul.u32 $0x27000, s14  }
0x6: {  	[smem:$0x7FF] =	sst s3;
	s4 =	sadd.s32 $0x17A00, s0;
	s13 =	smul.u32 $0x138, s14  }
0x7: {  	s11 =	sadd.s32 $0xDC00, s0;
	s12 =	sand.u32 $0x1, s5;
	s24 =	smul.u32 $0x9C4, s14  }
0x8: {  	p0 =	sne.s32 s14, $0xF;
	_ =	strace $0x8000004A;
	s16 =	smul.u32 $0x1388, s12  }
0x9: {  	s7 =	ssub.s32 $0x2, s12;
	s17 =	smul.u32 $0x9C400, s12;
	s1 =	sshrl.u32 s1, $0x3  }
0xa: {  	s8 =	sshrl.u32 s6, $0x2;
	s10 =	sshrl.u32 s7, $0x1;
	s9 =	sadd.s32 s1, s0  }
0xb: {  	s0 =	sadd.s32 $0x3EC00, s0;
	s5 =	sadd.s32 s8, s2;
	s15 =	ssub.s32 s7, s10  }
0xc: {  	s8 =	sadd.s32 $0x9C000, s2;
	s10 =	sadd.s32 s11, s1;
	s13 =	sadd.s32 s13, s16  }
0xd: {  	s22 =	sshrl.u32 s17, $0x3;
	s6 =	sadd.s32 $0x3400, s5;
	s9 =	sadd.s32 $0x3E00, s9  }
0xe: {  	s7 =	sadd.s32 $0x6800, s5;
	s18 =	sadd.s32 $0x10, s10;
	[dreg:$0x3] =	wrdreg s9  }
0xf: {  	s19 =	sadd.s32 $0x20, s10;
	s1 =	sshll.u32 s13, $0x4;
	[dreg:$0x4] =	wrdreg s18  }
0x10: {  	s20 =	sadd.s32 $0x9C0, s10;
	s26 =	smax.u32 s15, $0x1;
	[dreg:$0x5] =	wrdreg s19  }
0x11: {  	[dreg:$0x6] =	wrdreg s20;
	s21 =	sadd.s32 s0, s1;
	s0 =	sadd.s32 s0, s22  }
0x12: {  	[dreg:$0xb] =	wrdreg s26;
	s19 =	sadd.s32 s24, s11;
	s20 =	simm.s32 $0x12280  }
.Ltmp0:
0x13: {  	s1 =	simm.s32 $0x3;
	s22 =	simm.s32 $0x6;
	(pc) =	sbr.rel .LBB2_1-.Ltmp0, $4  }
0x14: {  	s24 =	simm.s32 $0x5100;
	s23 =	sadd.s32 $0x680, s21;
	[dreg:$0x7] =	wrdreg s21  }
0x15: {  	s9 =	simm.s32 $0x0;
	s25 =	sadd.s32 $0xD00, s21;
	[dreg:$0x8] =	wrdreg s23  }
0x16: {  	v2 =	vlaneseq.u32;
	s0 =	sadd.s32 $0x13800, s0;
	s21 =	simm.s32 $0x7;
	[dreg:$0x9] =	wrdreg s25  }
0x17: {  	v1 =	vimm.f32 $0.0e+00;
	v2 =	vor.u32 $0x1388, v2;
	v0 =	vmov s16;
	[dreg:$0xa] =	wrdreg s0;
	s23 =	simm.s32 $0x80;
	s0 =	simm.s32 $0x2  }
.LBB2_6:
0x18: {  	_ =	swait.ge [sflag:s22], $0x4000  }
0x19: {  	[sflag:s22] =	ssyncset.done $0x0  }
0x1a: {  	[sflag:s22] =	ssyncadd.s32 $0xFFFFC000  }
0x1b: {  	[spmem:s2] =	stream.indirect.scatter.add.f32 [tilespmem:s30], [sflag:$0x7], $0x80, s24, s23, $0xb8;
	[tilespmem:$0x1F300] =	vst v63  }
0x1c: {  	_ =	swait.ge [sflag:s21], $0x4000  }
0x1d: {  	[sflag:s21] =	ssyncset.done $0x0  }
0x1e: {  	s12 =	simm.s32 $0x11180;
	s11 =	rddreg [dreg:$0x6];
	[sflag:s21] =	ssyncadd.s32 $0xFFFFC000  }
0x1f: {  	[tilespmem:s12], [sflag:$0x7] =	stream.linear.gather [hbm4b:s11+s3], $0x20, $0x38;
	[tilespmem:$0x1F300] =	vst v63  }
0x20: {  	_ =	swait.ge [sflag:s21], $0x20  }
0x21: {  	[sflag:s21] =	ssyncset.done $0x0  }
0x22: {  	[sflag:s21] =	ssyncadd.s32 $0xFFFFFFE0  }
0x23: {  	v3 =	vld [tilespmem:$0x11180]  }
0x24: {  	v4 =	vld [tilespmem:$0x11190];
	_ =	sdelay $0x3  }
0x25: {  	v3 =	vsub.s32 v3, v0  }
0x26: {  	v4 =	vsub.s32 v4, v0;
	vm0 =	vlt.u32 v3, $0x1388  }
0x27: {  	vm15 =	vlt.u32 v4, $0x1388;
	v3 =	vsel vm0, v3, v2  }
0x28: {  	[tilespmem:$0x11200] =	vst v3;
	v3 =	vsel vm15, v4, v2  }
0x29: {  	s14 =	simm.s32 $0x20;
	s15 =	simm.s32 $0x4E00;
	s13 =	simm.s32 $0x11280;
	[tilespmem:$0x11210] =	vst v3  }
0x2a: {  	[tilespmem:s13], [sflag:$0x4] =	stream.indirect.gather [hbm4b:s4+s14], $0x80, s15, s14, $0xb8;
	[tilespmem:$0x1F300] =	vst v63  }
0x2b: {  	_ =	swait.ge [sflag:s29], $0x1000  }
0x2c: {  	[sflag:s29] =	ssyncset.done $0x0  }
0x2d: {  	s16 =	simm.s32 $0x11200;
	[sflag:s29] =	ssyncadd.s32 $0xFFFFF000  }
0x2e: {  	[spmem:s2] =	stream.indirect.scatter.add.f32 [tilespmem:s13], [sflag:$0x7], $0x80, s16, s14, $0xb8;
	[tilespmem:$0x1F300] =	vst v63  }
0x2f: {  	_ =	swait.ge [sflag:s21], $0x1000  }
0x30: {  	[sflag:s21] =	ssyncset.done $0x0  }
0x31: {  	[sflag:s21] =	ssyncadd.s32 $0xFFFFF000  }
0x32: {  	[bflag:$0x0] =	sbarrier.arrive $0xFFFF  }
0x33: {  	[tilespmem:s20], [sflag:$0x7] =	stream.linear.gather [spmem:s5], $0x3400, $0x38;
	[tilespmem:$0x1F300] =	vst v63  }
0x34: {  	_ =	swait.ge [sflag:s21], $0x3400  }
0x35: {  	[sflag:s21] =	ssyncset.done $0x0  }
0x36: {  	s17 =	rddreg [dreg:$0x7];
	[sflag:s21] =	ssyncadd.s32 $0xFFFFCC00  }
0x37: {  	[hbm4b:s17+s3] =	stream.linear.scatter [tilespmem:s20], [sflag:$0x7], $0x3400, $0x38;
	[tilespmem:$0x1F300] =	vst v63  }
0x38: {  	_ =	swait.ge [sflag:s21], $0x3400  }
0x39: {  	[sflag:s21] =	ssyncset.done $0x0  }
0x3a: {  	[sflag:s21] =	ssyncadd.s32 $0xFFFFCC00  }
0x3b: {  	[tilespmem:s20], [sflag:$0x7] =	stream.linear.gather [spmem:s6], $0x3400, $0x38;
	[tilespmem:$0x1F300] =	vst v63  }
0x3c: {  	_ =	swait.ge [sflag:s21], $0x3400  }
0x3d: {  	[sflag:s21] =	ssyncset.done $0x0  }
0x3e: {  	s18 =	rddreg [dreg:$0x8];
	[sflag:s21] =	ssyncadd.s32 $0xFFFFCC00  }
0x3f: {  	[hbm4b:s18+s3] =	stream.linear.scatter [tilespmem:s20], [sflag:$0x7], $0x3400, $0x38;
	[tilespmem:$0x1F300] =	vst v63  }
0x40: {  	_ =	swait.ge [sflag:s21], $0x3400  }
0x41: {  	[sflag:s21] =	ssyncset.done $0x0  }
0x42: {  	[sflag:s21] =	ssyncadd.s32 $0xFFFFCC00  }
0x43: {  	[tilespmem:s20], [sflag:$0x7] =	stream.linear.gather [spmem:s7], $0x3400, $0x38;
	[tilespmem:$0x1F300] =	vst v63  }
0x44: {  	_ =	swait.ge [sflag:s21], $0x3400  }
0x45: {  	[sflag:s21] =	ssyncset.done $0x0  }
0x46: {  	s25 =	rddreg [dreg:$0x9];
	[sflag:s21] =	ssyncadd.s32 $0xFFFFCC00  }
0x47: {  	[hbm4b:s25+s3] =	stream.linear.scatter [tilespmem:s20], [sflag:$0x7], $0x3400, $0x38;
	[tilespmem:$0x1F300] =	vst v63  }
0x48: {  	_ =	swait.ge [sflag:s21], $0x3400  }
0x49: {  	[sflag:s21] =	ssyncset.done $0x0  }
0x4a: {  	s11 =	simm.s32 @!p0 $0x12280;
	s12 =	simm.s32 @!p0 $0x7;
	[sflag:s21] =	ssyncadd.s32 $0xFFFFCC00  }
0x4b: {  	[tilespmem:s11], [sflag:$0x7] =	stream.linear.gather @!p0 [spmem:s8], $0x400, $0x38;
	[tilespmem:$0x1F300] =	vst v63  }
0x4c: {  	_ =	swait.ge @!p0 [sflag:s12], $0x400  }
0x4d: {  	[sflag:s12] =	ssyncset.done @!p0 $0x0  }
0x4e: {  	s13 =	simm.s32 @!p0 $0x0;
	s14 =	rddreg [dreg:$0xa];
	[sflag:s12] =	ssyncadd.s32 @!p0 $0xFFFFFC00  }
0x4f: {  	[hbm4b:s14+s13] =	stream.linear.scatter @!p0 [tilespmem:s11], [sflag:$0x7], $0x400, $0x38;
	[tilespmem:$0x1F300] =	vst v63  }
0x50: {  	_ =	swait.ge @!p0 [sflag:s12], $0x400  }
0x51: {  	s9 =	sadd.s32 $0x1, s9;
	s26 =	rddreg [dreg:$0xb]  }
0x52: {  	p1 =	sne.s32 s9, s26  }
.Ltmp1:
0x53: {  	_ = 	snop;
	(pc) =	sbr.rel @!p1 .LBB2_7-.Ltmp1, $3  }
0x54: {  	_ =	sdelay $0x1  }
0x55: {  	[sflag:s12] =	ssyncset.done @!p0 $0x0  }
0x56: {  	[sflag:s12] =	ssyncadd.s32 @!p0 $0xFFFFFC00  }
.LBB2_1:
0x57: {  	s11 =	simm.s32 $0x70;
	s12 =	simm.s32 $0x3C0  }
.LBB2_2:
0x58: {  	p1 =	sne.s32 s12, $0xCFC0;
	[tilespmem:s11+$0x12280] =	vst v1  }
0x59: {  	[tilespmem:s11+$0x12210] =	vst v1  }
0x5a: {  	[tilespmem:s11+$0x12220] =	vst v1  }
.Ltmp2:
0x5b: {  	[tilespmem:s11+$0x12230] =	vst v1;
	(pc) =	sbr.rel @p1 .LBB2_2-.Ltmp2, $4  }
0x5c: {  	[tilespmem:s11+$0x12240] =	vst v1  }
0x5d: {  	[tilespmem:s11+$0x12250] =	vst v1  }
0x5e: {  	[tilespmem:s11+$0x12260] =	vst v1  }
0x5f: {  	[tilespmem:s11+$0x12270] =	vst v1;
	s11 =	sshra.s32 s12, $0x2;
	s12 =	sadd.s32 $0x200, s12  }
0x60: {  	[tilespmem:s11+$0x12280] =	vst v1  }
0x61: {  	[tilespmem:s11+$0x12210] =	vst v1  }
0x62: {  	[tilespmem:s11+$0x12220] =	vst v1  }
0x63: {  	[tilespmem:s11+$0x12230] =	vst v1  }
0x64: {  	[tilespmem:s11+$0x12240] =	vst v1  }
0x65: {  	[tilespmem:s11+$0x12250] =	vst v1  }
0x66: {  	[tilespmem:s11+$0x12260] =	vst v1  }
0x67: {  	[tilespmem:s11+$0x12270] =	vst v1  }
0x68: {  	[spmem:s5] =	stream.linear.scatter [tilespmem:s20], [sflag:$0x7], $0x3400, $0x38;
	[tilespmem:$0x1F300] =	vst v63  }
0x69: {  	_ =	swait.ge [sflag:s21], $0x3400  }
0x6a: {  	[sflag:s21] =	ssyncset.done $0x0  }
0x6b: {  	[sflag:s21] =	ssyncadd.s32 $0xFFFFCC00  }
0x6c: {  	[spmem:s6] =	stream.linear.scatter [tilespmem:s20], [sflag:$0x7], $0x3400, $0x38;
	[tilespmem:$0x1F300] =	vst v63  }
0x6d: {  	_ =	swait.ge [sflag:s21], $0x3400  }
0x6e: {  	[sflag:s21] =	ssyncset.done $0x0  }
0x6f: {  	[sflag:s21] =	ssyncadd.s32 $0xFFFFCC00  }
0x70: {  	[spmem:s7] =	stream.linear.scatter [tilespmem:s20], [sflag:$0x7], $0x3400, $0x38;
	[tilespmem:$0x1F300] =	vst v63  }
0x71: {  	_ =	swait.ge [sflag:s21], $0x3400  }
0x72: {  	[sflag:s21] =	ssyncset.done $0x0  }
0x73: {  	s11 =	simm.s32 @!p0 $0x12280;
	[sflag:s21] =	ssyncadd.s32 $0xFFFFCC00  }
0x74: {  	[spmem:s8] =	stream.linear.scatter @!p0 [tilespmem:s11], [sflag:$0x7], $0x800, $0x38;
	[tilespmem:$0x1F300] =	vst v63  }
0x75: {  	s11 =	simm.s32 @!p0 $0x7  }
0x76: {  	_ =	swait.ge @!p0 [sflag:s11], $0x800  }
0x77: {  	[sflag:s11] =	ssyncset.done @!p0 $0x0  }
0x78: {  	[sflag:s11] =	ssyncadd.s32 @!p0 $0xFFFFF800  }
0x79: {  	[bflag:$0x0] =	sbarrier.arrive $0xFFFF  }
0x7a: {  	s11 =	simm.s32 $0x0;
	s12 =	rddreg [dreg:$0x3]  }
0x7b: {  	[tilespmem:s11], [sflag:$0x7] =	stream.linear.gather [hbm4b:s12+s11], $0x4E20, $0x38;
	[tilespmem:$0x1F300] =	vst v63  }
0x7c: {  	_ =	swait.ge [sflag:s21], $0x4E20  }
0x7d: {  	[sflag:s21] =	ssyncset.done $0x0  }
0x7e: {  	s15 =	simm.s32 $0x4E80;
	[sflag:s21] =	ssyncadd.s32 $0xFFFFB1E0  }
0x7f: {  	[tilespmem:s15], [sflag:$0x1] =	stream.linear.gather [hbm4b:s10+s11], $0x80, $0x38;
	[tilespmem:$0x1F300] =	vst v63  }
0x80: {  	s16 =	simm.s32 $0x5180  }
0x81: {  	[tilespmem:s16], [sflag:$0x4] =	stream.indirect.gather [hbm4b:s4+s23], $0x80, s11, s23, $0xb8;
	[tilespmem:$0x1F300] =	vst v63  }
0x82: {  	s13 =	simm.s32 $0x4F00;
	s17 =	rddreg [dreg:$0x4]  }
0x83: {  	[tilespmem:s13], [sflag:$0x2] =	stream.linear.gather [hbm4b:s17+s11], $0x80, $0x38;
	[tilespmem:$0x1F300] =	vst v63  }
0x84: {  	s18 =	simm.s32 $0x9180  }
0x85: {  	[tilespmem:s18], [sflag:$0x5] =	stream.indirect.gather [hbm4b:s4+s23], $0x80, s23, s23, $0xb8;
	[tilespmem:$0x1F300] =	vst v63  }
0x86: {  	s25 =	rddreg [dreg:$0x5]  }
0x87: {  	[tilespmem:s28], [sflag:$0x3] =	stream.linear.gather [hbm4b:s25+s11], $0x80, $0x38;
	[tilespmem:$0x1F300] =	vst v63  }
0x88: {  	s26 =	simm.s32 $0x100;
	s12 =	simm.s32 $0x280  }
0x89: {  	[tilespmem:s30], [sflag:$0x6] =	stream.indirect.gather [hbm4b:s4+s23], $0x80, s26, s23, $0xb8;
	[tilespmem:$0x1F300] =	vst v63  }
.LBB2_4:
0x8a: {  	_ =	swait.ge [sflag:s31], $0x80  }
0x8b: {  	[sflag:s31] =	ssyncset.done $0x0  }
0x8c: {  	[sflag:s31] =	ssyncadd.s32 $0xFFFFFF80  }
0x8d: {  	v3 =	vld [tilespmem:$0x4E80]  }
0x8e: {  	v4 =	vld [tilespmem:$0x4E90]  }
0x8f: {  	v5 =	vld [tilespmem:$0x4EA0]  }
0x90: {  	v6 =	vld [tilespmem:$0x4EB0]  }
0x91: {  	v7 =	vld [tilespmem:$0x4EC0]  }
0x92: {  	v8 =	vld [tilespmem:$0x4ED0];
	v3 =	vsub.s32 v3, v0  }
0x93: {  	v9 =	vld [tilespmem:$0x4EE0];
	v4 =	vsub.s32 v4, v0;
	vm0 =	vlt.u32 v3, $0x1388  }
0x94: {  	v10 =	vld [tilespmem:$0x4EF0];
	v5 =	vsub.s32 v5, v0;
	vm5 =	vlt.u32 v4, $0x1388;
	v3 =	vsel vm0, v3, v2  }
0x95: {  	v35 =	vsub.s32 v6, v0;
	vm6 =	vlt.u32 v5, $0x1388;
	[tilespmem:$0x5000] =	vst v3;
	v3 =	vsel vm5, v4, v2  }
0x96: {  	v36 =	vsub.s32 v7, v0;
	vm7 =	vlt.u32 v35, $0x1388;
	[tilespmem:$0x5010] =	vst v3;
	v3 =	vsel vm6, v5, v2  }
0x97: {  	v37 =	vsub.s32 v8, v0;
	vm8 =	vlt.u32 v36, $0x1388;
	[tilespmem:$0x5020] =	vst v3;
	v3 =	vsel vm7, v35, v2  }
0x98: {  	v38 =	vsub.s32 v9, v0;
	vm9 =	vlt.u32 v37, $0x1388;
	[tilespmem:$0x5030] =	vst v3;
	v3 =	vsel vm8, v36, v2  }
0x99: {  	v39 =	vsub.s32 v10, v0;
	vm10 =	vlt.u32 v38, $0x1388;
	[tilespmem:$0x5040] =	vst v3;
	v3 =	vsel vm9, v37, v2  }
0x9a: {  	vm11 =	vlt.u32 v39, $0x1388;
	[tilespmem:$0x5050] =	vst v3;
	v3 =	vsel vm10, v38, v2  }
0x9b: {  	p1 =	seq.s32 s11, $0x990;
	[tilespmem:$0x5060] =	vst v3;
	v3 =	vsel vm11, v39, v2  }
0x9c: {  	s13 =	simm.s32 @p1 $0x4;
	[tilespmem:$0x5070] =	vst v3  }
0x9d: {  	_ =	swait.ge @p1 [sflag:s13], $0x4000  }
0x9e: {  	s15 =	simm.s32 @p1 $0x80;
	[sflag:s13] =	ssyncset.done @p1 $0x0  }
0x9f: {  	s16 =	simm.s32 @p1 $0x5180;
	[sflag:s13] =	ssyncadd.s32 @p1 $0xFFFFC000;
	s13 =	simm.s32 @p1 $0x5000  }
0xa0: {  	[spmem:s2] =	stream.indirect.scatter.add.f32 @p1 [tilespmem:s16], [sflag:$0x7], $0x80, s13, s15, $0xb8;
	[tilespmem:$0x1F300] =	vst v63  }
0xa1: {  	s16 =	simm.s32 @p1 $0x7  }
0xa2: {  	_ =	swait.ge @p1 [sflag:s16], $0x4000  }
0xa3: {  	s17 =	sadd.s32 @!p1 s11, s19;
	s18 =	simm.s32 @!p1 $0x0;
	[sflag:s16] =	ssyncset.done @p1 $0x0  }
0xa4: {  	s26 =	simm.s32 @!p1 $0x4E80;
	s13 =	sadd.s32 @!p1 $0x30, s17;
	[sflag:s16] =	ssyncadd.s32 @p1 $0xFFFFC000  }
0xa5: {  	[tilespmem:s26], [sflag:$0x1] =	stream.linear.gather @!p1 [hbm4b:s13+s18], $0x80, $0x38;
	[tilespmem:$0x1F300] =	vst v63  }
0xa6: {  	s13 =	simm.s32 @!p1 $0x4  }
0xa7: {  	_ =	swait.ge @!p1 [sflag:s13], $0x4000  }
0xa8: {  	s14 =	simm.s32 @!p1 $0x5180;
	[sflag:s13] =	ssyncset.done @!p1 $0x0  }
0xa9: {  	s26 =	simm.s32 @!p1 $0x5000;
	[sflag:s13] =	ssyncadd.s32 @!p1 $0xFFFFC000;
	s13 =	simm.s32 @!p1 $0x80  }
0xaa: {  	[spmem:s2] =	stream.indirect.scatter.add.f32 @!p1 [tilespmem:s14], [sflag:$0x7], $0x80, s26, s13, $0xb8;
	[tilespmem:$0x1F300] =	vst v63  }
0xab: {  	s26 =	simm.s32 @!p1 $0x7  }
0xac: {  	_ =	swait.ge @!p1 [sflag:s26], $0x4000  }
0xad: {  	[sflag:s26] =	ssyncset.done @!p1 $0x0  }
0xae: {  	s25 =	sadd.s32 @!p1 $0xFFFFFF00, s12;
	[sflag:s26] =	ssyncadd.s32 @!p1 $0xFFFFC000  }
0xaf: {  	[tilespmem:s14], [sflag:$0x4] =	stream.indirect.gather @!p1 [hbm4b:s4+s13], $0x80, s25, s13, $0xb8;
	[tilespmem:$0x1F300] =	vst v63  }
0xb0: {  	_ =	swait.ge [sflag:s0], $0x80  }
0xb1: {  	[sflag:s0] =	ssyncset.done $0x0  }
0xb2: {  	[sflag:s0] =	ssyncadd.s32 $0xFFFFFF80  }
0xb3: {  	v3 =	vld [tilespmem:$0x4F00]  }
0xb4: {  	v40 =	vld [tilespmem:$0x4F10]  }
0xb5: {  	v41 =	vld [tilespmem:$0x4F20]  }
0xb6: {  	v42 =	vld [tilespmem:$0x4F30]  }
0xb7: {  	v43 =	vld [tilespmem:$0x4F40]  }
0xb8: {  	v44 =	vld [tilespmem:$0x4F50];
	v3 =	vsub.s32 v3, v0  }
0xb9: {  	v45 =	vld [tilespmem:$0x4F60];
	v4 =	vsub.s32 v40, v0;
	vm12 =	vlt.u32 v3, $0x1388  }
0xba: {  	v46 =	vld [tilespmem:$0x4F70];
	v5 =	vsub.s32 v41, v0;
	vm13 =	vlt.u32 v4, $0x1388;
	v3 =	vsel vm12, v3, v2  }
0xbb: {  	v47 =	vsub.s32 v42, v0;
	vm14 =	vlt.u32 v5, $0x1388;
	[tilespmem:$0x5080] =	vst v3;
	v3 =	vsel vm13, v4, v2  }
0xbc: {  	v48 =	vsub.s32 v43, v0;
	vm15 =	vlt.u32 v47, $0x1388;
	[tilespmem:$0x5090] =	vst v3;
	v3 =	vsel vm14, v5, v2  }
0xbd: {  	v49 =	vsub.s32 v44, v0;
	vm4 =	vlt.u32 v48, $0x1388;
	[tilespmem:$0x50A0] =	vst v3;
	v3 =	vsel vm15, v47, v2  }
0xbe: {  	v50 =	vsub.s32 v45, v0;
	vm5 =	vlt.u32 v49, $0x1388;
	[tilespmem:$0x50B0] =	vst v3;
	v3 =	vsel vm4, v48, v2  }
0xbf: {  	v51 =	vsub.s32 v46, v0;
	vm6 =	vlt.u32 v50, $0x1388;
	[tilespmem:$0x50C0] =	vst v3;
	v3 =	vsel vm5, v49, v2  }
0xc0: {  	vm7 =	vlt.u32 v51, $0x1388;
	[tilespmem:$0x50D0] =	vst v3;
	v3 =	vsel vm6, v50, v2  }
0xc1: {  	[tilespmem:$0x50E0] =	vst v3;
	v3 =	vsel vm7, v51, v2  }
0xc2: {  	s14 =	simm.s32 @p1 $0x5;
	[tilespmem:$0x50F0] =	vst v3  }
0xc3: {  	_ =	swait.ge @p1 [sflag:s14], $0x4000  }
0xc4: {  	[sflag:s14] =	ssyncset.done @p1 $0x0  }
0xc5: {  	s25 =	simm.s32 @p1 $0x9180;
	[sflag:s14] =	ssyncadd.s32 @p1 $0xFFFFC000;
	s14 =	simm.s32 @p1 $0x5080  }
0xc6: {  	[spmem:s2] =	stream.indirect.scatter.add.f32 @p1 [tilespmem:s25], [sflag:$0x7], $0x80, s14, s15, $0xb8;
	[tilespmem:$0x1F300] =	vst v63  }
0xc7: {  	_ =	swait.ge @p1 [sflag:s16], $0x4000  }
0xc8: {  	[sflag:s16] =	ssyncset.done @p1 $0x0  }
0xc9: {  	s14 =	sadd.s32 @!p1 $0x40, s17;
	s15 =	simm.s32 @!p1 $0x4F00;
	[sflag:s16] =	ssyncadd.s32 @p1 $0xFFFFC000  }
0xca: {  	[tilespmem:s15], [sflag:$0x2] =	stream.linear.gather @!p1 [hbm4b:s14+s18], $0x80, $0x38;
	[tilespmem:$0x1F300] =	vst v63  }
0xcb: {  	s14 =	simm.s32 @!p1 $0x5  }
0xcc: {  	_ =	swait.ge @!p1 [sflag:s14], $0x4000  }
0xcd: {  	[sflag:s14] =	ssyncset.done @!p1 $0x0  }
0xce: {  	s15 =	simm.s32 @!p1 $0x9180;
	[sflag:s14] =	ssyncadd.s32 @!p1 $0xFFFFC000;
	s14 =	simm.s32 @!p1 $0x5080  }
0xcf: {  	[spmem:s2] =	stream.indirect.scatter.add.f32 @!p1 [tilespmem:s15], [sflag:$0x7], $0x80, s14, s13, $0xb8;
	[tilespmem:$0x1F300] =	vst v63  }
0xd0: {  	_ =	swait.ge @!p1 [sflag:s26], $0x4000  }
0xd1: {  	[sflag:s26] =	ssyncset.done @!p1 $0x0  }
0xd2: {  	s14 =	sadd.s32 @!p1 $0xFFFFFF80, s12;
	[sflag:s26] =	ssyncadd.s32 @!p1 $0xFFFFC000  }
0xd3: {  	[tilespmem:s15], [sflag:$0x5] =	stream.indirect.gather @!p1 [hbm4b:s4+s13], $0x80, s14, s13, $0xb8;
	[tilespmem:$0x1F300] =	vst v63  }
0xd4: {  	_ =	swait.ge [sflag:s1], $0x80  }
0xd5: {  	[sflag:s1] =	ssyncset.done $0x0  }
0xd6: {  	[sflag:s1] =	ssyncadd.s32 $0xFFFFFF80  }
0xd7: {  	v3 =	vld [tilespmem:$0x4F80]  }
0xd8: {  	v52 =	vld [tilespmem:$0x4F90]  }
0xd9: {  	v53 =	vld [tilespmem:$0x4FA0]  }
0xda: {  	v54 =	vld [tilespmem:$0x4FB0]  }
0xdb: {  	v55 =	vld [tilespmem:$0x4FC0]  }
0xdc: {  	v56 =	vld [tilespmem:$0x4FD0];
	v3 =	vsub.s32 v3, v0  }
0xdd: {  	v57 =	vld [tilespmem:$0x4FE0];
	v4 =	vsub.s32 v52, v0;
	vm8 =	vlt.u32 v3, $0x1388  }
0xde: {  	v58 =	vld [tilespmem:$0x4FF0];
	v5 =	vsub.s32 v53, v0;
	vm9 =	vlt.u32 v4, $0x1388;
	v3 =	vsel vm8, v3, v2  }
0xdf: {  	v59 =	vsub.s32 v54, v0;
	vm10 =	vlt.u32 v5, $0x1388;
	[tilespmem:$0x5100] =	vst v3;
	v3 =	vsel vm9, v4, v2  }
0xe0: {  	v60 =	vsub.s32 v55, v0;
	vm11 =	vlt.u32 v59, $0x1388;
	[tilespmem:$0x5110] =	vst v3;
	v3 =	vsel vm10, v5, v2  }
0xe1: {  	v61 =	vsub.s32 v56, v0;
	vm12 =	vlt.u32 v60, $0x1388;
	[tilespmem:$0x5120] =	vst v3;
	v3 =	vsel vm11, v59, v2  }
.Ltmp3:
0xe2: {  	v62 =	vsub.s32 v57, v0;
	vm13 =	vlt.u32 v61, $0x1388;
	[tilespmem:$0x5130] =	vst v3;
	v3 =	vsel vm12, v60, v2;
	(pc) =	sbr.rel @p1 .LBB2_6-.Ltmp3, $4  }
0xe3: {  	v63 =	vsub.s32 v58, v0;
	vm14 =	vlt.u32 v62, $0x1388;
	[tilespmem:$0x5140] =	vst v3;
	v3 =	vsel vm13, v61, v2  }
0xe4: {  	vm15 =	vlt.u32 v63, $0x1388;
	[tilespmem:$0x5150] =	vst v3;
	v3 =	vsel vm14, v62, v2  }
0xe5: {  	[tilespmem:$0x5160] =	vst v3;
	v3 =	vsel vm15, v63, v2  }
0xe6: {  	[tilespmem:$0x5170] =	vst v3  }
0xe7: {  	s13 =	sadd.s32 s11, s19  }
0xe8: {  	s13 =	sadd.s32 $0x50, s13  }
0xe9: {  	[tilespmem:s28], [sflag:$0x3] =	stream.linear.gather [hbm4b:s13+s3], $0x80, $0x38;
	[tilespmem:$0x1F300] =	vst v63  }
0xea: {  	_ =	swait.ge [sflag:s22], $0x4000  }
0xeb: {  	[sflag:s22] =	ssyncset.done $0x0  }
0xec: {  	[sflag:s22] =	ssyncadd.s32 $0xFFFFC000  }
0xed: {  	[spmem:s2] =	stream.indirect.scatter.add.f32 [tilespmem:s30], [sflag:$0x7], $0x80, s24, s23, $0xb8;
	[tilespmem:$0x1F300] =	vst v63  }
.Ltmp4:
0xee: {  	_ =	swait.ge [sflag:s21], $0x4000;
	(pc) =	sbr.rel .LBB2_4-.Ltmp4, $4  }
0xef: {  	[sflag:s21] =	ssyncset.done $0x0  }
0xf0: {  	[sflag:s21] =	ssyncadd.s32 $0xFFFFC000  }
0xf1: {  	[tilespmem:s30], [sflag:$0x6] =	stream.indirect.gather [hbm4b:s4+s23], $0x80, s12, s23, $0xb8;
	[tilespmem:$0x1F300] =	vst v63  }
0xf2: {  	s11 =	sadd.s32 $0x30, s11;
	s12 =	sadd.s32 $0x180, s12  }
.LBB2_7:
0xf3: {  	_ =	sfence.sel $0x180000  }
0xf4: {  	[bflag:$0x0] =	sbarrier.arrive $0xFFFF  }
0xf5: {  	_ =	strace $0x9000004A  }
0xf6: {  	s0 =	stileid.u32;
	[bflag:$0x2] =	sbarrier.arrive $0xFFFF  }
0xf7: {  	p0 =	sne.s32 s0, $0x0;
	s0 =	rddreg [dreg:$0x2]  }
0xf8: {  	s0 =	sadd.s32 @!p0 $0x100000, s0  }
0xf9: {  	[sflag:s0] =	ssyncadd.tile.s32 @!p0 $0x1;
	_ =	shalt  }
.Lfunc_end2:
_tile_overlayer_lowered:
.L_overlay_start_2:
0xfa: {  	(tag) =	ssettag $0x2  }
0xfb: {  	s0 =	rddreg [dreg:$0x0];
	s2 =	stileid.u32  }
0xfc: {  	s1 =	rddreg [dreg:$0x1];
	p0 =	sne.s32 s2, $0x0  }
0xfd: {  	s3 =	rddreg [dreg:$0x2];
	[bflag:$0x3] =	sbarrier.arrive $0xFFFF;
	s2 =	simm.s32 @!p0 $0x1C07  }
0xfe: {  	[timem:s3], [sflag:s2] =	dma.local @!p0 [hbm:s0], s1  }
0xff: {  	s0 =	simm.s32 @!p0 $0x7  }
0x100: {  	_ =	swait.ge @!p0 [sflag:s0], s1  }
0x101: {  	s1 =	ssub.s32 @!p0 $0x0, s1;
	[sflag:s0] =	ssyncset.done @!p0 $0x0  }
0x102: {  	[sflag:s0] =	ssyncadd.s32 @!p0 s1  }
0x103: {  	[bflag:$0x3] =	sbarrier.arrive $0xFFFF  }
0x104: {  	_ =	shalt  }

// kernel: kernel.16.cloned.1.call-start
scs
__scs_entry_jumppad:
0x0: {  	(pc) =	sbr.rel $0x88, $3  }
0x1: {  	(tag) =	ssettag $0x0;
	lr =	simm.s32 $0x1  }
0x2: {  	[smem:$0x3F96] =	sst lr;
	_ =	strace $0xD0000000  }
0x3: {  	_ = 	snop  }
0x4: {  	_ = 	snop  }
0x5: {  	_ = 	snop  }
0x6: {  	_ = 	snop  }
0x7: {  	_ = 	snop  }
__scs_overlays_trampoline_lowered:
0x8: {  	[smem:$0x3FA5] =	sst s0  }
0x9: {  	[smem:$0x3FA6] =	sst s1  }
0xa: {  	[smem:$0x3FA7] =	sst s2  }
0xb: {  	[smem:$0x3FA8] =	sst s3  }
0xc: {  	[smem:$0x3FA9] =	sst s4  }
0xd: {  	[smem:$0x3FAA] =	sst s5  }
0xe: {  	[smem:$0x3FAB] =	sst s6  }
0xf: {  	[smem:$0x3FAC] =	sst s7  }
0x10: {  	[smem:$0x3FAD] =	sst s8  }
0x11: {  	[smem:$0x3FAE] =	sst s9;
	s0 =	simm.s32 @!p0 $0x0  }
0x12: {  	s1 =	sld [smem:$0x3F94];
	s0 =	simm.s32 @p0 $0x1  }
0x13: {  	[smem:$0x3FAF] =	sst s0;
	s0 =	simm.s32 @!p1 $0x0  }
0x14: {  	s2 =	sld [smem:$0x3F93];
	s0 =	simm.s32 @p1 $0x1  }
0x15: {  	[smem:$0x3FB0] =	sst s0;
	s0 =	simm.s32 @!p2 $0x0  }
0x16: {  	s3 =	sld [smem:$0x3FDB];
	s0 =	simm.s32 @p2 $0x1  }
0x17: {  	s4 =	simm.s32 $0x1BF5;
	[smem:$0x3FB2] =	sst s0  }
0x18: {  	s0 =	sld [smem:$0x3F95];
	_ =	swait.ge [sflag:s4], $0x0  }
0x19: {  	s7 =	sld [smem:$0x3F96]  }
0x1a: {  	s8 =	sadd.s32 $0xFFFFE003, lr  }
0x1b: {  	s9 =	sadd.s32 $0xFFFFFEF7, lr;
	s5 =	simm.s32 $0xFFFFFFFF;
	p2 =	slt.u32 s8, $0xFFFFF086  }
0x1c: {  	p1 =	slt.u32 s9, $0xF7A;
	s5 =	simm.s32 @!p2 $0x0  }
0x1d: {  	s5 =	simm.s32 @p1 $0x1;
	p0 =	seq.s32 s7, s2  }
0x1e: {  	s7 =	smul.u32 @!p0 $0xF7A, s2;
	p2 =	seq.s32 @!p0 s5, $0x0  }
0x1f: {  	s9 =	smul.u32 $0xF7A, s1;
	s8 =	simm.s32 @!p0 $0x1BF5;
	p2 =	por !p2, p0  }
0x20: {  	[sflag:s8] =	ssyncset.s32 @!p0 $0xFFFFF086;
	s6 =	sadd.s32 @!p0 s3, s7;
	s7 =	simm.s32 @!p0 $0x108  }
0x21: {  	s3 =	sadd.s32 s3, s9;
	s6 =	sadd.s32 @!p0 $0x88, s6;
	s7 =	simm.s32 @p2 $0x1082  }
0x22: {  	[simem:s7], [sflag:s8] =	dma.local @!p0 [hbm:s6], $0xF7A  }
0x23: {  	s9 =	sor.u32 $0xD0000000, s2;
	s6 =	simm.s32 $0x108;
	_ =	swait.ge @!p0 [sflag:s8], $0x0  }
0x24: {  	s3 =	sadd.s32 $0x88, s3;
	s6 =	simm.s32 @!p1 $0x1082;
	[sflag:s4] =	ssyncset.s32 $0xFFFFF086  }
0x25: {  	[simem:s6], [sflag:s4] =	dma.local [hbm:s3], $0xF7A  }
0x26: {  	[smem:$0x3F96] =	sst s1;
	(tag) =	ssettag s2;
	_ =	strace s9  }
0x27: {  	s1 =	sld [smem:$0x3FA6]  }
0x28: {  	s2 =	sld [smem:$0x3FA7]  }
0x29: {  	s4 =	sld [smem:$0x3FA9]  }
0x2a: {  	p0 =	seq.s32 s5, $0x0;
	s5 =	sld [smem:$0x3FAA]  }
0x2b: {  	s6 =	sld [smem:$0x3FAB]  }
0x2c: {  	s7 =	sld [smem:$0x3FAC]  }
0x2d: {  	s3 =	simm.s32 $0x108;
	s8 =	sld [smem:$0x3FAD]  }
0x2e: {  	s3 =	simm.s32 @!p0 $0x1082;
	s9 =	sld [smem:$0x3FAE]  }
0x2f: {  	lr =	sadd.s32 s0, s3;
	s0 =	sld [smem:$0x3FA5]  }
0x30: {  	s3 =	sld [smem:$0x3FA8]  }
0x31: {  	[smem:$0x3FB1] =	sst s10  }
0x32: {  	s10 =	sld [smem:$0x3FAF];
	_ =	sdelay $0x3  }
0x33: {  	p0 =	seq.s32 s10, $0x1;
	s10 =	sld [smem:$0x3FB1];
	_ =	sdelay $0x3  }
0x34: {  	[smem:$0x3FB1] =	sst s10  }
0x35: {  	s10 =	sld [smem:$0x3FB0];
	_ =	sdelay $0x3  }
0x36: {  	p1 =	seq.s32 s10, $0x1;
	s10 =	sld [smem:$0x3FB1];
	_ =	sdelay $0x3  }
0x37: {  	[smem:$0x3FB1] =	sst s10  }
0x38: {  	s10 =	sld [smem:$0x3FB2]  }
0x39: {  	_ = 	snop;
	(pc) =	sbr.ind lr, $3  }
0x3a: {  	_ = 	snop  }
0x3b: {  	_ = 	snop  }
0x3c: {  	p2 =	seq.s32 s10, $0x1;
	s10 =	sld [smem:$0x3FB1]  }
0x3d: {  	_ =	shalt  }
0x3e: {  	_ =	shalt  }
0x3f: {  	_ =	shalt  }
0x40: {  	_ =	shalt  }
0x41: {  	_ =	shalt  }
0x42: {  	_ =	shalt  }
0x43: {  	_ =	shalt  }
0x44: {  	_ =	shalt  }
0x45: {  	_ =	shalt  }
0x46: {  	_ =	shalt  }
0x47: {  	_ =	shalt  }
0x48: {  	_ =	shalt  }
0x49: {  	_ =	shalt  }
0x4a: {  	_ =	shalt  }
0x4b: {  	_ =	shalt  }
0x4c: {  	_ =	shalt  }
0x4d: {  	_ =	shalt  }
0x4e: {  	_ =	shalt  }
0x4f: {  	_ =	shalt  }
0x50: {  	_ =	shalt  }
0x51: {  	_ =	shalt  }
0x52: {  	_ =	shalt  }
0x53: {  	_ =	shalt  }
0x54: {  	_ =	shalt  }
0x55: {  	_ =	shalt  }
0x56: {  	_ =	shalt  }
0x57: {  	_ =	shalt  }
0x58: {  	_ =	shalt  }
0x59: {  	_ =	shalt  }
0x5a: {  	_ =	shalt  }
0x5b: {  	_ =	shalt  }
0x5c: {  	_ =	shalt  }
0x5d: {  	_ =	shalt  }
0x5e: {  	_ =	shalt  }
0x5f: {  	_ =	shalt  }
0x60: {  	_ =	shalt  }
0x61: {  	_ =	shalt  }
0x62: {  	_ =	shalt  }
0x63: {  	_ =	shalt  }
0x64: {  	_ =	shalt  }
0x65: {  	_ =	shalt  }
0x66: {  	_ =	shalt  }
0x67: {  	_ =	shalt  }
0x68: {  	_ =	shalt  }
0x69: {  	_ =	shalt  }
0x6a: {  	_ =	shalt  }
0x6b: {  	_ =	shalt  }
0x6c: {  	_ =	shalt  }
0x6d: {  	_ =	shalt  }
0x6e: {  	_ =	shalt  }
0x6f: {  	_ =	shalt  }
0x70: {  	_ =	shalt  }
0x71: {  	_ =	shalt  }
0x72: {  	_ =	shalt  }
0x73: {  	_ =	shalt  }
0x74: {  	_ =	shalt  }
0x75: {  	_ =	shalt  }
0x76: {  	_ =	shalt  }
0x77: {  	_ =	shalt  }
0x78: {  	_ =	shalt  }
0x79: {  	_ =	shalt  }
0x7a: {  	_ =	shalt  }
0x7b: {  	_ =	shalt  }
0x7c: {  	_ =	shalt  }
0x7d: {  	_ =	shalt  }
0x7e: {  	_ =	shalt  }
0x7f: {  	_ =	shalt  }
0x80: {  	_ =	shalt  }
0x81: {  	_ =	shalt  }
0x82: {  	_ =	shalt  }
0x83: {  	_ =	shalt  }
0x84: {  	_ =	shalt  }
0x85: {  	_ =	shalt  }
0x86: {  	_ =	shalt  }
0x87: {  	_ =	shalt  }
.Lfunc_end0:
.L_simem_size_0:
called_computation.2_lowered:
.L_overlay_start_0:
0x88: {  	s2 =	sld [smem:$0x3FD9]  }
0x89: {  	s3 =	sld [smem:$0x3FFE];
	_ =	sdelay $0x1  }
0x8a: {  	s1 =	srdreg.scid  }
0x8b: {  	s0 =	sand.u32 $0x1, s1  }
0x8c: {  	s16 =	sshll.u32 s0, $0xA;
	s2 =	sadd.s32 s3, s2  }
0x8d: {  	s2 =	sadd.s32 s2, s16  }
0x8e: {  	[smem:$0x3FBD] =	sst s2  }
0x8f: {  	_ = 	snop  }
0x90: {  	(tm) =	ssettm $0x1  }
0x91: {  	s17 =	sld [smem:$0x3FFB];
	_ =	sdelay $0x3  }
0x92: {  	_ =	strace s17  }
0x93: {  	s2 =	sld [smem:$0x3FFC];
	_ =	sdelay $0x3  }
0x94: {  	_ =	strace s2  }
0x95: {  	s2 =	sld [smem:$0x3FFD];
	_ =	sdelay $0x3  }
0x96: {  	_ =	strace s2  }
0x97: {  	_ =	strace $0x8FFFFFFF  }
0x98: {  	s18 =	sld [smem:$0x3FDB];
	_ =	sdelay $0x1  }
0x99: {  	s19 =	simm.s32 $_scs_section_size  }
0x9a: {  	s4 =	simm.s32 $_size__tile_overlayer_lowered;
	s5 =	simm.s32 $_tile_overlayer_lowered  }
0x9b: {  	s22 =	simm.s32 $0x1BFF;
	s21 =	sshll.u32 s5, $0x1;
	s2 =	sadd.s32 s19, s18  }
0x9c: {  	s6 =	simm.s32 $0x0;
	s20 =	sshll.u32 s4, $0x1;
	s4 =	sadd.s32 s21, s2  }
0x9d: {  	[timem:s6], [sflag:s22] =	dma.local [hbm:s4], s20  }
0x9e: {  	_ =	swait.ge [sflag:s22], s20  }
0x9f: {  	s3 =	ssub.s32 $0x0, s20;
	[sflag:s22] =	ssyncset.done $0x0  }
0xa0: {  	[sflag:s22] =	ssyncadd.s32 s3;
	_ =	sdelay $0x1  }
0xa1: {  	s23 =	simm.s32 $0x1B8B  }
0xa2: {  	_ =	swait.ge [sflag:s23], $0x1  }
0xa3: {  	[sflag:s23] =	ssyncset.done $0x0  }
0xa4: {  	s25 =	simm.s32 $0x1B8E;
	s24 =	sld [smem:$0x3FFE];
	[sflag:s23] =	ssyncadd.s32 $0xFFFFFFFF  }
0xa5: {  	s26 =	simm.s32 $execute0_lowered;
	[smem:$0x3FD2] =	sst s25  }
0xa6: {  	s4 =	sshll.u32 s26, $0x1;
	_ =	strace $0x8000004C;
	[dreg:$0x1] =	wrdreg $0xFFFFFFFF  }
0xa7: {  	s28 =	simm.s32 $_size_execute0_lowered;
	s2 =	sadd.s32 s2, s4;
	[dreg:$0x0] =	wrdreg $0x0  }
0xa8: {  	s4 =	sshll.u32 s28, $0x1;
	[dreg:$0x2] =	wrdreg s2  }
0xa9: {  	[dreg:$0x3] =	wrdreg s4  }
0xaa: {  	[dreg:$0x4] =	wrdreg $0xC0  }
0xab: {  	_ =	task [dreg:s6], $0x5FFFF  }
0xac: {  	[dreg:$0x1] =	wrdreg $0xFFFFFFFF  }
0xad: {  	[dreg:$0x0] =	wrdreg $0x60  }
0xae: {  	[dreg:$0x2] =	wrdreg s24  }
0xaf: {  	[dreg:$0x3] =	wrdreg $0x156800  }
0xb0: {  	[dreg:$0x4] =	wrdreg $0x9  }
0xb1: {  	_ =	task.clear_ibuf [dreg:s6], $0x5FFFF;
	_ =	strace $0x9000004C  }
0xb2: {  	s29 =	simm.s32 $0x9;
	_ =	strace $0x8000004E  }
0xb3: {  	_ =	swait.ge [sflag:s29], $0x1  }
0xb4: {  	[sflag:s29] =	ssyncadd.s32 $0xFFFFFFFF  }
0xb5: {  	_ =	strace $0x9000004E  }
0xb6: {  	_ =	sfence  }
0xb7: {  	s30 =	sld [smem:$0x0];
	_ =	sdelay $0x2  }
0xb8: {  	s31 =	sshll.u32 s1, $0xD;
	s1 =	sshrl.u32 s1, $0x2  }
0xb9: {  	s3 =	sand.u32 $0x4000, s31;
	s1 =	sadd.s32 s1, s30  }
0xba: {  	s0 =	sor.u32 s3, s0;
	s1 =	sshll.u32 s1, $0x11  }
0xbb: {  	s0 =	sor.u32 s1, s0  }
0xbc: {  	s0 =	sadd.s32 $0x8F2B, s0  }
0xbd: {  	[sflag:s0] =	ssyncadd.remote.s32 $0x1  }
0xbe: {  	_ =	sfence.sel $0xFFFF  }
0xbf: {  	[dreg:$0x0] =	wrdreg $0xFFFFFFFF;
	(pc) =	sbr.abs _section_cstart, $3  }
0xc0: {  	[dreg:$0x1] =	wrdreg $0xFFFFFFFF  }
0xc1: {  	_ =	task.clear_ibuf [dreg:s6], $0x2FFFF;
	_ =	strace $0x9FFFFFFF  }
0xc2: {  	(tm) =	ssettm $0x7FFFFFFF  }
0xc3: {  	_ =	shalt  }
tec
execute0_lowered:
.L_overlay_start_1:
0x0: {  	(tag) =	ssettag $0x1  }
0x1: {  	s0 =	rddreg [dreg:$0x0]  }
0x2: {  	s2 =	rddreg [dreg:$0x1]  }
0x3: {  	s3 =	simm.s32 $0x0;
	s14 =	stileid.u32;
	s5 =	srdreg.scid  }
0x4: {  	s28 =	simm.s32 $0x4F80;
	s30 =	simm.s32 $0xD180;
	s1 =	smul.u32 $0x4E20, s14  }
0x5: {  	s31 =	simm.s32 $0x1;
	s29 =	simm.s32 $0x4;
	s6 =	smul.u32 $0x27000, s14  }
0x6: {  	[smem:$0x7FF] =	sst s3;
	s4 =	sadd.s32 $0x17A00, s0;
	s13 =	smul.u32 $0x138, s14  }
0x7: {  	s11 =	sadd.s32 $0xDC00, s0;
	s12 =	sand.u32 $0x1, s5;
	s24 =	smul.u32 $0x9C4, s14  }
0x8: {  	p0 =	sne.s32 s14, $0xF;
	_ =	strace $0x8000004D;
	s16 =	smul.u32 $0x1388, s12  }
0x9: {  	s7 =	ssub.s32 $0x2, s12;
	s17 =	smul.u32 $0x9C400, s12;
	s1 =	sshrl.u32 s1, $0x3  }
0xa: {  	s8 =	sshrl.u32 s6, $0x2;
	s10 =	sshrl.u32 s7, $0x1;
	s9 =	sadd.s32 s1, s0  }
0xb: {  	s0 =	sadd.s32 $0x3EC00, s0;
	s5 =	sadd.s32 s8, s2;
	s15 =	ssub.s32 s7, s10  }
0xc: {  	s8 =	sadd.s32 $0x9C000, s2;
	s10 =	sadd.s32 s11, s1;
	s13 =	sadd.s32 s13, s16  }
0xd: {  	s22 =	sshrl.u32 s17, $0x3;
	s6 =	sadd.s32 $0x3400, s5;
	s9 =	sadd.s32 $0x3E00, s9  }
0xe: {  	s7 =	sadd.s32 $0x6800, s5;
	s18 =	sadd.s32 $0x10, s10;
	[dreg:$0x3] =	wrdreg s9  }
0xf: {  	s19 =	sadd.s32 $0x20, s10;
	s1 =	sshll.u32 s13, $0x4;
	[dreg:$0x4] =	wrdreg s18  }
0x10: {  	s20 =	sadd.s32 $0x9C0, s10;
	s26 =	smax.u32 s15, $0x1;
	[dreg:$0x5] =	wrdreg s19  }
0x11: {  	[dreg:$0x6] =	wrdreg s20;
	s21 =	sadd.s32 s0, s1;
	s0 =	sadd.s32 s0, s22  }
0x12: {  	[dreg:$0xb] =	wrdreg s26;
	s19 =	sadd.s32 s24, s11;
	s20 =	simm.s32 $0x12280  }
.Ltmp0:
0x13: {  	s1 =	simm.s32 $0x3;
	s22 =	simm.s32 $0x6;
	(pc) =	sbr.rel .LBB2_1-.Ltmp0, $4  }
0x14: {  	s24 =	simm.s32 $0x5100;
	s23 =	sadd.s32 $0x680, s21;
	[dreg:$0x7] =	wrdreg s21  }
0x15: {  	s9 =	simm.s32 $0x0;
	s25 =	sadd.s32 $0xD00, s21;
	[dreg:$0x8] =	wrdreg s23  }
0x16: {  	v2 =	vlaneseq.u32;
	s0 =	sadd.s32 $0x13800, s0;
	s21 =	simm.s32 $0x7;
	[dreg:$0x9] =	wrdreg s25  }
0x17: {  	v1 =	vimm.f32 $0.0e+00;
	v2 =	vor.u32 $0x1388, v2;
	v0 =	vmov s16;
	[dreg:$0xa] =	wrdreg s0;
	s23 =	simm.s32 $0x80;
	s0 =	simm.s32 $0x2  }
.LBB2_6:
0x18: {  	_ =	swait.ge [sflag:s22], $0x4000  }
0x19: {  	[sflag:s22] =	ssyncset.done $0x0  }
0x1a: {  	[sflag:s22] =	ssyncadd.s32 $0xFFFFC000  }
0x1b: {  	[spmem:s2] =	stream.indirect.scatter.add.f32 [tilespmem:s30], [sflag:$0x7], $0x80, s24, s23, $0xb8;
	[tilespmem:$0x1F300] =	vst v63  }
0x1c: {  	_ =	swait.ge [sflag:s21], $0x4000  }
0x1d: {  	[sflag:s21] =	ssyncset.done $0x0  }
0x1e: {  	s12 =	simm.s32 $0x11180;
	s11 =	rddreg [dreg:$0x6];
	[sflag:s21] =	ssyncadd.s32 $0xFFFFC000  }
0x1f: {  	[tilespmem:s12], [sflag:$0x7] =	stream.linear.gather [hbm4b:s11+s3], $0x20, $0x38;
	[tilespmem:$0x1F300] =	vst v63  }
0x20: {  	_ =	swait.ge [sflag:s21], $0x20  }
0x21: {  	[sflag:s21] =	ssyncset.done $0x0  }
0x22: {  	[sflag:s21] =	ssyncadd.s32 $0xFFFFFFE0  }
0x23: {  	v3 =	vld [tilespmem:$0x11180]  }
0x24: {  	v4 =	vld [tilespmem:$0x11190];
	_ =	sdelay $0x3  }
0x25: {  	v3 =	vsub.s32 v3, v0  }
0x26: {  	v4 =	vsub.s32 v4, v0;
	vm0 =	vlt.u32 v3, $0x1388  }
0x27: {  	vm15 =	vlt.u32 v4, $0x1388;
	v3 =	vsel vm0, v3, v2  }
0x28: {  	[tilespmem:$0x11200] =	vst v3;
	v3 =	vsel vm15, v4, v2  }
0x29: {  	s14 =	simm.s32 $0x20;
	s15 =	simm.s32 $0x4E00;
	s13 =	simm.s32 $0x11280;
	[tilespmem:$0x11210] =	vst v3  }
0x2a: {  	[tilespmem:s13], [sflag:$0x4] =	stream.indirect.gather [hbm4b:s4+s14], $0x80, s15, s14, $0xb8;
	[tilespmem:$0x1F300] =	vst v63  }
0x2b: {  	_ =	swait.ge [sflag:s29], $0x1000  }
0x2c: {  	[sflag:s29] =	ssyncset.done $0x0  }
0x2d: {  	s16 =	simm.s32 $0x11200;
	[sflag:s29] =	ssyncadd.s32 $0xFFFFF000  }
0x2e: {  	[spmem:s2] =	stream.indirect.scatter.add.f32 [tilespmem:s13], [sflag:$0x7], $0x80, s16, s14, $0xb8;
	[tilespmem:$0x1F300] =	vst v63  }
0x2f: {  	_ =	swait.ge [sflag:s21], $0x1000  }
0x30: {  	[sflag:s21] =	ssyncset.done $0x0  }
0x31: {  	[sflag:s21] =	ssyncadd.s32 $0xFFFFF000  }
0x32: {  	[bflag:$0x0] =	sbarrier.arrive $0xFFFF  }
0x33: {  	[tilespmem:s20], [sflag:$0x7] =	stream.linear.gather [spmem:s5], $0x3400, $0x38;
	[tilespmem:$0x1F300] =	vst v63  }
0x34: {  	_ =	swait.ge [sflag:s21], $0x3400  }
0x35: {  	[sflag:s21] =	ssyncset.done $0x0  }
0x36: {  	s17 =	rddreg [dreg:$0x7];
	[sflag:s21] =	ssyncadd.s32 $0xFFFFCC00  }
0x37: {  	[hbm4b:s17+s3] =	stream.linear.scatter [tilespmem:s20], [sflag:$0x7], $0x3400, $0x38;
	[tilespmem:$0x1F300] =	vst v63  }
0x38: {  	_ =	swait.ge [sflag:s21], $0x3400  }
0x39: {  	[sflag:s21] =	ssyncset.done $0x0  }
0x3a: {  	[sflag:s21] =	ssyncadd.s32 $0xFFFFCC00  }
0x3b: {  	[tilespmem:s20], [sflag:$0x7] =	stream.linear.gather [spmem:s6], $0x3400, $0x38;
	[tilespmem:$0x1F300] =	vst v63  }
0x3c: {  	_ =	swait.ge [sflag:s21], $0x3400  }
0x3d: {  	[sflag:s21] =	ssyncset.done $0x0  }
0x3e: {  	s18 =	rddreg [dreg:$0x8];
	[sflag:s21] =	ssyncadd.s32 $0xFFFFCC00  }
0x3f: {  	[hbm4b:s18+s3] =	stream.linear.scatter [tilespmem:s20], [sflag:$0x7], $0x3400, $0x38;
	[tilespmem:$0x1F300] =	vst v63  }
0x40: {  	_ =	swait.ge [sflag:s21], $0x3400  }
0x41: {  	[sflag:s21] =	ssyncset.done $0x0  }
0x42: {  	[sflag:s21] =	ssyncadd.s32 $0xFFFFCC00  }
0x43: {  	[tilespmem:s20], [sflag:$0x7] =	stream.linear.gather [spmem:s7], $0x3400, $0x38;
	[tilespmem:$0x1F300] =	vst v63  }
0x44: {  	_ =	swait.ge [sflag:s21], $0x3400  }
0x45: {  	[sflag:s21] =	ssyncset.done $0x0  }
0x46: {  	s25 =	rddreg [dreg:$0x9];
	[sflag:s21] =	ssyncadd.s32 $0xFFFFCC00  }
0x47: {  	[hbm4b:s25+s3] =	stream.linear.scatter [tilespmem:s20], [sflag:$0x7], $0x3400, $0x38;
	[tilespmem:$0x1F300] =	vst v63  }
0x48: {  	_ =	swait.ge [sflag:s21], $0x3400  }
0x49: {  	[sflag:s21] =	ssyncset.done $0x0  }
0x4a: {  	s11 =	simm.s32 @!p0 $0x12280;
	s12 =	simm.s32 @!p0 $0x7;
	[sflag:s21] =	ssyncadd.s32 $0xFFFFCC00  }
0x4b: {  	[tilespmem:s11], [sflag:$0x7] =	stream.linear.gather @!p0 [spmem:s8], $0x400, $0x38;
	[tilespmem:$0x1F300] =	vst v63  }
0x4c: {  	_ =	swait.ge @!p0 [sflag:s12], $0x400  }
0x4d: {  	[sflag:s12] =	ssyncset.done @!p0 $0x0  }
0x4e: {  	s13 =	simm.s32 @!p0 $0x0;
	s14 =	rddreg [dreg:$0xa];
	[sflag:s12] =	ssyncadd.s32 @!p0 $0xFFFFFC00  }
0x4f: {  	[hbm4b:s14+s13] =	stream.linear.scatter @!p0 [tilespmem:s11], [sflag:$0x7], $0x400, $0x38;
	[tilespmem:$0x1F300] =	vst v63  }
0x50: {  	_ =	swait.ge @!p0 [sflag:s12], $0x400  }
0x51: {  	s9 =	sadd.s32 $0x1, s9;
	s26 =	rddreg [dreg:$0xb]  }
0x52: {  	p1 =	sne.s32 s9, s26  }
.Ltmp1:
0x53: {  	_ = 	snop;
	(pc) =	sbr.rel @!p1 .LBB2_7-.Ltmp1, $3  }
0x54: {  	_ =	sdelay $0x1  }
0x55: {  	[sflag:s12] =	ssyncset.done @!p0 $0x0  }
0x56: {  	[sflag:s12] =	ssyncadd.s32 @!p0 $0xFFFFFC00  }
.LBB2_1:
0x57: {  	s11 =	simm.s32 $0x70;
	s12 =	simm.s32 $0x3C0  }
.LBB2_2:
0x58: {  	p1 =	sne.s32 s12, $0xCFC0;
	[tilespmem:s11+$0x12280] =	vst v1  }
0x59: {  	[tilespmem:s11+$0x12210] =	vst v1  }
0x5a: {  	[tilespmem:s11+$0x12220] =	vst v1  }
.Ltmp2:
0x5b: {  	[tilespmem:s11+$0x12230] =	vst v1;
	(pc) =	sbr.rel @p1 .LBB2_2-.Ltmp2, $4  }
0x5c: {  	[tilespmem:s11+$0x12240] =	vst v1  }
0x5d: {  	[tilespmem:s11+$0x12250] =	vst v1  }
0x5e: {  	[tilespmem:s11+$0x12260] =	vst v1  }
0x5f: {  	[tilespmem:s11+$0x12270] =	vst v1;
	s11 =	sshra.s32 s12, $0x2;
	s12 =	sadd.s32 $0x200, s12  }
0x60: {  	[tilespmem:s11+$0x12280] =	vst v1  }
0x61: {  	[tilespmem:s11+$0x12210] =	vst v1  }
0x62: {  	[tilespmem:s11+$0x12220] =	vst v1  }
0x63: {  	[tilespmem:s11+$0x12230] =	vst v1  }
0x64: {  	[tilespmem:s11+$0x12240] =	vst v1  }
0x65: {  	[tilespmem:s11+$0x12250] =	vst v1  }
0x66: {  	[tilespmem:s11+$0x12260] =	vst v1  }
0x67: {  	[tilespmem:s11+$0x12270] =	vst v1  }
0x68: {  	[spmem:s5] =	stream.linear.scatter [tilespmem:s20], [sflag:$0x7], $0x3400, $0x38;
	[tilespmem:$0x1F300] =	vst v63  }
0x69: {  	_ =	swait.ge [sflag:s21], $0x3400  }
0x6a: {  	[sflag:s21] =	ssyncset.done $0x0  }
0x6b: {  	[sflag:s21] =	ssyncadd.s32 $0xFFFFCC00  }
0x6c: {  	[spmem:s6] =	stream.linear.scatter [tilespmem:s20], [sflag:$0x7], $0x3400, $0x38;
	[tilespmem:$0x1F300] =	vst v63  }
0x6d: {  	_ =	swait.ge [sflag:s21], $0x3400  }
0x6e: {  	[sflag:s21] =	ssyncset.done $0x0  }
0x6f: {  	[sflag:s21] =	ssyncadd.s32 $0xFFFFCC00  }
0x70: {  	[spmem:s7] =	stream.linear.scatter [tilespmem:s20], [sflag:$0x7], $0x3400, $0x38;
	[tilespmem:$0x1F300] =	vst v63  }
0x71: {  	_ =	swait.ge [sflag:s21], $0x3400  }
0x72: {  	[sflag:s21] =	ssyncset.done $0x0  }
0x73: {  	s11 =	simm.s32 @!p0 $0x12280;
	[sflag:s21] =	ssyncadd.s32 $0xFFFFCC00  }
0x74: {  	[spmem:s8] =	stream.linear.scatter @!p0 [tilespmem:s11], [sflag:$0x7], $0x800, $0x38;
	[tilespmem:$0x1F300] =	vst v63  }
0x75: {  	s11 =	simm.s32 @!p0 $0x7  }
0x76: {  	_ =	swait.ge @!p0 [sflag:s11], $0x800  }
0x77: {  	[sflag:s11] =	ssyncset.done @!p0 $0x0  }
0x78: {  	[sflag:s11] =	ssyncadd.s32 @!p0 $0xFFFFF800  }
0x79: {  	[bflag:$0x0] =	sbarrier.arrive $0xFFFF  }
0x7a: {  	s11 =	simm.s32 $0x0;
	s12 =	rddreg [dreg:$0x3]  }
0x7b: {  	[tilespmem:s11], [sflag:$0x7] =	stream.linear.gather [hbm4b:s12+s11], $0x4E20, $0x38;
	[tilespmem:$0x1F300] =	vst v63  }
0x7c: {  	_ =	swait.ge [sflag:s21], $0x4E20  }
0x7d: {  	[sflag:s21] =	ssyncset.done $0x0  }
0x7e: {  	s15 =	simm.s32 $0x4E80;
	[sflag:s21] =	ssyncadd.s32 $0xFFFFB1E0  }
0x7f: {  	[tilespmem:s15], [sflag:$0x1] =	stream.linear.gather [hbm4b:s10+s11], $0x80, $0x38;
	[tilespmem:$0x1F300] =	vst v63  }
0x80: {  	s16 =	simm.s32 $0x5180  }
0x81: {  	[tilespmem:s16], [sflag:$0x4] =	stream.indirect.gather [hbm4b:s4+s23], $0x80, s11, s23, $0xb8;
	[tilespmem:$0x1F300] =	vst v63  }
0x82: {  	s13 =	simm.s32 $0x4F00;
	s17 =	rddreg [dreg:$0x4]  }
0x83: {  	[tilespmem:s13], [sflag:$0x2] =	stream.linear.gather [hbm4b:s17+s11], $0x80, $0x38;
	[tilespmem:$0x1F300] =	vst v63  }
0x84: {  	s18 =	simm.s32 $0x9180  }
0x85: {  	[tilespmem:s18], [sflag:$0x5] =	stream.indirect.gather [hbm4b:s4+s23], $0x80, s23, s23, $0xb8;
	[tilespmem:$0x1F300] =	vst v63  }
0x86: {  	s25 =	rddreg [dreg:$0x5]  }
0x87: {  	[tilespmem:s28], [sflag:$0x3] =	stream.linear.gather [hbm4b:s25+s11], $0x80, $0x38;
	[tilespmem:$0x1F300] =	vst v63  }
0x88: {  	s26 =	simm.s32 $0x100;
	s12 =	simm.s32 $0x280  }
0x89: {  	[tilespmem:s30], [sflag:$0x6] =	stream.indirect.gather [hbm4b:s4+s23], $0x80, s26, s23, $0xb8;
	[tilespmem:$0x1F300] =	vst v63  }
.LBB2_4:
0x8a: {  	_ =	swait.ge [sflag:s31], $0x80  }
0x8b: {  	[sflag:s31] =	ssyncset.done $0x0  }
0x8c: {  	[sflag:s31] =	ssyncadd.s32 $0xFFFFFF80  }
0x8d: {  	v3 =	vld [tilespmem:$0x4E80]  }
0x8e: {  	v4 =	vld [tilespmem:$0x4E90]  }
0x8f: {  	v5 =	vld [tilespmem:$0x4EA0]  }
0x90: {  	v6 =	vld [tilespmem:$0x4EB0]  }
0x91: {  	v7 =	vld [tilespmem:$0x4EC0]  }
0x92: {  	v8 =	vld [tilespmem:$0x4ED0];
	v3 =	vsub.s32 v3, v0  }
0x93: {  	v9 =	vld [tilespmem:$0x4EE0];
	v4 =	vsub.s32 v4, v0;
	vm0 =	vlt.u32 v3, $0x1388  }
0x94: {  	v10 =	vld [tilespmem:$0x4EF0];
	v5 =	vsub.s32 v5, v0;
	vm5 =	vlt.u32 v4, $0x1388;
	v3 =	vsel vm0, v3, v2  }
0x95: {  	v35 =	vsub.s32 v6, v0;
	vm6 =	vlt.u32 v5, $0x1388;
	[tilespmem:$0x5000] =	vst v3;
	v3 =	vsel vm5, v4, v2  }
0x96: {  	v36 =	vsub.s32 v7, v0;
	vm7 =	vlt.u32 v35, $0x1388;
	[tilespmem:$0x5010] =	vst v3;
	v3 =	vsel vm6, v5, v2  }
0x97: {  	v37 =	vsub.s32 v8, v0;
	vm8 =	vlt.u32 v36, $0x1388;
	[tilespmem:$0x5020] =	vst v3;
	v3 =	vsel vm7, v35, v2  }
0x98: {  	v38 =	vsub.s32 v9, v0;
	vm9 =	vlt.u32 v37, $0x1388;
	[tilespmem:$0x5030] =	vst v3;
	v3 =	vsel vm8, v36, v2  }
0x99: {  	v39 =	vsub.s32 v10, v0;
	vm10 =	vlt.u32 v38, $0x1388;
	[tilespmem:$0x5040] =	vst v3;
	v3 =	vsel vm9, v37, v2  }
0x9a: {  	vm11 =	vlt.u32 v39, $0x1388;
	[tilespmem:$0x5050] =	vst v3;
	v3 =	vsel vm10, v38, v2  }
0x9b: {  	p1 =	seq.s32 s11, $0x990;
	[tilespmem:$0x5060] =	vst v3;
	v3 =	vsel vm11, v39, v2  }
0x9c: {  	s13 =	simm.s32 @p1 $0x4;
	[tilespmem:$0x5070] =	vst v3  }
0x9d: {  	_ =	swait.ge @p1 [sflag:s13], $0x4000  }
0x9e: {  	s15 =	simm.s32 @p1 $0x80;
	[sflag:s13] =	ssyncset.done @p1 $0x0  }
0x9f: {  	s16 =	simm.s32 @p1 $0x5180;
	[sflag:s13] =	ssyncadd.s32 @p1 $0xFFFFC000;
	s13 =	simm.s32 @p1 $0x5000  }
0xa0: {  	[spmem:s2] =	stream.indirect.scatter.add.f32 @p1 [tilespmem:s16], [sflag:$0x7], $0x80, s13, s15, $0xb8;
	[tilespmem:$0x1F300] =	vst v63  }
0xa1: {  	s16 =	simm.s32 @p1 $0x7  }
0xa2: {  	_ =	swait.ge @p1 [sflag:s16], $0x4000  }
0xa3: {  	s17 =	sadd.s32 @!p1 s11, s19;
	s18 =	simm.s32 @!p1 $0x0;
	[sflag:s16] =	ssyncset.done @p1 $0x0  }
0xa4: {  	s26 =	simm.s32 @!p1 $0x4E80;
	s13 =	sadd.s32 @!p1 $0x30, s17;
	[sflag:s16] =	ssyncadd.s32 @p1 $0xFFFFC000  }
0xa5: {  	[tilespmem:s26], [sflag:$0x1] =	stream.linear.gather @!p1 [hbm4b:s13+s18], $0x80, $0x38;
	[tilespmem:$0x1F300] =	vst v63  }
0xa6: {  	s13 =	simm.s32 @!p1 $0x4  }
0xa7: {  	_ =	swait.ge @!p1 [sflag:s13], $0x4000  }
0xa8: {  	s14 =	simm.s32 @!p1 $0x5180;
	[sflag:s13] =	ssyncset.done @!p1 $0x0  }
0xa9: {  	s26 =	simm.s32 @!p1 $0x5000;
	[sflag:s13] =	ssyncadd.s32 @!p1 $0xFFFFC000;
	s13 =	simm.s32 @!p1 $0x80  }
0xaa: {  	[spmem:s2] =	stream.indirect.scatter.add.f32 @!p1 [tilespmem:s14], [sflag:$0x7], $0x80, s26, s13, $0xb8;
	[tilespmem:$0x1F300] =	vst v63  }
0xab: {  	s26 =	simm.s32 @!p1 $0x7  }
0xac: {  	_ =	swait.ge @!p1 [sflag:s26], $0x4000  }
0xad: {  	[sflag:s26] =	ssyncset.done @!p1 $0x0  }
0xae: {  	s25 =	sadd.s32 @!p1 $0xFFFFFF00, s12;
	[sflag:s26] =	ssyncadd.s32 @!p1 $0xFFFFC000  }
0xaf: {  	[tilespmem:s14], [sflag:$0x4] =	stream.indirect.gather @!p1 [hbm4b:s4+s13], $0x80, s25, s13, $0xb8;
	[tilespmem:$0x1F300] =	vst v63  }
0xb0: {  	_ =	swait.ge [sflag:s0], $0x80  }
0xb1: {  	[sflag:s0] =	ssyncset.done $0x0  }
0xb2: {  	[sflag:s0] =	ssyncadd.s32 $0xFFFFFF80  }
0xb3: {  	v3 =	vld [tilespmem:$0x4F00]  }
0xb4: {  	v40 =	vld [tilespmem:$0x4F10]  }
0xb5: {  	v41 =	vld [tilespmem:$0x4F20]  }
0xb6: {  	v42 =	vld [tilespmem:$0x4F30]  }
0xb7: {  	v43 =	vld [tilespmem:$0x4F40]  }
0xb8: {  	v44 =	vld [tilespmem:$0x4F50];
	v3 =	vsub.s32 v3, v0  }
0xb9: {  	v45 =	vld [tilespmem:$0x4F60];
	v4 =	vsub.s32 v40, v0;
	vm12 =	vlt.u32 v3, $0x1388  }
0xba: {  	v46 =	vld [tilespmem:$0x4F70];
	v5 =	vsub.s32 v41, v0;
	vm13 =	vlt.u32 v4, $0x1388;
	v3 =	vsel vm12, v3, v2  }
0xbb: {  	v47 =	vsub.s32 v42, v0;
	vm14 =	vlt.u32 v5, $0x1388;
	[tilespmem:$0x5080] =	vst v3;
	v3 =	vsel vm13, v4, v2  }
0xbc: {  	v48 =	vsub.s32 v43, v0;
	vm15 =	vlt.u32 v47, $0x1388;
	[tilespmem:$0x5090] =	vst v3;
	v3 =	vsel vm14, v5, v2  }
0xbd: {  	v49 =	vsub.s32 v44, v0;
	vm4 =	vlt.u32 v48, $0x1388;
	[tilespmem:$0x50A0] =	vst v3;
	v3 =	vsel vm15, v47, v2  }
0xbe: {  	v50 =	vsub.s32 v45, v0;
	vm5 =	vlt.u32 v49, $0x1388;
	[tilespmem:$0x50B0] =	vst v3;
	v3 =	vsel vm4, v48, v2  }
0xbf: {  	v51 =	vsub.s32 v46, v0;
	vm6 =	vlt.u32 v50, $0x1388;
	[tilespmem:$0x50C0] =	vst v3;
	v3 =	vsel vm5, v49, v2  }
0xc0: {  	vm7 =	vlt.u32 v51, $0x1388;
	[tilespmem:$0x50D0] =	vst v3;
	v3 =	vsel vm6, v50, v2  }
0xc1: {  	[tilespmem:$0x50E0] =	vst v3;
	v3 =	vsel vm7, v51, v2  }
0xc2: {  	s14 =	simm.s32 @p1 $0x5;
	[tilespmem:$0x50F0] =	vst v3  }
0xc3: {  	_ =	swait.ge @p1 [sflag:s14], $0x4000  }
0xc4: {  	[sflag:s14] =	ssyncset.done @p1 $0x0  }
0xc5: {  	s25 =	simm.s32 @p1 $0x9180;
	[sflag:s14] =	ssyncadd.s32 @p1 $0xFFFFC000;
	s14 =	simm.s32 @p1 $0x5080  }
0xc6: {  	[spmem:s2] =	stream.indirect.scatter.add.f32 @p1 [tilespmem:s25], [sflag:$0x7], $0x80, s14, s15, $0xb8;
	[tilespmem:$0x1F300] =	vst v63  }
0xc7: {  	_ =	swait.ge @p1 [sflag:s16], $0x4000  }
0xc8: {  	[sflag:s16] =	ssyncset.done @p1 $0x0  }
0xc9: {  	s14 =	sadd.s32 @!p1 $0x40, s17;
	s15 =	simm.s32 @!p1 $0x4F00;
	[sflag:s16] =	ssyncadd.s32 @p1 $0xFFFFC000  }
0xca: {  	[tilespmem:s15], [sflag:$0x2] =	stream.linear.gather @!p1 [hbm4b:s14+s18], $0x80, $0x38;
	[tilespmem:$0x1F300] =	vst v63  }
0xcb: {  	s14 =	simm.s32 @!p1 $0x5  }
0xcc: {  	_ =	swait.ge @!p1 [sflag:s14], $0x4000  }
0xcd: {  	[sflag:s14] =	ssyncset.done @!p1 $0x0  }
0xce: {  	s15 =	simm.s32 @!p1 $0x9180;
	[sflag:s14] =	ssyncadd.s32 @!p1 $0xFFFFC000;
	s14 =	simm.s32 @!p1 $0x5080  }
0xcf: {  	[spmem:s2] =	stream.indirect.scatter.add.f32 @!p1 [tilespmem:s15], [sflag:$0x7], $0x80, s14, s13, $0xb8;
	[tilespmem:$0x1F300] =	vst v63  }
0xd0: {  	_ =	swait.ge @!p1 [sflag:s26], $0x4000  }
0xd1: {  	[sflag:s26] =	ssyncset.done @!p1 $0x0  }
0xd2: {  	s14 =	sadd.s32 @!p1 $0xFFFFFF80, s12;
	[sflag:s26] =	ssyncadd.s32 @!p1 $0xFFFFC000  }
0xd3: {  	[tilespmem:s15], [sflag:$0x5] =	stream.indirect.gather @!p1 [hbm4b:s4+s13], $0x80, s14, s13, $0xb8;
	[tilespmem:$0x1F300] =	vst v63  }
0xd4: {  	_ =	swait.ge [sflag:s1], $0x80  }
0xd5: {  	[sflag:s1] =	ssyncset.done $0x0  }
0xd6: {  	[sflag:s1] =	ssyncadd.s32 $0xFFFFFF80  }
0xd7: {  	v3 =	vld [tilespmem:$0x4F80]  }
0xd8: {  	v52 =	vld [tilespmem:$0x4F90]  }
0xd9: {  	v53 =	vld [tilespmem:$0x4FA0]  }
0xda: {  	v54 =	vld [tilespmem:$0x4FB0]  }
0xdb: {  	v55 =	vld [tilespmem:$0x4FC0]  }
0xdc: {  	v56 =	vld [tilespmem:$0x4FD0];
	v3 =	vsub.s32 v3, v0  }
0xdd: {  	v57 =	vld [tilespmem:$0x4FE0];
	v4 =	vsub.s32 v52, v0;
	vm8 =	vlt.u32 v3, $0x1388  }
0xde: {  	v58 =	vld [tilespmem:$0x4FF0];
	v5 =	vsub.s32 v53, v0;
	vm9 =	vlt.u32 v4, $0x1388;
	v3 =	vsel vm8, v3, v2  }
0xdf: {  	v59 =	vsub.s32 v54, v0;
	vm10 =	vlt.u32 v5, $0x1388;
	[tilespmem:$0x5100] =	vst v3;
	v3 =	vsel vm9, v4, v2  }
0xe0: {  	v60 =	vsub.s32 v55, v0;
	vm11 =	vlt.u32 v59, $0x1388;
	[tilespmem:$0x5110] =	vst v3;
	v3 =	vsel vm10, v5, v2  }
0xe1: {  	v61 =	vsub.s32 v56, v0;
	vm12 =	vlt.u32 v60, $0x1388;
	[tilespmem:$0x5120] =	vst v3;
	v3 =	vsel vm11, v59, v2  }
.Ltmp3:
0xe2: {  	v62 =	vsub.s32 v57, v0;
	vm13 =	vlt.u32 v61, $0x1388;
	[tilespmem:$0x5130] =	vst v3;
	v3 =	vsel vm12, v60, v2;
	(pc) =	sbr.rel @p1 .LBB2_6-.Ltmp3, $4  }
0xe3: {  	v63 =	vsub.s32 v58, v0;
	vm14 =	vlt.u32 v62, $0x1388;
	[tilespmem:$0x5140] =	vst v3;
	v3 =	vsel vm13, v61, v2  }
0xe4: {  	vm15 =	vlt.u32 v63, $0x1388;
	[tilespmem:$0x5150] =	vst v3;
	v3 =	vsel vm14, v62, v2  }
0xe5: {  	[tilespmem:$0x5160] =	vst v3;
	v3 =	vsel vm15, v63, v2  }
0xe6: {  	[tilespmem:$0x5170] =	vst v3  }
0xe7: {  	s13 =	sadd.s32 s11, s19  }
0xe8: {  	s13 =	sadd.s32 $0x50, s13  }
0xe9: {  	[tilespmem:s28], [sflag:$0x3] =	stream.linear.gather [hbm4b:s13+s3], $0x80, $0x38;
	[tilespmem:$0x1F300] =	vst v63  }
0xea: {  	_ =	swait.ge [sflag:s22], $0x4000  }
0xeb: {  	[sflag:s22] =	ssyncset.done $0x0  }
0xec: {  	[sflag:s22] =	ssyncadd.s32 $0xFFFFC000  }
0xed: {  	[spmem:s2] =	stream.indirect.scatter.add.f32 [tilespmem:s30], [sflag:$0x7], $0x80, s24, s23, $0xb8;
	[tilespmem:$0x1F300] =	vst v63  }
.Ltmp4:
0xee: {  	_ =	swait.ge [sflag:s21], $0x4000;
	(pc) =	sbr.rel .LBB2_4-.Ltmp4, $4  }
0xef: {  	[sflag:s21] =	ssyncset.done $0x0  }
0xf0: {  	[sflag:s21] =	ssyncadd.s32 $0xFFFFC000  }
0xf1: {  	[tilespmem:s30], [sflag:$0x6] =	stream.indirect.gather [hbm4b:s4+s23], $0x80, s12, s23, $0xb8;
	[tilespmem:$0x1F300] =	vst v63  }
0xf2: {  	s11 =	sadd.s32 $0x30, s11;
	s12 =	sadd.s32 $0x180, s12  }
.LBB2_7:
0xf3: {  	_ =	sfence.sel $0x180000  }
0xf4: {  	[bflag:$0x0] =	sbarrier.arrive $0xFFFF  }
0xf5: {  	_ =	strace $0x9000004D  }
0xf6: {  	s0 =	stileid.u32;
	[bflag:$0x2] =	sbarrier.arrive $0xFFFF  }
0xf7: {  	p0 =	sne.s32 s0, $0x0;
	s0 =	rddreg [dreg:$0x2]  }
0xf8: {  	s0 =	sadd.s32 @!p0 $0x100000, s0  }
0xf9: {  	[sflag:s0] =	ssyncadd.tile.s32 @!p0 $0x1;
	_ =	shalt  }
.Lfunc_end2:
_tile_overlayer_lowered:
.L_overlay_start_2:
0xfa: {  	(tag) =	ssettag $0x2  }
0xfb: {  	s0 =	rddreg [dreg:$0x0];
	s2 =	stileid.u32  }
0xfc: {  	s1 =	rddreg [dreg:$0x1];
	p0 =	sne.s32 s2, $0x0  }
0xfd: {  	s3 =	rddreg [dreg:$0x2];
	[bflag:$0x3] =	sbarrier.arrive $0xFFFF;
	s2 =	simm.s32 @!p0 $0x1C07  }
0xfe: {  	[timem:s3], [sflag:s2] =	dma.local @!p0 [hbm:s0], s1  }
0xff: {  	s0 =	simm.s32 @!p0 $0x7  }
0x100: {  	_ =	swait.ge @!p0 [sflag:s0], s1  }
0x101: {  	s1 =	ssub.s32 @!p0 $0x0, s1;
	[sflag:s0] =	ssyncset.done @!p0 $0x0  }
0x102: {  	[sflag:s0] =	ssyncadd.s32 @!p0 s1  }
0x103: {  	[bflag:$0x3] =	sbarrier.arrive $0xFFFF  }
0x104: {  	_ =	shalt  }

// kernel: kernel.19.cloned.1.call-start
scs
__scs_entry_jumppad:
0x0: {  	(pc) =	sbr.rel $0x88, $3  }
0x1: {  	(tag) =	ssettag $0x0;
	lr =	simm.s32 $0x1  }
0x2: {  	[smem:$0x3F96] =	sst lr;
	_ =	strace $0xD0000000  }
0x3: {  	_ = 	snop  }
0x4: {  	_ = 	snop  }
0x5: {  	_ = 	snop  }
0x6: {  	_ = 	snop  }
0x7: {  	_ = 	snop  }
__scs_overlays_trampoline_lowered:
0x8: {  	[smem:$0x3FA5] =	sst s0  }
0x9: {  	[smem:$0x3FA6] =	sst s1  }
0xa: {  	[smem:$0x3FA7] =	sst s2  }
0xb: {  	[smem:$0x3FA8] =	sst s3  }
0xc: {  	[smem:$0x3FA9] =	sst s4  }
0xd: {  	[smem:$0x3FAA] =	sst s5  }
0xe: {  	[smem:$0x3FAB] =	sst s6  }
0xf: {  	[smem:$0x3FAC] =	sst s7  }
0x10: {  	[smem:$0x3FAD] =	sst s8  }
0x11: {  	[smem:$0x3FAE] =	sst s9;
	s0 =	simm.s32 @!p0 $0x0  }
0x12: {  	s1 =	sld [smem:$0x3F94];
	s0 =	simm.s32 @p0 $0x1  }
0x13: {  	[smem:$0x3FAF] =	sst s0;
	s0 =	simm.s32 @!p1 $0x0  }
0x14: {  	s2 =	sld [smem:$0x3F93];
	s0 =	simm.s32 @p1 $0x1  }
0x15: {  	[smem:$0x3FB0] =	sst s0;
	s0 =	simm.s32 @!p2 $0x0  }
0x16: {  	s3 =	sld [smem:$0x3FDB];
	s0 =	simm.s32 @p2 $0x1  }
0x17: {  	s4 =	simm.s32 $0x1BF5;
	[smem:$0x3FB2] =	sst s0  }
0x18: {  	s0 =	sld [smem:$0x3F95];
	_ =	swait.ge [sflag:s4], $0x0  }
0x19: {  	s7 =	sld [smem:$0x3F96]  }
0x1a: {  	s8 =	sadd.s32 $0xFFFFE003, lr  }
0x1b: {  	s9 =	sadd.s32 $0xFFFFFEF7, lr;
	s5 =	simm.s32 $0xFFFFFFFF;
	p2 =	slt.u32 s8, $0xFFFFF086  }
0x1c: {  	p1 =	slt.u32 s9, $0xF7A;
	s5 =	simm.s32 @!p2 $0x0  }
0x1d: {  	s5 =	simm.s32 @p1 $0x1;
	p0 =	seq.s32 s7, s2  }
0x1e: {  	s7 =	smul.u32 @!p0 $0xF7A, s2;
	p2 =	seq.s32 @!p0 s5, $0x0  }
0x1f: {  	s9 =	smul.u32 $0xF7A, s1;
	s8 =	simm.s32 @!p0 $0x1BF5;
	p2 =	por !p2, p0  }
0x20: {  	[sflag:s8] =	ssyncset.s32 @!p0 $0xFFFFF086;
	s6 =	sadd.s32 @!p0 s3, s7;
	s7 =	simm.s32 @!p0 $0x108  }
0x21: {  	s3 =	sadd.s32 s3, s9;
	s6 =	sadd.s32 @!p0 $0x88, s6;
	s7 =	simm.s32 @p2 $0x1082  }
0x22: {  	[simem:s7], [sflag:s8] =	dma.local @!p0 [hbm:s6], $0xF7A  }
0x23: {  	s9 =	sor.u32 $0xD0000000, s2;
	s6 =	simm.s32 $0x108;
	_ =	swait.ge @!p0 [sflag:s8], $0x0  }
0x24: {  	s3 =	sadd.s32 $0x88, s3;
	s6 =	simm.s32 @!p1 $0x1082;
	[sflag:s4] =	ssyncset.s32 $0xFFFFF086  }
0x25: {  	[simem:s6], [sflag:s4] =	dma.local [hbm:s3], $0xF7A  }
0x26: {  	[smem:$0x3F96] =	sst s1;
	(tag) =	ssettag s2;
	_ =	strace s9  }
0x27: {  	s1 =	sld [smem:$0x3FA6]  }
0x28: {  	s2 =	sld [smem:$0x3FA7]  }
0x29: {  	s4 =	sld [smem:$0x3FA9]  }
0x2a: {  	p0 =	seq.s32 s5, $0x0;
	s5 =	sld [smem:$0x3FAA]  }
0x2b: {  	s6 =	sld [smem:$0x3FAB]  }
0x2c: {  	s7 =	sld [smem:$0x3FAC]  }
0x2d: {  	s3 =	simm.s32 $0x108;
	s8 =	sld [smem:$0x3FAD]  }
0x2e: {  	s3 =	simm.s32 @!p0 $0x1082;
	s9 =	sld [smem:$0x3FAE]  }
0x2f: {  	lr =	sadd.s32 s0, s3;
	s0 =	sld [smem:$0x3FA5]  }
0x30: {  	s3 =	sld [smem:$0x3FA8]  }
0x31: {  	[smem:$0x3FB1] =	sst s10  }
0x32: {  	s10 =	sld [smem:$0x3FAF];
	_ =	sdelay $0x3  }
0x33: {  	p0 =	seq.s32 s10, $0x1;
	s10 =	sld [smem:$0x3FB1];
	_ =	sdelay $0x3  }
0x34: {  	[smem:$0x3FB1] =	sst s10  }
0x35: {  	s10 =	sld [smem:$0x3FB0];
	_ =	sdelay $0x3  }
0x36: {  	p1 =	seq.s32 s10, $0x1;
	s10 =	sld [smem:$0x3FB1];
	_ =	sdelay $0x3  }
0x37: {  	[smem:$0x3FB1] =	sst s10  }
0x38: {  	s10 =	sld [smem:$0x3FB2]  }
0x39: {  	_ = 	snop;
	(pc) =	sbr.ind lr, $3  }
0x3a: {  	_ = 	snop  }
0x3b: {  	_ = 	snop  }
0x3c: {  	p2 =	seq.s32 s10, $0x1;
	s10 =	sld [smem:$0x3FB1]  }
0x3d: {  	_ =	shalt  }
0x3e: {  	_ =	shalt  }
0x3f: {  	_ =	shalt  }
0x40: {  	_ =	shalt  }
0x41: {  	_ =	shalt  }
0x42: {  	_ =	shalt  }
0x43: {  	_ =	shalt  }
0x44: {  	_ =	shalt  }
0x45: {  	_ =	shalt  }
0x46: {  	_ =	shalt  }
0x47: {  	_ =	shalt  }
0x48: {  	_ =	shalt  }
0x49: {  	_ =	shalt  }
0x4a: {  	_ =	shalt  }
0x4b: {  	_ =	shalt  }
0x4c: {  	_ =	shalt  }
0x4d: {  	_ =	shalt  }
0x4e: {  	_ =	shalt  }
0x4f: {  	_ =	shalt  }
0x50: {  	_ =	shalt  }
0x51: {  	_ =	shalt  }
0x52: {  	_ =	shalt  }
0x53: {  	_ =	shalt  }
0x54: {  	_ =	shalt  }
0x55: {  	_ =	shalt  }
0x56: {  	_ =	shalt  }
0x57: {  	_ =	shalt  }
0x58: {  	_ =	shalt  }
0x59: {  	_ =	shalt  }
0x5a: {  	_ =	shalt  }
0x5b: {  	_ =	shalt  }
0x5c: {  	_ =	shalt  }
0x5d: {  	_ =	shalt  }
0x5e: {  	_ =	shalt  }
0x5f: {  	_ =	shalt  }
0x60: {  	_ =	shalt  }
0x61: {  	_ =	shalt  }
0x62: {  	_ =	shalt  }
0x63: {  	_ =	shalt  }
0x64: {  	_ =	shalt  }
0x65: {  	_ =	shalt  }
0x66: {  	_ =	shalt  }
0x67: {  	_ =	shalt  }
0x68: {  	_ =	shalt  }
0x69: {  	_ =	shalt  }
0x6a: {  	_ =	shalt  }
0x6b: {  	_ =	shalt  }
0x6c: {  	_ =	shalt  }
0x6d: {  	_ =	shalt  }
0x6e: {  	_ =	shalt  }
0x6f: {  	_ =	shalt  }
0x70: {  	_ =	shalt  }
0x71: {  	_ =	shalt  }
0x72: {  	_ =	shalt  }
0x73: {  	_ =	shalt  }
0x74: {  	_ =	shalt  }
0x75: {  	_ =	shalt  }
0x76: {  	_ =	shalt  }
0x77: {  	_ =	shalt  }
0x78: {  	_ =	shalt  }
0x79: {  	_ =	shalt  }
0x7a: {  	_ =	shalt  }
0x7b: {  	_ =	shalt  }
0x7c: {  	_ =	shalt  }
0x7d: {  	_ =	shalt  }
0x7e: {  	_ =	shalt  }
0x7f: {  	_ =	shalt  }
0x80: {  	_ =	shalt  }
0x81: {  	_ =	shalt  }
0x82: {  	_ =	shalt  }
0x83: {  	_ =	shalt  }
0x84: {  	_ =	shalt  }
0x85: {  	_ =	shalt  }
0x86: {  	_ =	shalt  }
0x87: {  	_ =	shalt  }
.Lfunc_end0:
.L_simem_size_0:
called_computation.3_lowered:
.L_overlay_start_0:
0x88: {  	s2 =	sld [smem:$0x3FD9]  }
0x89: {  	s3 =	sld [smem:$0x3FFE];
	_ =	sdelay $0x1  }
0x8a: {  	s1 =	srdreg.scid  }
0x8b: {  	s0 =	sand.u32 $0x1, s1  }
0x8c: {  	s16 =	sshll.u32 s0, $0xA;
	s2 =	sadd.s32 s3, s2  }
0x8d: {  	s2 =	sadd.s32 s2, s16  }
0x8e: {  	[smem:$0x3FBD] =	sst s2  }
0x8f: {  	_ = 	snop  }
0x90: {  	(tm) =	ssettm $0x1  }
0x91: {  	s17 =	sld [smem:$0x3FFB];
	_ =	sdelay $0x3  }
0x92: {  	_ =	strace s17  }
0x93: {  	s2 =	sld [smem:$0x3FFC];
	_ =	sdelay $0x3  }
0x94: {  	_ =	strace s2  }
0x95: {  	s2 =	sld [smem:$0x3FFD];
	_ =	sdelay $0x3  }
0x96: {  	_ =	strace s2  }
0x97: {  	_ =	strace $0x8FFFFFFF  }
0x98: {  	s18 =	sld [smem:$0x3FDB];
	_ =	sdelay $0x1  }
0x99: {  	s19 =	simm.s32 $_scs_section_size  }
0x9a: {  	s4 =	simm.s32 $_size__tile_overlayer_lowered;
	s5 =	simm.s32 $_tile_overlayer_lowered  }
0x9b: {  	s22 =	simm.s32 $0x1BFF;
	s21 =	sshll.u32 s5, $0x1;
	s2 =	sadd.s32 s19, s18  }
0x9c: {  	s6 =	simm.s32 $0x0;
	s20 =	sshll.u32 s4, $0x1;
	s4 =	sadd.s32 s21, s2  }
0x9d: {  	[timem:s6], [sflag:s22] =	dma.local [hbm:s4], s20  }
0x9e: {  	_ =	swait.ge [sflag:s22], s20  }
0x9f: {  	s3 =	ssub.s32 $0x0, s20;
	[sflag:s22] =	ssyncset.done $0x0  }
0xa0: {  	[sflag:s22] =	ssyncadd.s32 s3;
	_ =	sdelay $0x1  }
0xa1: {  	s23 =	simm.s32 $0x1B8B  }
0xa2: {  	_ =	swait.ge [sflag:s23], $0x1  }
0xa3: {  	[sflag:s23] =	ssyncset.done $0x0  }
0xa4: {  	s25 =	simm.s32 $0x1B8E;
	s24 =	sld [smem:$0x3FFE];
	[sflag:s23] =	ssyncadd.s32 $0xFFFFFFFF  }
0xa5: {  	s26 =	simm.s32 $execute0_lowered;
	[smem:$0x3FD2] =	sst s25  }
0xa6: {  	s4 =	sshll.u32 s26, $0x1;
	_ =	strace $0x8000004F;
	[dreg:$0x1] =	wrdreg $0xFFFFFFFF  }
0xa7: {  	s28 =	simm.s32 $_size_execute0_lowered;
	s2 =	sadd.s32 s2, s4;
	[dreg:$0x0] =	wrdreg $0x0  }
0xa8: {  	s4 =	sshll.u32 s28, $0x1;
	[dreg:$0x2] =	wrdreg s2  }
0xa9: {  	[dreg:$0x3] =	wrdreg s4  }
0xaa: {  	[dreg:$0x4] =	wrdreg $0xC0  }
0xab: {  	_ =	task [dreg:s6], $0x5FFFF  }
0xac: {  	[dreg:$0x1] =	wrdreg $0xFFFFFFFF  }
0xad: {  	[dreg:$0x0] =	wrdreg $0x60  }
0xae: {  	[dreg:$0x2] =	wrdreg s24  }
0xaf: {  	[dreg:$0x3] =	wrdreg $0x156800  }
0xb0: {  	[dreg:$0x4] =	wrdreg $0x9  }
0xb1: {  	_ =	task.clear_ibuf [dreg:s6], $0x5FFFF;
	_ =	strace $0x9000004F  }
0xb2: {  	s29 =	simm.s32 $0x9;
	_ =	strace $0x80000051  }
0xb3: {  	_ =	swait.ge [sflag:s29], $0x1  }
0xb4: {  	[sflag:s29] =	ssyncadd.s32 $0xFFFFFFFF  }
0xb5: {  	_ =	strace $0x90000051  }
0xb6: {  	_ =	sfence  }
0xb7: {  	s30 =	sld [smem:$0x0];
	_ =	sdelay $0x2  }
0xb8: {  	s31 =	sshll.u32 s1, $0xD;
	s1 =	sshrl.u32 s1, $0x2  }
0xb9: {  	s3 =	sand.u32 $0x4000, s31;
	s1 =	sadd.s32 s1, s30  }
0xba: {  	s0 =	sor.u32 s3, s0;
	s1 =	sshll.u32 s1, $0x11  }
0xbb: {  	s0 =	sor.u32 s1, s0  }
0xbc: {  	s0 =	sadd.s32 $0x8F2B, s0  }
0xbd: {  	[sflag:s0] =	ssyncadd.remote.s32 $0x1  }
0xbe: {  	_ =	sfence.sel $0xFFFF  }
0xbf: {  	[dreg:$0x0] =	wrdreg $0xFFFFFFFF;
	(pc) =	sbr.abs _section_cstart, $3  }
0xc0: {  	[dreg:$0x1] =	wrdreg $0xFFFFFFFF  }
0xc1: {  	_ =	task.clear_ibuf [dreg:s6], $0x2FFFF;
	_ =	strace $0x9FFFFFFF  }
0xc2: {  	(tm) =	ssettm $0x7FFFFFFF  }
0xc3: {  	_ =	shalt  }
tec
execute0_lowered:
.L_overlay_start_1:
0x0: {  	(tag) =	ssettag $0x1  }
0x1: {  	s0 =	rddreg [dreg:$0x0]  }
0x2: {  	s2 =	rddreg [dreg:$0x1]  }
0x3: {  	s3 =	simm.s32 $0x0;
	s14 =	stileid.u32;
	s5 =	srdreg.scid  }
0x4: {  	s28 =	simm.s32 $0x4F80;
	s30 =	simm.s32 $0xD180;
	s1 =	smul.u32 $0x4E20, s14  }
0x5: {  	s31 =	simm.s32 $0x1;
	s29 =	simm.s32 $0x4;
	s6 =	smul.u32 $0x27000, s14  }
0x6: {  	[smem:$0x7FF] =	sst s3;
	s4 =	sadd.s32 $0x17A00, s0;
	s13 =	smul.u32 $0x138, s14  }
0x7: {  	s11 =	sadd.s32 $0xDC00, s0;
	s12 =	sand.u32 $0x1, s5;
	s24 =	smul.u32 $0x9C4, s14  }
0x8: {  	p0 =	sne.s32 s14, $0xF;
	_ =	strace $0x80000050;
	s16 =	smul.u32 $0x1388, s12  }
0x9: {  	s7 =	ssub.s32 $0x2, s12;
	s17 =	smul.u32 $0x9C400, s12;
	s1 =	sshrl.u32 s1, $0x3  }
0xa: {  	s8 =	sshrl.u32 s6, $0x2;
	s10 =	sshrl.u32 s7, $0x1;
	s9 =	sadd.s32 s1, s0  }
0xb: {  	s0 =	sadd.s32 $0x3EC00, s0;
	s5 =	sadd.s32 s8, s2;
	s15 =	ssub.s32 s7, s10  }
0xc: {  	s8 =	sadd.s32 $0x9C000, s2;
	s10 =	sadd.s32 s11, s1;
	s13 =	sadd.s32 s13, s16  }
0xd: {  	s22 =	sshrl.u32 s17, $0x3;
	s6 =	sadd.s32 $0x3400, s5;
	s9 =	sadd.s32 $0x3E00, s9  }
0xe: {  	s7 =	sadd.s32 $0x6800, s5;
	s18 =	sadd.s32 $0x10, s10;
	[dreg:$0x3] =	wrdreg s9  }
0xf: {  	s19 =	sadd.s32 $0x20, s10;
	s1 =	sshll.u32 s13, $0x4;
	[dreg:$0x4] =	wrdreg s18  }
0x10: {  	s20 =	sadd.s32 $0x9C0, s10;
	s26 =	smax.u32 s15, $0x1;
	[dreg:$0x5] =	wrdreg s19  }
0x11: {  	[dreg:$0x6] =	wrdreg s20;
	s21 =	sadd.s32 s0, s1;
	s0 =	sadd.s32 s0, s22  }
0x12: {  	[dreg:$0xb] =	wrdreg s26;
	s19 =	sadd.s32 s24, s11;
	s20 =	simm.s32 $0x12280  }
.Ltmp0:
0x13: {  	s1 =	simm.s32 $0x3;
	s22 =	simm.s32 $0x6;
	(pc) =	sbr.rel .LBB2_1-.Ltmp0, $4  }
0x14: {  	s24 =	simm.s32 $0x5100;
	s23 =	sadd.s32 $0x680, s21;
	[dreg:$0x7] =	wrdreg s21  }
0x15: {  	s9 =	simm.s32 $0x0;
	s25 =	sadd.s32 $0xD00, s21;
	[dreg:$0x8] =	wrdreg s23  }
0x16: {  	v2 =	vlaneseq.u32;
	s0 =	sadd.s32 $0x13800, s0;
	s21 =	simm.s32 $0x7;
	[dreg:$0x9] =	wrdreg s25  }
0x17: {  	v1 =	vimm.f32 $0.0e+00;
	v2 =	vor.u32 $0x1388, v2;
	v0 =	vmov s16;
	[dreg:$0xa] =	wrdreg s0;
	s23 =	simm.s32 $0x80;
	s0 =	simm.s32 $0x2  }
.LBB2_6:
0x18: {  	_ =	swait.ge [sflag:s22], $0x4000  }
0x19: {  	[sflag:s22] =	ssyncset.done $0x0  }
0x1a: {  	[sflag:s22] =	ssyncadd.s32 $0xFFFFC000  }
0x1b: {  	[spmem:s2] =	stream.indirect.scatter.add.f32 [tilespmem:s30], [sflag:$0x7], $0x80, s24, s23, $0xb8;
	[tilespmem:$0x1F300] =	vst v63  }
0x1c: {  	_ =	swait.ge [sflag:s21], $0x4000  }
0x1d: {  	[sflag:s21] =	ssyncset.done $0x0  }
0x1e: {  	s12 =	simm.s32 $0x11180;
	s11 =	rddreg [dreg:$0x6];
	[sflag:s21] =	ssyncadd.s32 $0xFFFFC000  }
0x1f: {  	[tilespmem:s12], [sflag:$0x7] =	stream.linear.gather [hbm4b:s11+s3], $0x20, $0x38;
	[tilespmem:$0x1F300] =	vst v63  }
0x20: {  	_ =	swait.ge [sflag:s21], $0x20  }
0x21: {  	[sflag:s21] =	ssyncset.done $0x0  }
0x22: {  	[sflag:s21] =	ssyncadd.s32 $0xFFFFFFE0  }
0x23: {  	v3 =	vld [tilespmem:$0x11180]  }
0x24: {  	v4 =	vld [tilespmem:$0x11190];
	_ =	sdelay $0x3  }
0x25: {  	v3 =	vsub.s32 v3, v0  }
0x26: {  	v4 =	vsub.s32 v4, v0;
	vm0 =	vlt.u32 v3, $0x1388  }
0x27: {  	vm15 =	vlt.u32 v4, $0x1388;
	v3 =	vsel vm0, v3, v2  }
0x28: {  	[tilespmem:$0x11200] =	vst v3;
	v3 =	vsel vm15, v4, v2  }
0x29: {  	s14 =	simm.s32 $0x20;
	s15 =	simm.s32 $0x4E00;
	s13 =	simm.s32 $0x11280;
	[tilespmem:$0x11210] =	vst v3  }
0x2a: {  	[tilespmem:s13], [sflag:$0x4] =	stream.indirect.gather [hbm4b:s4+s14], $0x80, s15, s14, $0xb8;
	[tilespmem:$0x1F300] =	vst v63  }
0x2b: {  	_ =	swait.ge [sflag:s29], $0x1000  }
0x2c: {  	[sflag:s29] =	ssyncset.done $0x0  }
0x2d: {  	s16 =	simm.s32 $0x11200;
	[sflag:s29] =	ssyncadd.s32 $0xFFFFF000  }
0x2e: {  	[spmem:s2] =	stream.indirect.scatter.add.f32 [tilespmem:s13], [sflag:$0x7], $0x80, s16, s14, $0xb8;
	[tilespmem:$0x1F300] =	vst v63  }
0x2f: {  	_ =	swait.ge [sflag:s21], $0x1000  }
0x30: {  	[sflag:s21] =	ssyncset.done $0x0  }
0x31: {  	[sflag:s21] =	ssyncadd.s32 $0xFFFFF000  }
0x32: {  	[bflag:$0x0] =	sbarrier.arrive $0xFFFF  }
0x33: {  	[tilespmem:s20], [sflag:$0x7] =	stream.linear.gather [spmem:s5], $0x3400, $0x38;
	[tilespmem:$0x1F300] =	vst v63  }
0x34: {  	_ =	swait.ge [sflag:s21], $0x3400  }
0x35: {  	[sflag:s21] =	ssyncset.done $0x0  }
0x36: {  	s17 =	rddreg [dreg:$0x7];
	[sflag:s21] =	ssyncadd.s32 $0xFFFFCC00  }
0x37: {  	[hbm4b:s17+s3] =	stream.linear.scatter [tilespmem:s20], [sflag:$0x7], $0x3400, $0x38;
	[tilespmem:$0x1F300] =	vst v63  }
0x38: {  	_ =	swait.ge [sflag:s21], $0x3400  }
0x39: {  	[sflag:s21] =	ssyncset.done $0x0  }
0x3a: {  	[sflag:s21] =	ssyncadd.s32 $0xFFFFCC00  }
0x3b: {  	[tilespmem:s20], [sflag:$0x7] =	stream.linear.gather [spmem:s6], $0x3400, $0x38;
	[tilespmem:$0x1F300] =	vst v63  }
0x3c: {  	_ =	swait.ge [sflag:s21], $0x3400  }
0x3d: {  	[sflag:s21] =	ssyncset.done $0x0  }
0x3e: {  	s18 =	rddreg [dreg:$0x8];
	[sflag:s21] =	ssyncadd.s32 $0xFFFFCC00  }
0x3f: {  	[hbm4b:s18+s3] =	stream.linear.scatter [tilespmem:s20], [sflag:$0x7], $0x3400, $0x38;
	[tilespmem:$0x1F300] =	vst v63  }
0x40: {  	_ =	swait.ge [sflag:s21], $0x3400  }
0x41: {  	[sflag:s21] =	ssyncset.done $0x0  }
0x42: {  	[sflag:s21] =	ssyncadd.s32 $0xFFFFCC00  }
0x43: {  	[tilespmem:s20], [sflag:$0x7] =	stream.linear.gather [spmem:s7], $0x3400, $0x38;
	[tilespmem:$0x1F300] =	vst v63  }
0x44: {  	_ =	swait.ge [sflag:s21], $0x3400  }
0x45: {  	[sflag:s21] =	ssyncset.done $0x0  }
0x46: {  	s25 =	rddreg [dreg:$0x9];
	[sflag:s21] =	ssyncadd.s32 $0xFFFFCC00  }
0x47: {  	[hbm4b:s25+s3] =	stream.linear.scatter [tilespmem:s20], [sflag:$0x7], $0x3400, $0x38;
	[tilespmem:$0x1F300] =	vst v63  }
0x48: {  	_ =	swait.ge [sflag:s21], $0x3400  }
0x49: {  	[sflag:s21] =	ssyncset.done $0x0  }
0x4a: {  	s11 =	simm.s32 @!p0 $0x12280;
	s12 =	simm.s32 @!p0 $0x7;
	[sflag:s21] =	ssyncadd.s32 $0xFFFFCC00  }
0x4b: {  	[tilespmem:s11], [sflag:$0x7] =	stream.linear.gather @!p0 [spmem:s8], $0x400, $0x38;
	[tilespmem:$0x1F300] =	vst v63  }
0x4c: {  	_ =	swait.ge @!p0 [sflag:s12], $0x400  }
0x4d: {  	[sflag:s12] =	ssyncset.done @!p0 $0x0  }
0x4e: {  	s13 =	simm.s32 @!p0 $0x0;
	s14 =	rddreg [dreg:$0xa];
	[sflag:s12] =	ssyncadd.s32 @!p0 $0xFFFFFC00  }
0x4f: {  	[hbm4b:s14+s13] =	stream.linear.scatter @!p0 [tilespmem:s11], [sflag:$0x7], $0x400, $0x38;
	[tilespmem:$0x1F300] =	vst v63  }
0x50: {  	_ =	swait.ge @!p0 [sflag:s12], $0x400  }
0x51: {  	s9 =	sadd.s32 $0x1, s9;
	s26 =	rddreg [dreg:$0xb]  }
0x52: {  	p1 =	sne.s32 s9, s26  }
.Ltmp1:
0x53: {  	_ = 	snop;
	(pc) =	sbr.rel @!p1 .LBB2_7-.Ltmp1, $3  }
0x54: {  	_ =	sdelay $0x1  }
0x55: {  	[sflag:s12] =	ssyncset.done @!p0 $0x0  }
0x56: {  	[sflag:s12] =	ssyncadd.s32 @!p0 $0xFFFFFC00  }
.LBB2_1:
0x57: {  	s11 =	simm.s32 $0x70;
	s12 =	simm.s32 $0x3C0  }
.LBB2_2:
0x58: {  	p1 =	sne.s32 s12, $0xCFC0;
	[tilespmem:s11+$0x12280] =	vst v1  }
0x59: {  	[tilespmem:s11+$0x12210] =	vst v1  }
0x5a: {  	[tilespmem:s11+$0x12220] =	vst v1  }
.Ltmp2:
0x5b: {  	[tilespmem:s11+$0x12230] =	vst v1;
	(pc) =	sbr.rel @p1 .LBB2_2-.Ltmp2, $4  }
0x5c: {  	[tilespmem:s11+$0x12240] =	vst v1  }
0x5d: {  	[tilespmem:s11+$0x12250] =	vst v1  }
0x5e: {  	[tilespmem:s11+$0x12260] =	vst v1  }
0x5f: {  	[tilespmem:s11+$0x12270] =	vst v1;
	s11 =	sshra.s32 s12, $0x2;
	s12 =	sadd.s32 $0x200, s12  }
0x60: {  	[tilespmem:s11+$0x12280] =	vst v1  }
0x61: {  	[tilespmem:s11+$0x12210] =	vst v1  }
0x62: {  	[tilespmem:s11+$0x12220] =	vst v1  }
0x63: {  	[tilespmem:s11+$0x12230] =	vst v1  }
0x64: {  	[tilespmem:s11+$0x12240] =	vst v1  }
0x65: {  	[tilespmem:s11+$0x12250] =	vst v1  }
0x66: {  	[tilespmem:s11+$0x12260] =	vst v1  }
0x67: {  	[tilespmem:s11+$0x12270] =	vst v1  }
0x68: {  	[spmem:s5] =	stream.linear.scatter [tilespmem:s20], [sflag:$0x7], $0x3400, $0x38;
	[tilespmem:$0x1F300] =	vst v63  }
0x69: {  	_ =	swait.ge [sflag:s21], $0x3400  }
0x6a: {  	[sflag:s21] =	ssyncset.done $0x0  }
0x6b: {  	[sflag:s21] =	ssyncadd.s32 $0xFFFFCC00  }
0x6c: {  	[spmem:s6] =	stream.linear.scatter [tilespmem:s20], [sflag:$0x7], $0x3400, $0x38;
	[tilespmem:$0x1F300] =	vst v63  }
0x6d: {  	_ =	swait.ge [sflag:s21], $0x3400  }
0x6e: {  	[sflag:s21] =	ssyncset.done $0x0  }
0x6f: {  	[sflag:s21] =	ssyncadd.s32 $0xFFFFCC00  }
0x70: {  	[spmem:s7] =	stream.linear.scatter [tilespmem:s20], [sflag:$0x7], $0x3400, $0x38;
	[tilespmem:$0x1F300] =	vst v63  }
0x71: {  	_ =	swait.ge [sflag:s21], $0x3400  }
0x72: {  	[sflag:s21] =	ssyncset.done $0x0  }
0x73: {  	s11 =	simm.s32 @!p0 $0x12280;
	[sflag:s21] =	ssyncadd.s32 $0xFFFFCC00  }
0x74: {  	[spmem:s8] =	stream.linear.scatter @!p0 [tilespmem:s11], [sflag:$0x7], $0x800, $0x38;
	[tilespmem:$0x1F300] =	vst v63  }
0x75: {  	s11 =	simm.s32 @!p0 $0x7  }
0x76: {  	_ =	swait.ge @!p0 [sflag:s11], $0x800  }
0x77: {  	[sflag:s11] =	ssyncset.done @!p0 $0x0  }
0x78: {  	[sflag:s11] =	ssyncadd.s32 @!p0 $0xFFFFF800  }
0x79: {  	[bflag:$0x0] =	sbarrier.arrive $0xFFFF  }
0x7a: {  	s11 =	simm.s32 $0x0;
	s12 =	rddreg [dreg:$0x3]  }
0x7b: {  	[tilespmem:s11], [sflag:$0x7] =	stream.linear.gather [hbm4b:s12+s11], $0x4E20, $0x38;
	[tilespmem:$0x1F300] =	vst v63  }
0x7c: {  	_ =	swait.ge [sflag:s21], $0x4E20  }
0x7d: {  	[sflag:s21] =	ssyncset.done $0x0  }
0x7e: {  	s15 =	simm.s32 $0x4E80;
	[sflag:s21] =	ssyncadd.s32 $0xFFFFB1E0  }
0x7f: {  	[tilespmem:s15], [sflag:$0x1] =	stream.linear.gather [hbm4b:s10+s11], $0x80, $0x38;
	[tilespmem:$0x1F300] =	vst v63  }
0x80: {  	s16 =	simm.s32 $0x5180  }
0x81: {  	[tilespmem:s16], [sflag:$0x4] =	stream.indirect.gather [hbm4b:s4+s23], $0x80, s11, s23, $0xb8;
	[tilespmem:$0x1F300] =	vst v63  }
0x82: {  	s13 =	simm.s32 $0x4F00;
	s17 =	rddreg [dreg:$0x4]  }
0x83: {  	[tilespmem:s13], [sflag:$0x2] =	stream.linear.gather [hbm4b:s17+s11], $0x80, $0x38;
	[tilespmem:$0x1F300] =	vst v63  }
0x84: {  	s18 =	simm.s32 $0x9180  }
0x85: {  	[tilespmem:s18], [sflag:$0x5] =	stream.indirect.gather [hbm4b:s4+s23], $0x80, s23, s23, $0xb8;
	[tilespmem:$0x1F300] =	vst v63  }
0x86: {  	s25 =	rddreg [dreg:$0x5]  }
0x87: {  	[tilespmem:s28], [sflag:$0x3] =	stream.linear.gather [hbm4b:s25+s11], $0x80, $0x38;
	[tilespmem:$0x1F300] =	vst v63  }
0x88: {  	s26 =	simm.s32 $0x100;
	s12 =	simm.s32 $0x280  }
0x89: {  	[tilespmem:s30], [sflag:$0x6] =	stream.indirect.gather [hbm4b:s4+s23], $0x80, s26, s23, $0xb8;
	[tilespmem:$0x1F300] =	vst v63  }
.LBB2_4:
0x8a: {  	_ =	swait.ge [sflag:s31], $0x80  }
0x8b: {  	[sflag:s31] =	ssyncset.done $0x0  }
0x8c: {  	[sflag:s31] =	ssyncadd.s32 $0xFFFFFF80  }
0x8d: {  	v3 =	vld [tilespmem:$0x4E80]  }
0x8e: {  	v4 =	vld [tilespmem:$0x4E90]  }
0x8f: {  	v5 =	vld [tilespmem:$0x4EA0]  }
0x90: {  	v6 =	vld [tilespmem:$0x4EB0]  }
0x91: {  	v7 =	vld [tilespmem:$0x4EC0]  }
0x92: {  	v8 =	vld [tilespmem:$0x4ED0];
	v3 =	vsub.s32 v3, v0  }
0x93: {  	v9 =	vld [tilespmem:$0x4EE0];
	v4 =	vsub.s32 v4, v0;
	vm0 =	vlt.u32 v3, $0x1388  }
0x94: {  	v10 =	vld [tilespmem:$0x4EF0];
	v5 =	vsub.s32 v5, v0;
	vm5 =	vlt.u32 v4, $0x1388;
	v3 =	vsel vm0, v3, v2  }
0x95: {  	v35 =	vsub.s32 v6, v0;
	vm6 =	vlt.u32 v5, $0x1388;
	[tilespmem:$0x5000] =	vst v3;
	v3 =	vsel vm5, v4, v2  }
0x96: {  	v36 =	vsub.s32 v7, v0;
	vm7 =	vlt.u32 v35, $0x1388;
	[tilespmem:$0x5010] =	vst v3;
	v3 =	vsel vm6, v5, v2  }
0x97: {  	v37 =	vsub.s32 v8, v0;
	vm8 =	vlt.u32 v36, $0x1388;
	[tilespmem:$0x5020] =	vst v3;
	v3 =	vsel vm7, v35, v2  }
0x98: {  	v38 =	vsub.s32 v9, v0;
	vm9 =	vlt.u32 v37, $0x1388;
	[tilespmem:$0x5030] =	vst v3;
	v3 =	vsel vm8, v36, v2  }
0x99: {  	v39 =	vsub.s32 v10, v0;
	vm10 =	vlt.u32 v38, $0x1388;
	[tilespmem:$0x5040] =	vst v3;
	v3 =	vsel vm9, v37, v2  }
0x9a: {  	vm11 =	vlt.u32 v39, $0x1388;
	[tilespmem:$0x5050] =	vst v3;
	v3 =	vsel vm10, v38, v2  }
0x9b: {  	p1 =	seq.s32 s11, $0x990;
	[tilespmem:$0x5060] =	vst v3;
	v3 =	vsel vm11, v39, v2  }
0x9c: {  	s13 =	simm.s32 @p1 $0x4;
	[tilespmem:$0x5070] =	vst v3  }
0x9d: {  	_ =	swait.ge @p1 [sflag:s13], $0x4000  }
0x9e: {  	s15 =	simm.s32 @p1 $0x80;
	[sflag:s13] =	ssyncset.done @p1 $0x0  }
0x9f: {  	s16 =	simm.s32 @p1 $0x5180;
	[sflag:s13] =	ssyncadd.s32 @p1 $0xFFFFC000;
	s13 =	simm.s32 @p1 $0x5000  }
0xa0: {  	[spmem:s2] =	stream.indirect.scatter.add.f32 @p1 [tilespmem:s16], [sflag:$0x7], $0x80, s13, s15, $0xb8;
	[tilespmem:$0x1F300] =	vst v63  }
0xa1: {  	s16 =	simm.s32 @p1 $0x7  }
0xa2: {  	_ =	swait.ge @p1 [sflag:s16], $0x4000  }
0xa3: {  	s17 =	sadd.s32 @!p1 s11, s19;
	s18 =	simm.s32 @!p1 $0x0;
	[sflag:s16] =	ssyncset.done @p1 $0x0  }
0xa4: {  	s26 =	simm.s32 @!p1 $0x4E80;
	s13 =	sadd.s32 @!p1 $0x30, s17;
	[sflag:s16] =	ssyncadd.s32 @p1 $0xFFFFC000  }
0xa5: {  	[tilespmem:s26], [sflag:$0x1] =	stream.linear.gather @!p1 [hbm4b:s13+s18], $0x80, $0x38;
	[tilespmem:$0x1F300] =	vst v63  }
0xa6: {  	s13 =	simm.s32 @!p1 $0x4  }
0xa7: {  	_ =	swait.ge @!p1 [sflag:s13], $0x4000  }
0xa8: {  	s14 =	simm.s32 @!p1 $0x5180;
	[sflag:s13] =	ssyncset.done @!p1 $0x0  }
0xa9: {  	s26 =	simm.s32 @!p1 $0x5000;
	[sflag:s13] =	ssyncadd.s32 @!p1 $0xFFFFC000;
	s13 =	simm.s32 @!p1 $0x80  }
0xaa: {  	[spmem:s2] =	stream.indirect.scatter.add.f32 @!p1 [tilespmem:s14], [sflag:$0x7], $0x80, s26, s13, $0xb8;
	[tilespmem:$0x1F300] =	vst v63  }
0xab: {  	s26 =	simm.s32 @!p1 $0x7  }
0xac: {  	_ =	swait.ge @!p1 [sflag:s26], $0x4000  }
0xad: {  	[sflag:s26] =	ssyncset.done @!p1 $0x0  }
0xae: {  	s25 =	sadd.s32 @!p1 $0xFFFFFF00, s12;
	[sflag:s26] =	ssyncadd.s32 @!p1 $0xFFFFC000  }
0xaf: {  	[tilespmem:s14], [sflag:$0x4] =	stream.indirect.gather @!p1 [hbm4b:s4+s13], $0x80, s25, s13, $0xb8;
	[tilespmem:$0x1F300] =	vst v63  }
0xb0: {  	_ =	swait.ge [sflag:s0], $0x80  }
0xb1: {  	[sflag:s0] =	ssyncset.done $0x0  }
0xb2: {  	[sflag:s0] =	ssyncadd.s32 $0xFFFFFF80  }
0xb3: {  	v3 =	vld [tilespmem:$0x4F00]  }
0xb4: {  	v40 =	vld [tilespmem:$0x4F10]  }
0xb5: {  	v41 =	vld [tilespmem:$0x4F20]  }
0xb6: {  	v42 =	vld [tilespmem:$0x4F30]  }
0xb7: {  	v43 =	vld [tilespmem:$0x4F40]  }
0xb8: {  	v44 =	vld [tilespmem:$0x4F50];
	v3 =	vsub.s32 v3, v0  }
0xb9: {  	v45 =	vld [tilespmem:$0x4F60];
	v4 =	vsub.s32 v40, v0;
	vm12 =	vlt.u32 v3, $0x1388  }
0xba: {  	v46 =	vld [tilespmem:$0x4F70];
	v5 =	vsub.s32 v41, v0;
	vm13 =	vlt.u32 v4, $0x1388;
	v3 =	vsel vm12, v3, v2  }
0xbb: {  	v47 =	vsub.s32 v42, v0;
	vm14 =	vlt.u32 v5, $0x1388;
	[tilespmem:$0x5080] =	vst v3;
	v3 =	vsel vm13, v4, v2  }
0xbc: {  	v48 =	vsub.s32 v43, v0;
	vm15 =	vlt.u32 v47, $0x1388;
	[tilespmem:$0x5090] =	vst v3;
	v3 =	vsel vm14, v5, v2  }
0xbd: {  	v49 =	vsub.s32 v44, v0;
	vm4 =	vlt.u32 v48, $0x1388;
	[tilespmem:$0x50A0] =	vst v3;
	v3 =	vsel vm15, v47, v2  }
0xbe: {  	v50 =	vsub.s32 v45, v0;
	vm5 =	vlt.u32 v49, $0x1388;
	[tilespmem:$0x50B0] =	vst v3;
	v3 =	vsel vm4, v48, v2  }
0xbf: {  	v51 =	vsub.s32 v46, v0;
	vm6 =	vlt.u32 v50, $0x1388;
	[tilespmem:$0x50C0] =	vst v3;
	v3 =	vsel vm5, v49, v2  }
0xc0: {  	vm7 =	vlt.u32 v51, $0x1388;
	[tilespmem:$0x50D0] =	vst v3;
	v3 =	vsel vm6, v50, v2  }
0xc1: {  	[tilespmem:$0x50E0] =	vst v3;
	v3 =	vsel vm7, v51, v2  }
0xc2: {  	s14 =	simm.s32 @p1 $0x5;
	[tilespmem:$0x50F0] =	vst v3  }
0xc3: {  	_ =	swait.ge @p1 [sflag:s14], $0x4000  }
0xc4: {  	[sflag:s14] =	ssyncset.done @p1 $0x0  }
0xc5: {  	s25 =	simm.s32 @p1 $0x9180;
	[sflag:s14] =	ssyncadd.s32 @p1 $0xFFFFC000;
	s14 =	simm.s32 @p1 $0x5080  }
0xc6: {  	[spmem:s2] =	stream.indirect.scatter.add.f32 @p1 [tilespmem:s25], [sflag:$0x7], $0x80, s14, s15, $0xb8;
	[tilespmem:$0x1F300] =	vst v63  }
0xc7: {  	_ =	swait.ge @p1 [sflag:s16], $0x4000  }
0xc8: {  	[sflag:s16] =	ssyncset.done @p1 $0x0  }
0xc9: {  	s14 =	sadd.s32 @!p1 $0x40, s17;
	s15 =	simm.s32 @!p1 $0x4F00;
	[sflag:s16] =	ssyncadd.s32 @p1 $0xFFFFC000  }
0xca: {  	[tilespmem:s15], [sflag:$0x2] =	stream.linear.gather @!p1 [hbm4b:s14+s18], $0x80, $0x38;
	[tilespmem:$0x1F300] =	vst v63  }
0xcb: {  	s14 =	simm.s32 @!p1 $0x5  }
0xcc: {  	_ =	swait.ge @!p1 [sflag:s14], $0x4000  }
0xcd: {  	[sflag:s14] =	ssyncset.done @!p1 $0x0  }
0xce: {  	s15 =	simm.s32 @!p1 $0x9180;
	[sflag:s14] =	ssyncadd.s32 @!p1 $0xFFFFC000;
	s14 =	simm.s32 @!p1 $0x5080  }
0xcf: {  	[spmem:s2] =	stream.indirect.scatter.add.f32 @!p1 [tilespmem:s15], [sflag:$0x7], $0x80, s14, s13, $0xb8;
	[tilespmem:$0x1F300] =	vst v63  }
0xd0: {  	_ =	swait.ge @!p1 [sflag:s26], $0x4000  }
0xd1: {  	[sflag:s26] =	ssyncset.done @!p1 $0x0  }
0xd2: {  	s14 =	sadd.s32 @!p1 $0xFFFFFF80, s12;
	[sflag:s26] =	ssyncadd.s32 @!p1 $0xFFFFC000  }
0xd3: {  	[tilespmem:s15], [sflag:$0x5] =	stream.indirect.gather @!p1 [hbm4b:s4+s13], $0x80, s14, s13, $0xb8;
	[tilespmem:$0x1F300] =	vst v63  }
0xd4: {  	_ =	swait.ge [sflag:s1], $0x80  }
0xd5: {  	[sflag:s1] =	ssyncset.done $0x0  }
0xd6: {  	[sflag:s1] =	ssyncadd.s32 $0xFFFFFF80  }
0xd7: {  	v3 =	vld [tilespmem:$0x4F80]  }
0xd8: {  	v52 =	vld [tilespmem:$0x4F90]  }
0xd9: {  	v53 =	vld [tilespmem:$0x4FA0]  }
0xda: {  	v54 =	vld [tilespmem:$0x4FB0]  }
0xdb: {  	v55 =	vld [tilespmem:$0x4FC0]  }
0xdc: {  	v56 =	vld [tilespmem:$0x4FD0];
	v3 =	vsub.s32 v3, v0  }
0xdd: {  	v57 =	vld [tilespmem:$0x4FE0];
	v4 =	vsub.s32 v52, v0;
	vm8 =	vlt.u32 v3, $0x1388  }
0xde: {  	v58 =	vld [tilespmem:$0x4FF0];
	v5 =	vsub.s32 v53, v0;
	vm9 =	vlt.u32 v4, $0x1388;
	v3 =	vsel vm8, v3, v2  }
0xdf: {  	v59 =	vsub.s32 v54, v0;
	vm10 =	vlt.u32 v5, $0x1388;
	[tilespmem:$0x5100] =	vst v3;
	v3 =	vsel vm9, v4, v2  }
0xe0: {  	v60 =	vsub.s32 v55, v0;
	vm11 =	vlt.u32 v59, $0x1388;
	[tilespmem:$0x5110] =	vst v3;
	v3 =	vsel vm10, v5, v2  }
0xe1: {  	v61 =	vsub.s32 v56, v0;
	vm12 =	vlt.u32 v60, $0x1388;
	[tilespmem:$0x5120] =	vst v3;
	v3 =	vsel vm11, v59, v2  }
.Ltmp3:
0xe2: {  	v62 =	vsub.s32 v57, v0;
	vm13 =	vlt.u32 v61, $0x1388;
	[tilespmem:$0x5130] =	vst v3;
	v3 =	vsel vm12, v60, v2;
	(pc) =	sbr.rel @p1 .LBB2_6-.Ltmp3, $4  }
0xe3: {  	v63 =	vsub.s32 v58, v0;
	vm14 =	vlt.u32 v62, $0x1388;
	[tilespmem:$0x5140] =	vst v3;
	v3 =	vsel vm13, v61, v2  }
0xe4: {  	vm15 =	vlt.u32 v63, $0x1388;
	[tilespmem:$0x5150] =	vst v3;
	v3 =	vsel vm14, v62, v2  }
0xe5: {  	[tilespmem:$0x5160] =	vst v3;
	v3 =	vsel vm15, v63, v2  }
0xe6: {  	[tilespmem:$0x5170] =	vst v3  }
0xe7: {  	s13 =	sadd.s32 s11, s19  }
0xe8: {  	s13 =	sadd.s32 $0x50, s13  }
0xe9: {  	[tilespmem:s28], [sflag:$0x3] =	stream.linear.gather [hbm4b:s13+s3], $0x80, $0x38;
	[tilespmem:$0x1F300] =	vst v63  }
0xea: {  	_ =	swait.ge [sflag:s22], $0x4000  }
0xeb: {  	[sflag:s22] =	ssyncset.done $0x0  }
0xec: {  	[sflag:s22] =	ssyncadd.s32 $0xFFFFC000  }
0xed: {  	[spmem:s2] =	stream.indirect.scatter.add.f32 [tilespmem:s30], [sflag:$0x7], $0x80, s24, s23, $0xb8;
	[tilespmem:$0x1F300] =	vst v63  }
.Ltmp4:
0xee: {  	_ =	swait.ge [sflag:s21], $0x4000;
	(pc) =	sbr.rel .LBB2_4-.Ltmp4, $4  }
0xef: {  	[sflag:s21] =	ssyncset.done $0x0  }
0xf0: {  	[sflag:s21] =	ssyncadd.s32 $0xFFFFC000  }
0xf1: {  	[tilespmem:s30], [sflag:$0x6] =	stream.indirect.gather [hbm4b:s4+s23], $0x80, s12, s23, $0xb8;
	[tilespmem:$0x1F300] =	vst v63  }
0xf2: {  	s11 =	sadd.s32 $0x30, s11;
	s12 =	sadd.s32 $0x180, s12  }
.LBB2_7:
0xf3: {  	_ =	sfence.sel $0x180000  }
0xf4: {  	[bflag:$0x0] =	sbarrier.arrive $0xFFFF  }
0xf5: {  	_ =	strace $0x90000050  }
0xf6: {  	s0 =	stileid.u32;
	[bflag:$0x2] =	sbarrier.arrive $0xFFFF  }
0xf7: {  	p0 =	sne.s32 s0, $0x0;
	s0 =	rddreg [dreg:$0x2]  }
0xf8: {  	s0 =	sadd.s32 @!p0 $0x100000, s0  }
0xf9: {  	[sflag:s0] =	ssyncadd.tile.s32 @!p0 $0x1;
	_ =	shalt  }
.Lfunc_end2:
_tile_overlayer_lowered:
.L_overlay_start_2:
0xfa: {  	(tag) =	ssettag $0x2  }
0xfb: {  	s0 =	rddreg [dreg:$0x0];
	s2 =	stileid.u32  }
0xfc: {  	s1 =	rddreg [dreg:$0x1];
	p0 =	sne.s32 s2, $0x0  }
0xfd: {  	s3 =	rddreg [dreg:$0x2];
	[bflag:$0x3] =	sbarrier.arrive $0xFFFF;
	s2 =	simm.s32 @!p0 $0x1C07  }
0xfe: {  	[timem:s3], [sflag:s2] =	dma.local @!p0 [hbm:s0], s1  }
0xff: {  	s0 =	simm.s32 @!p0 $0x7  }
0x100: {  	_ =	swait.ge @!p0 [sflag:s0], s1  }
0x101: {  	s1 =	ssub.s32 @!p0 $0x0, s1;
	[sflag:s0] =	ssyncset.done @!p0 $0x0  }
0x102: {  	[sflag:s0] =	ssyncadd.s32 @!p0 s1  }
0x103: {  	[bflag:$0x3] =	sbarrier.arrive $0xFFFF  }
0x104: {  	_ =	shalt  }

</sc_bundles>
